<compile_context>
chip_gen: v7x
topology: tpu7x:2x2x1
jax: 0.10.2.dev20260603
libtpu: 0.0.44.dev20260713+nightly
codegen_flags: <defaults>
</compile_context>

<pallas_src>
import functools

import jax
import jax.numpy as jnp
from jax import lax
from jax.experimental import pallas as pl
from jax.experimental.pallas import tpu as pltpu
from jax.experimental.pallas import tpu_sc as plsc

N = 10000
D_IN = 128
H = 256
HH = H // 2
NG = 64
NC = 2
NS = 16
CH = 128
BLK = 16
ROWS_PT = 640
NPAD = NS * ROWS_PT
R = 1024
GRID = NPAD // R
EPS = 1e-5

_f32 = jnp.float32
_MESH = dict(core_axis_name="c", subcore_axis_name="s", num_cores=NC,
             num_subcores=NS)


def _deg_body(nchunks, dst_hbm, cnt0_hbm, cnt1_hbm, cnt_sp, dstv, buf, sem):
    c = lax.axis_index("c")
    s = lax.axis_index("s")

    def _fill(val):
        def body(i, _):
            buf[i, :] = jnp.full((16,), val, _f32)
            return 0
        lax.fori_loop(0, CH, body, 0)

    _fill(0.0)
    for k in range(ROWS_PT // CH):
        pltpu.sync_copy(buf, cnt_sp.at[pl.ds(s * ROWS_PT + k * CH, CH)])
    plsc.subcore_barrier()

    _fill(1.0)
    nhalf = (nchunks + 1) // 2
    lo = jnp.where(c == 0, 0, nhalf)
    hi = jnp.where(c == 0, nhalf, nchunks)

    def edge_body(j, _):
        pltpu.sync_copy(dst_hbm.at[s, j], dstv)
        pltpu.sync_copy(buf, cnt_sp.at[dstv.at[0]], add=True)
        return 0
    lax.fori_loop(lo, hi, edge_body, 0)
    plsc.subcore_barrier()

    def _copy_out(out_hbm):
        for k in range(ROWS_PT // CH):
            rs = s * ROWS_PT + k * CH
            pltpu.sync_copy(cnt_sp.at[pl.ds(rs, CH)], buf)
            pltpu.sync_copy(buf, out_hbm.at[pl.ds(rs, CH)])

    @pl.when(c == 0)
    def _():
        _copy_out(cnt0_hbm)

    @pl.when(c == 1)
    def _():
        _copy_out(cnt1_hbm)


def _agg_body(nchunks, ylo_hbm, yhi_hbm, src_hbm, dst_hbm, olo_hbm, ohi_hbm,
              acc_sp, sidx, didx, rows, sem, sem2):
    c = lax.axis_index("c")
    s = lax.axis_index("s")

    def zbody(i, _):
        for k in range(8):
            rows[0, i, pl.ds(k * 16, 16)] = jnp.zeros((16,), _f32)
        return 0
    lax.fori_loop(0, CH, zbody, 0)
    for k in range(ROWS_PT // CH):
        pltpu.sync_copy(rows.at[0], acc_sp.at[pl.ds(s * ROWS_PT + k * CH, CH)])
    plsc.subcore_barrier()

    def _run(table_hbm, out_hbm):
        pltpu.sync_copy(src_hbm.at[s, 0], sidx.at[0])

        def edge_body(j, _):
            p = lax.rem(j, 2)
            d = pltpu.async_copy(
                table_hbm.at[sidx.at[p, 0]], rows.at[p], sem)
            pltpu.sync_copy(dst_hbm.at[s, j], didx.at[p])

            @pl.when(j + 1 < nchunks)
            def _():
                pltpu.sync_copy(src_hbm.at[s, j + 1], sidx.at[1 - p])

            @pl.when(j > 0)
            def _():
                pltpu.async_copy(rows.at[1 - p],
                                 acc_sp.at[didx.at[1 - p, 0]],
                                 sem2, add=True).wait()
            d.wait()
            return 0
        lax.fori_loop(0, nchunks, edge_body, 0)
        p_last = (nchunks - 1) % 2
        pltpu.async_copy(rows.at[p_last],
                         acc_sp.at[didx.at[p_last, 0]],
                         sem2, add=True).wait()
        plsc.subcore_barrier()
        nf = ROWS_PT // CH
        fl = [None] * nf
        for k in range(nf):
            rs = s * ROWS_PT + k * CH
            if k >= 2:
                fl[k - 2].wait()
            pltpu.sync_copy(acc_sp.at[pl.ds(rs, CH)], rows.at[k % 2])
            fl[k] = pltpu.async_copy(rows.at[k % 2],
                                     out_hbm.at[pl.ds(rs, CH)], sem)
        fl[nf - 2].wait()
        fl[nf - 1].wait()

    @pl.when(c == 0)
    def _():
        _run(ylo_hbm, olo_hbm)

    @pl.when(c == 1)
    def _():
        _run(yhi_hbm, ohi_hbm)


def _sc_calls(nchunks):
    mesh = plsc.VectorSubcoreMesh(**_MESH)
    deg = pl.kernel(
        functools.partial(_deg_body, nchunks),
        out_type=(jax.ShapeDtypeStruct((NPAD, 16), _f32),
                  jax.ShapeDtypeStruct((NPAD, 16), _f32)),
        mesh=mesh,
        scratch_types=[
            pltpu.VMEM_SHARED((NPAD, 16), _f32),
            pltpu.VMEM((1, CH), jnp.int32),
            pltpu.VMEM((CH, 16), _f32),
            pltpu.SemaphoreType.DMA,
        ],
    )
    agg = pl.kernel(
        functools.partial(_agg_body, nchunks),
        out_type=(jax.ShapeDtypeStruct((NPAD, HH), _f32),
                  jax.ShapeDtypeStruct((NPAD, HH), _f32)),
        mesh=mesh,
        scratch_types=[
            pltpu.VMEM_SHARED((NPAD, HH), _f32),
            pltpu.VMEM((2, 1, CH), jnp.int32),
            pltpu.VMEM((2, 1, CH), jnp.int32),
            pltpu.VMEM((2, CH, HH), _f32),
            pltpu.SemaphoreType.DMA,
            pltpu.SemaphoreType.DMA,
        ],
    )
    return deg, agg


def _dis(c0_ref, c1_ref):
    deg = c0_ref[...][:, :1] + c1_ref[...][:, :1] + 1.0
    return lax.rsqrt(deg)


def _y1_body(x_ref, w_ref, c0_ref, c1_ref, olo_ref, ohi_ref):
    y = jnp.dot(x_ref[...], w_ref[...]) * _dis(c0_ref, c1_ref)
    olo_ref[...] = y[:, :HH]
    ohi_ref[...] = y[:, HH:]


def _z(al_ref, ah_ref, yl_ref, yh_ref, c0_ref, c1_ref, b_ref):
    agg = jnp.concatenate([al_ref[...], ah_ref[...]], axis=1)
    y = jnp.concatenate([yl_ref[...], yh_ref[...]], axis=1)
    return _dis(c0_ref, c1_ref) * (agg + y) + b_ref[...]


def _valid_mask(pid):
    rows = pid * R + lax.broadcasted_iota(jnp.int32, (R, 1), 0)
    return (rows < N).astype(_f32)


def _stats_body(al_ref, ah_ref, yl_ref, yh_ref, c0_ref, c1_ref, b_ref,
                st_ref):
    pid = pl.program_id(0)

    @pl.when(pid == 0)
    def _():
        st_ref[...] = jnp.zeros_like(st_ref)

    zm = _z(al_ref, ah_ref, yl_ref, yh_ref, c0_ref, c1_ref,
            b_ref) * _valid_mask(pid)
    st_ref[0:1, :] += jnp.sum(zm, axis=0, keepdims=True)
    st_ref[1:2, :] += jnp.sum(zm * zm, axis=0, keepdims=True)


def _bn_relu(z, st_ref, g_ref, be_ref):
    mu = st_ref[0:1, :] * (1.0 / N)
    var = st_ref[1:2, :] * (1.0 / N) - mu * mu
    inv = lax.rsqrt(var + EPS)
    return jnp.maximum((z - mu) * inv * g_ref[...] + be_ref[...], 0.0)


def _mid_body(al_ref, ah_ref, yl_ref, yh_ref, c0_ref, c1_ref, st_ref, b_ref,
              g_ref, be_ref, w2_ref, olo_ref, ohi_ref):
    z = _z(al_ref, ah_ref, yl_ref, yh_ref, c0_ref, c1_ref, b_ref)
    h = _bn_relu(z, st_ref, g_ref, be_ref)
    y2 = jnp.dot(h, w2_ref[...]) * _dis(c0_ref, c1_ref)
    olo_ref[...] = y2[:, :HH]
    ohi_ref[...] = y2[:, HH:]


def _final_body(al_ref, ah_ref, yl_ref, yh_ref, c0_ref, c1_ref, st_ref,
                b_ref, g_ref, be_ref, bat_ref, wl1_ref, bl1_ref, wl2_ref,
                bl2_ref, out_ref, psum, pcnt):
    pid = pl.program_id(0)

    @pl.when(pid == 0)
    def _():
        psum[...] = jnp.zeros_like(psum)
        pcnt[...] = jnp.zeros_like(pcnt)

    z = _z(al_ref, ah_ref, yl_ref, yh_ref, c0_ref, c1_ref, b_ref)
    h = _bn_relu(z, st_ref, g_ref, be_ref)
    gids = lax.broadcasted_iota(jnp.int32, (R, NG), 1).astype(_f32)
    oh = (bat_ref[...][:, :1] == gids).astype(_f32) * _valid_mask(pid)
    psum[...] += lax.dot_general(oh, h, (((0,), (0,)), ((), ())))
    pcnt[...] += jnp.broadcast_to(jnp.sum(oh, axis=0)[:, None], (NG, 128))

    @pl.when(pid == GRID - 1)
    def _():
        pooled = psum[...] / jnp.maximum(pcnt[...][:, :1], 1.0)
        hh = jnp.maximum(jnp.dot(pooled, wl1_ref[...]) + bl1_ref[...], 0.0)
        out_ref[...] = jnp.dot(hh, wl2_ref[...]) + bl2_ref[...]


def _row_spec(w):
    return pl.BlockSpec((R, w), lambda i: (i, 0))


def _full_spec(shape):
    nd = len(shape)
    return pl.BlockSpec(shape, lambda i: (0,) * nd)


def kernel(x, edge_index, batch, W1, b1, g1, be1, W2, b2, g2, be2,
           Wl1, bl1, Wl2, bl2):
    n_labels = Wl2.shape[1]
    E = edge_index.shape[1]
    nchunks = (E + NS * CH - 1) // (NS * CH)
    epad = NS * nchunks * CH

    pad_src = jnp.full((epad - E,), N, dtype=jnp.int32)
    pad_dst = N + jnp.arange(epad - E, dtype=jnp.int32) % (NPAD - N)
    srcp = jnp.concatenate([edge_index[0].astype(jnp.int32), pad_src]
                           ).reshape(NS, nchunks, 1, CH)
    dstp = jnp.concatenate([edge_index[1].astype(jnp.int32), pad_dst]
                           ).reshape(NS, nchunks, 1, CH)
    xp = jnp.concatenate([x, jnp.zeros((NPAD - N, D_IN), _f32)])
    batf = jnp.concatenate([batch.astype(_f32), jnp.full((NPAD - N,), NG, _f32)])
    bat8 = jnp.broadcast_to(batf[:, None], (NPAD, 8))

    b1r, g1r, be1r = b1.reshape(1, H), g1.reshape(1, H), be1.reshape(1, H)
    b2r, g2r, be2r = b2.reshape(1, H), g2.reshape(1, H), be2.reshape(1, H)
    bl1r = bl1.reshape(1, HH)
    wl2p = jnp.zeros((HH, 128), _f32).at[:, :n_labels].set(Wl2)
    bl2p = jnp.zeros((1, 128), _f32).at[0, :n_labels].set(bl2)

    deg_call, agg_call = _sc_calls(nchunks)

    cnt0, cnt1 = deg_call(dstp)

    y1lo, y1hi = pl.pallas_call(
        _y1_body,
        grid=(GRID,),
        in_specs=[_row_spec(D_IN), _full_spec((D_IN, H)), _row_spec(16),
                  _row_spec(16)],
        out_specs=[_row_spec(HH), _row_spec(HH)],
        out_shape=[jax.ShapeDtypeStruct((NPAD, HH), _f32)] * 2,
    )(xp, W1, cnt0, cnt1)

    a1lo, a1hi = agg_call(y1lo, y1hi, srcp, dstp)

    stats_call = pl.pallas_call(
        _stats_body,
        grid=(GRID,),
        in_specs=[_row_spec(HH), _row_spec(HH), _row_spec(HH), _row_spec(HH),
                  _row_spec(16), _row_spec(16), _full_spec((1, H))],
        out_specs=pl.BlockSpec((8, H), lambda i: (0, 0)),
        out_shape=jax.ShapeDtypeStruct((8, H), _f32),
    )
    st1 = stats_call(a1lo, a1hi, y1lo, y1hi, cnt0, cnt1, b1r)

    y2lo, y2hi = pl.pallas_call(
        _mid_body,
        grid=(GRID,),
        in_specs=[_row_spec(HH), _row_spec(HH), _row_spec(HH), _row_spec(HH),
                  _row_spec(16), _row_spec(16), _full_spec((8, H)),
                  _full_spec((1, H)), _full_spec((1, H)), _full_spec((1, H)),
                  _full_spec((H, H))],
        out_specs=[_row_spec(HH), _row_spec(HH)],
        out_shape=[jax.ShapeDtypeStruct((NPAD, HH), _f32)] * 2,
    )(a1lo, a1hi, y1lo, y1hi, cnt0, cnt1, st1, b1r, g1r, be1r, W2)

    a2lo, a2hi = agg_call(y2lo, y2hi, srcp, dstp)

    st2 = stats_call(a2lo, a2hi, y2lo, y2hi, cnt0, cnt1, b2r)

    outp = pl.pallas_call(
        _final_body,
        grid=(GRID,),
        in_specs=[_row_spec(HH), _row_spec(HH), _row_spec(HH), _row_spec(HH),
                  _row_spec(16), _row_spec(16), _full_spec((8, H)),
                  _full_spec((1, H)), _full_spec((1, H)), _full_spec((1, H)),
                  _row_spec(8), _full_spec((H, HH)), _full_spec((1, HH)),
                  _full_spec((HH, 128)), _full_spec((1, 128))],
        out_specs=pl.BlockSpec((NG, 128), lambda i: (0, 0)),
        out_shape=jax.ShapeDtypeStruct((NG, 128), _f32),
        scratch_shapes=[pltpu.VMEM((NG, H), _f32), pltpu.VMEM((NG, 128), _f32)],
    )(a2lo, a2hi, y2lo, y2hi, cnt0, cnt1, st2, b2r, g2r, be2r, bat8,
      Wl1, bl1r, wl2p, bl2p)

    return outp[:, :n_labels]

# --- scband reference (transcript-rebuilt; emitter-appended) ---
"""Pipeline reference for scband-hand-gnn-85461259256256 (READ-ONLY COPY).

The authoritative reference and input builder live on the scoring server;
editing this copy changes nothing except your own understanding.
"""

import jax, jax.numpy as jnp
import numpy as np

N = 10000
E = 320000
D_IN = 128
H = 256
NUM_LABELS = 5
NUM_GRAPHS = 64


def setup_inputs(seed: int = 0) -> dict:
    key = jax.random.key(seed)
    ks = jax.random.split(key, 16)
    x = jax.random.normal(ks[0], (N, D_IN), dtype=jnp.float32)
    edge_index = jax.random.randint(ks[1], (2, E), 0, N)
    batch = jnp.sort(jax.random.randint(ks[2], (N,), 0, NUM_GRAPHS))
    s = 0.05
    return {
        'x': x,
        'edge_index': edge_index,
        'batch': batch,
        'W1': jax.random.normal(ks[3], (D_IN, H), dtype=jnp.float32) * s,
        'b1': jnp.zeros((H,), dtype=jnp.float32),
        'g1': jnp.ones((H,), dtype=jnp.float32),
        'be1': jnp.zeros((H,), dtype=jnp.float32),
        'W2': jax.random.normal(ks[4], (H, H), dtype=jnp.float32) * s,
        'b2': jnp.zeros((H,), dtype=jnp.float32),
        'g2': jnp.ones((H,), dtype=jnp.float32),
        'be2': jnp.zeros((H,), dtype=jnp.float32),
        'Wl1': jax.random.normal(ks[5], (H, H // 2), dtype=jnp.float32) * s,
        'bl1': jnp.zeros((H // 2,), dtype=jnp.float32),
        'Wl2': jax.random.normal(ks[6], (H // 2, NUM_LABELS), dtype=jnp.float32) * s,
        'bl2': jnp.zeros((NUM_LABELS,), dtype=jnp.float32),
    }


def _gcn_conv(x, src, dst, W, b):
    # PyG GCNConv: add self-loops, symmetric normalization D^-1/2 A_hat D^-1/2, then X W + b
    n = x.shape[0]
    loop = jnp.arange(n, dtype=src.dtype)
    s = jnp.concatenate([src, loop])
    d = jnp.concatenate([dst, loop])
    xw = x @ W
    deg = jnp.zeros((n,), dtype=x.dtype).at[d].add(1.0)
    dis = jnp.where(deg > 0, 1.0 / jnp.sqrt(deg), 0.0)
    norm = dis[s] * dis[d]
    msg = xw[s] * norm[:, None]
    out = jnp.zeros_like(xw).at[d].add(msg)
    return out + b


def _batchnorm(x, gamma, beta, eps=1e-5):
    # training-mode batch statistics (biased variance), matching PyG BatchNorm in train mode
    mu = jnp.mean(x, axis=0)
    var = jnp.var(x, axis=0)
    return (x - mu) / jnp.sqrt(var + eps) * gamma + beta


def reference(x, edge_index, batch, W1, b1, g1, be1, W2, b2, g2, be2, Wl1, bl1, Wl2, bl2):
    src, dst = edge_index[0], edge_index[1]
    h = jax.nn.relu(_batchnorm(_gcn_conv(x, src, dst, W1, b1), g1, be1))
    h = jax.nn.relu(_batchnorm(_gcn_conv(h, src, dst, W2, b2), g2, be2))
    sums = jax.ops.segment_sum(h, batch, num_segments=NUM_GRAPHS)
    cnts = jax.ops.segment_sum(jnp.ones((h.shape[0], 1), dtype=h.dtype), batch, num_segments=NUM_GRAPHS)
    pooled = sums / jnp.maximum(cnts, 1.0)
    h = jax.nn.relu(pooled @ Wl1 + bl1)
    # Dropout(0.3) is identity in eval mode
    return h @ Wl2 + bl2

if __name__ == "__main__":
    import jax
    _d = setup_inputs()
    print(jax.jit(kernel)(*tuple(_d.values())))

</pallas_src>

<mosaic_0001>
#map = affine_map<(d0, d1) -> (0, 0, 0, 0)>
#map1 = affine_map<(d0, d1) -> (0, 0)>
module attributes {stable_mosaic.version = 14 : i64} {
  func.func @_deg_body(%arg0: i32, %arg1: i32, %arg2: memref<16x157x1x128xi32, #tpu.memory_space<hbm>>, %arg3: memref<10240x16xf32, #tpu.memory_space<hbm>>, %arg4: memref<10240x16xf32, #tpu.memory_space<hbm>>, %arg5: memref<10240x16xf32, #tpu.memory_space<vmem_shared>>, %arg6: memref<1x128xi32, #tpu.memory_space<vmem>>, %arg7: memref<128x16xf32, #tpu.memory_space<vmem>>, %arg8: memref<!tpu.dma_semaphore, #tpu.memory_space<semaphore_mem>>) attributes {dimension_semantics = [#tpu.dimension_semantics<core_parallel>, #tpu.dimension_semantics<subcore_parallel>], iteration_bounds = array<i64: 2, 16>, scalar_prefetch = 0 : i64, scratch_operands = 4 : i64, tpu.core_type = #tpu.core_type<sc_vector_subcore>, window_params = [{transform_indices = #map}, {transform_indices = #map1}, {transform_indices = #map1}]} {
    %scan3A = arith.constant 0 : i32
    %scan3A_0 = arith.constant 0 : i32
    %scan3A_1 = arith.constant 128 : i32
    %scan3A_2 = arith.addi %scan3A_0, %scan3A_1 : i32
    %scan3A_3 = arith.constant 1 : i32
    %scan3A_4 = scf.for %scan3A_57 = %scan3A_0 to %scan3A_2 step %scan3A_3 iter_args(%scan3A_58 = %scan3A) -> (i32)  : i32 {
      %broadcast_in_dim3A = arith.constant 0.000000e+00 : f32
      %broadcast_in_dim3A_59 = vector.broadcast %broadcast_in_dim3A : f32 to vector<16xf32>
      %swap3A = arith.index_cast %scan3A_57 : i32 to index
      %swap3A_60 = arith.constant 0 : index
      %swap3A_61 = tpu.vector_load %arg7[%swap3A, %swap3A_60] {strides = array<i32>} : memref<128x16xf32, #tpu.memory_space<vmem>>, vector<1x16xf32>,
      %swap3A_62 = vector.shape_cast %swap3A_61 : vector<1x16xf32> to vector<16xf32>
      %swap3A_63 = vector.shape_cast %broadcast_in_dim3A_59 : vector<16xf32> to vector<1x16xf32>
      tpu.vector_store %arg7[%swap3A, %swap3A_60], %swap3A_63 {strides = array<i32>} : memref<128x16xf32, #tpu.memory_space<vmem>>, vector<1x16xf32>,
      %scan3A_64 = arith.constant 0 : i32
      scf.yield %scan3A_64 : i32
    }
    %scan3A_5 = arith.constant 128 : i32
    %mul3A = arith.constant 640 : i32
    %mul3A_6 = arith.muli %arg1, %mul3A : i32
    %add3A = arith.constant 0 : i32
    %add3A_7 = arith.addi %mul3A_6, %add3A : i32
    "tpu.region"() ({
      %run_scoped3A = tpu.sem_alloc : memref<!tpu.dma_semaphore, #tpu.memory_space<semaphore_mem>>
      %dma_start3A = arith.constant 0 : i32
      %dma_start3A_57 = tpu.memref_slice %arg5[%add3A_7, %dma_start3A] : memref<10240x16xf32, #tpu.memory_space<vmem_shared>> -> memref<128x16xf32, #tpu.memory_space<vmem_shared>>
      %dma_start3A_58 = arith.constant 0 : i32
      %dma_start3A_59 = tpu.memref_slice %arg5[%add3A_7, %dma_start3A_58] : memref<10240x16xf32, #tpu.memory_space<vmem_shared>> -> memref<128x16xf32, #tpu.memory_space<vmem_shared>>
      tpu.enqueue_dma source(%arg7 : memref<128x16xf32, #tpu.memory_space<vmem>>) target(%dma_start3A_59 : memref<128x16xf32, #tpu.memory_space<vmem_shared>>) target_semaphore(%run_scoped3A : memref<!tpu.dma_semaphore, #tpu.memory_space<semaphore_mem>>)
      %dma_wait3A = arith.constant 0 : i32
      %dma_wait3A_60 = tpu.memref_slice %arg5[%add3A_7, %dma_wait3A] : memref<10240x16xf32, #tpu.memory_space<vmem_shared>> -> memref<128x16xf32, #tpu.memory_space<vmem_shared>>
      %dma_wait3A_61 = arith.constant 0 : i32
      %dma_wait3A_62 = tpu.memref_slice %arg5[%add3A_7, %dma_wait3A_61] : memref<10240x16xf32, #tpu.memory_space<vmem_shared>> -> memref<128x16xf32, #tpu.memory_space<vmem_shared>>
      tpu.wait_dma2 semaphore(%run_scoped3A : memref<!tpu.dma_semaphore, #tpu.memory_space<semaphore_mem>>) src(%arg7 : memref<128x16xf32, #tpu.memory_space<vmem>>) dst(%dma_wait3A_62 : memref<128x16xf32, #tpu.memory_space<vmem_shared>>)
      tpu.yield
    }) : () -> ()
    %mul3A_8 = arith.constant 640 : i32
    %mul3A_9 = arith.muli %arg1, %mul3A_8 : i32
    %add3A_10 = arith.constant 128 : i32
    %add3A_11 = arith.addi %mul3A_9, %add3A_10 : i32
    "tpu.region"() ({
      %run_scoped3A = tpu.sem_alloc : memref<!tpu.dma_semaphore, #tpu.memory_space<semaphore_mem>>
      %dma_start3A = arith.constant 0 : i32
      %dma_start3A_57 = tpu.memref_slice %arg5[%add3A_11, %dma_start3A] : memref<10240x16xf32, #tpu.memory_space<vmem_shared>> -> memref<128x16xf32, #tpu.memory_space<vmem_shared>>
      %dma_start3A_58 = arith.constant 0 : i32
      %dma_start3A_59 = tpu.memref_slice %arg5[%add3A_11, %dma_start3A_58] : memref<10240x16xf32, #tpu.memory_space<vmem_shared>> -> memref<128x16xf32, #tpu.memory_space<vmem_shared>>
      tpu.enqueue_dma source(%arg7 : memref<128x16xf32, #tpu.memory_space<vmem>>) target(%dma_start3A_59 : memref<128x16xf32, #tpu.memory_space<vmem_shared>>) target_semaphore(%run_scoped3A : memref<!tpu.dma_semaphore, #tpu.memory_space<semaphore_mem>>)
      %dma_wait3A = arith.constant 0 : i32
      %dma_wait3A_60 = tpu.memref_slice %arg5[%add3A_11, %dma_wait3A] : memref<10240x16xf32, #tpu.memory_space<vmem_shared>> -> memref<128x16xf32, #tpu.memory_space<vmem_shared>>
      %dma_wait3A_61 = arith.constant 0 : i32
      %dma_wait3A_62 = tpu.memref_slice %arg5[%add3A_11, %dma_wait3A_61] : memref<10240x16xf32, #tpu.memory_space<vmem_shared>> -> memref<128x16xf32, #tpu.memory_space<vmem_shared>>
      tpu.wait_dma2 semaphore(%run_scoped3A : memref<!tpu.dma_semaphore, #tpu.memory_space<semaphore_mem>>) src(%arg7 : memref<128x16xf32, #tpu.memory_space<vmem>>) dst(%dma_wait3A_62 : memref<128x16xf32, #tpu.memory_space<vmem_shared>>)
      tpu.yield
    }) : () -> ()
    %mul3A_12 = arith.constant 640 : i32
    %mul3A_13 = arith.muli %arg1, %mul3A_12 : i32
    %add3A_14 = arith.constant 256 : i32
    %add3A_15 = arith.addi %mul3A_13, %add3A_14 : i32
    "tpu.region"() ({
      %run_scoped3A = tpu.sem_alloc : memref<!tpu.dma_semaphore, #tpu.memory_space<semaphore_mem>>
      %dma_start3A = arith.constant 0 : i32
      %dma_start3A_57 = tpu.memref_slice %arg5[%add3A_15, %dma_start3A] : memref<10240x16xf32, #tpu.memory_space<vmem_shared>> -> memref<128x16xf32, #tpu.memory_space<vmem_shared>>
      %dma_start3A_58 = arith.constant 0 : i32
      %dma_start3A_59 = tpu.memref_slice %arg5[%add3A_15, %dma_start3A_58] : memref<10240x16xf32, #tpu.memory_space<vmem_shared>> -> memref<128x16xf32, #tpu.memory_space<vmem_shared>>
      tpu.enqueue_dma source(%arg7 : memref<128x16xf32, #tpu.memory_space<vmem>>) target(%dma_start3A_59 : memref<128x16xf32, #tpu.memory_space<vmem_shared>>) target_semaphore(%run_scoped3A : memref<!tpu.dma_semaphore, #tpu.memory_space<semaphore_mem>>)
      %dma_wait3A = arith.constant 0 : i32
      %dma_wait3A_60 = tpu.memref_slice %arg5[%add3A_15, %dma_wait3A] : memref<10240x16xf32, #tpu.memory_space<vmem_shared>> -> memref<128x16xf32, #tpu.memory_space<vmem_shared>>
      %dma_wait3A_61 = arith.constant 0 : i32
      %dma_wait3A_62 = tpu.memref_slice %arg5[%add3A_15, %dma_wait3A_61] : memref<10240x16xf32, #tpu.memory_space<vmem_shared>> -> memref<128x16xf32, #tpu.memory_space<vmem_shared>>
      tpu.wait_dma2 semaphore(%run_scoped3A : memref<!tpu.dma_semaphore, #tpu.memory_space<semaphore_mem>>) src(%arg7 : memref<128x16xf32, #tpu.memory_space<vmem>>) dst(%dma_wait3A_62 : memref<128x16xf32, #tpu.memory_space<vmem_shared>>)
      tpu.yield
    }) : () -> ()
    %mul3A_16 = arith.constant 640 : i32
    %mul3A_17 = arith.muli %arg1, %mul3A_16 : i32
    %add3A_18 = arith.constant 384 : i32
    %add3A_19 = arith.addi %mul3A_17, %add3A_18 : i32
    "tpu.region"() ({
      %run_scoped3A = tpu.sem_alloc : memref<!tpu.dma_semaphore, #tpu.memory_space<semaphore_mem>>
      %dma_start3A = arith.constant 0 : i32
      %dma_start3A_57 = tpu.memref_slice %arg5[%add3A_19, %dma_start3A] : memref<10240x16xf32, #tpu.memory_space<vmem_shared>> -> memref<128x16xf32, #tpu.memory_space<vmem_shared>>
      %dma_start3A_58 = arith.constant 0 : i32
      %dma_start3A_59 = tpu.memref_slice %arg5[%add3A_19, %dma_start3A_58] : memref<10240x16xf32, #tpu.memory_space<vmem_shared>> -> memref<128x16xf32, #tpu.memory_space<vmem_shared>>
      tpu.enqueue_dma source(%arg7 : memref<128x16xf32, #tpu.memory_space<vmem>>) target(%dma_start3A_59 : memref<128x16xf32, #tpu.memory_space<vmem_shared>>) target_semaphore(%run_scoped3A : memref<!tpu.dma_semaphore, #tpu.memory_space<semaphore_mem>>)
      %dma_wait3A = arith.constant 0 : i32
      %dma_wait3A_60 = tpu.memref_slice %arg5[%add3A_19, %dma_wait3A] : memref<10240x16xf32, #tpu.memory_space<vmem_shared>> -> memref<128x16xf32, #tpu.memory_space<vmem_shared>>
      %dma_wait3A_61 = arith.constant 0 : i32
      %dma_wait3A_62 = tpu.memref_slice %arg5[%add3A_19, %dma_wait3A_61] : memref<10240x16xf32, #tpu.memory_space<vmem_shared>> -> memref<128x16xf32, #tpu.memory_space<vmem_shared>>
      tpu.wait_dma2 semaphore(%run_scoped3A : memref<!tpu.dma_semaphore, #tpu.memory_space<semaphore_mem>>) src(%arg7 : memref<128x16xf32, #tpu.memory_space<vmem>>) dst(%dma_wait3A_62 : memref<128x16xf32, #tpu.memory_space<vmem_shared>>)
      tpu.yield
    }) : () -> ()
    %mul3A_20 = arith.constant 640 : i32
    %mul3A_21 = arith.muli %arg1, %mul3A_20 : i32
    %add3A_22 = arith.constant 512 : i32
    %add3A_23 = arith.addi %mul3A_21, %add3A_22 : i32
    "tpu.region"() ({
      %run_scoped3A = tpu.sem_alloc : memref<!tpu.dma_semaphore, #tpu.memory_space<semaphore_mem>>
      %dma_start3A = arith.constant 0 : i32
      %dma_start3A_57 = tpu.memref_slice %arg5[%add3A_23, %dma_start3A] : memref<10240x16xf32, #tpu.memory_space<vmem_shared>> -> memref<128x16xf32, #tpu.memory_space<vmem_shared>>
      %dma_start3A_58 = arith.constant 0 : i32
      %dma_start3A_59 = tpu.memref_slice %arg5[%add3A_23, %dma_start3A_58] : memref<10240x16xf32, #tpu.memory_space<vmem_shared>> -> memref<128x16xf32, #tpu.memory_space<vmem_shared>>
      tpu.enqueue_dma source(%arg7 : memref<128x16xf32, #tpu.memory_space<vmem>>) target(%dma_start3A_59 : memref<128x16xf32, #tpu.memory_space<vmem_shared>>) target_semaphore(%run_scoped3A : memref<!tpu.dma_semaphore, #tpu.memory_space<semaphore_mem>>)
      %dma_wait3A = arith.constant 0 : i32
      %dma_wait3A_60 = tpu.memref_slice %arg5[%add3A_23, %dma_wait3A] : memref<10240x16xf32, #tpu.memory_space<vmem_shared>> -> memref<128x16xf32, #tpu.memory_space<vmem_shared>>
      %dma_wait3A_61 = arith.constant 0 : i32
      %dma_wait3A_62 = tpu.memref_slice %arg5[%add3A_23, %dma_wait3A_61] : memref<10240x16xf32, #tpu.memory_space<vmem_shared>> -> memref<128x16xf32, #tpu.memory_space<vmem_shared>>
      tpu.wait_dma2 semaphore(%run_scoped3A : memref<!tpu.dma_semaphore, #tpu.memory_space<semaphore_mem>>) src(%arg7 : memref<128x16xf32, #tpu.memory_space<vmem>>) dst(%dma_wait3A_62 : memref<128x16xf32, #tpu.memory_space<vmem_shared>>)
      tpu.yield
    }) : () -> ()
    %barrier3A = arith.constant 0 : index
    tpu.barrier barrier_id(%barrier3A)
    %scan3A_24 = arith.constant 0 : i32
    %scan3A_25 = arith.constant 0 : i32
    %scan3A_26 = arith.constant 128 : i32
    %scan3A_27 = arith.addi %scan3A_25, %scan3A_26 : i32
    %scan3A_28 = arith.constant 1 : i32
    %scan3A_29 = scf.for %scan3A_57 = %scan3A_25 to %scan3A_27 step %scan3A_28 iter_args(%scan3A_58 = %scan3A_24) -> (i32)  : i32 {
      %broadcast_in_dim3A = arith.constant 1.000000e+00 : f32
      %broadcast_in_dim3A_59 = vector.broadcast %broadcast_in_dim3A : f32 to vector<16xf32>
      %swap3A = arith.index_cast %scan3A_57 : i32 to index
      %swap3A_60 = arith.constant 0 : index
      %swap3A_61 = tpu.vector_load %arg7[%swap3A, %swap3A_60] {strides = array<i32>} : memref<128x16xf32, #tpu.memory_space<vmem>>, vector<1x16xf32>,
      %swap3A_62 = vector.shape_cast %swap3A_61 : vector<1x16xf32> to vector<16xf32>
      %swap3A_63 = vector.shape_cast %broadcast_in_dim3A_59 : vector<16xf32> to vector<1x16xf32>
      tpu.vector_store %arg7[%swap3A, %swap3A_60], %swap3A_63 {strides = array<i32>} : memref<128x16xf32, #tpu.memory_space<vmem>>, vector<1x16xf32>,
      %scan3A_64 = arith.constant 0 : i32
      scf.yield %scan3A_64 : i32
    }
    %scan3A_30 = arith.constant 128 : i32
    %eq3A = arith.constant 0 : i32
    %eq3A_31 = arith.cmpi eq, %arg0, %eq3A : i32
    %jit3A = arith.constant 0 : i32
    %jit3A_32 = arith.constant 79 : i32
    %select_n3A = arith.select %eq3A_31, %jit3A, %jit3A_32 : i32
    %eq3A_33 = arith.constant 0 : i32
    %eq3A_34 = arith.cmpi eq, %arg0, %eq3A_33 : i32
    %jit3A_35 = arith.constant 79 : i32
    %jit3A_36 = arith.constant 157 : i32
    %select_n3A_37 = arith.select %eq3A_34, %jit3A_35, %jit3A_36 : i32
    %while3A = arith.constant 0 : i32
    %while3A_38 = arith.subi %select_n3A_37, %select_n3A : i32
    %while3A_39 = arith.addi %select_n3A, %while3A_38 : i32
    %while3A_40 = arith.constant 1 : i32
    %while3A_41 = arith.divsi %while3A_38, %while3A_40 : i32
    %while3A_42 = arith.muli %while3A_41, %while3A_40 : i32
    %while3A_43 = arith.addi %select_n3A, %while3A_42 : i32
    %while3A_44 = arith.constant 1 : i32
    %while3A_45 = scf.for %while3A_57 = %select_n3A to %while3A_43 step %while3A_44 iter_args(%while3A_58 = %while3A) -> (i32)  : i32 {
      "tpu.region"() ({
        %run_scoped3A_60 = tpu.sem_alloc : memref<!tpu.dma_semaphore, #tpu.memory_space<semaphore_mem>>
        %dma_start3A = arith.constant 0 : i32
        %dma_start3A_61 = arith.constant 0 : i32
        %dma_start3A_62 = tpu.memref_slice %arg2[%arg1, %while3A_57, %dma_start3A, %dma_start3A_61] : memref<16x157x1x128xi32, #tpu.memory_space<hbm>> -> memref<1x1x1x128xi32, #tpu.memory_space<hbm>>
        %dma_start3A_63 = tpu.memref_squeeze %dma_start3A_62 : memref<1x1x1x128xi32, #tpu.memory_space<hbm>> -> memref<1x128xi32, #tpu.memory_space<hbm>>
        %dma_start3A_64 = arith.constant 0 : i32
        %dma_start3A_65 = arith.constant 0 : i32
        %dma_start3A_66 = tpu.memref_slice %arg2[%arg1, %while3A_57, %dma_start3A_64, %dma_start3A_65] : memref<16x157x1x128xi32, #tpu.memory_space<hbm>> -> memref<1x1x1x128xi32, #tpu.memory_space<hbm>>
        %dma_start3A_67 = tpu.memref_squeeze %dma_start3A_66 : memref<1x1x1x128xi32, #tpu.memory_space<hbm>> -> memref<1x128xi32, #tpu.memory_space<hbm>>
        tpu.enqueue_dma source(%dma_start3A_67 : memref<1x128xi32, #tpu.memory_space<hbm>>) target(%arg6 : memref<1x128xi32, #tpu.memory_space<vmem>>) target_semaphore(%run_scoped3A_60 : memref<!tpu.dma_semaphore, #tpu.memory_space<semaphore_mem>>)
        %dma_wait3A = arith.constant 0 : i32
        %dma_wait3A_68 = arith.constant 0 : i32
        %dma_wait3A_69 = tpu.memref_slice %arg2[%arg1, %while3A_57, %dma_wait3A, %dma_wait3A_68] : memref<16x157x1x128xi32, #tpu.memory_space<hbm>> -> memref<1x1x1x128xi32, #tpu.memory_space<hbm>>
        %dma_wait3A_70 = tpu.memref_squeeze %dma_wait3A_69 : memref<1x1x1x128xi32, #tpu.memory_space<hbm>> -> memref<1x128xi32, #tpu.memory_space<hbm>>
        %dma_wait3A_71 = arith.constant 0 : i32
        %dma_wait3A_72 = arith.constant 0 : i32
        %dma_wait3A_73 = tpu.memref_slice %arg2[%arg1, %while3A_57, %dma_wait3A_71, %dma_wait3A_72] : memref<16x157x1x128xi32, #tpu.memory_space<hbm>> -> memref<1x1x1x128xi32, #tpu.memory_space<hbm>>
        %dma_wait3A_74 = tpu.memref_squeeze %dma_wait3A_73 : memref<1x1x1x128xi32, #tpu.memory_space<hbm>> -> memref<1x128xi32, #tpu.memory_space<hbm>>
        tpu.wait_dma2 semaphore(%run_scoped3A_60 : memref<!tpu.dma_semaphore, #tpu.memory_space<semaphore_mem>>) src(%dma_wait3A_74 : memref<1x128xi32, #tpu.memory_space<hbm>>) dst(%arg6 : memref<1x128xi32, #tpu.memory_space<vmem>>)
        tpu.yield
      }) : () -> ()
      %run_scoped3A = arith.constant 0 : i32
      "tpu.region"() ({
        %run_scoped3A_60 = tpu.sem_alloc : memref<!tpu.dma_semaphore, #tpu.memory_space<semaphore_mem>>
        %dma_start3A = arith.constant 0 : i32
        %dma_start3A_61 = tpu.memref_slice %arg6[%run_scoped3A, %dma_start3A] : memref<1x128xi32, #tpu.memory_space<vmem>> -> memref<1x128xi32, #tpu.memory_space<vmem>>
        %dma_start3A_62 = tpu.memref_squeeze %dma_start3A_61 : memref<1x128xi32, #tpu.memory_space<vmem>> -> memref<128xi32, #tpu.memory_space<vmem>>
        %dma_start3A_63 = arith.constant 0 : i32
        %dma_start3A_64 = arith.constant 0 : i32
        %dma_start3A_65 = tpu.memref_slice %arg5[%dma_start3A_63, %dma_start3A_64] : memref<10240x16xf32, #tpu.memory_space<vmem_shared>> -> memref<10240x16xf32, #tpu.memory_space<vmem_shared>>
        tpu.enqueue_indirect_dma source(%arg7 : memref<128x16xf32, #tpu.memory_space<vmem>>) target(%dma_start3A_65 : memref<10240x16xf32, #tpu.memory_space<vmem_shared>>) offsets(%dma_start3A_62 : memref<128xi32, #tpu.memory_space<vmem>>) semaphore(%run_scoped3A_60 : memref<!tpu.dma_semaphore, #tpu.memory_space<semaphore_mem>>) {add = true}
        %dma_wait3A = arith.constant 0 : i32
        %dma_wait3A_66 = tpu.memref_slice %arg6[%run_scoped3A, %dma_wait3A] : memref<1x128xi32, #tpu.memory_space<vmem>> -> memref<1x128xi32, #tpu.memory_space<vmem>>
        %dma_wait3A_67 = tpu.memref_squeeze %dma_wait3A_66 : memref<1x128xi32, #tpu.memory_space<vmem>> -> memref<128xi32, #tpu.memory_space<vmem>>
        %dma_wait3A_68 = arith.constant 0 : i32
        %dma_wait3A_69 = arith.constant 0 : i32
        %dma_wait3A_70 = tpu.memref_slice %arg5[%dma_wait3A_68, %dma_wait3A_69] : memref<10240x16xf32, #tpu.memory_space<vmem_shared>> -> memref<10240x16xf32, #tpu.memory_space<vmem_shared>>
        tpu.wait_indirect_dma semaphore(%run_scoped3A_60 : memref<!tpu.dma_semaphore, #tpu.memory_space<semaphore_mem>>) src(%arg7 : memref<128x16xf32, #tpu.memory_space<vmem>>) dst(%dma_wait3A_70 : memref<10240x16xf32, #tpu.memory_space<vmem_shared>>)
        tpu.yield
      }) : () -> ()
      %while3A_59 = arith.constant 0 : i32
      scf.yield %while3A_59 : i32
    }
    %while3A_46 = arith.constant 1 : i32
    %while3A_47 = scf.for %while3A_57 = %while3A_43 to %while3A_39 step %while3A_46 iter_args(%while3A_58 = %while3A_45) -> (i32)  : i32 {
      "tpu.region"() ({
        %run_scoped3A_60 = tpu.sem_alloc : memref<!tpu.dma_semaphore, #tpu.memory_space<semaphore_mem>>
        %dma_start3A = arith.constant 0 : i32
        %dma_start3A_61 = arith.constant 0 : i32
        %dma_start3A_62 = tpu.memref_slice %arg2[%arg1, %while3A_57, %dma_start3A, %dma_start3A_61] : memref<16x157x1x128xi32, #tpu.memory_space<hbm>> -> memref<1x1x1x128xi32, #tpu.memory_space<hbm>>
        %dma_start3A_63 = tpu.memref_squeeze %dma_start3A_62 : memref<1x1x1x128xi32, #tpu.memory_space<hbm>> -> memref<1x128xi32, #tpu.memory_space<hbm>>
        %dma_start3A_64 = arith.constant 0 : i32
        %dma_start3A_65 = arith.constant 0 : i32
        %dma_start3A_66 = tpu.memref_slice %arg2[%arg1, %while3A_57, %dma_start3A_64, %dma_start3A_65] : memref<16x157x1x128xi32, #tpu.memory_space<hbm>> -> memref<1x1x1x128xi32, #tpu.memory_space<hbm>>
        %dma_start3A_67 = tpu.memref_squeeze %dma_start3A_66 : memref<1x1x1x128xi32, #tpu.memory_space<hbm>> -> memref<1x128xi32, #tpu.memory_space<hbm>>
        tpu.enqueue_dma source(%dma_start3A_67 : memref<1x128xi32, #tpu.memory_space<hbm>>) target(%arg6 : memref<1x128xi32, #tpu.memory_space<vmem>>) target_semaphore(%run_scoped3A_60 : memref<!tpu.dma_semaphore, #tpu.memory_space<semaphore_mem>>)
        %dma_wait3A = arith.constant 0 : i32
        %dma_wait3A_68 = arith.constant 0 : i32
        %dma_wait3A_69 = tpu.memref_slice %arg2[%arg1, %while3A_57, %dma_wait3A, %dma_wait3A_68] : memref<16x157x1x128xi32, #tpu.memory_space<hbm>> -> memref<1x1x1x128xi32, #tpu.memory_space<hbm>>
        %dma_wait3A_70 = tpu.memref_squeeze %dma_wait3A_69 : memref<1x1x1x128xi32, #tpu.memory_space<hbm>> -> memref<1x128xi32, #tpu.memory_space<hbm>>
        %dma_wait3A_71 = arith.constant 0 : i32
        %dma_wait3A_72 = arith.constant 0 : i32
        %dma_wait3A_73 = tpu.memref_slice %arg2[%arg1, %while3A_57, %dma_wait3A_71, %dma_wait3A_72] : memref<16x157x1x128xi32, #tpu.memory_space<hbm>> -> memref<1x1x1x128xi32, #tpu.memory_space<hbm>>
        %dma_wait3A_74 = tpu.memref_squeeze %dma_wait3A_73 : memref<1x1x1x128xi32, #tpu.memory_space<hbm>> -> memref<1x128xi32, #tpu.memory_space<hbm>>
        tpu.wait_dma2 semaphore(%run_scoped3A_60 : memref<!tpu.dma_semaphore, #tpu.memory_space<semaphore_mem>>) src(%dma_wait3A_74 : memref<1x128xi32, #tpu.memory_space<hbm>>) dst(%arg6 : memref<1x128xi32, #tpu.memory_space<vmem>>)
        tpu.yield
      }) : () -> ()
      %run_scoped3A = arith.constant 0 : i32
      "tpu.region"() ({
        %run_scoped3A_60 = tpu.sem_alloc : memref<!tpu.dma_semaphore, #tpu.memory_space<semaphore_mem>>
        %dma_start3A = arith.constant 0 : i32
        %dma_start3A_61 = tpu.memref_slice %arg6[%run_scoped3A, %dma_start3A] : memref<1x128xi32, #tpu.memory_space<vmem>> -> memref<1x128xi32, #tpu.memory_space<vmem>>
        %dma_start3A_62 = tpu.memref_squeeze %dma_start3A_61 : memref<1x128xi32, #tpu.memory_space<vmem>> -> memref<128xi32, #tpu.memory_space<vmem>>
        %dma_start3A_63 = arith.constant 0 : i32
        %dma_start3A_64 = arith.constant 0 : i32
        %dma_start3A_65 = tpu.memref_slice %arg5[%dma_start3A_63, %dma_start3A_64] : memref<10240x16xf32, #tpu.memory_space<vmem_shared>> -> memref<10240x16xf32, #tpu.memory_space<vmem_shared>>
        tpu.enqueue_indirect_dma source(%arg7 : memref<128x16xf32, #tpu.memory_space<vmem>>) target(%dma_start3A_65 : memref<10240x16xf32, #tpu.memory_space<vmem_shared>>) offsets(%dma_start3A_62 : memref<128xi32, #tpu.memory_space<vmem>>) semaphore(%run_scoped3A_60 : memref<!tpu.dma_semaphore, #tpu.memory_space<semaphore_mem>>) {add = true}
        %dma_wait3A = arith.constant 0 : i32
        %dma_wait3A_66 = tpu.memref_slice %arg6[%run_scoped3A, %dma_wait3A] : memref<1x128xi32, #tpu.memory_space<vmem>> -> memref<1x128xi32, #tpu.memory_space<vmem>>
        %dma_wait3A_67 = tpu.memref_squeeze %dma_wait3A_66 : memref<1x128xi32, #tpu.memory_space<vmem>> -> memref<128xi32, #tpu.memory_space<vmem>>
        %dma_wait3A_68 = arith.constant 0 : i32
        %dma_wait3A_69 = arith.constant 0 : i32
        %dma_wait3A_70 = tpu.memref_slice %arg5[%dma_wait3A_68, %dma_wait3A_69] : memref<10240x16xf32, #tpu.memory_space<vmem_shared>> -> memref<10240x16xf32, #tpu.memory_space<vmem_shared>>
        tpu.wait_indirect_dma semaphore(%run_scoped3A_60 : memref<!tpu.dma_semaphore, #tpu.memory_space<semaphore_mem>>) src(%arg7 : memref<128x16xf32, #tpu.memory_space<vmem>>) dst(%dma_wait3A_70 : memref<10240x16xf32, #tpu.memory_space<vmem_shared>>)
        tpu.yield
      }) : () -> ()
      %while3A_59 = arith.constant 0 : i32
      scf.yield %while3A_59 : i32
    }
    %barrier3A_48 = arith.constant 0 : index
    tpu.barrier barrier_id(%barrier3A_48)
    %eq3A_49 = arith.constant 0 : i32
    %eq3A_50 = arith.cmpi eq, %arg0, %eq3A_49 : i32
    %convert_element_type3A = arith.extui %eq3A_50 : i1 to i32
    %cond3A = arith.constant 0 : i32
    %cond3A_51 = arith.cmpi ne, %convert_element_type3A, %cond3A : i32
    scf.if %cond3A_51 {
      %mul3A_57 = arith.constant 640 : i32
      %mul3A_58 = arith.muli %arg1, %mul3A_57 : i32
      %add3A_59 = arith.constant 0 : i32
      %add3A_60 = arith.addi %mul3A_58, %add3A_59 : i32
      "tpu.region"() ({
        %run_scoped3A = tpu.sem_alloc : memref<!tpu.dma_semaphore, #tpu.memory_space<semaphore_mem>>
        %dma_start3A = arith.constant 0 : i32
        %dma_start3A_77 = tpu.memref_slice %arg5[%add3A_60, %dma_start3A] : memref<10240x16xf32, #tpu.memory_space<vmem_shared>> -> memref<128x16xf32, #tpu.memory_space<vmem_shared>>
        %dma_start3A_78 = arith.constant 0 : i32
        %dma_start3A_79 = tpu.memref_slice %arg5[%add3A_60, %dma_start3A_78] : memref<10240x16xf32, #tpu.memory_space<vmem_shared>> -> memref<128x16xf32, #tpu.memory_space<vmem_shared>>
        tpu.enqueue_dma source(%dma_start3A_79 : memref<128x16xf32, #tpu.memory_space<vmem_shared>>) target(%arg7 : memref<128x16xf32, #tpu.memory_space<vmem>>) target_semaphore(%run_scoped3A : memref<!tpu.dma_semaphore, #tpu.memory_space<semaphore_mem>>)
        %dma_wait3A = arith.constant 0 : i32
        %dma_wait3A_80 = tpu.memref_slice %arg5[%add3A_60, %dma_wait3A] : memref<10240x16xf32, #tpu.memory_space<vmem_shared>> -> memref<128x16xf32, #tpu.memory_space<vmem_shared>>
        %dma_wait3A_81 = arith.constant 0 : i32
        %dma_wait3A_82 = tpu.memref_slice %arg5[%add3A_60, %dma_wait3A_81] : memref<10240x16xf32, #tpu.memory_space<vmem_shared>> -> memref<128x16xf32, #tpu.memory_space<vmem_shared>>
        tpu.wait_dma2 semaphore(%run_scoped3A : memref<!tpu.dma_semaphore, #tpu.memory_space<semaphore_mem>>) src(%dma_wait3A_82 : memref<128x16xf32, #tpu.memory_space<vmem_shared>>) dst(%arg7 : memref<128x16xf32, #tpu.memory_space<vmem>>)
        tpu.yield
      }) : () -> ()
      "tpu.region"() ({
        %run_scoped3A = tpu.sem_alloc : memref<!tpu.dma_semaphore, #tpu.memory_space<semaphore_mem>>
        %dma_start3A = arith.constant 0 : i32
        %dma_start3A_77 = tpu.memref_slice %arg3[%add3A_60, %dma_start3A] : memref<10240x16xf32, #tpu.memory_space<hbm>> -> memref<128x16xf32, #tpu.memory_space<hbm>>
        %dma_start3A_78 = arith.constant 0 : i32
        %dma_start3A_79 = tpu.memref_slice %arg3[%add3A_60, %dma_start3A_78] : memref<10240x16xf32, #tpu.memory_space<hbm>> -> memref<128x16xf32, #tpu.memory_space<hbm>>
        tpu.enqueue_dma source(%arg7 : memref<128x16xf32, #tpu.memory_space<vmem>>) target(%dma_start3A_79 : memref<128x16xf32, #tpu.memory_space<hbm>>) target_semaphore(%run_scoped3A : memref<!tpu.dma_semaphore, #tpu.memory_space<semaphore_mem>>)
        %dma_wait3A = arith.constant 0 : i32
        %dma_wait3A_80 = tpu.memref_slice %arg3[%add3A_60, %dma_wait3A] : memref<10240x16xf32, #tpu.memory_space<hbm>> -> memref<128x16xf32, #tpu.memory_space<hbm>>
        %dma_wait3A_81 = arith.constant 0 : i32
        %dma_wait3A_82 = tpu.memref_slice %arg3[%add3A_60, %dma_wait3A_81] : memref<10240x16xf32, #tpu.memory_space<hbm>> -> memref<128x16xf32, #tpu.memory_space<hbm>>
        tpu.wait_dma2 semaphore(%run_scoped3A : memref<!tpu.dma_semaphore, #tpu.memory_space<semaphore_mem>>) src(%arg7 : memref<128x16xf32, #tpu.memory_space<vmem>>) dst(%dma_wait3A_82 : memref<128x16xf32, #tpu.memory_space<hbm>>)
        tpu.yield
      }) : () -> ()
      %mul3A_61 = arith.constant 640 : i32
      %mul3A_62 = arith.muli %arg1, %mul3A_61 : i32
      %add3A_63 = arith.constant 128 : i32
      %add3A_64 = arith.addi %mul3A_62, %add3A_63 : i32
      "tpu.region"() ({
        %run_scoped3A = tpu.sem_alloc : memref<!tpu.dma_semaphore, #tpu.memory_space<semaphore_mem>>
        %dma_start3A = arith.constant 0 : i32
        %dma_start3A_77 = tpu.memref_slice %arg5[%add3A_64, %dma_start3A] : memref<10240x16xf32, #tpu.memory_space<vmem_shared>> -> memref<128x16xf32, #tpu.memory_space<vmem_shared>>
        %dma_start3A_78 = arith.constant 0 : i32
        %dma_start3A_79 = tpu.memref_slice %arg5[%add3A_64, %dma_start3A_78] : memref<10240x16xf32, #tpu.memory_space<vmem_shared>> -> memref<128x16xf32, #tpu.memory_space<vmem_shared>>
        tpu.enqueue_dma source(%dma_start3A_79 : memref<128x16xf32, #tpu.memory_space<vmem_shared>>) target(%arg7 : memref<128x16xf32, #tpu.memory_space<vmem>>) target_semaphore(%run_scoped3A : memref<!tpu.dma_semaphore, #tpu.memory_space<semaphore_mem>>)
        %dma_wait3A = arith.constant 0 : i32
        %dma_wait3A_80 = tpu.memref_slice %arg5[%add3A_64, %dma_wait3A] : memref<10240x16xf32, #tpu.memory_space<vmem_shared>> -> memref<128x16xf32, #tpu.memory_space<vmem_shared>>
        %dma_wait3A_81 = arith.constant 0 : i32
        %dma_wait3A_82 = tpu.memref_slice %arg5[%add3A_64, %dma_wait3A_81] : memref<10240x16xf32, #tpu.memory_space<vmem_shared>> -> memref<128x16xf32, #tpu.memory_space<vmem_shared>>
        tpu.wait_dma2 semaphore(%run_scoped3A : memref<!tpu.dma_semaphore, #tpu.memory_space<semaphore_mem>>) src(%dma_wait3A_82 : memref<128x16xf32, #tpu.memory_space<vmem_shared>>) dst(%arg7 : memref<128x16xf32, #tpu.memory_space<vmem>>)
        tpu.yield
      }) : () -> ()
      "tpu.region"() ({
        %run_scoped3A = tpu.sem_alloc : memref<!tpu.dma_semaphore, #tpu.memory_space<semaphore_mem>>
        %dma_start3A = arith.constant 0 : i32
        %dma_start3A_77 = tpu.memref_slice %arg3[%add3A_64, %dma_start3A] : memref<10240x16xf32, #tpu.memory_space<hbm>> -> memref<128x16xf32, #tpu.memory_space<hbm>>
        %dma_start3A_78 = arith.constant 0 : i32
        %dma_start3A_79 = tpu.memref_slice %arg3[%add3A_64, %dma_start3A_78] : memref<10240x16xf32, #tpu.memory_space<hbm>> -> memref<128x16xf32, #tpu.memory_space<hbm>>
        tpu.enqueue_dma source(%arg7 : memref<128x16xf32, #tpu.memory_space<vmem>>) target(%dma_start3A_79 : memref<128x16xf32, #tpu.memory_space<hbm>>) target_semaphore(%run_scoped3A : memref<!tpu.dma_semaphore, #tpu.memory_space<semaphore_mem>>)
        %dma_wait3A = arith.constant 0 : i32
        %dma_wait3A_80 = tpu.memref_slice %arg3[%add3A_64, %dma_wait3A] : memref<10240x16xf32, #tpu.memory_space<hbm>> -> memref<128x16xf32, #tpu.memory_space<hbm>>
        %dma_wait3A_81 = arith.constant 0 : i32
        %dma_wait3A_82 = tpu.memref_slice %arg3[%add3A_64, %dma_wait3A_81] : memref<10240x16xf32, #tpu.memory_space<hbm>> -> memref<128x16xf32, #tpu.memory_space<hbm>>
        tpu.wait_dma2 semaphore(%run_scoped3A : memref<!tpu.dma_semaphore, #tpu.memory_space<semaphore_mem>>) src(%arg7 : memref<128x16xf32, #tpu.memory_space<vmem>>) dst(%dma_wait3A_82 : memref<128x16xf32, #tpu.memory_space<hbm>>)
        tpu.yield
      }) : () -> ()
      %mul3A_65 = arith.constant 640 : i32
      %mul3A_66 = arith.muli %arg1, %mul3A_65 : i32
      %add3A_67 = arith.constant 256 : i32
      %add3A_68 = arith.addi %mul3A_66, %add3A_67 : i32
      "tpu.region"() ({
        %run_scoped3A = tpu.sem_alloc : memref<!tpu.dma_semaphore, #tpu.memory_space<semaphore_mem>>
        %dma_start3A = arith.constant 0 : i32
        %dma_start3A_77 = tpu.memref_slice %arg5[%add3A_68, %dma_start3A] : memref<10240x16xf32, #tpu.memory_space<vmem_shared>> -> memref<128x16xf32, #tpu.memory_space<vmem_shared>>
        %dma_start3A_78 = arith.constant 0 : i32
        %dma_start3A_79 = tpu.memref_slice %arg5[%add3A_68, %dma_start3A_78] : memref<10240x16xf32, #tpu.memory_space<vmem_shared>> -> memref<128x16xf32, #tpu.memory_space<vmem_shared>>
        tpu.enqueue_dma source(%dma_start3A_79 : memref<128x16xf32, #tpu.memory_space<vmem_shared>>) target(%arg7 : memref<128x16xf32, #tpu.memory_space<vmem>>) target_semaphore(%run_scoped3A : memref<!tpu.dma_semaphore, #tpu.memory_space<semaphore_mem>>)
        %dma_wait3A = arith.constant 0 : i32
        %dma_wait3A_80 = tpu.memref_slice %arg5[%add3A_68, %dma_wait3A] : memref<10240x16xf32, #tpu.memory_space<vmem_shared>> -> memref<128x16xf32, #tpu.memory_space<vmem_shared>>
        %dma_wait3A_81 = arith.constant 0 : i32
        %dma_wait3A_82 = tpu.memref_slice %arg5[%add3A_68, %dma_wait3A_81] : memref<10240x16xf32, #tpu.memory_space<vmem_shared>> -> memref<128x16xf32, #tpu.memory_space<vmem_shared>>
        tpu.wait_dma2 semaphore(%run_scoped3A : memref<!tpu.dma_semaphore, #tpu.memory_space<semaphore_mem>>) src(%dma_wait3A_82 : memref<128x16xf32, #tpu.memory_space<vmem_shared>>) dst(%arg7 : memref<128x16xf32, #tpu.memory_space<vmem>>)
        tpu.yield
      }) : () -> ()
      "tpu.region"() ({
        %run_scoped3A = tpu.sem_alloc : memref<!tpu.dma_semaphore, #tpu.memory_space<semaphore_mem>>
        %dma_start3A = arith.constant 0 : i32
        %dma_start3A_77 = tpu.memref_slice %arg3[%add3A_68, %dma_start3A] : memref<10240x16xf32, #tpu.memory_space<hbm>> -> memref<128x16xf32, #tpu.memory_space<hbm>>
        %dma_start3A_78 = arith.constant 0 : i32
        %dma_start3A_79 = tpu.memref_slice %arg3[%add3A_68, %dma_start3A_78] : memref<10240x16xf32, #tpu.memory_space<hbm>> -> memref<128x16xf32, #tpu.memory_space<hbm>>
        tpu.enqueue_dma source(%arg7 : memref<128x16xf32, #tpu.memory_space<vmem>>) target(%dma_start3A_79 : memref<128x16xf32, #tpu.memory_space<hbm>>) target_semaphore(%run_scoped3A : memref<!tpu.dma_semaphore, #tpu.memory_space<semaphore_mem>>)
        %dma_wait3A = arith.constant 0 : i32
        %dma_wait3A_80 = tpu.memref_slice %arg3[%add3A_68, %dma_wait3A] : memref<10240x16xf32, #tpu.memory_space<hbm>> -> memref<128x16xf32, #tpu.memory_space<hbm>>
        %dma_wait3A_81 = arith.constant 0 : i32
        %dma_wait3A_82 = tpu.memref_slice %arg3[%add3A_68, %dma_wait3A_81] : memref<10240x16xf32, #tpu.memory_space<hbm>> -> memref<128x16xf32, #tpu.memory_space<hbm>>
        tpu.wait_dma2 semaphore(%run_scoped3A : memref<!tpu.dma_semaphore, #tpu.memory_space<semaphore_mem>>) src(%arg7 : memref<128x16xf32, #tpu.memory_space<vmem>>) dst(%dma_wait3A_82 : memref<128x16xf32, #tpu.memory_space<hbm>>)
        tpu.yield
      }) : () -> ()
      %mul3A_69 = arith.constant 640 : i32
      %mul3A_70 = arith.muli %arg1, %mul3A_69 : i32
      %add3A_71 = arith.constant 384 : i32
      %add3A_72 = arith.addi %mul3A_70, %add3A_71 : i32
      "tpu.region"() ({
        %run_scoped3A = tpu.sem_alloc : memref<!tpu.dma_semaphore, #tpu.memory_space<semaphore_mem>>
        %dma_start3A = arith.constant 0 : i32
        %dma_start3A_77 = tpu.memref_slice %arg5[%add3A_72, %dma_start3A] : memref<10240x16xf32, #tpu.memory_space<vmem_shared>> -> memref<128x16xf32, #tpu.memory_space<vmem_shared>>
        %dma_start3A_78 = arith.constant 0 : i32
        %dma_start3A_79 = tpu.memref_slice %arg5[%add3A_72, %dma_start3A_78] : memref<10240x16xf32, #tpu.memory_space<vmem_shared>> -> memref<128x16xf32, #tpu.memory_space<vmem_shared>>
        tpu.enqueue_dma source(%dma_start3A_79 : memref<128x16xf32, #tpu.memory_space<vmem_shared>>) target(%arg7 : memref<128x16xf32, #tpu.memory_space<vmem>>) target_semaphore(%run_scoped3A : memref<!tpu.dma_semaphore, #tpu.memory_space<semaphore_mem>>)
        %dma_wait3A = arith.constant 0 : i32
        %dma_wait3A_80 = tpu.memref_slice %arg5[%add3A_72, %dma_wait3A] : memref<10240x16xf32, #tpu.memory_space<vmem_shared>> -> memref<128x16xf32, #tpu.memory_space<vmem_shared>>
        %dma_wait3A_81 = arith.constant 0 : i32
        %dma_wait3A_82 = tpu.memref_slice %arg5[%add3A_72, %dma_wait3A_81] : memref<10240x16xf32, #tpu.memory_space<vmem_shared>> -> memref<128x16xf32, #tpu.memory_space<vmem_shared>>
        tpu.wait_dma2 semaphore(%run_scoped3A : memref<!tpu.dma_semaphore, #tpu.memory_space<semaphore_mem>>) src(%dma_wait3A_82 : memref<128x16xf32, #tpu.memory_space<vmem_shared>>) dst(%arg7 : memref<128x16xf32, #tpu.memory_space<vmem>>)
        tpu.yield
      }) : () -> ()
      "tpu.region"() ({
        %run_scoped3A = tpu.sem_alloc : memref<!tpu.dma_semaphore, #tpu.memory_space<semaphore_mem>>
        %dma_start3A = arith.constant 0 : i32
        %dma_start3A_77 = tpu.memref_slice %arg3[%add3A_72, %dma_start3A] : memref<10240x16xf32, #tpu.memory_space<hbm>> -> memref<128x16xf32, #tpu.memory_space<hbm>>
        %dma_start3A_78 = arith.constant 0 : i32
        %dma_start3A_79 = tpu.memref_slice %arg3[%add3A_72, %dma_start3A_78] : memref<10240x16xf32, #tpu.memory_space<hbm>> -> memref<128x16xf32, #tpu.memory_space<hbm>>
        tpu.enqueue_dma source(%arg7 : memref<128x16xf32, #tpu.memory_space<vmem>>) target(%dma_start3A_79 : memref<128x16xf32, #tpu.memory_space<hbm>>) target_semaphore(%run_scoped3A : memref<!tpu.dma_semaphore, #tpu.memory_space<semaphore_mem>>)
        %dma_wait3A = arith.constant 0 : i32
        %dma_wait3A_80 = tpu.memref_slice %arg3[%add3A_72, %dma_wait3A] : memref<10240x16xf32, #tpu.memory_space<hbm>> -> memref<128x16xf32, #tpu.memory_space<hbm>>
        %dma_wait3A_81 = arith.constant 0 : i32
        %dma_wait3A_82 = tpu.memref_slice %arg3[%add3A_72, %dma_wait3A_81] : memref<10240x16xf32, #tpu.memory_space<hbm>> -> memref<128x16xf32, #tpu.memory_space<hbm>>
        tpu.wait_dma2 semaphore(%run_scoped3A : memref<!tpu.dma_semaphore, #tpu.memory_space<semaphore_mem>>) src(%arg7 : memref<128x16xf32, #tpu.memory_space<vmem>>) dst(%dma_wait3A_82 : memref<128x16xf32, #tpu.memory_space<hbm>>)
        tpu.yield
      }) : () -> ()
      %mul3A_73 = arith.constant 640 : i32
      %mul3A_74 = arith.muli %arg1, %mul3A_73 : i32
      %add3A_75 = arith.constant 512 : i32
      %add3A_76 = arith.addi %mul3A_74, %add3A_75 : i32
      "tpu.region"() ({
        %run_scoped3A = tpu.sem_alloc : memref<!tpu.dma_semaphore, #tpu.memory_space<semaphore_mem>>
        %dma_start3A = arith.constant 0 : i32
        %dma_start3A_77 = tpu.memref_slice %arg5[%add3A_76, %dma_start3A] : memref<10240x16xf32, #tpu.memory_space<vmem_shared>> -> memref<128x16xf32, #tpu.memory_space<vmem_shared>>
        %dma_start3A_78 = arith.constant 0 : i32
        %dma_start3A_79 = tpu.memref_slice %arg5[%add3A_76, %dma_start3A_78] : memref<10240x16xf32, #tpu.memory_space<vmem_shared>> -> memref<128x16xf32, #tpu.memory_space<vmem_shared>>
        tpu.enqueue_dma source(%dma_start3A_79 : memref<128x16xf32, #tpu.memory_space<vmem_shared>>) target(%arg7 : memref<128x16xf32, #tpu.memory_space<vmem>>) target_semaphore(%run_scoped3A : memref<!tpu.dma_semaphore, #tpu.memory_space<semaphore_mem>>)
        %dma_wait3A = arith.constant 0 : i32
        %dma_wait3A_80 = tpu.memref_slice %arg5[%add3A_76, %dma_wait3A] : memref<10240x16xf32, #tpu.memory_space<vmem_shared>> -> memref<128x16xf32, #tpu.memory_space<vmem_shared>>
        %dma_wait3A_81 = arith.constant 0 : i32
        %dma_wait3A_82 = tpu.memref_slice %arg5[%add3A_76, %dma_wait3A_81] : memref<10240x16xf32, #tpu.memory_space<vmem_shared>> -> memref<128x16xf32, #tpu.memory_space<vmem_shared>>
        tpu.wait_dma2 semaphore(%run_scoped3A : memref<!tpu.dma_semaphore, #tpu.memory_space<semaphore_mem>>) src(%dma_wait3A_82 : memref<128x16xf32, #tpu.memory_space<vmem_shared>>) dst(%arg7 : memref<128x16xf32, #tpu.memory_space<vmem>>)
        tpu.yield
      }) : () -> ()
      "tpu.region"() ({
        %run_scoped3A = tpu.sem_alloc : memref<!tpu.dma_semaphore, #tpu.memory_space<semaphore_mem>>
        %dma_start3A = arith.constant 0 : i32
        %dma_start3A_77 = tpu.memref_slice %arg3[%add3A_76, %dma_start3A] : memref<10240x16xf32, #tpu.memory_space<hbm>> -> memref<128x16xf32, #tpu.memory_space<hbm>>
        %dma_start3A_78 = arith.constant 0 : i32
        %dma_start3A_79 = tpu.memref_slice %arg3[%add3A_76, %dma_start3A_78] : memref<10240x16xf32, #tpu.memory_space<hbm>> -> memref<128x16xf32, #tpu.memory_space<hbm>>
        tpu.enqueue_dma source(%arg7 : memref<128x16xf32, #tpu.memory_space<vmem>>) target(%dma_start3A_79 : memref<128x16xf32, #tpu.memory_space<hbm>>) target_semaphore(%run_scoped3A : memref<!tpu.dma_semaphore, #tpu.memory_space<semaphore_mem>>)
        %dma_wait3A = arith.constant 0 : i32
        %dma_wait3A_80 = tpu.memref_slice %arg3[%add3A_76, %dma_wait3A] : memref<10240x16xf32, #tpu.memory_space<hbm>> -> memref<128x16xf32, #tpu.memory_space<hbm>>
        %dma_wait3A_81 = arith.constant 0 : i32
        %dma_wait3A_82 = tpu.memref_slice %arg3[%add3A_76, %dma_wait3A_81] : memref<10240x16xf32, #tpu.memory_space<hbm>> -> memref<128x16xf32, #tpu.memory_space<hbm>>
        tpu.wait_dma2 semaphore(%run_scoped3A : memref<!tpu.dma_semaphore, #tpu.memory_space<semaphore_mem>>) src(%arg7 : memref<128x16xf32, #tpu.memory_space<vmem>>) dst(%dma_wait3A_82 : memref<128x16xf32, #tpu.memory_space<hbm>>)
        tpu.yield
      }) : () -> ()
    } else {
    }
    %eq3A_52 = arith.constant 1 : i32
    %eq3A_53 = arith.cmpi eq, %arg0, %eq3A_52 : i32
    %convert_element_type3A_54 = arith.extui %eq3A_53 : i1 to i32
    %cond3A_55 = arith.constant 0 : i32
    %cond3A_56 = arith.cmpi ne, %convert_element_type3A_54, %cond3A_55 : i32
    scf.if %cond3A_56 {
      %mul3A_57 = arith.constant 640 : i32
      %mul3A_58 = arith.muli %arg1, %mul3A_57 : i32
      %add3A_59 = arith.constant 0 : i32
      %add3A_60 = arith.addi %mul3A_58, %add3A_59 : i32
      "tpu.region"() ({
        %run_scoped3A = tpu.sem_alloc : memref<!tpu.dma_semaphore, #tpu.memory_space<semaphore_mem>>
        %dma_start3A = arith.constant 0 : i32
        %dma_start3A_77 = tpu.memref_slice %arg5[%add3A_60, %dma_start3A] : memref<10240x16xf32, #tpu.memory_space<vmem_shared>> -> memref<128x16xf32, #tpu.memory_space<vmem_shared>>
        %dma_start3A_78 = arith.constant 0 : i32
        %dma_start3A_79 = tpu.memref_slice %arg5[%add3A_60, %dma_start3A_78] : memref<10240x16xf32, #tpu.memory_space<vmem_shared>> -> memref<128x16xf32, #tpu.memory_space<vmem_shared>>
        tpu.enqueue_dma source(%dma_start3A_79 : memref<128x16xf32, #tpu.memory_space<vmem_shared>>) target(%arg7 : memref<128x16xf32, #tpu.memory_space<vmem>>) target_semaphore(%run_scoped3A : memref<!tpu.dma_semaphore, #tpu.memory_space<semaphore_mem>>)
        %dma_wait3A = arith.constant 0 : i32
        %dma_wait3A_80 = tpu.memref_slice %arg5[%add3A_60, %dma_wait3A] : memref<10240x16xf32, #tpu.memory_space<vmem_shared>> -> memref<128x16xf32, #tpu.memory_space<vmem_shared>>
        %dma_wait3A_81 = arith.constant 0 : i32
        %dma_wait3A_82 = tpu.memref_slice %arg5[%add3A_60, %dma_wait3A_81] : memref<10240x16xf32, #tpu.memory_space<vmem_shared>> -> memref<128x16xf32, #tpu.memory_space<vmem_shared>>
        tpu.wait_dma2 semaphore(%run_scoped3A : memref<!tpu.dma_semaphore, #tpu.memory_space<semaphore_mem>>) src(%dma_wait3A_82 : memref<128x16xf32, #tpu.memory_space<vmem_shared>>) dst(%arg7 : memref<128x16xf32, #tpu.memory_space<vmem>>)
        tpu.yield
      }) : () -> ()
      "tpu.region"() ({
        %run_scoped3A = tpu.sem_alloc : memref<!tpu.dma_semaphore, #tpu.memory_space<semaphore_mem>>
        %dma_start3A = arith.constant 0 : i32
        %dma_start3A_77 = tpu.memref_slice %arg4[%add3A_60, %dma_start3A] : memref<10240x16xf32, #tpu.memory_space<hbm>> -> memref<128x16xf32, #tpu.memory_space<hbm>>
        %dma_start3A_78 = arith.constant 0 : i32
        %dma_start3A_79 = tpu.memref_slice %arg4[%add3A_60, %dma_start3A_78] : memref<10240x16xf32, #tpu.memory_space<hbm>> -> memref<128x16xf32, #tpu.memory_space<hbm>>
        tpu.enqueue_dma source(%arg7 : memref<128x16xf32, #tpu.memory_space<vmem>>) target(%dma_start3A_79 : memref<128x16xf32, #tpu.memory_space<hbm>>) target_semaphore(%run_scoped3A : memref<!tpu.dma_semaphore, #tpu.memory_space<semaphore_mem>>)
        %dma_wait3A = arith.constant 0 : i32
        %dma_wait3A_80 = tpu.memref_slice %arg4[%add3A_60, %dma_wait3A] : memref<10240x16xf32, #tpu.memory_space<hbm>> -> memref<128x16xf32, #tpu.memory_space<hbm>>
        %dma_wait3A_81 = arith.constant 0 : i32
        %dma_wait3A_82 = tpu.memref_slice %arg4[%add3A_60, %dma_wait3A_81] : memref<10240x16xf32, #tpu.memory_space<hbm>> -> memref<128x16xf32, #tpu.memory_space<hbm>>
        tpu.wait_dma2 semaphore(%run_scoped3A : memref<!tpu.dma_semaphore, #tpu.memory_space<semaphore_mem>>) src(%arg7 : memref<128x16xf32, #tpu.memory_space<vmem>>) dst(%dma_wait3A_82 : memref<128x16xf32, #tpu.memory_space<hbm>>)
        tpu.yield
      }) : () -> ()
      %mul3A_61 = arith.constant 640 : i32
      %mul3A_62 = arith.muli %arg1, %mul3A_61 : i32
      %add3A_63 = arith.constant 128 : i32
      %add3A_64 = arith.addi %mul3A_62, %add3A_63 : i32
      "tpu.region"() ({
        %run_scoped3A = tpu.sem_alloc : memref<!tpu.dma_semaphore, #tpu.memory_space<semaphore_mem>>
        %dma_start3A = arith.constant 0 : i32
        %dma_start3A_77 = tpu.memref_slice %arg5[%add3A_64, %dma_start3A] : memref<10240x16xf32, #tpu.memory_space<vmem_shared>> -> memref<128x16xf32, #tpu.memory_space<vmem_shared>>
        %dma_start3A_78 = arith.constant 0 : i32
        %dma_start3A_79 = tpu.memref_slice %arg5[%add3A_64, %dma_start3A_78] : memref<10240x16xf32, #tpu.memory_space<vmem_shared>> -> memref<128x16xf32, #tpu.memory_space<vmem_shared>>
        tpu.enqueue_dma source(%dma_start3A_79 : memref<128x16xf32, #tpu.memory_space<vmem_shared>>) target(%arg7 : memref<128x16xf32, #tpu.memory_space<vmem>>) target_semaphore(%run_scoped3A : memref<!tpu.dma_semaphore, #tpu.memory_space<semaphore_mem>>)
        %dma_wait3A = arith.constant 0 : i32
        %dma_wait3A_80 = tpu.memref_slice %arg5[%add3A_64, %dma_wait3A] : memref<10240x16xf32, #tpu.memory_space<vmem_shared>> -> memref<128x16xf32, #tpu.memory_space<vmem_shared>>
        %dma_wait3A_81 = arith.constant 0 : i32
        %dma_wait3A_82 = tpu.memref_slice %arg5[%add3A_64, %dma_wait3A_81] : memref<10240x16xf32, #tpu.memory_space<vmem_shared>> -> memref<128x16xf32, #tpu.memory_space<vmem_shared>>
        tpu.wait_dma2 semaphore(%run_scoped3A : memref<!tpu.dma_semaphore, #tpu.memory_space<semaphore_mem>>) src(%dma_wait3A_82 : memref<128x16xf32, #tpu.memory_space<vmem_shared>>) dst(%arg7 : memref<128x16xf32, #tpu.memory_space<vmem>>)
        tpu.yield
      }) : () -> ()
      "tpu.region"() ({
        %run_scoped3A = tpu.sem_alloc : memref<!tpu.dma_semaphore, #tpu.memory_space<semaphore_mem>>
        %dma_start3A = arith.constant 0 : i32
        %dma_start3A_77 = tpu.memref_slice %arg4[%add3A_64, %dma_start3A] : memref<10240x16xf32, #tpu.memory_space<hbm>> -> memref<128x16xf32, #tpu.memory_space<hbm>>
        %dma_start3A_78 = arith.constant 0 : i32
        %dma_start3A_79 = tpu.memref_slice %arg4[%add3A_64, %dma_start3A_78] : memref<10240x16xf32, #tpu.memory_space<hbm>> -> memref<128x16xf32, #tpu.memory_space<hbm>>
        tpu.enqueue_dma source(%arg7 : memref<128x16xf32, #tpu.memory_space<vmem>>) target(%dma_start3A_79 : memref<128x16xf32, #tpu.memory_space<hbm>>) target_semaphore(%run_scoped3A : memref<!tpu.dma_semaphore, #tpu.memory_space<semaphore_mem>>)
        %dma_wait3A = arith.constant 0 : i32
        %dma_wait3A_80 = tpu.memref_slice %arg4[%add3A_64, %dma_wait3A] : memref<10240x16xf32, #tpu.memory_space<hbm>> -> memref<128x16xf32, #tpu.memory_space<hbm>>
        %dma_wait3A_81 = arith.constant 0 : i32
        %dma_wait3A_82 = tpu.memref_slice %arg4[%add3A_64, %dma_wait3A_81] : memref<10240x16xf32, #tpu.memory_space<hbm>> -> memref<128x16xf32, #tpu.memory_space<hbm>>
        tpu.wait_dma2 semaphore(%run_scoped3A : memref<!tpu.dma_semaphore, #tpu.memory_space<semaphore_mem>>) src(%arg7 : memref<128x16xf32, #tpu.memory_space<vmem>>) dst(%dma_wait3A_82 : memref<128x16xf32, #tpu.memory_space<hbm>>)
        tpu.yield
      }) : () -> ()
      %mul3A_65 = arith.constant 640 : i32
      %mul3A_66 = arith.muli %arg1, %mul3A_65 : i32
      %add3A_67 = arith.constant 256 : i32
      %add3A_68 = arith.addi %mul3A_66, %add3A_67 : i32
      "tpu.region"() ({
        %run_scoped3A = tpu.sem_alloc : memref<!tpu.dma_semaphore, #tpu.memory_space<semaphore_mem>>
        %dma_start3A = arith.constant 0 : i32
        %dma_start3A_77 = tpu.memref_slice %arg5[%add3A_68, %dma_start3A] : memref<10240x16xf32, #tpu.memory_space<vmem_shared>> -> memref<128x16xf32, #tpu.memory_space<vmem_shared>>
        %dma_start3A_78 = arith.constant 0 : i32
        %dma_start3A_79 = tpu.memref_slice %arg5[%add3A_68, %dma_start3A_78] : memref<10240x16xf32, #tpu.memory_space<vmem_shared>> -> memref<128x16xf32, #tpu.memory_space<vmem_shared>>
        tpu.enqueue_dma source(%dma_start3A_79 : memref<128x16xf32, #tpu.memory_space<vmem_shared>>) target(%arg7 : memref<128x16xf32, #tpu.memory_space<vmem>>) target_semaphore(%run_scoped3A : memref<!tpu.dma_semaphore, #tpu.memory_space<semaphore_mem>>)
        %dma_wait3A = arith.constant 0 : i32
        %dma_wait3A_80 = tpu.memref_slice %arg5[%add3A_68, %dma_wait3A] : memref<10240x16xf32, #tpu.memory_space<vmem_shared>> -> memref<128x16xf32, #tpu.memory_space<vmem_shared>>
        %dma_wait3A_81 = arith.constant 0 : i32
        %dma_wait3A_82 = tpu.memref_slice %arg5[%add3A_68, %dma_wait3A_81] : memref<10240x16xf32, #tpu.memory_space<vmem_shared>> -> memref<128x16xf32, #tpu.memory_space<vmem_shared>>
        tpu.wait_dma2 semaphore(%run_scoped3A : memref<!tpu.dma_semaphore, #tpu.memory_space<semaphore_mem>>) src(%dma_wait3A_82 : memref<128x16xf32, #tpu.memory_space<vmem_shared>>) dst(%arg7 : memref<128x16xf32, #tpu.memory_space<vmem>>)
        tpu.yield
      }) : () -> ()
      "tpu.region"() ({
        %run_scoped3A = tpu.sem_alloc : memref<!tpu.dma_semaphore, #tpu.memory_space<semaphore_mem>>
        %dma_start3A = arith.constant 0 : i32
        %dma_start3A_77 = tpu.memref_slice %arg4[%add3A_68, %dma_start3A] : memref<10240x16xf32, #tpu.memory_space<hbm>> -> memref<128x16xf32, #tpu.memory_space<hbm>>
        %dma_start3A_78 = arith.constant 0 : i32
        %dma_start3A_79 = tpu.memref_slice %arg4[%add3A_68, %dma_start3A_78] : memref<10240x16xf32, #tpu.memory_space<hbm>> -> memref<128x16xf32, #tpu.memory_space<hbm>>
        tpu.enqueue_dma source(%arg7 : memref<128x16xf32, #tpu.memory_space<vmem>>) target(%dma_start3A_79 : memref<128x16xf32, #tpu.memory_space<hbm>>) target_semaphore(%run_scoped3A : memref<!tpu.dma_semaphore, #tpu.memory_space<semaphore_mem>>)
        %dma_wait3A = arith.constant 0 : i32
        %dma_wait3A_80 = tpu.memref_slice %arg4[%add3A_68, %dma_wait3A] : memref<10240x16xf32, #tpu.memory_space<hbm>> -> memref<128x16xf32, #tpu.memory_space<hbm>>
        %dma_wait3A_81 = arith.constant 0 : i32
        %dma_wait3A_82 = tpu.memref_slice %arg4[%add3A_68, %dma_wait3A_81] : memref<10240x16xf32, #tpu.memory_space<hbm>> -> memref<128x16xf32, #tpu.memory_space<hbm>>
        tpu.wait_dma2 semaphore(%run_scoped3A : memref<!tpu.dma_semaphore, #tpu.memory_space<semaphore_mem>>) src(%arg7 : memref<128x16xf32, #tpu.memory_space<vmem>>) dst(%dma_wait3A_82 : memref<128x16xf32, #tpu.memory_space<hbm>>)
        tpu.yield
      }) : () -> ()
      %mul3A_69 = arith.constant 640 : i32
      %mul3A_70 = arith.muli %arg1, %mul3A_69 : i32
      %add3A_71 = arith.constant 384 : i32
      %add3A_72 = arith.addi %mul3A_70, %add3A_71 : i32
      "tpu.region"() ({
        %run_scoped3A = tpu.sem_alloc : memref<!tpu.dma_semaphore, #tpu.memory_space<semaphore_mem>>
        %dma_start3A = arith.constant 0 : i32
        %dma_start3A_77 = tpu.memref_slice %arg5[%add3A_72, %dma_start3A] : memref<10240x16xf32, #tpu.memory_space<vmem_shared>> -> memref<128x16xf32, #tpu.memory_space<vmem_shared>>
        %dma_start3A_78 = arith.constant 0 : i32
        %dma_start3A_79 = tpu.memref_slice %arg5[%add3A_72, %dma_start3A_78] : memref<10240x16xf32, #tpu.memory_space<vmem_shared>> -> memref<128x16xf32, #tpu.memory_space<vmem_shared>>
        tpu.enqueue_dma source(%dma_start3A_79 : memref<128x16xf32, #tpu.memory_space<vmem_shared>>) target(%arg7 : memref<128x16xf32, #tpu.memory_space<vmem>>) target_semaphore(%run_scoped3A : memref<!tpu.dma_semaphore, #tpu.memory_space<semaphore_mem>>)
        %dma_wait3A = arith.constant 0 : i32
        %dma_wait3A_80 = tpu.memref_slice %arg5[%add3A_72, %dma_wait3A] : memref<10240x16xf32, #tpu.memory_space<vmem_shared>> -> memref<128x16xf32, #tpu.memory_space<vmem_shared>>
        %dma_wait3A_81 = arith.constant 0 : i32
        %dma_wait3A_82 = tpu.memref_slice %arg5[%add3A_72, %dma_wait3A_81] : memref<10240x16xf32, #tpu.memory_space<vmem_shared>> -> memref<128x16xf32, #tpu.memory_space<vmem_shared>>
        tpu.wait_dma2 semaphore(%run_scoped3A : memref<!tpu.dma_semaphore, #tpu.memory_space<semaphore_mem>>) src(%dma_wait3A_82 : memref<128x16xf32, #tpu.memory_space<vmem_shared>>) dst(%arg7 : memref<128x16xf32, #tpu.memory_space<vmem>>)
        tpu.yield
      }) : () -> ()
      "tpu.region"() ({
        %run_scoped3A = tpu.sem_alloc : memref<!tpu.dma_semaphore, #tpu.memory_space<semaphore_mem>>
        %dma_start3A = arith.constant 0 : i32
        %dma_start3A_77 = tpu.memref_slice %arg4[%add3A_72, %dma_start3A] : memref<10240x16xf32, #tpu.memory_space<hbm>> -> memref<128x16xf32, #tpu.memory_space<hbm>>
        %dma_start3A_78 = arith.constant 0 : i32
        %dma_start3A_79 = tpu.memref_slice %arg4[%add3A_72, %dma_start3A_78] : memref<10240x16xf32, #tpu.memory_space<hbm>> -> memref<128x16xf32, #tpu.memory_space<hbm>>
        tpu.enqueue_dma source(%arg7 : memref<128x16xf32, #tpu.memory_space<vmem>>) target(%dma_start3A_79 : memref<128x16xf32, #tpu.memory_space<hbm>>) target_semaphore(%run_scoped3A : memref<!tpu.dma_semaphore, #tpu.memory_space<semaphore_mem>>)
        %dma_wait3A = arith.constant 0 : i32
        %dma_wait3A_80 = tpu.memref_slice %arg4[%add3A_72, %dma_wait3A] : memref<10240x16xf32, #tpu.memory_space<hbm>> -> memref<128x16xf32, #tpu.memory_space<hbm>>
        %dma_wait3A_81 = arith.constant 0 : i32
        %dma_wait3A_82 = tpu.memref_slice %arg4[%add3A_72, %dma_wait3A_81] : memref<10240x16xf32, #tpu.memory_space<hbm>> -> memref<128x16xf32, #tpu.memory_space<hbm>>
        tpu.wait_dma2 semaphore(%run_scoped3A : memref<!tpu.dma_semaphore, #tpu.memory_space<semaphore_mem>>) src(%arg7 : memref<128x16xf32, #tpu.memory_space<vmem>>) dst(%dma_wait3A_82 : memref<128x16xf32, #tpu.memory_space<hbm>>)
        tpu.yield
      }) : () -> ()
      %mul3A_73 = arith.constant 640 : i32
      %mul3A_74 = arith.muli %arg1, %mul3A_73 : i32
      %add3A_75 = arith.constant 512 : i32
      %add3A_76 = arith.addi %mul3A_74, %add3A_75 : i32
      "tpu.region"() ({
        %run_scoped3A = tpu.sem_alloc : memref<!tpu.dma_semaphore, #tpu.memory_space<semaphore_mem>>
        %dma_start3A = arith.constant 0 : i32
        %dma_start3A_77 = tpu.memref_slice %arg5[%add3A_76, %dma_start3A] : memref<10240x16xf32, #tpu.memory_space<vmem_shared>> -> memref<128x16xf32, #tpu.memory_space<vmem_shared>>
        %dma_start3A_78 = arith.constant 0 : i32
        %dma_start3A_79 = tpu.memref_slice %arg5[%add3A_76, %dma_start3A_78] : memref<10240x16xf32, #tpu.memory_space<vmem_shared>> -> memref<128x16xf32, #tpu.memory_space<vmem_shared>>
        tpu.enqueue_dma source(%dma_start3A_79 : memref<128x16xf32, #tpu.memory_space<vmem_shared>>) target(%arg7 : memref<128x16xf32, #tpu.memory_space<vmem>>) target_semaphore(%run_scoped3A : memref<!tpu.dma_semaphore, #tpu.memory_space<semaphore_mem>>)
        %dma_wait3A = arith.constant 0 : i32
        %dma_wait3A_80 = tpu.memref_slice %arg5[%add3A_76, %dma_wait3A] : memref<10240x16xf32, #tpu.memory_space<vmem_shared>> -> memref<128x16xf32, #tpu.memory_space<vmem_shared>>
        %dma_wait3A_81 = arith.constant 0 : i32
        %dma_wait3A_82 = tpu.memref_slice %arg5[%add3A_76, %dma_wait3A_81] : memref<10240x16xf32, #tpu.memory_space<vmem_shared>> -> memref<128x16xf32, #tpu.memory_space<vmem_shared>>
        tpu.wait_dma2 semaphore(%run_scoped3A : memref<!tpu.dma_semaphore, #tpu.memory_space<semaphore_mem>>) src(%dma_wait3A_82 : memref<128x16xf32, #tpu.memory_space<vmem_shared>>) dst(%arg7 : memref<128x16xf32, #tpu.memory_space<vmem>>)
        tpu.yield
      }) : () -> ()
      "tpu.region"() ({
        %run_scoped3A = tpu.sem_alloc : memref<!tpu.dma_semaphore, #tpu.memory_space<semaphore_mem>>
        %dma_start3A = arith.constant 0 : i32
        %dma_start3A_77 = tpu.memref_slice %arg4[%add3A_76, %dma_start3A] : memref<10240x16xf32, #tpu.memory_space<hbm>> -> memref<128x16xf32, #tpu.memory_space<hbm>>
        %dma_start3A_78 = arith.constant 0 : i32
        %dma_start3A_79 = tpu.memref_slice %arg4[%add3A_76, %dma_start3A_78] : memref<10240x16xf32, #tpu.memory_space<hbm>> -> memref<128x16xf32, #tpu.memory_space<hbm>>
        tpu.enqueue_dma source(%arg7 : memref<128x16xf32, #tpu.memory_space<vmem>>) target(%dma_start3A_79 : memref<128x16xf32, #tpu.memory_space<hbm>>) target_semaphore(%run_scoped3A : memref<!tpu.dma_semaphore, #tpu.memory_space<semaphore_mem>>)
        %dma_wait3A = arith.constant 0 : i32
        %dma_wait3A_80 = tpu.memref_slice %arg4[%add3A_76, %dma_wait3A] : memref<10240x16xf32, #tpu.memory_space<hbm>> -> memref<128x16xf32, #tpu.memory_space<hbm>>
        %dma_wait3A_81 = arith.constant 0 : i32
        %dma_wait3A_82 = tpu.memref_slice %arg4[%add3A_76, %dma_wait3A_81] : memref<10240x16xf32, #tpu.memory_space<hbm>> -> memref<128x16xf32, #tpu.memory_space<hbm>>
        tpu.wait_dma2 semaphore(%run_scoped3A : memref<!tpu.dma_semaphore, #tpu.memory_space<semaphore_mem>>) src(%arg7 : memref<128x16xf32, #tpu.memory_space<vmem>>) dst(%dma_wait3A_82 : memref<128x16xf32, #tpu.memory_space<hbm>>)
        tpu.yield
      }) : () -> ()
    } else {
    }
    return
  }
}

#map = affine_map<(d0, d1) -> (0, 0)>
#map1 = affine_map<(d0, d1) -> (0, 0, 0, 0)>
module attributes {stable_mosaic.version = 14 : i64} {
  func.func @_agg_body(%arg0: i32, %arg1: i32, %arg2: memref<10240x128xf32, #tpu.memory_space<hbm>>, %arg3: memref<10240x128xf32, #tpu.memory_space<hbm>>, %arg4: memref<16x157x1x128xi32, #tpu.memory_space<hbm>>, %arg5: memref<16x157x1x128xi32, #tpu.memory_space<hbm>>, %arg6: memref<10240x128xf32, #tpu.memory_space<hbm>>, %arg7: memref<10240x128xf32, #tpu.memory_space<hbm>>, %arg8: memref<10240x128xf32, #tpu.memory_space<vmem_shared>>, %arg9: memref<2x1x128xi32, #tpu.memory_space<vmem>>, %arg10: memref<2x1x128xi32, #tpu.memory_space<vmem>>, %arg11: memref<2x128x128xf32, #tpu.memory_space<vmem>>, %arg12: memref<!tpu.dma_semaphore, #tpu.memory_space<semaphore_mem>>, %arg13: memref<!tpu.dma_semaphore, #tpu.memory_space<semaphore_mem>>) attributes {dimension_semantics = [#tpu.dimension_semantics<core_parallel>, #tpu.dimension_semantics<subcore_parallel>], iteration_bounds = array<i64: 2, 16>, scalar_prefetch = 0 : i64, scratch_operands = 6 : i64, tpu.core_type = #tpu.core_type<sc_vector_subcore>, window_params = [{transform_indices = #map}, {transform_indices = #map}, {transform_indices = #map1}, {transform_indices = #map1}, {transform_indices = #map}, {transform_indices = #map}]} {
    %scan3A = arith.constant 0 : i32
    %scan3A_0 = arith.constant 0 : i32
    %scan3A_1 = arith.constant 128 : i32
    %scan3A_2 = arith.addi %scan3A_0, %scan3A_1 : i32
    %scan3A_3 = arith.constant 1 : i32
    %scan3A_4 = scf.for %scan3A_35 = %scan3A_0 to %scan3A_2 step %scan3A_3 iter_args(%scan3A_36 = %scan3A) -> (i32)  : i32 {
      %broadcast_in_dim3A = arith.constant 0.000000e+00 : f32
      %broadcast_in_dim3A_37 = vector.broadcast %broadcast_in_dim3A : f32 to vector<16xf32>
      %swap3A = arith.constant 0 : i32
      %swap3A_38 = arith.index_cast %swap3A : i32 to index
      %swap3A_39 = arith.index_cast %scan3A_35 : i32 to index
      %swap3A_40 = arith.constant 0 : index
      %swap3A_41 = tpu.vector_load %arg11[%swap3A_38, %swap3A_39, %swap3A_40] {strides = array<i32>} : memref<2x128x128xf32, #tpu.memory_space<vmem>>, vector<1x1x16xf32>,
      %swap3A_42 = vector.shape_cast %swap3A_41 : vector<1x1x16xf32> to vector<16xf32>
      %swap3A_43 = vector.shape_cast %broadcast_in_dim3A_37 : vector<16xf32> to vector<1x1x16xf32>
      tpu.vector_store %arg11[%swap3A_38, %swap3A_39, %swap3A_40], %swap3A_43 {strides = array<i32>} : memref<2x128x128xf32, #tpu.memory_space<vmem>>, vector<1x1x16xf32>,
      %broadcast_in_dim3A_44 = arith.constant 0.000000e+00 : f32
      %broadcast_in_dim3A_45 = vector.broadcast %broadcast_in_dim3A_44 : f32 to vector<16xf32>
      %swap3A_46 = arith.constant 0 : i32
      %swap3A_47 = arith.index_cast %swap3A_46 : i32 to index
      %swap3A_48 = arith.index_cast %scan3A_35 : i32 to index
      %swap3A_49 = arith.constant 16 : index
      %swap3A_50 = tpu.vector_load %arg11[%swap3A_47, %swap3A_48, %swap3A_49] {strides = array<i32>} : memref<2x128x128xf32, #tpu.memory_space<vmem>>, vector<1x1x16xf32>,
      %swap3A_51 = vector.shape_cast %swap3A_50 : vector<1x1x16xf32> to vector<16xf32>
      %swap3A_52 = vector.shape_cast %broadcast_in_dim3A_45 : vector<16xf32> to vector<1x1x16xf32>
      tpu.vector_store %arg11[%swap3A_47, %swap3A_48, %swap3A_49], %swap3A_52 {strides = array<i32>} : memref<2x128x128xf32, #tpu.memory_space<vmem>>, vector<1x1x16xf32>,
      %broadcast_in_dim3A_53 = arith.constant 0.000000e+00 : f32
      %broadcast_in_dim3A_54 = vector.broadcast %broadcast_in_dim3A_53 : f32 to vector<16xf32>
      %swap3A_55 = arith.constant 0 : i32
      %swap3A_56 = arith.index_cast %swap3A_55 : i32 to index
      %swap3A_57 = arith.index_cast %scan3A_35 : i32 to index
      %swap3A_58 = arith.constant 32 : index
      %swap3A_59 = tpu.vector_load %arg11[%swap3A_56, %swap3A_57, %swap3A_58] {strides = array<i32>} : memref<2x128x128xf32, #tpu.memory_space<vmem>>, vector<1x1x16xf32>,
      %swap3A_60 = vector.shape_cast %swap3A_59 : vector<1x1x16xf32> to vector<16xf32>
      %swap3A_61 = vector.shape_cast %broadcast_in_dim3A_54 : vector<16xf32> to vector<1x1x16xf32>
      tpu.vector_store %arg11[%swap3A_56, %swap3A_57, %swap3A_58], %swap3A_61 {strides = array<i32>} : memref<2x128x128xf32, #tpu.memory_space<vmem>>, vector<1x1x16xf32>,
      %broadcast_in_dim3A_62 = arith.constant 0.000000e+00 : f32
      %broadcast_in_dim3A_63 = vector.broadcast %broadcast_in_dim3A_62 : f32 to vector<16xf32>
      %swap3A_64 = arith.constant 0 : i32
      %swap3A_65 = arith.index_cast %swap3A_64 : i32 to index
      %swap3A_66 = arith.index_cast %scan3A_35 : i32 to index
      %swap3A_67 = arith.constant 48 : index
      %swap3A_68 = tpu.vector_load %arg11[%swap3A_65, %swap3A_66, %swap3A_67] {strides = array<i32>} : memref<2x128x128xf32, #tpu.memory_space<vmem>>, vector<1x1x16xf32>,
      %swap3A_69 = vector.shape_cast %swap3A_68 : vector<1x1x16xf32> to vector<16xf32>
      %swap3A_70 = vector.shape_cast %broadcast_in_dim3A_63 : vector<16xf32> to vector<1x1x16xf32>
      tpu.vector_store %arg11[%swap3A_65, %swap3A_66, %swap3A_67], %swap3A_70 {strides = array<i32>} : memref<2x128x128xf32, #tpu.memory_space<vmem>>, vector<1x1x16xf32>,
      %broadcast_in_dim3A_71 = arith.constant 0.000000e+00 : f32
      %broadcast_in_dim3A_72 = vector.broadcast %broadcast_in_dim3A_71 : f32 to vector<16xf32>
      %swap3A_73 = arith.constant 0 : i32
      %swap3A_74 = arith.index_cast %swap3A_73 : i32 to index
      %swap3A_75 = arith.index_cast %scan3A_35 : i32 to index
      %swap3A_76 = arith.constant 64 : index
      %swap3A_77 = tpu.vector_load %arg11[%swap3A_74, %swap3A_75, %swap3A_76] {strides = array<i32>} : memref<2x128x128xf32, #tpu.memory_space<vmem>>, vector<1x1x16xf32>,
      %swap3A_78 = vector.shape_cast %swap3A_77 : vector<1x1x16xf32> to vector<16xf32>
      %swap3A_79 = vector.shape_cast %broadcast_in_dim3A_72 : vector<16xf32> to vector<1x1x16xf32>
      tpu.vector_store %arg11[%swap3A_74, %swap3A_75, %swap3A_76], %swap3A_79 {strides = array<i32>} : memref<2x128x128xf32, #tpu.memory_space<vmem>>, vector<1x1x16xf32>,
      %broadcast_in_dim3A_80 = arith.constant 0.000000e+00 : f32
      %broadcast_in_dim3A_81 = vector.broadcast %broadcast_in_dim3A_80 : f32 to vector<16xf32>
      %swap3A_82 = arith.constant 0 : i32
      %swap3A_83 = arith.index_cast %swap3A_82 : i32 to index
      %swap3A_84 = arith.index_cast %scan3A_35 : i32 to index
      %swap3A_85 = arith.constant 80 : index
      %swap3A_86 = tpu.vector_load %arg11[%swap3A_83, %swap3A_84, %swap3A_85] {strides = array<i32>} : memref<2x128x128xf32, #tpu.memory_space<vmem>>, vector<1x1x16xf32>,
      %swap3A_87 = vector.shape_cast %swap3A_86 : vector<1x1x16xf32> to vector<16xf32>
      %swap3A_88 = vector.shape_cast %broadcast_in_dim3A_81 : vector<16xf32> to vector<1x1x16xf32>
      tpu.vector_store %arg11[%swap3A_83, %swap3A_84, %swap3A_85], %swap3A_88 {strides = array<i32>} : memref<2x128x128xf32, #tpu.memory_space<vmem>>, vector<1x1x16xf32>,
      %broadcast_in_dim3A_89 = arith.constant 0.000000e+00 : f32
      %broadcast_in_dim3A_90 = vector.broadcast %broadcast_in_dim3A_89 : f32 to vector<16xf32>
      %swap3A_91 = arith.constant 0 : i32
      %swap3A_92 = arith.index_cast %swap3A_91 : i32 to index
      %swap3A_93 = arith.index_cast %scan3A_35 : i32 to index
      %swap3A_94 = arith.constant 96 : index
      %swap3A_95 = tpu.vector_load %arg11[%swap3A_92, %swap3A_93, %swap3A_94] {strides = array<i32>} : memref<2x128x128xf32, #tpu.memory_space<vmem>>, vector<1x1x16xf32>,
      %swap3A_96 = vector.shape_cast %swap3A_95 : vector<1x1x16xf32> to vector<16xf32>
      %swap3A_97 = vector.shape_cast %broadcast_in_dim3A_90 : vector<16xf32> to vector<1x1x16xf32>
      tpu.vector_store %arg11[%swap3A_92, %swap3A_93, %swap3A_94], %swap3A_97 {strides = array<i32>} : memref<2x128x128xf32, #tpu.memory_space<vmem>>, vector<1x1x16xf32>,
      %broadcast_in_dim3A_98 = arith.constant 0.000000e+00 : f32
      %broadcast_in_dim3A_99 = vector.broadcast %broadcast_in_dim3A_98 : f32 to vector<16xf32>
      %swap3A_100 = arith.constant 0 : i32
      %swap3A_101 = arith.index_cast %swap3A_100 : i32 to index
      %swap3A_102 = arith.index_cast %scan3A_35 : i32 to index
      %swap3A_103 = arith.constant 112 : index
      %swap3A_104 = tpu.vector_load %arg11[%swap3A_101, %swap3A_102, %swap3A_103] {strides = array<i32>} : memref<2x128x128xf32, #tpu.memory_space<vmem>>, vector<1x1x16xf32>,
      %swap3A_105 = vector.shape_cast %swap3A_104 : vector<1x1x16xf32> to vector<16xf32>
      %swap3A_106 = vector.shape_cast %broadcast_in_dim3A_99 : vector<16xf32> to vector<1x1x16xf32>
      tpu.vector_store %arg11[%swap3A_101, %swap3A_102, %swap3A_103], %swap3A_106 {strides = array<i32>} : memref<2x128x128xf32, #tpu.memory_space<vmem>>, vector<1x1x16xf32>,
      %scan3A_107 = arith.constant 0 : i32
      scf.yield %scan3A_107 : i32
    }
    %scan3A_5 = arith.constant 128 : i32
    %mul3A = arith.constant 640 : i32
    %mul3A_6 = arith.muli %arg1, %mul3A : i32
    %add3A = arith.constant 0 : i32
    %add3A_7 = arith.addi %mul3A_6, %add3A : i32
    %run_scoped3A = arith.constant 0 : i32
    "tpu.region"() ({
      %run_scoped3A_35 = tpu.sem_alloc : memref<!tpu.dma_semaphore, #tpu.memory_space<semaphore_mem>>
      %dma_start3A = arith.constant 0 : i32
      %dma_start3A_36 = arith.constant 0 : i32
      %dma_start3A_37 = tpu.memref_slice %arg11[%run_scoped3A, %dma_start3A, %dma_start3A_36] : memref<2x128x128xf32, #tpu.memory_space<vmem>> -> memref<1x128x128xf32, #tpu.memory_space<vmem>>
      %dma_start3A_38 = tpu.memref_squeeze %dma_start3A_37 : memref<1x128x128xf32, #tpu.memory_space<vmem>> -> memref<128x128xf32, #tpu.memory_space<vmem>>
      %dma_start3A_39 = arith.constant 0 : i32
      %dma_start3A_40 = tpu.memref_slice %arg8[%add3A_7, %dma_start3A_39] : memref<10240x128xf32, #tpu.memory_space<vmem_shared>> -> memref<128x128xf32, #tpu.memory_space<vmem_shared>>
      %dma_start3A_41 = arith.constant 0 : i32
      %dma_start3A_42 = tpu.memref_slice %arg8[%add3A_7, %dma_start3A_41] : memref<10240x128xf32, #tpu.memory_space<vmem_shared>> -> memref<128x128xf32, #tpu.memory_space<vmem_shared>>
      %dma_start3A_43 = arith.constant 0 : i32
      %dma_start3A_44 = arith.constant 0 : i32
      %dma_start3A_45 = tpu.memref_slice %arg11[%run_scoped3A, %dma_start3A_43, %dma_start3A_44] : memref<2x128x128xf32, #tpu.memory_space<vmem>> -> memref<1x128x128xf32, #tpu.memory_space<vmem>>
      %dma_start3A_46 = tpu.memref_squeeze %dma_start3A_45 : memref<1x128x128xf32, #tpu.memory_space<vmem>> -> memref<128x128xf32, #tpu.memory_space<vmem>>
      tpu.enqueue_dma source(%dma_start3A_46 : memref<128x128xf32, #tpu.memory_space<vmem>>) target(%dma_start3A_42 : memref<128x128xf32, #tpu.memory_space<vmem_shared>>) target_semaphore(%run_scoped3A_35 : memref<!tpu.dma_semaphore, #tpu.memory_space<semaphore_mem>>)
      %dma_wait3A = arith.constant 0 : i32
      %dma_wait3A_47 = arith.constant 0 : i32
      %dma_wait3A_48 = tpu.memref_slice %arg11[%run_scoped3A, %dma_wait3A, %dma_wait3A_47] : memref<2x128x128xf32, #tpu.memory_space<vmem>> -> memref<1x128x128xf32, #tpu.memory_space<vmem>>
      %dma_wait3A_49 = tpu.memref_squeeze %dma_wait3A_48 : memref<1x128x128xf32, #tpu.memory_space<vmem>> -> memref<128x128xf32, #tpu.memory_space<vmem>>
      %dma_wait3A_50 = arith.constant 0 : i32
      %dma_wait3A_51 = tpu.memref_slice %arg8[%add3A_7, %dma_wait3A_50] : memref<10240x128xf32, #tpu.memory_space<vmem_shared>> -> memref<128x128xf32, #tpu.memory_space<vmem_shared>>
      %dma_wait3A_52 = arith.constant 0 : i32
      %dma_wait3A_53 = tpu.memref_slice %arg8[%add3A_7, %dma_wait3A_52] : memref<10240x128xf32, #tpu.memory_space<vmem_shared>> -> memref<128x128xf32, #tpu.memory_space<vmem_shared>>
      %dma_wait3A_54 = arith.constant 0 : i32
      %dma_wait3A_55 = arith.constant 0 : i32
      %dma_wait3A_56 = tpu.memref_slice %arg11[%run_scoped3A, %dma_wait3A_54, %dma_wait3A_55] : memref<2x128x128xf32, #tpu.memory_space<vmem>> -> memref<1x128x128xf32, #tpu.memory_space<vmem>>
      %dma_wait3A_57 = tpu.memref_squeeze %dma_wait3A_56 : memref<1x128x128xf32, #tpu.memory_space<vmem>> -> memref<128x128xf32, #tpu.memory_space<vmem>>
      tpu.wait_dma2 semaphore(%run_scoped3A_35 : memref<!tpu.dma_semaphore, #tpu.memory_space<semaphore_mem>>) src(%dma_wait3A_57 : memref<128x128xf32, #tpu.memory_space<vmem>>) dst(%dma_wait3A_53 : memref<128x128xf32, #tpu.memory_space<vmem_shared>>)
      tpu.yield
    }) : () -> ()
    %mul3A_8 = arith.constant 640 : i32
    %mul3A_9 = arith.muli %arg1, %mul3A_8 : i32
    %add3A_10 = arith.constant 128 : i32
    %add3A_11 = arith.addi %mul3A_9, %add3A_10 : i32
    %run_scoped3A_12 = arith.constant 0 : i32
    "tpu.region"() ({
      %run_scoped3A_35 = tpu.sem_alloc : memref<!tpu.dma_semaphore, #tpu.memory_space<semaphore_mem>>
      %dma_start3A = arith.constant 0 : i32
      %dma_start3A_36 = arith.constant 0 : i32
      %dma_start3A_37 = tpu.memref_slice %arg11[%run_scoped3A_12, %dma_start3A, %dma_start3A_36] : memref<2x128x128xf32, #tpu.memory_space<vmem>> -> memref<1x128x128xf32, #tpu.memory_space<vmem>>
      %dma_start3A_38 = tpu.memref_squeeze %dma_start3A_37 : memref<1x128x128xf32, #tpu.memory_space<vmem>> -> memref<128x128xf32, #tpu.memory_space<vmem>>
      %dma_start3A_39 = arith.constant 0 : i32
      %dma_start3A_40 = tpu.memref_slice %arg8[%add3A_11, %dma_start3A_39] : memref<10240x128xf32, #tpu.memory_space<vmem_shared>> -> memref<128x128xf32, #tpu.memory_space<vmem_shared>>
      %dma_start3A_41 = arith.constant 0 : i32
      %dma_start3A_42 = tpu.memref_slice %arg8[%add3A_11, %dma_start3A_41] : memref<10240x128xf32, #tpu.memory_space<vmem_shared>> -> memref<128x128xf32, #tpu.memory_space<vmem_shared>>
      %dma_start3A_43 = arith.constant 0 : i32
      %dma_start3A_44 = arith.constant 0 : i32
      %dma_start3A_45 = tpu.memref_slice %arg11[%run_scoped3A_12, %dma_start3A_43, %dma_start3A_44] : memref<2x128x128xf32, #tpu.memory_space<vmem>> -> memref<1x128x128xf32, #tpu.memory_space<vmem>>
      %dma_start3A_46 = tpu.memref_squeeze %dma_start3A_45 : memref<1x128x128xf32, #tpu.memory_space<vmem>> -> memref<128x128xf32, #tpu.memory_space<vmem>>
      tpu.enqueue_dma source(%dma_start3A_46 : memref<128x128xf32, #tpu.memory_space<vmem>>) target(%dma_start3A_42 : memref<128x128xf32, #tpu.memory_space<vmem_shared>>) target_semaphore(%run_scoped3A_35 : memref<!tpu.dma_semaphore, #tpu.memory_space<semaphore_mem>>)
      %dma_wait3A = arith.constant 0 : i32
      %dma_wait3A_47 = arith.constant 0 : i32
      %dma_wait3A_48 = tpu.memref_slice %arg11[%run_scoped3A_12, %dma_wait3A, %dma_wait3A_47] : memref<2x128x128xf32, #tpu.memory_space<vmem>> -> memref<1x128x128xf32, #tpu.memory_space<vmem>>
      %dma_wait3A_49 = tpu.memref_squeeze %dma_wait3A_48 : memref<1x128x128xf32, #tpu.memory_space<vmem>> -> memref<128x128xf32, #tpu.memory_space<vmem>>
      %dma_wait3A_50 = arith.constant 0 : i32
      %dma_wait3A_51 = tpu.memref_slice %arg8[%add3A_11, %dma_wait3A_50] : memref<10240x128xf32, #tpu.memory_space<vmem_shared>> -> memref<128x128xf32, #tpu.memory_space<vmem_shared>>
      %dma_wait3A_52 = arith.constant 0 : i32
      %dma_wait3A_53 = tpu.memref_slice %arg8[%add3A_11, %dma_wait3A_52] : memref<10240x128xf32, #tpu.memory_space<vmem_shared>> -> memref<128x128xf32, #tpu.memory_space<vmem_shared>>
      %dma_wait3A_54 = arith.constant 0 : i32
      %dma_wait3A_55 = arith.constant 0 : i32
      %dma_wait3A_56 = tpu.memref_slice %arg11[%run_scoped3A_12, %dma_wait3A_54, %dma_wait3A_55] : memref<2x128x128xf32, #tpu.memory_space<vmem>> -> memref<1x128x128xf32, #tpu.memory_space<vmem>>
      %dma_wait3A_57 = tpu.memref_squeeze %dma_wait3A_56 : memref<1x128x128xf32, #tpu.memory_space<vmem>> -> memref<128x128xf32, #tpu.memory_space<vmem>>
      tpu.wait_dma2 semaphore(%run_scoped3A_35 : memref<!tpu.dma_semaphore, #tpu.memory_space<semaphore_mem>>) src(%dma_wait3A_57 : memref<128x128xf32, #tpu.memory_space<vmem>>) dst(%dma_wait3A_53 : memref<128x128xf32, #tpu.memory_space<vmem_shared>>)
      tpu.yield
    }) : () -> ()
    %mul3A_13 = arith.constant 640 : i32
    %mul3A_14 = arith.muli %arg1, %mul3A_13 : i32
    %add3A_15 = arith.constant 256 : i32
    %add3A_16 = arith.addi %mul3A_14, %add3A_15 : i32
    %run_scoped3A_17 = arith.constant 0 : i32
    "tpu.region"() ({
      %run_scoped3A_35 = tpu.sem_alloc : memref<!tpu.dma_semaphore, #tpu.memory_space<semaphore_mem>>
      %dma_start3A = arith.constant 0 : i32
      %dma_start3A_36 = arith.constant 0 : i32
      %dma_start3A_37 = tpu.memref_slice %arg11[%run_scoped3A_17, %dma_start3A, %dma_start3A_36] : memref<2x128x128xf32, #tpu.memory_space<vmem>> -> memref<1x128x128xf32, #tpu.memory_space<vmem>>
      %dma_start3A_38 = tpu.memref_squeeze %dma_start3A_37 : memref<1x128x128xf32, #tpu.memory_space<vmem>> -> memref<128x128xf32, #tpu.memory_space<vmem>>
      %dma_start3A_39 = arith.constant 0 : i32
      %dma_start3A_40 = tpu.memref_slice %arg8[%add3A_16, %dma_start3A_39] : memref<10240x128xf32, #tpu.memory_space<vmem_shared>> -> memref<128x128xf32, #tpu.memory_space<vmem_shared>>
      %dma_start3A_41 = arith.constant 0 : i32
      %dma_start3A_42 = tpu.memref_slice %arg8[%add3A_16, %dma_start3A_41] : memref<10240x128xf32, #tpu.memory_space<vmem_shared>> -> memref<128x128xf32, #tpu.memory_space<vmem_shared>>
      %dma_start3A_43 = arith.constant 0 : i32
      %dma_start3A_44 = arith.constant 0 : i32
      %dma_start3A_45 = tpu.memref_slice %arg11[%run_scoped3A_17, %dma_start3A_43, %dma_start3A_44] : memref<2x128x128xf32, #tpu.memory_space<vmem>> -> memref<1x128x128xf32, #tpu.memory_space<vmem>>
      %dma_start3A_46 = tpu.memref_squeeze %dma_start3A_45 : memref<1x128x128xf32, #tpu.memory_space<vmem>> -> memref<128x128xf32, #tpu.memory_space<vmem>>
      tpu.enqueue_dma source(%dma_start3A_46 : memref<128x128xf32, #tpu.memory_space<vmem>>) target(%dma_start3A_42 : memref<128x128xf32, #tpu.memory_space<vmem_shared>>) target_semaphore(%run_scoped3A_35 : memref<!tpu.dma_semaphore, #tpu.memory_space<semaphore_mem>>)
      %dma_wait3A = arith.constant 0 : i32
      %dma_wait3A_47 = arith.constant 0 : i32
      %dma_wait3A_48 = tpu.memref_slice %arg11[%run_scoped3A_17, %dma_wait3A, %dma_wait3A_47] : memref<2x128x128xf32, #tpu.memory_space<vmem>> -> memref<1x128x128xf32, #tpu.memory_space<vmem>>
      %dma_wait3A_49 = tpu.memref_squeeze %dma_wait3A_48 : memref<1x128x128xf32, #tpu.memory_space<vmem>> -> memref<128x128xf32, #tpu.memory_space<vmem>>
      %dma_wait3A_50 = arith.constant 0 : i32
      %dma_wait3A_51 = tpu.memref_slice %arg8[%add3A_16, %dma_wait3A_50] : memref<10240x128xf32, #tpu.memory_space<vmem_shared>> -> memref<128x128xf32, #tpu.memory_space<vmem_shared>>
      %dma_wait3A_52 = arith.constant 0 : i32
      %dma_wait3A_53 = tpu.memref_slice %arg8[%add3A_16, %dma_wait3A_52] : memref<10240x128xf32, #tpu.memory_space<vmem_shared>> -> memref<128x128xf32, #tpu.memory_space<vmem_shared>>
      %dma_wait3A_54 = arith.constant 0 : i32
      %dma_wait3A_55 = arith.constant 0 : i32
      %dma_wait3A_56 = tpu.memref_slice %arg11[%run_scoped3A_17, %dma_wait3A_54, %dma_wait3A_55] : memref<2x128x128xf32, #tpu.memory_space<vmem>> -> memref<1x128x128xf32, #tpu.memory_space<vmem>>
      %dma_wait3A_57 = tpu.memref_squeeze %dma_wait3A_56 : memref<1x128x128xf32, #tpu.memory_space<vmem>> -> memref<128x128xf32, #tpu.memory_space<vmem>>
      tpu.wait_dma2 semaphore(%run_scoped3A_35 : memref<!tpu.dma_semaphore, #tpu.memory_space<semaphore_mem>>) src(%dma_wait3A_57 : memref<128x128xf32, #tpu.memory_space<vmem>>) dst(%dma_wait3A_53 : memref<128x128xf32, #tpu.memory_space<vmem_shared>>)
      tpu.yield
    }) : () -> ()
    %mul3A_18 = arith.constant 640 : i32
    %mul3A_19 = arith.muli %arg1, %mul3A_18 : i32
    %add3A_20 = arith.constant 384 : i32
    %add3A_21 = arith.addi %mul3A_19, %add3A_20 : i32
    %run_scoped3A_22 = arith.constant 0 : i32
    "tpu.region"() ({
      %run_scoped3A_35 = tpu.sem_alloc : memref<!tpu.dma_semaphore, #tpu.memory_space<semaphore_mem>>
      %dma_start3A = arith.constant 0 : i32
      %dma_start3A_36 = arith.constant 0 : i32
      %dma_start3A_37 = tpu.memref_slice %arg11[%run_scoped3A_22, %dma_start3A, %dma_start3A_36] : memref<2x128x128xf32, #tpu.memory_space<vmem>> -> memref<1x128x128xf32, #tpu.memory_space<vmem>>
      %dma_start3A_38 = tpu.memref_squeeze %dma_start3A_37 : memref<1x128x128xf32, #tpu.memory_space<vmem>> -> memref<128x128xf32, #tpu.memory_space<vmem>>
      %dma_start3A_39 = arith.constant 0 : i32
      %dma_start3A_40 = tpu.memref_slice %arg8[%add3A_21, %dma_start3A_39] : memref<10240x128xf32, #tpu.memory_space<vmem_shared>> -> memref<128x128xf32, #tpu.memory_space<vmem_shared>>
      %dma_start3A_41 = arith.constant 0 : i32
      %dma_start3A_42 = tpu.memref_slice %arg8[%add3A_21, %dma_start3A_41] : memref<10240x128xf32, #tpu.memory_space<vmem_shared>> -> memref<128x128xf32, #tpu.memory_space<vmem_shared>>
      %dma_start3A_43 = arith.constant 0 : i32
      %dma_start3A_44 = arith.constant 0 : i32
      %dma_start3A_45 = tpu.memref_slice %arg11[%run_scoped3A_22, %dma_start3A_43, %dma_start3A_44] : memref<2x128x128xf32, #tpu.memory_space<vmem>> -> memref<1x128x128xf32, #tpu.memory_space<vmem>>
      %dma_start3A_46 = tpu.memref_squeeze %dma_start3A_45 : memref<1x128x128xf32, #tpu.memory_space<vmem>> -> memref<128x128xf32, #tpu.memory_space<vmem>>
      tpu.enqueue_dma source(%dma_start3A_46 : memref<128x128xf32, #tpu.memory_space<vmem>>) target(%dma_start3A_42 : memref<128x128xf32, #tpu.memory_space<vmem_shared>>) target_semaphore(%run_scoped3A_35 : memref<!tpu.dma_semaphore, #tpu.memory_space<semaphore_mem>>)
      %dma_wait3A = arith.constant 0 : i32
      %dma_wait3A_47 = arith.constant 0 : i32
      %dma_wait3A_48 = tpu.memref_slice %arg11[%run_scoped3A_22, %dma_wait3A, %dma_wait3A_47] : memref<2x128x128xf32, #tpu.memory_space<vmem>> -> memref<1x128x128xf32, #tpu.memory_space<vmem>>
      %dma_wait3A_49 = tpu.memref_squeeze %dma_wait3A_48 : memref<1x128x128xf32, #tpu.memory_space<vmem>> -> memref<128x128xf32, #tpu.memory_space<vmem>>
      %dma_wait3A_50 = arith.constant 0 : i32
      %dma_wait3A_51 = tpu.memref_slice %arg8[%add3A_21, %dma_wait3A_50] : memref<10240x128xf32, #tpu.memory_space<vmem_shared>> -> memref<128x128xf32, #tpu.memory_space<vmem_shared>>
      %dma_wait3A_52 = arith.constant 0 : i32
      %dma_wait3A_53 = tpu.memref_slice %arg8[%add3A_21, %dma_wait3A_52] : memref<10240x128xf32, #tpu.memory_space<vmem_shared>> -> memref<128x128xf32, #tpu.memory_space<vmem_shared>>
      %dma_wait3A_54 = arith.constant 0 : i32
      %dma_wait3A_55 = arith.constant 0 : i32
      %dma_wait3A_56 = tpu.memref_slice %arg11[%run_scoped3A_22, %dma_wait3A_54, %dma_wait3A_55] : memref<2x128x128xf32, #tpu.memory_space<vmem>> -> memref<1x128x128xf32, #tpu.memory_space<vmem>>
      %dma_wait3A_57 = tpu.memref_squeeze %dma_wait3A_56 : memref<1x128x128xf32, #tpu.memory_space<vmem>> -> memref<128x128xf32, #tpu.memory_space<vmem>>
      tpu.wait_dma2 semaphore(%run_scoped3A_35 : memref<!tpu.dma_semaphore, #tpu.memory_space<semaphore_mem>>) src(%dma_wait3A_57 : memref<128x128xf32, #tpu.memory_space<vmem>>) dst(%dma_wait3A_53 : memref<128x128xf32, #tpu.memory_space<vmem_shared>>)
      tpu.yield
    }) : () -> ()
    %mul3A_23 = arith.constant 640 : i32
    %mul3A_24 = arith.muli %arg1, %mul3A_23 : i32
    %add3A_25 = arith.constant 512 : i32
    %add3A_26 = arith.addi %mul3A_24, %add3A_25 : i32
    %run_scoped3A_27 = arith.constant 0 : i32
    "tpu.region"() ({
      %run_scoped3A_35 = tpu.sem_alloc : memref<!tpu.dma_semaphore, #tpu.memory_space<semaphore_mem>>
      %dma_start3A = arith.constant 0 : i32
      %dma_start3A_36 = arith.constant 0 : i32
      %dma_start3A_37 = tpu.memref_slice %arg11[%run_scoped3A_27, %dma_start3A, %dma_start3A_36] : memref<2x128x128xf32, #tpu.memory_space<vmem>> -> memref<1x128x128xf32, #tpu.memory_space<vmem>>
      %dma_start3A_38 = tpu.memref_squeeze %dma_start3A_37 : memref<1x128x128xf32, #tpu.memory_space<vmem>> -> memref<128x128xf32, #tpu.memory_space<vmem>>
      %dma_start3A_39 = arith.constant 0 : i32
      %dma_start3A_40 = tpu.memref_slice %arg8[%add3A_26, %dma_start3A_39] : memref<10240x128xf32, #tpu.memory_space<vmem_shared>> -> memref<128x128xf32, #tpu.memory_space<vmem_shared>>
      %dma_start3A_41 = arith.constant 0 : i32
      %dma_start3A_42 = tpu.memref_slice %arg8[%add3A_26, %dma_start3A_41] : memref<10240x128xf32, #tpu.memory_space<vmem_shared>> -> memref<128x128xf32, #tpu.memory_space<vmem_shared>>
      %dma_start3A_43 = arith.constant 0 : i32
      %dma_start3A_44 = arith.constant 0 : i32
      %dma_start3A_45 = tpu.memref_slice %arg11[%run_scoped3A_27, %dma_start3A_43, %dma_start3A_44] : memref<2x128x128xf32, #tpu.memory_space<vmem>> -> memref<1x128x128xf32, #tpu.memory_space<vmem>>
      %dma_start3A_46 = tpu.memref_squeeze %dma_start3A_45 : memref<1x128x128xf32, #tpu.memory_space<vmem>> -> memref<128x128xf32, #tpu.memory_space<vmem>>
      tpu.enqueue_dma source(%dma_start3A_46 : memref<128x128xf32, #tpu.memory_space<vmem>>) target(%dma_start3A_42 : memref<128x128xf32, #tpu.memory_space<vmem_shared>>) target_semaphore(%run_scoped3A_35 : memref<!tpu.dma_semaphore, #tpu.memory_space<semaphore_mem>>)
      %dma_wait3A = arith.constant 0 : i32
      %dma_wait3A_47 = arith.constant 0 : i32
      %dma_wait3A_48 = tpu.memref_slice %arg11[%run_scoped3A_27, %dma_wait3A, %dma_wait3A_47] : memref<2x128x128xf32, #tpu.memory_space<vmem>> -> memref<1x128x128xf32, #tpu.memory_space<vmem>>
      %dma_wait3A_49 = tpu.memref_squeeze %dma_wait3A_48 : memref<1x128x128xf32, #tpu.memory_space<vmem>> -> memref<128x128xf32, #tpu.memory_space<vmem>>
      %dma_wait3A_50 = arith.constant 0 : i32
      %dma_wait3A_51 = tpu.memref_slice %arg8[%add3A_26, %dma_wait3A_50] : memref<10240x128xf32, #tpu.memory_space<vmem_shared>> -> memref<128x128xf32, #tpu.memory_space<vmem_shared>>
      %dma_wait3A_52 = arith.constant 0 : i32
      %dma_wait3A_53 = tpu.memref_slice %arg8[%add3A_26, %dma_wait3A_52] : memref<10240x128xf32, #tpu.memory_space<vmem_shared>> -> memref<128x128xf32, #tpu.memory_space<vmem_shared>>
      %dma_wait3A_54 = arith.constant 0 : i32
      %dma_wait3A_55 = arith.constant 0 : i32
      %dma_wait3A_56 = tpu.memref_slice %arg11[%run_scoped3A_27, %dma_wait3A_54, %dma_wait3A_55] : memref<2x128x128xf32, #tpu.memory_space<vmem>> -> memref<1x128x128xf32, #tpu.memory_space<vmem>>
      %dma_wait3A_57 = tpu.memref_squeeze %dma_wait3A_56 : memref<1x128x128xf32, #tpu.memory_space<vmem>> -> memref<128x128xf32, #tpu.memory_space<vmem>>
      tpu.wait_dma2 semaphore(%run_scoped3A_35 : memref<!tpu.dma_semaphore, #tpu.memory_space<semaphore_mem>>) src(%dma_wait3A_57 : memref<128x128xf32, #tpu.memory_space<vmem>>) dst(%dma_wait3A_53 : memref<128x128xf32, #tpu.memory_space<vmem_shared>>)
      tpu.yield
    }) : () -> ()
    %barrier3A = arith.constant 0 : index
    tpu.barrier barrier_id(%barrier3A)
    %eq3A = arith.constant 0 : i32
    %eq3A_28 = arith.cmpi eq, %arg0, %eq3A : i32
    %convert_element_type3A = arith.extui %eq3A_28 : i1 to i32
    %cond3A = arith.constant 0 : i32
    %cond3A_29 = arith.cmpi ne, %convert_element_type3A, %cond3A : i32
    scf.if %cond3A_29 {
      %run_scoped3A_35 = arith.constant 0 : i32
      %run_scoped3A_36 = arith.constant 0 : i32
      "tpu.region"() ({
        %run_scoped3A_224 = tpu.sem_alloc : memref<!tpu.dma_semaphore, #tpu.memory_space<semaphore_mem>>
        %dma_start3A_225 = arith.constant 0 : i32
        %dma_start3A_226 = arith.constant 0 : i32
        %dma_start3A_227 = tpu.memref_slice %arg9[%run_scoped3A_36, %dma_start3A_225, %dma_start3A_226] : memref<2x1x128xi32, #tpu.memory_space<vmem>> -> memref<1x1x128xi32, #tpu.memory_space<vmem>>
        %dma_start3A_228 = tpu.memref_squeeze %dma_start3A_227 : memref<1x1x128xi32, #tpu.memory_space<vmem>> -> memref<1x128xi32, #tpu.memory_space<vmem>>
        %dma_start3A_229 = arith.constant 0 : i32
        %dma_start3A_230 = arith.constant 0 : i32
        %dma_start3A_231 = tpu.memref_slice %arg4[%arg1, %run_scoped3A_35, %dma_start3A_229, %dma_start3A_230] : memref<16x157x1x128xi32, #tpu.memory_space<hbm>> -> memref<1x1x1x128xi32, #tpu.memory_space<hbm>>
        %dma_start3A_232 = tpu.memref_squeeze %dma_start3A_231 : memref<1x1x1x128xi32, #tpu.memory_space<hbm>> -> memref<1x128xi32, #tpu.memory_space<hbm>>
        %dma_start3A_233 = arith.constant 0 : i32
        %dma_start3A_234 = arith.constant 0 : i32
        %dma_start3A_235 = tpu.memref_slice %arg9[%run_scoped3A_36, %dma_start3A_233, %dma_start3A_234] : memref<2x1x128xi32, #tpu.memory_space<vmem>> -> memref<1x1x128xi32, #tpu.memory_space<vmem>>
        %dma_start3A_236 = tpu.memref_squeeze %dma_start3A_235 : memref<1x1x128xi32, #tpu.memory_space<vmem>> -> memref<1x128xi32, #tpu.memory_space<vmem>>
        %dma_start3A_237 = arith.constant 0 : i32
        %dma_start3A_238 = arith.constant 0 : i32
        %dma_start3A_239 = tpu.memref_slice %arg4[%arg1, %run_scoped3A_35, %dma_start3A_237, %dma_start3A_238] : memref<16x157x1x128xi32, #tpu.memory_space<hbm>> -> memref<1x1x1x128xi32, #tpu.memory_space<hbm>>
        %dma_start3A_240 = tpu.memref_squeeze %dma_start3A_239 : memref<1x1x1x128xi32, #tpu.memory_space<hbm>> -> memref<1x128xi32, #tpu.memory_space<hbm>>
        tpu.enqueue_dma source(%dma_start3A_240 : memref<1x128xi32, #tpu.memory_space<hbm>>) target(%dma_start3A_236 : memref<1x128xi32, #tpu.memory_space<vmem>>) target_semaphore(%run_scoped3A_224 : memref<!tpu.dma_semaphore, #tpu.memory_space<semaphore_mem>>)
        %dma_wait3A_241 = arith.constant 0 : i32
        %dma_wait3A_242 = arith.constant 0 : i32
        %dma_wait3A_243 = tpu.memref_slice %arg9[%run_scoped3A_36, %dma_wait3A_241, %dma_wait3A_242] : memref<2x1x128xi32, #tpu.memory_space<vmem>> -> memref<1x1x128xi32, #tpu.memory_space<vmem>>
        %dma_wait3A_244 = tpu.memref_squeeze %dma_wait3A_243 : memref<1x1x128xi32, #tpu.memory_space<vmem>> -> memref<1x128xi32, #tpu.memory_space<vmem>>
        %dma_wait3A_245 = arith.constant 0 : i32
        %dma_wait3A_246 = arith.constant 0 : i32
        %dma_wait3A_247 = tpu.memref_slice %arg4[%arg1, %run_scoped3A_35, %dma_wait3A_245, %dma_wait3A_246] : memref<16x157x1x128xi32, #tpu.memory_space<hbm>> -> memref<1x1x1x128xi32, #tpu.memory_space<hbm>>
        %dma_wait3A_248 = tpu.memref_squeeze %dma_wait3A_247 : memref<1x1x1x128xi32, #tpu.memory_space<hbm>> -> memref<1x128xi32, #tpu.memory_space<hbm>>
        %dma_wait3A_249 = arith.constant 0 : i32
        %dma_wait3A_250 = arith.constant 0 : i32
        %dma_wait3A_251 = tpu.memref_slice %arg9[%run_scoped3A_36, %dma_wait3A_249, %dma_wait3A_250] : memref<2x1x128xi32, #tpu.memory_space<vmem>> -> memref<1x1x128xi32, #tpu.memory_space<vmem>>
        %dma_wait3A_252 = tpu.memref_squeeze %dma_wait3A_251 : memref<1x1x128xi32, #tpu.memory_space<vmem>> -> memref<1x128xi32, #tpu.memory_space<vmem>>
        %dma_wait3A_253 = arith.constant 0 : i32
        %dma_wait3A_254 = arith.constant 0 : i32
        %dma_wait3A_255 = tpu.memref_slice %arg4[%arg1, %run_scoped3A_35, %dma_wait3A_253, %dma_wait3A_254] : memref<16x157x1x128xi32, #tpu.memory_space<hbm>> -> memref<1x1x1x128xi32, #tpu.memory_space<hbm>>
        %dma_wait3A_256 = tpu.memref_squeeze %dma_wait3A_255 : memref<1x1x1x128xi32, #tpu.memory_space<hbm>> -> memref<1x128xi32, #tpu.memory_space<hbm>>
        tpu.wait_dma2 semaphore(%run_scoped3A_224 : memref<!tpu.dma_semaphore, #tpu.memory_space<semaphore_mem>>) src(%dma_wait3A_256 : memref<1x128xi32, #tpu.memory_space<hbm>>) dst(%dma_wait3A_252 : memref<1x128xi32, #tpu.memory_space<vmem>>)
        tpu.yield
      }) : () -> ()
      %scan3A_37 = arith.constant 0 : i32
      %scan3A_38 = arith.constant 0 : i32
      %scan3A_39 = arith.constant 157 : i32
      %scan3A_40 = arith.addi %scan3A_38, %scan3A_39 : i32
      %scan3A_41 = arith.constant 1 : i32
      %scan3A_42 = scf.for %scan3A_224 = %scan3A_38 to %scan3A_40 step %scan3A_41 iter_args(%scan3A_225 = %scan3A_37) -> (i32)  : i32 {
        %rem3A = arith.constant 2 : i32
        %rem3A_226 = arith.remsi %scan3A_224, %rem3A : i32
        %dma_start3A_227 = arith.constant 0 : i32
        %dma_start3A_228 = arith.constant 0 : i32
        %dma_start3A_229 = arith.constant 0 : i32
        %dma_start3A_230 = tpu.memref_slice %arg11[%rem3A_226, %dma_start3A_228, %dma_start3A_229] : memref<2x128x128xf32, #tpu.memory_space<vmem>> -> memref<1x128x128xf32, #tpu.memory_space<vmem>>
        %dma_start3A_231 = tpu.memref_squeeze %dma_start3A_230 : memref<1x128x128xf32, #tpu.memory_space<vmem>> -> memref<128x128xf32, #tpu.memory_space<vmem>>
        %dma_start3A_232 = arith.constant 0 : i32
        %dma_start3A_233 = tpu.memref_slice %arg9[%rem3A_226, %dma_start3A_227, %dma_start3A_232] : memref<2x1x128xi32, #tpu.memory_space<vmem>> -> memref<1x1x128xi32, #tpu.memory_space<vmem>>
        %dma_start3A_234 = tpu.memref_squeeze %dma_start3A_233 : memref<1x1x128xi32, #tpu.memory_space<vmem>> -> memref<128xi32, #tpu.memory_space<vmem>>
        %dma_start3A_235 = arith.constant 0 : i32
        %dma_start3A_236 = arith.constant 0 : i32
        %dma_start3A_237 = tpu.memref_slice %arg2[%dma_start3A_235, %dma_start3A_236] : memref<10240x128xf32, #tpu.memory_space<hbm>> -> memref<10240x128xf32, #tpu.memory_space<hbm>>
        tpu.enqueue_indirect_dma source(%dma_start3A_237 : memref<10240x128xf32, #tpu.memory_space<hbm>>) target(%dma_start3A_231 : memref<128x128xf32, #tpu.memory_space<vmem>>) offsets(%dma_start3A_234 : memref<128xi32, #tpu.memory_space<vmem>>) semaphore(%arg12 : memref<!tpu.dma_semaphore, #tpu.memory_space<semaphore_mem>>)
        "tpu.region"() ({
          %run_scoped3A_260 = tpu.sem_alloc : memref<!tpu.dma_semaphore, #tpu.memory_space<semaphore_mem>>
          %dma_start3A_261 = arith.constant 0 : i32
          %dma_start3A_262 = arith.constant 0 : i32
          %dma_start3A_263 = tpu.memref_slice %arg10[%rem3A_226, %dma_start3A_261, %dma_start3A_262] : memref<2x1x128xi32, #tpu.memory_space<vmem>> -> memref<1x1x128xi32, #tpu.memory_space<vmem>>
          %dma_start3A_264 = tpu.memref_squeeze %dma_start3A_263 : memref<1x1x128xi32, #tpu.memory_space<vmem>> -> memref<1x128xi32, #tpu.memory_space<vmem>>
          %dma_start3A_265 = arith.constant 0 : i32
          %dma_start3A_266 = arith.constant 0 : i32
          %dma_start3A_267 = tpu.memref_slice %arg5[%arg1, %scan3A_224, %dma_start3A_265, %dma_start3A_266] : memref<16x157x1x128xi32, #tpu.memory_space<hbm>> -> memref<1x1x1x128xi32, #tpu.memory_space<hbm>>
          %dma_start3A_268 = tpu.memref_squeeze %dma_start3A_267 : memref<1x1x1x128xi32, #tpu.memory_space<hbm>> -> memref<1x128xi32, #tpu.memory_space<hbm>>
          %dma_start3A_269 = arith.constant 0 : i32
          %dma_start3A_270 = arith.constant 0 : i32
          %dma_start3A_271 = tpu.memref_slice %arg10[%rem3A_226, %dma_start3A_269, %dma_start3A_270] : memref<2x1x128xi32, #tpu.memory_space<vmem>> -> memref<1x1x128xi32, #tpu.memory_space<vmem>>
          %dma_start3A_272 = tpu.memref_squeeze %dma_start3A_271 : memref<1x1x128xi32, #tpu.memory_space<vmem>> -> memref<1x128xi32, #tpu.memory_space<vmem>>
          %dma_start3A_273 = arith.constant 0 : i32
          %dma_start3A_274 = arith.constant 0 : i32
          %dma_start3A_275 = tpu.memref_slice %arg5[%arg1, %scan3A_224, %dma_start3A_273, %dma_start3A_274] : memref<16x157x1x128xi32, #tpu.memory_space<hbm>> -> memref<1x1x1x128xi32, #tpu.memory_space<hbm>>
          %dma_start3A_276 = tpu.memref_squeeze %dma_start3A_275 : memref<1x1x1x128xi32, #tpu.memory_space<hbm>> -> memref<1x128xi32, #tpu.memory_space<hbm>>
          tpu.enqueue_dma source(%dma_start3A_276 : memref<1x128xi32, #tpu.memory_space<hbm>>) target(%dma_start3A_272 : memref<1x128xi32, #tpu.memory_space<vmem>>) target_semaphore(%run_scoped3A_260 : memref<!tpu.dma_semaphore, #tpu.memory_space<semaphore_mem>>)
          %dma_wait3A_277 = arith.constant 0 : i32
          %dma_wait3A_278 = arith.constant 0 : i32
          %dma_wait3A_279 = tpu.memref_slice %arg10[%rem3A_226, %dma_wait3A_277, %dma_wait3A_278] : memref<2x1x128xi32, #tpu.memory_space<vmem>> -> memref<1x1x128xi32, #tpu.memory_space<vmem>>
          %dma_wait3A_280 = tpu.memref_squeeze %dma_wait3A_279 : memref<1x1x128xi32, #tpu.memory_space<vmem>> -> memref<1x128xi32, #tpu.memory_space<vmem>>
          %dma_wait3A_281 = arith.constant 0 : i32
          %dma_wait3A_282 = arith.constant 0 : i32
          %dma_wait3A_283 = tpu.memref_slice %arg5[%arg1, %scan3A_224, %dma_wait3A_281, %dma_wait3A_282] : memref<16x157x1x128xi32, #tpu.memory_space<hbm>> -> memref<1x1x1x128xi32, #tpu.memory_space<hbm>>
          %dma_wait3A_284 = tpu.memref_squeeze %dma_wait3A_283 : memref<1x1x1x128xi32, #tpu.memory_space<hbm>> -> memref<1x128xi32, #tpu.memory_space<hbm>>
          %dma_wait3A_285 = arith.constant 0 : i32
          %dma_wait3A_286 = arith.constant 0 : i32
          %dma_wait3A_287 = tpu.memref_slice %arg10[%rem3A_226, %dma_wait3A_285, %dma_wait3A_286] : memref<2x1x128xi32, #tpu.memory_space<vmem>> -> memref<1x1x128xi32, #tpu.memory_space<vmem>>
          %dma_wait3A_288 = tpu.memref_squeeze %dma_wait3A_287 : memref<1x1x128xi32, #tpu.memory_space<vmem>> -> memref<1x128xi32, #tpu.memory_space<vmem>>
          %dma_wait3A_289 = arith.constant 0 : i32
          %dma_wait3A_290 = arith.constant 0 : i32
          %dma_wait3A_291 = tpu.memref_slice %arg5[%arg1, %scan3A_224, %dma_wait3A_289, %dma_wait3A_290] : memref<16x157x1x128xi32, #tpu.memory_space<hbm>> -> memref<1x1x1x128xi32, #tpu.memory_space<hbm>>
          %dma_wait3A_292 = tpu.memref_squeeze %dma_wait3A_291 : memref<1x1x1x128xi32, #tpu.memory_space<hbm>> -> memref<1x128xi32, #tpu.memory_space<hbm>>
          tpu.wait_dma2 semaphore(%run_scoped3A_260 : memref<!tpu.dma_semaphore, #tpu.memory_space<semaphore_mem>>) src(%dma_wait3A_292 : memref<1x128xi32, #tpu.memory_space<hbm>>) dst(%dma_wait3A_288 : memref<1x128xi32, #tpu.memory_space<vmem>>)
          tpu.yield
        }) : () -> ()
        %add3A_238 = arith.constant 1 : i32
        %add3A_239 = arith.addi %scan3A_224, %add3A_238 : i32
        %lt3A = arith.constant 157 : i32
        %lt3A_240 = arith.cmpi slt, %add3A_239, %lt3A : i32
        %convert_element_type3A_241 = arith.extui %lt3A_240 : i1 to i32
        %cond3A_242 = arith.constant 0 : i32
        %cond3A_243 = arith.cmpi ne, %convert_element_type3A_241, %cond3A_242 : i32
        scf.if %cond3A_243 {
          %add3A_260 = arith.constant 1 : i32
          %add3A_261 = arith.addi %scan3A_224, %add3A_260 : i32
          %sub3A = arith.constant 1 : i32
          %sub3A_262 = arith.subi %sub3A, %rem3A_226 : i32
          "tpu.region"() ({
            %run_scoped3A_263 = tpu.sem_alloc : memref<!tpu.dma_semaphore, #tpu.memory_space<semaphore_mem>>
            %dma_start3A_264 = arith.constant 0 : i32
            %dma_start3A_265 = arith.constant 0 : i32
            %dma_start3A_266 = tpu.memref_slice %arg9[%sub3A_262, %dma_start3A_264, %dma_start3A_265] : memref<2x1x128xi32, #tpu.memory_space<vmem>> -> memref<1x1x128xi32, #tpu.memory_space<vmem>>
            %dma_start3A_267 = tpu.memref_squeeze %dma_start3A_266 : memref<1x1x128xi32, #tpu.memory_space<vmem>> -> memref<1x128xi32, #tpu.memory_space<vmem>>
            %dma_start3A_268 = arith.constant 0 : i32
            %dma_start3A_269 = arith.constant 0 : i32
            %dma_start3A_270 = tpu.memref_slice %arg4[%arg1, %add3A_261, %dma_start3A_268, %dma_start3A_269] : memref<16x157x1x128xi32, #tpu.memory_space<hbm>> -> memref<1x1x1x128xi32, #tpu.memory_space<hbm>>
            %dma_start3A_271 = tpu.memref_squeeze %dma_start3A_270 : memref<1x1x1x128xi32, #tpu.memory_space<hbm>> -> memref<1x128xi32, #tpu.memory_space<hbm>>
            %dma_start3A_272 = arith.constant 0 : i32
            %dma_start3A_273 = arith.constant 0 : i32
            %dma_start3A_274 = tpu.memref_slice %arg9[%sub3A_262, %dma_start3A_272, %dma_start3A_273] : memref<2x1x128xi32, #tpu.memory_space<vmem>> -> memref<1x1x128xi32, #tpu.memory_space<vmem>>
            %dma_start3A_275 = tpu.memref_squeeze %dma_start3A_274 : memref<1x1x128xi32, #tpu.memory_space<vmem>> -> memref<1x128xi32, #tpu.memory_space<vmem>>
            %dma_start3A_276 = arith.constant 0 : i32
            %dma_start3A_277 = arith.constant 0 : i32
            %dma_start3A_278 = tpu.memref_slice %arg4[%arg1, %add3A_261, %dma_start3A_276, %dma_start3A_277] : memref<16x157x1x128xi32, #tpu.memory_space<hbm>> -> memref<1x1x1x128xi32, #tpu.memory_space<hbm>>
            %dma_start3A_279 = tpu.memref_squeeze %dma_start3A_278 : memref<1x1x1x128xi32, #tpu.memory_space<hbm>> -> memref<1x128xi32, #tpu.memory_space<hbm>>
            tpu.enqueue_dma source(%dma_start3A_279 : memref<1x128xi32, #tpu.memory_space<hbm>>) target(%dma_start3A_275 : memref<1x128xi32, #tpu.memory_space<vmem>>) target_semaphore(%run_scoped3A_263 : memref<!tpu.dma_semaphore, #tpu.memory_space<semaphore_mem>>)
            %dma_wait3A_280 = arith.constant 0 : i32
            %dma_wait3A_281 = arith.constant 0 : i32
            %dma_wait3A_282 = tpu.memref_slice %arg9[%sub3A_262, %dma_wait3A_280, %dma_wait3A_281] : memref<2x1x128xi32, #tpu.memory_space<vmem>> -> memref<1x1x128xi32, #tpu.memory_space<vmem>>
            %dma_wait3A_283 = tpu.memref_squeeze %dma_wait3A_282 : memref<1x1x128xi32, #tpu.memory_space<vmem>> -> memref<1x128xi32, #tpu.memory_space<vmem>>
            %dma_wait3A_284 = arith.constant 0 : i32
            %dma_wait3A_285 = arith.constant 0 : i32
            %dma_wait3A_286 = tpu.memref_slice %arg4[%arg1, %add3A_261, %dma_wait3A_284, %dma_wait3A_285] : memref<16x157x1x128xi32, #tpu.memory_space<hbm>> -> memref<1x1x1x128xi32, #tpu.memory_space<hbm>>
            %dma_wait3A_287 = tpu.memref_squeeze %dma_wait3A_286 : memref<1x1x1x128xi32, #tpu.memory_space<hbm>> -> memref<1x128xi32, #tpu.memory_space<hbm>>
            %dma_wait3A_288 = arith.constant 0 : i32
            %dma_wait3A_289 = arith.constant 0 : i32
            %dma_wait3A_290 = tpu.memref_slice %arg9[%sub3A_262, %dma_wait3A_288, %dma_wait3A_289] : memref<2x1x128xi32, #tpu.memory_space<vmem>> -> memref<1x1x128xi32, #tpu.memory_space<vmem>>
            %dma_wait3A_291 = tpu.memref_squeeze %dma_wait3A_290 : memref<1x1x128xi32, #tpu.memory_space<vmem>> -> memref<1x128xi32, #tpu.memory_space<vmem>>
            %dma_wait3A_292 = arith.constant 0 : i32
            %dma_wait3A_293 = arith.constant 0 : i32
            %dma_wait3A_294 = tpu.memref_slice %arg4[%arg1, %add3A_261, %dma_wait3A_292, %dma_wait3A_293] : memref<16x157x1x128xi32, #tpu.memory_space<hbm>> -> memref<1x1x1x128xi32, #tpu.memory_space<hbm>>
            %dma_wait3A_295 = tpu.memref_squeeze %dma_wait3A_294 : memref<1x1x1x128xi32, #tpu.memory_space<hbm>> -> memref<1x128xi32, #tpu.memory_space<hbm>>
            tpu.wait_dma2 semaphore(%run_scoped3A_263 : memref<!tpu.dma_semaphore, #tpu.memory_space<semaphore_mem>>) src(%dma_wait3A_295 : memref<1x128xi32, #tpu.memory_space<hbm>>) dst(%dma_wait3A_291 : memref<1x128xi32, #tpu.memory_space<vmem>>)
            tpu.yield
          }) : () -> ()
        } else {
        }
        %gt3A = arith.constant 0 : i32
        %gt3A_244 = arith.cmpi sgt, %scan3A_224, %gt3A : i32
        %convert_element_type3A_245 = arith.extui %gt3A_244 : i1 to i32
        %cond3A_246 = arith.constant 0 : i32
        %cond3A_247 = arith.cmpi ne, %convert_element_type3A_245, %cond3A_246 : i32
        scf.if %cond3A_247 {
          %sub3A = arith.constant 1 : i32
          %sub3A_260 = arith.subi %sub3A, %rem3A_226 : i32
          %sub3A_261 = arith.constant 1 : i32
          %sub3A_262 = arith.subi %sub3A_261, %rem3A_226 : i32
          %dma_start3A_263 = arith.constant 0 : i32
          %dma_start3A_264 = arith.constant 0 : i32
          %dma_start3A_265 = arith.constant 0 : i32
          %dma_start3A_266 = tpu.memref_slice %arg11[%sub3A_260, %dma_start3A_264, %dma_start3A_265] : memref<2x128x128xf32, #tpu.memory_space<vmem>> -> memref<1x128x128xf32, #tpu.memory_space<vmem>>
          %dma_start3A_267 = tpu.memref_squeeze %dma_start3A_266 : memref<1x128x128xf32, #tpu.memory_space<vmem>> -> memref<128x128xf32, #tpu.memory_space<vmem>>
          %dma_start3A_268 = arith.constant 0 : i32
          %dma_start3A_269 = tpu.memref_slice %arg10[%sub3A_262, %dma_start3A_263, %dma_start3A_268] : memref<2x1x128xi32, #tpu.memory_space<vmem>> -> memref<1x1x128xi32, #tpu.memory_space<vmem>>
          %dma_start3A_270 = tpu.memref_squeeze %dma_start3A_269 : memref<1x1x128xi32, #tpu.memory_space<vmem>> -> memref<128xi32, #tpu.memory_space<vmem>>
          %dma_start3A_271 = arith.constant 0 : i32
          %dma_start3A_272 = arith.constant 0 : i32
          %dma_start3A_273 = tpu.memref_slice %arg8[%dma_start3A_271, %dma_start3A_272] : memref<10240x128xf32, #tpu.memory_space<vmem_shared>> -> memref<10240x128xf32, #tpu.memory_space<vmem_shared>>
          tpu.enqueue_indirect_dma source(%dma_start3A_267 : memref<128x128xf32, #tpu.memory_space<vmem>>) target(%dma_start3A_273 : memref<10240x128xf32, #tpu.memory_space<vmem_shared>>) offsets(%dma_start3A_270 : memref<128xi32, #tpu.memory_space<vmem>>) semaphore(%arg13 : memref<!tpu.dma_semaphore, #tpu.memory_space<semaphore_mem>>) {add = true}
          %dma_wait3A_274 = arith.constant 0 : i32
          %dma_wait3A_275 = arith.constant 0 : i32
          %dma_wait3A_276 = arith.constant 0 : i32
          %dma_wait3A_277 = tpu.memref_slice %arg11[%sub3A_260, %dma_wait3A_275, %dma_wait3A_276] : memref<2x128x128xf32, #tpu.memory_space<vmem>> -> memref<1x128x128xf32, #tpu.memory_space<vmem>>
          %dma_wait3A_278 = tpu.memref_squeeze %dma_wait3A_277 : memref<1x128x128xf32, #tpu.memory_space<vmem>> -> memref<128x128xf32, #tpu.memory_space<vmem>>
          %dma_wait3A_279 = arith.constant 0 : i32
          %dma_wait3A_280 = tpu.memref_slice %arg10[%sub3A_262, %dma_wait3A_274, %dma_wait3A_279] : memref<2x1x128xi32, #tpu.memory_space<vmem>> -> memref<1x1x128xi32, #tpu.memory_space<vmem>>
          %dma_wait3A_281 = tpu.memref_squeeze %dma_wait3A_280 : memref<1x1x128xi32, #tpu.memory_space<vmem>> -> memref<128xi32, #tpu.memory_space<vmem>>
          %dma_wait3A_282 = arith.constant 0 : i32
          %dma_wait3A_283 = arith.constant 0 : i32
          %dma_wait3A_284 = tpu.memref_slice %arg8[%dma_wait3A_282, %dma_wait3A_283] : memref<10240x128xf32, #tpu.memory_space<vmem_shared>> -> memref<10240x128xf32, #tpu.memory_space<vmem_shared>>
          tpu.wait_indirect_dma semaphore(%arg13 : memref<!tpu.dma_semaphore, #tpu.memory_space<semaphore_mem>>) src(%dma_wait3A_278 : memref<128x128xf32, #tpu.memory_space<vmem>>) dst(%dma_wait3A_284 : memref<10240x128xf32, #tpu.memory_space<vmem_shared>>)
        } else {
        }
        %dma_wait3A_248 = arith.constant 0 : i32
        %dma_wait3A_249 = arith.constant 0 : i32
        %dma_wait3A_250 = arith.constant 0 : i32
        %dma_wait3A_251 = tpu.memref_slice %arg11[%rem3A_226, %dma_wait3A_249, %dma_wait3A_250] : memref<2x128x128xf32, #tpu.memory_space<vmem>> -> memref<1x128x128xf32, #tpu.memory_space<vmem>>
        %dma_wait3A_252 = tpu.memref_squeeze %dma_wait3A_251 : memref<1x128x128xf32, #tpu.memory_space<vmem>> -> memref<128x128xf32, #tpu.memory_space<vmem>>
        %dma_wait3A_253 = arith.constant 0 : i32
        %dma_wait3A_254 = tpu.memref_slice %arg9[%rem3A_226, %dma_wait3A_248, %dma_wait3A_253] : memref<2x1x128xi32, #tpu.memory_space<vmem>> -> memref<1x1x128xi32, #tpu.memory_space<vmem>>
        %dma_wait3A_255 = tpu.memref_squeeze %dma_wait3A_254 : memref<1x1x128xi32, #tpu.memory_space<vmem>> -> memref<128xi32, #tpu.memory_space<vmem>>
        %dma_wait3A_256 = arith.constant 0 : i32
        %dma_wait3A_257 = arith.constant 0 : i32
        %dma_wait3A_258 = tpu.memref_slice %arg2[%dma_wait3A_256, %dma_wait3A_257] : memref<10240x128xf32, #tpu.memory_space<hbm>> -> memref<10240x128xf32, #tpu.memory_space<hbm>>
        tpu.wait_indirect_dma semaphore(%arg12 : memref<!tpu.dma_semaphore, #tpu.memory_space<semaphore_mem>>) src(%dma_wait3A_258 : memref<10240x128xf32, #tpu.memory_space<hbm>>) dst(%dma_wait3A_252 : memref<128x128xf32, #tpu.memory_space<vmem>>)
        %scan3A_259 = arith.constant 0 : i32
        scf.yield %scan3A_259 : i32
      }
      %scan3A_43 = arith.constant 157 : i32
      %dma_start3A = arith.constant 0 : i32
      %dma_start3A_44 = arith.constant 0 : i32
      %dma_start3A_45 = arith.constant 0 : i32
      %dma_start3A_46 = arith.constant 0 : i32
      %dma_start3A_47 = arith.constant 0 : i32
      %dma_start3A_48 = tpu.memref_slice %arg11[%dma_start3A, %dma_start3A_46, %dma_start3A_47] : memref<2x128x128xf32, #tpu.memory_space<vmem>> -> memref<1x128x128xf32, #tpu.memory_space<vmem>>
      %dma_start3A_49 = tpu.memref_squeeze %dma_start3A_48 : memref<1x128x128xf32, #tpu.memory_space<vmem>> -> memref<128x128xf32, #tpu.memory_space<vmem>>
      %dma_start3A_50 = arith.constant 0 : i32
      %dma_start3A_51 = tpu.memref_slice %arg10[%dma_start3A_44, %dma_start3A_45, %dma_start3A_50] : memref<2x1x128xi32, #tpu.memory_space<vmem>> -> memref<1x1x128xi32, #tpu.memory_space<vmem>>
      %dma_start3A_52 = tpu.memref_squeeze %dma_start3A_51 : memref<1x1x128xi32, #tpu.memory_space<vmem>> -> memref<128xi32, #tpu.memory_space<vmem>>
      %dma_start3A_53 = arith.constant 0 : i32
      %dma_start3A_54 = arith.constant 0 : i32
      %dma_start3A_55 = tpu.memref_slice %arg8[%dma_start3A_53, %dma_start3A_54] : memref<10240x128xf32, #tpu.memory_space<vmem_shared>> -> memref<10240x128xf32, #tpu.memory_space<vmem_shared>>
      tpu.enqueue_indirect_dma source(%dma_start3A_49 : memref<128x128xf32, #tpu.memory_space<vmem>>) target(%dma_start3A_55 : memref<10240x128xf32, #tpu.memory_space<vmem_shared>>) offsets(%dma_start3A_52 : memref<128xi32, #tpu.memory_space<vmem>>) semaphore(%arg13 : memref<!tpu.dma_semaphore, #tpu.memory_space<semaphore_mem>>) {add = true}
      %dma_wait3A = arith.constant 0 : i32
      %dma_wait3A_56 = arith.constant 0 : i32
      %dma_wait3A_57 = arith.constant 0 : i32
      %dma_wait3A_58 = arith.constant 0 : i32
      %dma_wait3A_59 = arith.constant 0 : i32
      %dma_wait3A_60 = tpu.memref_slice %arg11[%dma_wait3A, %dma_wait3A_58, %dma_wait3A_59] : memref<2x128x128xf32, #tpu.memory_space<vmem>> -> memref<1x128x128xf32, #tpu.memory_space<vmem>>
      %dma_wait3A_61 = tpu.memref_squeeze %dma_wait3A_60 : memref<1x128x128xf32, #tpu.memory_space<vmem>> -> memref<128x128xf32, #tpu.memory_space<vmem>>
      %dma_wait3A_62 = arith.constant 0 : i32
      %dma_wait3A_63 = tpu.memref_slice %arg10[%dma_wait3A_56, %dma_wait3A_57, %dma_wait3A_62] : memref<2x1x128xi32, #tpu.memory_space<vmem>> -> memref<1x1x128xi32, #tpu.memory_space<vmem>>
      %dma_wait3A_64 = tpu.memref_squeeze %dma_wait3A_63 : memref<1x1x128xi32, #tpu.memory_space<vmem>> -> memref<128xi32, #tpu.memory_space<vmem>>
      %dma_wait3A_65 = arith.constant 0 : i32
      %dma_wait3A_66 = arith.constant 0 : i32
      %dma_wait3A_67 = tpu.memref_slice %arg8[%dma_wait3A_65, %dma_wait3A_66] : memref<10240x128xf32, #tpu.memory_space<vmem_shared>> -> memref<10240x128xf32, #tpu.memory_space<vmem_shared>>
      tpu.wait_indirect_dma semaphore(%arg13 : memref<!tpu.dma_semaphore, #tpu.memory_space<semaphore_mem>>) src(%dma_wait3A_61 : memref<128x128xf32, #tpu.memory_space<vmem>>) dst(%dma_wait3A_67 : memref<10240x128xf32, #tpu.memory_space<vmem_shared>>)
      %barrier3A_68 = arith.constant 0 : index
      tpu.barrier barrier_id(%barrier3A_68)
      %mul3A_69 = arith.constant 640 : i32
      %mul3A_70 = arith.muli %arg1, %mul3A_69 : i32
      %add3A_71 = arith.constant 0 : i32
      %add3A_72 = arith.addi %mul3A_70, %add3A_71 : i32
      %run_scoped3A_73 = arith.constant 0 : i32
      "tpu.region"() ({
        %run_scoped3A_224 = tpu.sem_alloc : memref<!tpu.dma_semaphore, #tpu.memory_space<semaphore_mem>>
        %dma_start3A_225 = arith.constant 0 : i32
        %dma_start3A_226 = arith.constant 0 : i32
        %dma_start3A_227 = tpu.memref_slice %arg11[%run_scoped3A_73, %dma_start3A_225, %dma_start3A_226] : memref<2x128x128xf32, #tpu.memory_space<vmem>> -> memref<1x128x128xf32, #tpu.memory_space<vmem>>
        %dma_start3A_228 = tpu.memref_squeeze %dma_start3A_227 : memref<1x128x128xf32, #tpu.memory_space<vmem>> -> memref<128x128xf32, #tpu.memory_space<vmem>>
        %dma_start3A_229 = arith.constant 0 : i32
        %dma_start3A_230 = tpu.memref_slice %arg8[%add3A_72, %dma_start3A_229] : memref<10240x128xf32, #tpu.memory_space<vmem_shared>> -> memref<128x128xf32, #tpu.memory_space<vmem_shared>>
        %dma_start3A_231 = arith.constant 0 : i32
        %dma_start3A_232 = arith.constant 0 : i32
        %dma_start3A_233 = tpu.memref_slice %arg11[%run_scoped3A_73, %dma_start3A_231, %dma_start3A_232] : memref<2x128x128xf32, #tpu.memory_space<vmem>> -> memref<1x128x128xf32, #tpu.memory_space<vmem>>
        %dma_start3A_234 = tpu.memref_squeeze %dma_start3A_233 : memref<1x128x128xf32, #tpu.memory_space<vmem>> -> memref<128x128xf32, #tpu.memory_space<vmem>>
        %dma_start3A_235 = arith.constant 0 : i32
        %dma_start3A_236 = tpu.memref_slice %arg8[%add3A_72, %dma_start3A_235] : memref<10240x128xf32, #tpu.memory_space<vmem_shared>> -> memref<128x128xf32, #tpu.memory_space<vmem_shared>>
        tpu.enqueue_dma source(%dma_start3A_236 : memref<128x128xf32, #tpu.memory_space<vmem_shared>>) target(%dma_start3A_234 : memref<128x128xf32, #tpu.memory_space<vmem>>) target_semaphore(%run_scoped3A_224 : memref<!tpu.dma_semaphore, #tpu.memory_space<semaphore_mem>>)
        %dma_wait3A_237 = arith.constant 0 : i32
        %dma_wait3A_238 = arith.constant 0 : i32
        %dma_wait3A_239 = tpu.memref_slice %arg11[%run_scoped3A_73, %dma_wait3A_237, %dma_wait3A_238] : memref<2x128x128xf32, #tpu.memory_space<vmem>> -> memref<1x128x128xf32, #tpu.memory_space<vmem>>
        %dma_wait3A_240 = tpu.memref_squeeze %dma_wait3A_239 : memref<1x128x128xf32, #tpu.memory_space<vmem>> -> memref<128x128xf32, #tpu.memory_space<vmem>>
        %dma_wait3A_241 = arith.constant 0 : i32
        %dma_wait3A_242 = tpu.memref_slice %arg8[%add3A_72, %dma_wait3A_241] : memref<10240x128xf32, #tpu.memory_space<vmem_shared>> -> memref<128x128xf32, #tpu.memory_space<vmem_shared>>
        %dma_wait3A_243 = arith.constant 0 : i32
        %dma_wait3A_244 = arith.constant 0 : i32
        %dma_wait3A_245 = tpu.memref_slice %arg11[%run_scoped3A_73, %dma_wait3A_243, %dma_wait3A_244] : memref<2x128x128xf32, #tpu.memory_space<vmem>> -> memref<1x128x128xf32, #tpu.memory_space<vmem>>
        %dma_wait3A_246 = tpu.memref_squeeze %dma_wait3A_245 : memref<1x128x128xf32, #tpu.memory_space<vmem>> -> memref<128x128xf32, #tpu.memory_space<vmem>>
        %dma_wait3A_247 = arith.constant 0 : i32
        %dma_wait3A_248 = tpu.memref_slice %arg8[%add3A_72, %dma_wait3A_247] : memref<10240x128xf32, #tpu.memory_space<vmem_shared>> -> memref<128x128xf32, #tpu.memory_space<vmem_shared>>
        tpu.wait_dma2 semaphore(%run_scoped3A_224 : memref<!tpu.dma_semaphore, #tpu.memory_space<semaphore_mem>>) src(%dma_wait3A_248 : memref<128x128xf32, #tpu.memory_space<vmem_shared>>) dst(%dma_wait3A_246 : memref<128x128xf32, #tpu.memory_space<vmem>>)
        tpu.yield
      }) : () -> ()
      %dma_start3A_74 = arith.constant 0 : i32
      %dma_start3A_75 = arith.constant 0 : i32
      %dma_start3A_76 = arith.constant 0 : i32
      %dma_start3A_77 = tpu.memref_slice %arg11[%dma_start3A_74, %dma_start3A_75, %dma_start3A_76] : memref<2x128x128xf32, #tpu.memory_space<vmem>> -> memref<1x128x128xf32, #tpu.memory_space<vmem>>
      %dma_start3A_78 = tpu.memref_squeeze %dma_start3A_77 : memref<1x128x128xf32, #tpu.memory_space<vmem>> -> memref<128x128xf32, #tpu.memory_space<vmem>>
      %dma_start3A_79 = arith.constant 0 : i32
      %dma_start3A_80 = tpu.memref_slice %arg6[%add3A_72, %dma_start3A_79] : memref<10240x128xf32, #tpu.memory_space<hbm>> -> memref<128x128xf32, #tpu.memory_space<hbm>>
      %dma_start3A_81 = arith.constant 0 : i32
      %dma_start3A_82 = tpu.memref_slice %arg6[%add3A_72, %dma_start3A_81] : memref<10240x128xf32, #tpu.memory_space<hbm>> -> memref<128x128xf32, #tpu.memory_space<hbm>>
      %dma_start3A_83 = arith.constant 0 : i32
      %dma_start3A_84 = arith.constant 0 : i32
      %dma_start3A_85 = tpu.memref_slice %arg11[%dma_start3A_74, %dma_start3A_83, %dma_start3A_84] : memref<2x128x128xf32, #tpu.memory_space<vmem>> -> memref<1x128x128xf32, #tpu.memory_space<vmem>>
      %dma_start3A_86 = tpu.memref_squeeze %dma_start3A_85 : memref<1x128x128xf32, #tpu.memory_space<vmem>> -> memref<128x128xf32, #tpu.memory_space<vmem>>
      tpu.enqueue_dma source(%dma_start3A_86 : memref<128x128xf32, #tpu.memory_space<vmem>>) target(%dma_start3A_82 : memref<128x128xf32, #tpu.memory_space<hbm>>) target_semaphore(%arg12 : memref<!tpu.dma_semaphore, #tpu.memory_space<semaphore_mem>>)
      %mul3A_87 = arith.constant 640 : i32
      %mul3A_88 = arith.muli %arg1, %mul3A_87 : i32
      %add3A_89 = arith.constant 128 : i32
      %add3A_90 = arith.addi %mul3A_88, %add3A_89 : i32
      %run_scoped3A_91 = arith.constant 1 : i32
      "tpu.region"() ({
        %run_scoped3A_224 = tpu.sem_alloc : memref<!tpu.dma_semaphore, #tpu.memory_space<semaphore_mem>>
        %dma_start3A_225 = arith.constant 0 : i32
        %dma_start3A_226 = arith.constant 0 : i32
        %dma_start3A_227 = tpu.memref_slice %arg11[%run_scoped3A_91, %dma_start3A_225, %dma_start3A_226] : memref<2x128x128xf32, #tpu.memory_space<vmem>> -> memref<1x128x128xf32, #tpu.memory_space<vmem>>
        %dma_start3A_228 = tpu.memref_squeeze %dma_start3A_227 : memref<1x128x128xf32, #tpu.memory_space<vmem>> -> memref<128x128xf32, #tpu.memory_space<vmem>>
        %dma_start3A_229 = arith.constant 0 : i32
        %dma_start3A_230 = tpu.memref_slice %arg8[%add3A_90, %dma_start3A_229] : memref<10240x128xf32, #tpu.memory_space<vmem_shared>> -> memref<128x128xf32, #tpu.memory_space<vmem_shared>>
        %dma_start3A_231 = arith.constant 0 : i32
        %dma_start3A_232 = arith.constant 0 : i32
        %dma_start3A_233 = tpu.memref_slice %arg11[%run_scoped3A_91, %dma_start3A_231, %dma_start3A_232] : memref<2x128x128xf32, #tpu.memory_space<vmem>> -> memref<1x128x128xf32, #tpu.memory_space<vmem>>
        %dma_start3A_234 = tpu.memref_squeeze %dma_start3A_233 : memref<1x128x128xf32, #tpu.memory_space<vmem>> -> memref<128x128xf32, #tpu.memory_space<vmem>>
        %dma_start3A_235 = arith.constant 0 : i32
        %dma_start3A_236 = tpu.memref_slice %arg8[%add3A_90, %dma_start3A_235] : memref<10240x128xf32, #tpu.memory_space<vmem_shared>> -> memref<128x128xf32, #tpu.memory_space<vmem_shared>>
        tpu.enqueue_dma source(%dma_start3A_236 : memref<128x128xf32, #tpu.memory_space<vmem_shared>>) target(%dma_start3A_234 : memref<128x128xf32, #tpu.memory_space<vmem>>) target_semaphore(%run_scoped3A_224 : memref<!tpu.dma_semaphore, #tpu.memory_space<semaphore_mem>>)
        %dma_wait3A_237 = arith.constant 0 : i32
        %dma_wait3A_238 = arith.constant 0 : i32
        %dma_wait3A_239 = tpu.memref_slice %arg11[%run_scoped3A_91, %dma_wait3A_237, %dma_wait3A_238] : memref<2x128x128xf32, #tpu.memory_space<vmem>> -> memref<1x128x128xf32, #tpu.memory_space<vmem>>
        %dma_wait3A_240 = tpu.memref_squeeze %dma_wait3A_239 : memref<1x128x128xf32, #tpu.memory_space<vmem>> -> memref<128x128xf32, #tpu.memory_space<vmem>>
        %dma_wait3A_241 = arith.constant 0 : i32
        %dma_wait3A_242 = tpu.memref_slice %arg8[%add3A_90, %dma_wait3A_241] : memref<10240x128xf32, #tpu.memory_space<vmem_shared>> -> memref<128x128xf32, #tpu.memory_space<vmem_shared>>
        %dma_wait3A_243 = arith.constant 0 : i32
        %dma_wait3A_244 = arith.constant 0 : i32
        %dma_wait3A_245 = tpu.memref_slice %arg11[%run_scoped3A_91, %dma_wait3A_243, %dma_wait3A_244] : memref<2x128x128xf32, #tpu.memory_space<vmem>> -> memref<1x128x128xf32, #tpu.memory_space<vmem>>
        %dma_wait3A_246 = tpu.memref_squeeze %dma_wait3A_245 : memref<1x128x128xf32, #tpu.memory_space<vmem>> -> memref<128x128xf32, #tpu.memory_space<vmem>>
        %dma_wait3A_247 = arith.constant 0 : i32
        %dma_wait3A_248 = tpu.memref_slice %arg8[%add3A_90, %dma_wait3A_247] : memref<10240x128xf32, #tpu.memory_space<vmem_shared>> -> memref<128x128xf32, #tpu.memory_space<vmem_shared>>
        tpu.wait_dma2 semaphore(%run_scoped3A_224 : memref<!tpu.dma_semaphore, #tpu.memory_space<semaphore_mem>>) src(%dma_wait3A_248 : memref<128x128xf32, #tpu.memory_space<vmem_shared>>) dst(%dma_wait3A_246 : memref<128x128xf32, #tpu.memory_space<vmem>>)
        tpu.yield
      }) : () -> ()
      %dma_start3A_92 = arith.constant 1 : i32
      %dma_start3A_93 = arith.constant 0 : i32
      %dma_start3A_94 = arith.constant 0 : i32
      %dma_start3A_95 = tpu.memref_slice %arg11[%dma_start3A_92, %dma_start3A_93, %dma_start3A_94] : memref<2x128x128xf32, #tpu.memory_space<vmem>> -> memref<1x128x128xf32, #tpu.memory_space<vmem>>
      %dma_start3A_96 = tpu.memref_squeeze %dma_start3A_95 : memref<1x128x128xf32, #tpu.memory_space<vmem>> -> memref<128x128xf32, #tpu.memory_space<vmem>>
      %dma_start3A_97 = arith.constant 0 : i32
      %dma_start3A_98 = tpu.memref_slice %arg6[%add3A_90, %dma_start3A_97] : memref<10240x128xf32, #tpu.memory_space<hbm>> -> memref<128x128xf32, #tpu.memory_space<hbm>>
      %dma_start3A_99 = arith.constant 0 : i32
      %dma_start3A_100 = tpu.memref_slice %arg6[%add3A_90, %dma_start3A_99] : memref<10240x128xf32, #tpu.memory_space<hbm>> -> memref<128x128xf32, #tpu.memory_space<hbm>>
      %dma_start3A_101 = arith.constant 0 : i32
      %dma_start3A_102 = arith.constant 0 : i32
      %dma_start3A_103 = tpu.memref_slice %arg11[%dma_start3A_92, %dma_start3A_101, %dma_start3A_102] : memref<2x128x128xf32, #tpu.memory_space<vmem>> -> memref<1x128x128xf32, #tpu.memory_space<vmem>>
      %dma_start3A_104 = tpu.memref_squeeze %dma_start3A_103 : memref<1x128x128xf32, #tpu.memory_space<vmem>> -> memref<128x128xf32, #tpu.memory_space<vmem>>
      tpu.enqueue_dma source(%dma_start3A_104 : memref<128x128xf32, #tpu.memory_space<vmem>>) target(%dma_start3A_100 : memref<128x128xf32, #tpu.memory_space<hbm>>) target_semaphore(%arg12 : memref<!tpu.dma_semaphore, #tpu.memory_space<semaphore_mem>>)
      %mul3A_105 = arith.constant 640 : i32
      %mul3A_106 = arith.muli %arg1, %mul3A_105 : i32
      %add3A_107 = arith.constant 256 : i32
      %add3A_108 = arith.addi %mul3A_106, %add3A_107 : i32
      %dma_wait3A_109 = arith.constant 0 : i32
      %dma_wait3A_110 = arith.constant 0 : i32
      %dma_wait3A_111 = arith.constant 0 : i32
      %dma_wait3A_112 = tpu.memref_slice %arg11[%dma_wait3A_109, %dma_wait3A_110, %dma_wait3A_111] : memref<2x128x128xf32, #tpu.memory_space<vmem>> -> memref<1x128x128xf32, #tpu.memory_space<vmem>>
      %dma_wait3A_113 = tpu.memref_squeeze %dma_wait3A_112 : memref<1x128x128xf32, #tpu.memory_space<vmem>> -> memref<128x128xf32, #tpu.memory_space<vmem>>
      %dma_wait3A_114 = arith.constant 0 : i32
      %dma_wait3A_115 = tpu.memref_slice %arg6[%add3A_72, %dma_wait3A_114] : memref<10240x128xf32, #tpu.memory_space<hbm>> -> memref<128x128xf32, #tpu.memory_space<hbm>>
      %dma_wait3A_116 = arith.constant 0 : i32
      %dma_wait3A_117 = tpu.memref_slice %arg6[%add3A_72, %dma_wait3A_116] : memref<10240x128xf32, #tpu.memory_space<hbm>> -> memref<128x128xf32, #tpu.memory_space<hbm>>
      %dma_wait3A_118 = arith.constant 0 : i32
      %dma_wait3A_119 = arith.constant 0 : i32
      %dma_wait3A_120 = tpu.memref_slice %arg11[%dma_wait3A_109, %dma_wait3A_118, %dma_wait3A_119] : memref<2x128x128xf32, #tpu.memory_space<vmem>> -> memref<1x128x128xf32, #tpu.memory_space<vmem>>
      %dma_wait3A_121 = tpu.memref_squeeze %dma_wait3A_120 : memref<1x128x128xf32, #tpu.memory_space<vmem>> -> memref<128x128xf32, #tpu.memory_space<vmem>>
      tpu.wait_dma2 semaphore(%arg12 : memref<!tpu.dma_semaphore, #tpu.memory_space<semaphore_mem>>) src(%dma_wait3A_121 : memref<128x128xf32, #tpu.memory_space<vmem>>) dst(%dma_wait3A_117 : memref<128x128xf32, #tpu.memory_space<hbm>>)
      %run_scoped3A_122 = arith.constant 0 : i32
      "tpu.region"() ({
        %run_scoped3A_224 = tpu.sem_alloc : memref<!tpu.dma_semaphore, #tpu.memory_space<semaphore_mem>>
        %dma_start3A_225 = arith.constant 0 : i32
        %dma_start3A_226 = arith.constant 0 : i32
        %dma_start3A_227 = tpu.memref_slice %arg11[%run_scoped3A_122, %dma_start3A_225, %dma_start3A_226] : memref<2x128x128xf32, #tpu.memory_space<vmem>> -> memref<1x128x128xf32, #tpu.memory_space<vmem>>
        %dma_start3A_228 = tpu.memref_squeeze %dma_start3A_227 : memref<1x128x128xf32, #tpu.memory_space<vmem>> -> memref<128x128xf32, #tpu.memory_space<vmem>>
        %dma_start3A_229 = arith.constant 0 : i32
        %dma_start3A_230 = tpu.memref_slice %arg8[%add3A_108, %dma_start3A_229] : memref<10240x128xf32, #tpu.memory_space<vmem_shared>> -> memref<128x128xf32, #tpu.memory_space<vmem_shared>>
        %dma_start3A_231 = arith.constant 0 : i32
        %dma_start3A_232 = arith.constant 0 : i32
        %dma_start3A_233 = tpu.memref_slice %arg11[%run_scoped3A_122, %dma_start3A_231, %dma_start3A_232] : memref<2x128x128xf32, #tpu.memory_space<vmem>> -> memref<1x128x128xf32, #tpu.memory_space<vmem>>
        %dma_start3A_234 = tpu.memref_squeeze %dma_start3A_233 : memref<1x128x128xf32, #tpu.memory_space<vmem>> -> memref<128x128xf32, #tpu.memory_space<vmem>>
        %dma_start3A_235 = arith.constant 0 : i32
        %dma_start3A_236 = tpu.memref_slice %arg8[%add3A_108, %dma_start3A_235] : memref<10240x128xf32, #tpu.memory_space<vmem_shared>> -> memref<128x128xf32, #tpu.memory_space<vmem_shared>>
        tpu.enqueue_dma source(%dma_start3A_236 : memref<128x128xf32, #tpu.memory_space<vmem_shared>>) target(%dma_start3A_234 : memref<128x128xf32, #tpu.memory_space<vmem>>) target_semaphore(%run_scoped3A_224 : memref<!tpu.dma_semaphore, #tpu.memory_space<semaphore_mem>>)
        %dma_wait3A_237 = arith.constant 0 : i32
        %dma_wait3A_238 = arith.constant 0 : i32
        %dma_wait3A_239 = tpu.memref_slice %arg11[%run_scoped3A_122, %dma_wait3A_237, %dma_wait3A_238] : memref<2x128x128xf32, #tpu.memory_space<vmem>> -> memref<1x128x128xf32, #tpu.memory_space<vmem>>
        %dma_wait3A_240 = tpu.memref_squeeze %dma_wait3A_239 : memref<1x128x128xf32, #tpu.memory_space<vmem>> -> memref<128x128xf32, #tpu.memory_space<vmem>>
        %dma_wait3A_241 = arith.constant 0 : i32
        %dma_wait3A_242 = tpu.memref_slice %arg8[%add3A_108, %dma_wait3A_241] : memref<10240x128xf32, #tpu.memory_space<vmem_shared>> -> memref<128x128xf32, #tpu.memory_space<vmem_shared>>
        %dma_wait3A_243 = arith.constant 0 : i32
        %dma_wait3A_244 = arith.constant 0 : i32
        %dma_wait3A_245 = tpu.memref_slice %arg11[%run_scoped3A_122, %dma_wait3A_243, %dma_wait3A_244] : memref<2x128x128xf32, #tpu.memory_space<vmem>> -> memref<1x128x128xf32, #tpu.memory_space<vmem>>
        %dma_wait3A_246 = tpu.memref_squeeze %dma_wait3A_245 : memref<1x128x128xf32, #tpu.memory_space<vmem>> -> memref<128x128xf32, #tpu.memory_space<vmem>>
        %dma_wait3A_247 = arith.constant 0 : i32
        %dma_wait3A_248 = tpu.memref_slice %arg8[%add3A_108, %dma_wait3A_247] : memref<10240x128xf32, #tpu.memory_space<vmem_shared>> -> memref<128x128xf32, #tpu.memory_space<vmem_shared>>
        tpu.wait_dma2 semaphore(%run_scoped3A_224 : memref<!tpu.dma_semaphore, #tpu.memory_space<semaphore_mem>>) src(%dma_wait3A_248 : memref<128x128xf32, #tpu.memory_space<vmem_shared>>) dst(%dma_wait3A_246 : memref<128x128xf32, #tpu.memory_space<vmem>>)
        tpu.yield
      }) : () -> ()
      %dma_start3A_123 = arith.constant 0 : i32
      %dma_start3A_124 = arith.constant 0 : i32
      %dma_start3A_125 = arith.constant 0 : i32
      %dma_start3A_126 = tpu.memref_slice %arg11[%dma_start3A_123, %dma_start3A_124, %dma_start3A_125] : memref<2x128x128xf32, #tpu.memory_space<vmem>> -> memref<1x128x128xf32, #tpu.memory_space<vmem>>
      %dma_start3A_127 = tpu.memref_squeeze %dma_start3A_126 : memref<1x128x128xf32, #tpu.memory_space<vmem>> -> memref<128x128xf32, #tpu.memory_space<vmem>>
      %dma_start3A_128 = arith.constant 0 : i32
      %dma_start3A_129 = tpu.memref_slice %arg6[%add3A_108, %dma_start3A_128] : memref<10240x128xf32, #tpu.memory_space<hbm>> -> memref<128x128xf32, #tpu.memory_space<hbm>>
      %dma_start3A_130 = arith.constant 0 : i32
      %dma_start3A_131 = tpu.memref_slice %arg6[%add3A_108, %dma_start3A_130] : memref<10240x128xf32, #tpu.memory_space<hbm>> -> memref<128x128xf32, #tpu.memory_space<hbm>>
      %dma_start3A_132 = arith.constant 0 : i32
      %dma_start3A_133 = arith.constant 0 : i32
      %dma_start3A_134 = tpu.memref_slice %arg11[%dma_start3A_123, %dma_start3A_132, %dma_start3A_133] : memref<2x128x128xf32, #tpu.memory_space<vmem>> -> memref<1x128x128xf32, #tpu.memory_space<vmem>>
      %dma_start3A_135 = tpu.memref_squeeze %dma_start3A_134 : memref<1x128x128xf32, #tpu.memory_space<vmem>> -> memref<128x128xf32, #tpu.memory_space<vmem>>
      tpu.enqueue_dma source(%dma_start3A_135 : memref<128x128xf32, #tpu.memory_space<vmem>>) target(%dma_start3A_131 : memref<128x128xf32, #tpu.memory_space<hbm>>) target_semaphore(%arg12 : memref<!tpu.dma_semaphore, #tpu.memory_space<semaphore_mem>>)
      %mul3A_136 = arith.constant 640 : i32
      %mul3A_137 = arith.muli %arg1, %mul3A_136 : i32
      %add3A_138 = arith.constant 384 : i32
      %add3A_139 = arith.addi %mul3A_137, %add3A_138 : i32
      %dma_wait3A_140 = arith.constant 1 : i32
      %dma_wait3A_141 = arith.constant 0 : i32
      %dma_wait3A_142 = arith.constant 0 : i32
      %dma_wait3A_143 = tpu.memref_slice %arg11[%dma_wait3A_140, %dma_wait3A_141, %dma_wait3A_142] : memref<2x128x128xf32, #tpu.memory_space<vmem>> -> memref<1x128x128xf32, #tpu.memory_space<vmem>>
      %dma_wait3A_144 = tpu.memref_squeeze %dma_wait3A_143 : memref<1x128x128xf32, #tpu.memory_space<vmem>> -> memref<128x128xf32, #tpu.memory_space<vmem>>
      %dma_wait3A_145 = arith.constant 0 : i32
      %dma_wait3A_146 = tpu.memref_slice %arg6[%add3A_90, %dma_wait3A_145] : memref<10240x128xf32, #tpu.memory_space<hbm>> -> memref<128x128xf32, #tpu.memory_space<hbm>>
      %dma_wait3A_147 = arith.constant 0 : i32
      %dma_wait3A_148 = tpu.memref_slice %arg6[%add3A_90, %dma_wait3A_147] : memref<10240x128xf32, #tpu.memory_space<hbm>> -> memref<128x128xf32, #tpu.memory_space<hbm>>
      %dma_wait3A_149 = arith.constant 0 : i32
      %dma_wait3A_150 = arith.constant 0 : i32
      %dma_wait3A_151 = tpu.memref_slice %arg11[%dma_wait3A_140, %dma_wait3A_149, %dma_wait3A_150] : memref<2x128x128xf32, #tpu.memory_space<vmem>> -> memref<1x128x128xf32, #tpu.memory_space<vmem>>
      %dma_wait3A_152 = tpu.memref_squeeze %dma_wait3A_151 : memref<1x128x128xf32, #tpu.memory_space<vmem>> -> memref<128x128xf32, #tpu.memory_space<vmem>>
      tpu.wait_dma2 semaphore(%arg12 : memref<!tpu.dma_semaphore, #tpu.memory_space<semaphore_mem>>) src(%dma_wait3A_152 : memref<128x128xf32, #tpu.memory_space<vmem>>) dst(%dma_wait3A_148 : memref<128x128xf32, #tpu.memory_space<hbm>>)
      %run_scoped3A_153 = arith.constant 1 : i32
      "tpu.region"() ({
        %run_scoped3A_224 = tpu.sem_alloc : memref<!tpu.dma_semaphore, #tpu.memory_space<semaphore_mem>>
        %dma_start3A_225 = arith.constant 0 : i32
        %dma_start3A_226 = arith.constant 0 : i32
        %dma_start3A_227 = tpu.memref_slice %arg11[%run_scoped3A_153, %dma_start3A_225, %dma_start3A_226] : memref<2x128x128xf32, #tpu.memory_space<vmem>> -> memref<1x128x128xf32, #tpu.memory_space<vmem>>
        %dma_start3A_228 = tpu.memref_squeeze %dma_start3A_227 : memref<1x128x128xf32, #tpu.memory_space<vmem>> -> memref<128x128xf32, #tpu.memory_space<vmem>>
        %dma_start3A_229 = arith.constant 0 : i32
        %dma_start3A_230 = tpu.memref_slice %arg8[%add3A_139, %dma_start3A_229] : memref<10240x128xf32, #tpu.memory_space<vmem_shared>> -> memref<128x128xf32, #tpu.memory_space<vmem_shared>>
        %dma_start3A_231 = arith.constant 0 : i32
        %dma_start3A_232 = arith.constant 0 : i32
        %dma_start3A_233 = tpu.memref_slice %arg11[%run_scoped3A_153, %dma_start3A_231, %dma_start3A_232] : memref<2x128x128xf32, #tpu.memory_space<vmem>> -> memref<1x128x128xf32, #tpu.memory_space<vmem>>
        %dma_start3A_234 = tpu.memref_squeeze %dma_start3A_233 : memref<1x128x128xf32, #tpu.memory_space<vmem>> -> memref<128x128xf32, #tpu.memory_space<vmem>>
        %dma_start3A_235 = arith.constant 0 : i32
        %dma_start3A_236 = tpu.memref_slice %arg8[%add3A_139, %dma_start3A_235] : memref<10240x128xf32, #tpu.memory_space<vmem_shared>> -> memref<128x128xf32, #tpu.memory_space<vmem_shared>>
        tpu.enqueue_dma source(%dma_start3A_236 : memref<128x128xf32, #tpu.memory_space<vmem_shared>>) target(%dma_start3A_234 : memref<128x128xf32, #tpu.memory_space<vmem>>) target_semaphore(%run_scoped3A_224 : memref<!tpu.dma_semaphore, #tpu.memory_space<semaphore_mem>>)
        %dma_wait3A_237 = arith.constant 0 : i32
        %dma_wait3A_238 = arith.constant 0 : i32
        %dma_wait3A_239 = tpu.memref_slice %arg11[%run_scoped3A_153, %dma_wait3A_237, %dma_wait3A_238] : memref<2x128x128xf32, #tpu.memory_space<vmem>> -> memref<1x128x128xf32, #tpu.memory_space<vmem>>
        %dma_wait3A_240 = tpu.memref_squeeze %dma_wait3A_239 : memref<1x128x128xf32, #tpu.memory_space<vmem>> -> memref<128x128xf32, #tpu.memory_space<vmem>>
        %dma_wait3A_241 = arith.constant 0 : i32
        %dma_wait3A_242 = tpu.memref_slice %arg8[%add3A_139, %dma_wait3A_241] : memref<10240x128xf32, #tpu.memory_space<vmem_shared>> -> memref<128x128xf32, #tpu.memory_space<vmem_shared>>
        %dma_wait3A_243 = arith.constant 0 : i32
        %dma_wait3A_244 = arith.constant 0 : i32
        %dma_wait3A_245 = tpu.memref_slice %arg11[%run_scoped3A_153, %dma_wait3A_243, %dma_wait3A_244] : memref<2x128x128xf32, #tpu.memory_space<vmem>> -> memref<1x128x128xf32, #tpu.memory_space<vmem>>
        %dma_wait3A_246 = tpu.memref_squeeze %dma_wait3A_245 : memref<1x128x128xf32, #tpu.memory_space<vmem>> -> memref<128x128xf32, #tpu.memory_space<vmem>>
        %dma_wait3A_247 = arith.constant 0 : i32
        %dma_wait3A_248 = tpu.memref_slice %arg8[%add3A_139, %dma_wait3A_247] : memref<10240x128xf32, #tpu.memory_space<vmem_shared>> -> memref<128x128xf32, #tpu.memory_space<vmem_shared>>
        tpu.wait_dma2 semaphore(%run_scoped3A_224 : memref<!tpu.dma_semaphore, #tpu.memory_space<semaphore_mem>>) src(%dma_wait3A_248 : memref<128x128xf32, #tpu.memory_space<vmem_shared>>) dst(%dma_wait3A_246 : memref<128x128xf32, #tpu.memory_space<vmem>>)
        tpu.yield
      }) : () -> ()
      %dma_start3A_154 = arith.constant 1 : i32
      %dma_start3A_155 = arith.constant 0 : i32
      %dma_start3A_156 = arith.constant 0 : i32
      %dma_start3A_157 = tpu.memref_slice %arg11[%dma_start3A_154, %dma_start3A_155, %dma_start3A_156] : memref<2x128x128xf32, #tpu.memory_space<vmem>> -> memref<1x128x128xf32, #tpu.memory_space<vmem>>
      %dma_start3A_158 = tpu.memref_squeeze %dma_start3A_157 : memref<1x128x128xf32, #tpu.memory_space<vmem>> -> memref<128x128xf32, #tpu.memory_space<vmem>>
      %dma_start3A_159 = arith.constant 0 : i32
      %dma_start3A_160 = tpu.memref_slice %arg6[%add3A_139, %dma_start3A_159] : memref<10240x128xf32, #tpu.memory_space<hbm>> -> memref<128x128xf32, #tpu.memory_space<hbm>>
      %dma_start3A_161 = arith.constant 0 : i32
      %dma_start3A_162 = tpu.memref_slice %arg6[%add3A_139, %dma_start3A_161] : memref<10240x128xf32, #tpu.memory_space<hbm>> -> memref<128x128xf32, #tpu.memory_space<hbm>>
      %dma_start3A_163 = arith.constant 0 : i32
      %dma_start3A_164 = arith.constant 0 : i32
      %dma_start3A_165 = tpu.memref_slice %arg11[%dma_start3A_154, %dma_start3A_163, %dma_start3A_164] : memref<2x128x128xf32, #tpu.memory_space<vmem>> -> memref<1x128x128xf32, #tpu.memory_space<vmem>>
      %dma_start3A_166 = tpu.memref_squeeze %dma_start3A_165 : memref<1x128x128xf32, #tpu.memory_space<vmem>> -> memref<128x128xf32, #tpu.memory_space<vmem>>
      tpu.enqueue_dma source(%dma_start3A_166 : memref<128x128xf32, #tpu.memory_space<vmem>>) target(%dma_start3A_162 : memref<128x128xf32, #tpu.memory_space<hbm>>) target_semaphore(%arg12 : memref<!tpu.dma_semaphore, #tpu.memory_space<semaphore_mem>>)
      %mul3A_167 = arith.constant 640 : i32
      %mul3A_168 = arith.muli %arg1, %mul3A_167 : i32
      %add3A_169 = arith.constant 512 : i32
      %add3A_170 = arith.addi %mul3A_168, %add3A_169 : i32
      %dma_wait3A_171 = arith.constant 0 : i32
      %dma_wait3A_172 = arith.constant 0 : i32
      %dma_wait3A_173 = arith.constant 0 : i32
      %dma_wait3A_174 = tpu.memref_slice %arg11[%dma_wait3A_171, %dma_wait3A_172, %dma_wait3A_173] : memref<2x128x128xf32, #tpu.memory_space<vmem>> -> memref<1x128x128xf32, #tpu.memory_space<vmem>>
      %dma_wait3A_175 = tpu.memref_squeeze %dma_wait3A_174 : memref<1x128x128xf32, #tpu.memory_space<vmem>> -> memref<128x128xf32, #tpu.memory_space<vmem>>
      %dma_wait3A_176 = arith.constant 0 : i32
      %dma_wait3A_177 = tpu.memref_slice %arg6[%add3A_108, %dma_wait3A_176] : memref<10240x128xf32, #tpu.memory_space<hbm>> -> memref<128x128xf32, #tpu.memory_space<hbm>>
      %dma_wait3A_178 = arith.constant 0 : i32
      %dma_wait3A_179 = tpu.memref_slice %arg6[%add3A_108, %dma_wait3A_178] : memref<10240x128xf32, #tpu.memory_space<hbm>> -> memref<128x128xf32, #tpu.memory_space<hbm>>
      %dma_wait3A_180 = arith.constant 0 : i32
      %dma_wait3A_181 = arith.constant 0 : i32
      %dma_wait3A_182 = tpu.memref_slice %arg11[%dma_wait3A_171, %dma_wait3A_180, %dma_wait3A_181] : memref<2x128x128xf32, #tpu.memory_space<vmem>> -> memref<1x128x128xf32, #tpu.memory_space<vmem>>
      %dma_wait3A_183 = tpu.memref_squeeze %dma_wait3A_182 : memref<1x128x128xf32, #tpu.memory_space<vmem>> -> memref<128x128xf32, #tpu.memory_space<vmem>>
      tpu.wait_dma2 semaphore(%arg12 : memref<!tpu.dma_semaphore, #tpu.memory_space<semaphore_mem>>) src(%dma_wait3A_183 : memref<128x128xf32, #tpu.memory_space<vmem>>) dst(%dma_wait3A_179 : memref<128x128xf32, #tpu.memory_space<hbm>>)
      %run_scoped3A_184 = arith.constant 0 : i32
      "tpu.region"() ({
        %run_scoped3A_224 = tpu.sem_alloc : memref<!tpu.dma_semaphore, #tpu.memory_space<semaphore_mem>>
        %dma_start3A_225 = arith.constant 0 : i32
        %dma_start3A_226 = arith.constant 0 : i32
        %dma_start3A_227 = tpu.memref_slice %arg11[%run_scoped3A_184, %dma_start3A_225, %dma_start3A_226] : memref<2x128x128xf32, #tpu.memory_space<vmem>> -> memref<1x128x128xf32, #tpu.memory_space<vmem>>
        %dma_start3A_228 = tpu.memref_squeeze %dma_start3A_227 : memref<1x128x128xf32, #tpu.memory_space<vmem>> -> memref<128x128xf32, #tpu.memory_space<vmem>>
        %dma_start3A_229 = arith.constant 0 : i32
        %dma_start3A_230 = tpu.memref_slice %arg8[%add3A_170, %dma_start3A_229] : memref<10240x128xf32, #tpu.memory_space<vmem_shared>> -> memref<128x128xf32, #tpu.memory_space<vmem_shared>>
        %dma_start3A_231 = arith.constant 0 : i32
        %dma_start3A_232 = arith.constant 0 : i32
        %dma_start3A_233 = tpu.memref_slice %arg11[%run_scoped3A_184, %dma_start3A_231, %dma_start3A_232] : memref<2x128x128xf32, #tpu.memory_space<vmem>> -> memref<1x128x128xf32, #tpu.memory_space<vmem>>
        %dma_start3A_234 = tpu.memref_squeeze %dma_start3A_233 : memref<1x128x128xf32, #tpu.memory_space<vmem>> -> memref<128x128xf32, #tpu.memory_space<vmem>>
        %dma_start3A_235 = arith.constant 0 : i32
        %dma_start3A_236 = tpu.memref_slice %arg8[%add3A_170, %dma_start3A_235] : memref<10240x128xf32, #tpu.memory_space<vmem_shared>> -> memref<128x128xf32, #tpu.memory_space<vmem_shared>>
        tpu.enqueue_dma source(%dma_start3A_236 : memref<128x128xf32, #tpu.memory_space<vmem_shared>>) target(%dma_start3A_234 : memref<128x128xf32, #tpu.memory_space<vmem>>) target_semaphore(%run_scoped3A_224 : memref<!tpu.dma_semaphore, #tpu.memory_space<semaphore_mem>>)
        %dma_wait3A_237 = arith.constant 0 : i32
        %dma_wait3A_238 = arith.constant 0 : i32
        %dma_wait3A_239 = tpu.memref_slice %arg11[%run_scoped3A_184, %dma_wait3A_237, %dma_wait3A_238] : memref<2x128x128xf32, #tpu.memory_space<vmem>> -> memref<1x128x128xf32, #tpu.memory_space<vmem>>
        %dma_wait3A_240 = tpu.memref_squeeze %dma_wait3A_239 : memref<1x128x128xf32, #tpu.memory_space<vmem>> -> memref<128x128xf32, #tpu.memory_space<vmem>>
        %dma_wait3A_241 = arith.constant 0 : i32
        %dma_wait3A_242 = tpu.memref_slice %arg8[%add3A_170, %dma_wait3A_241] : memref<10240x128xf32, #tpu.memory_space<vmem_shared>> -> memref<128x128xf32, #tpu.memory_space<vmem_shared>>
        %dma_wait3A_243 = arith.constant 0 : i32
        %dma_wait3A_244 = arith.constant 0 : i32
        %dma_wait3A_245 = tpu.memref_slice %arg11[%run_scoped3A_184, %dma_wait3A_243, %dma_wait3A_244] : memref<2x128x128xf32, #tpu.memory_space<vmem>> -> memref<1x128x128xf32, #tpu.memory_space<vmem>>
        %dma_wait3A_246 = tpu.memref_squeeze %dma_wait3A_245 : memref<1x128x128xf32, #tpu.memory_space<vmem>> -> memref<128x128xf32, #tpu.memory_space<vmem>>
        %dma_wait3A_247 = arith.constant 0 : i32
        %dma_wait3A_248 = tpu.memref_slice %arg8[%add3A_170, %dma_wait3A_247] : memref<10240x128xf32, #tpu.memory_space<vmem_shared>> -> memref<128x128xf32, #tpu.memory_space<vmem_shared>>
        tpu.wait_dma2 semaphore(%run_scoped3A_224 : memref<!tpu.dma_semaphore, #tpu.memory_space<semaphore_mem>>) src(%dma_wait3A_248 : memref<128x128xf32, #tpu.memory_space<vmem_shared>>) dst(%dma_wait3A_246 : memref<128x128xf32, #tpu.memory_space<vmem>>)
        tpu.yield
      }) : () -> ()
      %dma_start3A_185 = arith.constant 0 : i32
      %dma_start3A_186 = arith.constant 0 : i32
      %dma_start3A_187 = arith.constant 0 : i32
      %dma_start3A_188 = tpu.memref_slice %arg11[%dma_start3A_185, %dma_start3A_186, %dma_start3A_187] : memref<2x128x128xf32, #tpu.memory_space<vmem>> -> memref<1x128x128xf32, #tpu.memory_space<vmem>>
      %dma_start3A_189 = tpu.memref_squeeze %dma_start3A_188 : memref<1x128x128xf32, #tpu.memory_space<vmem>> -> memref<128x128xf32, #tpu.memory_space<vmem>>
      %dma_start3A_190 = arith.constant 0 : i32
      %dma_start3A_191 = tpu.memref_slice %arg6[%add3A_170, %dma_start3A_190] : memref<10240x128xf32, #tpu.memory_space<hbm>> -> memref<128x128xf32, #tpu.memory_space<hbm>>
      %dma_start3A_192 = arith.constant 0 : i32
      %dma_start3A_193 = tpu.memref_slice %arg6[%add3A_170, %dma_start3A_192] : memref<10240x128xf32, #tpu.memory_space<hbm>> -> memref<128x128xf32, #tpu.memory_space<hbm>>
      %dma_start3A_194 = arith.constant 0 : i32
      %dma_start3A_195 = arith.constant 0 : i32
      %dma_start3A_196 = tpu.memref_slice %arg11[%dma_start3A_185, %dma_start3A_194, %dma_start3A_195] : memref<2x128x128xf32, #tpu.memory_space<vmem>> -> memref<1x128x128xf32, #tpu.memory_space<vmem>>
      %dma_start3A_197 = tpu.memref_squeeze %dma_start3A_196 : memref<1x128x128xf32, #tpu.memory_space<vmem>> -> memref<128x128xf32, #tpu.memory_space<vmem>>
      tpu.enqueue_dma source(%dma_start3A_197 : memref<128x128xf32, #tpu.memory_space<vmem>>) target(%dma_start3A_193 : memref<128x128xf32, #tpu.memory_space<hbm>>) target_semaphore(%arg12 : memref<!tpu.dma_semaphore, #tpu.memory_space<semaphore_mem>>)
      %dma_wait3A_198 = arith.constant 1 : i32
      %dma_wait3A_199 = arith.constant 0 : i32
      %dma_wait3A_200 = arith.constant 0 : i32
      %dma_wait3A_201 = tpu.memref_slice %arg11[%dma_wait3A_198, %dma_wait3A_199, %dma_wait3A_200] : memref<2x128x128xf32, #tpu.memory_space<vmem>> -> memref<1x128x128xf32, #tpu.memory_space<vmem>>
      %dma_wait3A_202 = tpu.memref_squeeze %dma_wait3A_201 : memref<1x128x128xf32, #tpu.memory_space<vmem>> -> memref<128x128xf32, #tpu.memory_space<vmem>>
      %dma_wait3A_203 = arith.constant 0 : i32
      %dma_wait3A_204 = tpu.memref_slice %arg6[%add3A_139, %dma_wait3A_203] : memref<10240x128xf32, #tpu.memory_space<hbm>> -> memref<128x128xf32, #tpu.memory_space<hbm>>
      %dma_wait3A_205 = arith.constant 0 : i32
      %dma_wait3A_206 = tpu.memref_slice %arg6[%add3A_139, %dma_wait3A_205] : memref<10240x128xf32, #tpu.memory_space<hbm>> -> memref<128x128xf32, #tpu.memory_space<hbm>>
      %dma_wait3A_207 = arith.constant 0 : i32
      %dma_wait3A_208 = arith.constant 0 : i32
      %dma_wait3A_209 = tpu.memref_slice %arg11[%dma_wait3A_198, %dma_wait3A_207, %dma_wait3A_208] : memref<2x128x128xf32, #tpu.memory_space<vmem>> -> memref<1x128x128xf32, #tpu.memory_space<vmem>>
      %dma_wait3A_210 = tpu.memref_squeeze %dma_wait3A_209 : memref<1x128x128xf32, #tpu.memory_space<vmem>> -> memref<128x128xf32, #tpu.memory_space<vmem>>
      tpu.wait_dma2 semaphore(%arg12 : memref<!tpu.dma_semaphore, #tpu.memory_space<semaphore_mem>>) src(%dma_wait3A_210 : memref<128x128xf32, #tpu.memory_space<vmem>>) dst(%dma_wait3A_206 : memref<128x128xf32, #tpu.memory_space<hbm>>)
      %dma_wait3A_211 = arith.constant 0 : i32
      %dma_wait3A_212 = arith.constant 0 : i32
      %dma_wait3A_213 = arith.constant 0 : i32
      %dma_wait3A_214 = tpu.memref_slice %arg11[%dma_wait3A_211, %dma_wait3A_212, %dma_wait3A_213] : memref<2x128x128xf32, #tpu.memory_space<vmem>> -> memref<1x128x128xf32, #tpu.memory_space<vmem>>
      %dma_wait3A_215 = tpu.memref_squeeze %dma_wait3A_214 : memref<1x128x128xf32, #tpu.memory_space<vmem>> -> memref<128x128xf32, #tpu.memory_space<vmem>>
      %dma_wait3A_216 = arith.constant 0 : i32
      %dma_wait3A_217 = tpu.memref_slice %arg6[%add3A_170, %dma_wait3A_216] : memref<10240x128xf32, #tpu.memory_space<hbm>> -> memref<128x128xf32, #tpu.memory_space<hbm>>
      %dma_wait3A_218 = arith.constant 0 : i32
      %dma_wait3A_219 = tpu.memref_slice %arg6[%add3A_170, %dma_wait3A_218] : memref<10240x128xf32, #tpu.memory_space<hbm>> -> memref<128x128xf32, #tpu.memory_space<hbm>>
      %dma_wait3A_220 = arith.constant 0 : i32
      %dma_wait3A_221 = arith.constant 0 : i32
      %dma_wait3A_222 = tpu.memref_slice %arg11[%dma_wait3A_211, %dma_wait3A_220, %dma_wait3A_221] : memref<2x128x128xf32, #tpu.memory_space<vmem>> -> memref<1x128x128xf32, #tpu.memory_space<vmem>>
      %dma_wait3A_223 = tpu.memref_squeeze %dma_wait3A_222 : memref<1x128x128xf32, #tpu.memory_space<vmem>> -> memref<128x128xf32, #tpu.memory_space<vmem>>
      tpu.wait_dma2 semaphore(%arg12 : memref<!tpu.dma_semaphore, #tpu.memory_space<semaphore_mem>>) src(%dma_wait3A_223 : memref<128x128xf32, #tpu.memory_space<vmem>>) dst(%dma_wait3A_219 : memref<128x128xf32, #tpu.memory_space<hbm>>)
    } else {
    }
    %eq3A_30 = arith.constant 1 : i32
    %eq3A_31 = arith.cmpi eq, %arg0, %eq3A_30 : i32
    %convert_element_type3A_32 = arith.extui %eq3A_31 : i1 to i32
    %cond3A_33 = arith.constant 0 : i32
    %cond3A_34 = arith.cmpi ne, %convert_element_type3A_32, %cond3A_33 : i32
    scf.if %cond3A_34 {
      %run_scoped3A_35 = arith.constant 0 : i32
      %run_scoped3A_36 = arith.constant 0 : i32
      "tpu.region"() ({
        %run_scoped3A_224 = tpu.sem_alloc : memref<!tpu.dma_semaphore, #tpu.memory_space<semaphore_mem>>
        %dma_start3A_225 = arith.constant 0 : i32
        %dma_start3A_226 = arith.constant 0 : i32
        %dma_start3A_227 = tpu.memref_slice %arg9[%run_scoped3A_36, %dma_start3A_225, %dma_start3A_226] : memref<2x1x128xi32, #tpu.memory_space<vmem>> -> memref<1x1x128xi32, #tpu.memory_space<vmem>>
        %dma_start3A_228 = tpu.memref_squeeze %dma_start3A_227 : memref<1x1x128xi32, #tpu.memory_space<vmem>> -> memref<1x128xi32, #tpu.memory_space<vmem>>
        %dma_start3A_229 = arith.constant 0 : i32
        %dma_start3A_230 = arith.constant 0 : i32
        %dma_start3A_231 = tpu.memref_slice %arg4[%arg1, %run_scoped3A_35, %dma_start3A_229, %dma_start3A_230] : memref<16x157x1x128xi32, #tpu.memory_space<hbm>> -> memref<1x1x1x128xi32, #tpu.memory_space<hbm>>
        %dma_start3A_232 = tpu.memref_squeeze %dma_start3A_231 : memref<1x1x1x128xi32, #tpu.memory_space<hbm>> -> memref<1x128xi32, #tpu.memory_space<hbm>>
        %dma_start3A_233 = arith.constant 0 : i32
        %dma_start3A_234 = arith.constant 0 : i32
        %dma_start3A_235 = tpu.memref_slice %arg9[%run_scoped3A_36, %dma_start3A_233, %dma_start3A_234] : memref<2x1x128xi32, #tpu.memory_space<vmem>> -> memref<1x1x128xi32, #tpu.memory_space<vmem>>
        %dma_start3A_236 = tpu.memref_squeeze %dma_start3A_235 : memref<1x1x128xi32, #tpu.memory_space<vmem>> -> memref<1x128xi32, #tpu.memory_space<vmem>>
        %dma_start3A_237 = arith.constant 0 : i32
        %dma_start3A_238 = arith.constant 0 : i32
        %dma_start3A_239 = tpu.memref_slice %arg4[%arg1, %run_scoped3A_35, %dma_start3A_237, %dma_start3A_238] : memref<16x157x1x128xi32, #tpu.memory_space<hbm>> -> memref<1x1x1x128xi32, #tpu.memory_space<hbm>>
        %dma_start3A_240 = tpu.memref_squeeze %dma_start3A_239 : memref<1x1x1x128xi32, #tpu.memory_space<hbm>> -> memref<1x128xi32, #tpu.memory_space<hbm>>
        tpu.enqueue_dma source(%dma_start3A_240 : memref<1x128xi32, #tpu.memory_space<hbm>>) target(%dma_start3A_236 : memref<1x128xi32, #tpu.memory_space<vmem>>) target_semaphore(%run_scoped3A_224 : memref<!tpu.dma_semaphore, #tpu.memory_space<semaphore_mem>>)
        %dma_wait3A_241 = arith.constant 0 : i32
        %dma_wait3A_242 = arith.constant 0 : i32
        %dma_wait3A_243 = tpu.memref_slice %arg9[%run_scoped3A_36, %dma_wait3A_241, %dma_wait3A_242] : memref<2x1x128xi32, #tpu.memory_space<vmem>> -> memref<1x1x128xi32, #tpu.memory_space<vmem>>
        %dma_wait3A_244 = tpu.memref_squeeze %dma_wait3A_243 : memref<1x1x128xi32, #tpu.memory_space<vmem>> -> memref<1x128xi32, #tpu.memory_space<vmem>>
        %dma_wait3A_245 = arith.constant 0 : i32
        %dma_wait3A_246 = arith.constant 0 : i32
        %dma_wait3A_247 = tpu.memref_slice %arg4[%arg1, %run_scoped3A_35, %dma_wait3A_245, %dma_wait3A_246] : memref<16x157x1x128xi32, #tpu.memory_space<hbm>> -> memref<1x1x1x128xi32, #tpu.memory_space<hbm>>
        %dma_wait3A_248 = tpu.memref_squeeze %dma_wait3A_247 : memref<1x1x1x128xi32, #tpu.memory_space<hbm>> -> memref<1x128xi32, #tpu.memory_space<hbm>>
        %dma_wait3A_249 = arith.constant 0 : i32
        %dma_wait3A_250 = arith.constant 0 : i32
        %dma_wait3A_251 = tpu.memref_slice %arg9[%run_scoped3A_36, %dma_wait3A_249, %dma_wait3A_250] : memref<2x1x128xi32, #tpu.memory_space<vmem>> -> memref<1x1x128xi32, #tpu.memory_space<vmem>>
        %dma_wait3A_252 = tpu.memref_squeeze %dma_wait3A_251 : memref<1x1x128xi32, #tpu.memory_space<vmem>> -> memref<1x128xi32, #tpu.memory_space<vmem>>
        %dma_wait3A_253 = arith.constant 0 : i32
        %dma_wait3A_254 = arith.constant 0 : i32
        %dma_wait3A_255 = tpu.memref_slice %arg4[%arg1, %run_scoped3A_35, %dma_wait3A_253, %dma_wait3A_254] : memref<16x157x1x128xi32, #tpu.memory_space<hbm>> -> memref<1x1x1x128xi32, #tpu.memory_space<hbm>>
        %dma_wait3A_256 = tpu.memref_squeeze %dma_wait3A_255 : memref<1x1x1x128xi32, #tpu.memory_space<hbm>> -> memref<1x128xi32, #tpu.memory_space<hbm>>
        tpu.wait_dma2 semaphore(%run_scoped3A_224 : memref<!tpu.dma_semaphore, #tpu.memory_space<semaphore_mem>>) src(%dma_wait3A_256 : memref<1x128xi32, #tpu.memory_space<hbm>>) dst(%dma_wait3A_252 : memref<1x128xi32, #tpu.memory_space<vmem>>)
        tpu.yield
      }) : () -> ()
      %scan3A_37 = arith.constant 0 : i32
      %scan3A_38 = arith.constant 0 : i32
      %scan3A_39 = arith.constant 157 : i32
      %scan3A_40 = arith.addi %scan3A_38, %scan3A_39 : i32
      %scan3A_41 = arith.constant 1 : i32
      %scan3A_42 = scf.for %scan3A_224 = %scan3A_38 to %scan3A_40 step %scan3A_41 iter_args(%scan3A_225 = %scan3A_37) -> (i32)  : i32 {
        %rem3A = arith.constant 2 : i32
        %rem3A_226 = arith.remsi %scan3A_224, %rem3A : i32
        %dma_start3A_227 = arith.constant 0 : i32
        %dma_start3A_228 = arith.constant 0 : i32
        %dma_start3A_229 = arith.constant 0 : i32
        %dma_start3A_230 = tpu.memref_slice %arg11[%rem3A_226, %dma_start3A_228, %dma_start3A_229] : memref<2x128x128xf32, #tpu.memory_space<vmem>> -> memref<1x128x128xf32, #tpu.memory_space<vmem>>
        %dma_start3A_231 = tpu.memref_squeeze %dma_start3A_230 : memref<1x128x128xf32, #tpu.memory_space<vmem>> -> memref<128x128xf32, #tpu.memory_space<vmem>>
        %dma_start3A_232 = arith.constant 0 : i32
        %dma_start3A_233 = tpu.memref_slice %arg9[%rem3A_226, %dma_start3A_227, %dma_start3A_232] : memref<2x1x128xi32, #tpu.memory_space<vmem>> -> memref<1x1x128xi32, #tpu.memory_space<vmem>>
        %dma_start3A_234 = tpu.memref_squeeze %dma_start3A_233 : memref<1x1x128xi32, #tpu.memory_space<vmem>> -> memref<128xi32, #tpu.memory_space<vmem>>
        %dma_start3A_235 = arith.constant 0 : i32
        %dma_start3A_236 = arith.constant 0 : i32
        %dma_start3A_237 = tpu.memref_slice %arg3[%dma_start3A_235, %dma_start3A_236] : memref<10240x128xf32, #tpu.memory_space<hbm>> -> memref<10240x128xf32, #tpu.memory_space<hbm>>
        tpu.enqueue_indirect_dma source(%dma_start3A_237 : memref<10240x128xf32, #tpu.memory_space<hbm>>) target(%dma_start3A_231 : memref<128x128xf32, #tpu.memory_space<vmem>>) offsets(%dma_start3A_234 : memref<128xi32, #tpu.memory_space<vmem>>) semaphore(%arg12 : memref<!tpu.dma_semaphore, #tpu.memory_space<semaphore_mem>>)
        "tpu.region"() ({
          %run_scoped3A_260 = tpu.sem_alloc : memref<!tpu.dma_semaphore, #tpu.memory_space<semaphore_mem>>
          %dma_start3A_261 = arith.constant 0 : i32
          %dma_start3A_262 = arith.constant 0 : i32
          %dma_start3A_263 = tpu.memref_slice %arg10[%rem3A_226, %dma_start3A_261, %dma_start3A_262] : memref<2x1x128xi32, #tpu.memory_space<vmem>> -> memref<1x1x128xi32, #tpu.memory_space<vmem>>
          %dma_start3A_264 = tpu.memref_squeeze %dma_start3A_263 : memref<1x1x128xi32, #tpu.memory_space<vmem>> -> memref<1x128xi32, #tpu.memory_space<vmem>>
          %dma_start3A_265 = arith.constant 0 : i32
          %dma_start3A_266 = arith.constant 0 : i32
          %dma_start3A_267 = tpu.memref_slice %arg5[%arg1, %scan3A_224, %dma_start3A_265, %dma_start3A_266] : memref<16x157x1x128xi32, #tpu.memory_space<hbm>> -> memref<1x1x1x128xi32, #tpu.memory_space<hbm>>
          %dma_start3A_268 = tpu.memref_squeeze %dma_start3A_267 : memref<1x1x1x128xi32, #tpu.memory_space<hbm>> -> memref<1x128xi32, #tpu.memory_space<hbm>>
          %dma_start3A_269 = arith.constant 0 : i32
          %dma_start3A_270 = arith.constant 0 : i32
          %dma_start3A_271 = tpu.memref_slice %arg10[%rem3A_226, %dma_start3A_269, %dma_start3A_270] : memref<2x1x128xi32, #tpu.memory_space<vmem>> -> memref<1x1x128xi32, #tpu.memory_space<vmem>>
          %dma_start3A_272 = tpu.memref_squeeze %dma_start3A_271 : memref<1x1x128xi32, #tpu.memory_space<vmem>> -> memref<1x128xi32, #tpu.memory_space<vmem>>
          %dma_start3A_273 = arith.constant 0 : i32
          %dma_start3A_274 = arith.constant 0 : i32
          %dma_start3A_275 = tpu.memref_slice %arg5[%arg1, %scan3A_224, %dma_start3A_273, %dma_start3A_274] : memref<16x157x1x128xi32, #tpu.memory_space<hbm>> -> memref<1x1x1x128xi32, #tpu.memory_space<hbm>>
          %dma_start3A_276 = tpu.memref_squeeze %dma_start3A_275 : memref<1x1x1x128xi32, #tpu.memory_space<hbm>> -> memref<1x128xi32, #tpu.memory_space<hbm>>
          tpu.enqueue_dma source(%dma_start3A_276 : memref<1x128xi32, #tpu.memory_space<hbm>>) target(%dma_start3A_272 : memref<1x128xi32, #tpu.memory_space<vmem>>) target_semaphore(%run_scoped3A_260 : memref<!tpu.dma_semaphore, #tpu.memory_space<semaphore_mem>>)
          %dma_wait3A_277 = arith.constant 0 : i32
          %dma_wait3A_278 = arith.constant 0 : i32
          %dma_wait3A_279 = tpu.memref_slice %arg10[%rem3A_226, %dma_wait3A_277, %dma_wait3A_278] : memref<2x1x128xi32, #tpu.memory_space<vmem>> -> memref<1x1x128xi32, #tpu.memory_space<vmem>>
          %dma_wait3A_280 = tpu.memref_squeeze %dma_wait3A_279 : memref<1x1x128xi32, #tpu.memory_space<vmem>> -> memref<1x128xi32, #tpu.memory_space<vmem>>
          %dma_wait3A_281 = arith.constant 0 : i32
          %dma_wait3A_282 = arith.constant 0 : i32
          %dma_wait3A_283 = tpu.memref_slice %arg5[%arg1, %scan3A_224, %dma_wait3A_281, %dma_wait3A_282] : memref<16x157x1x128xi32, #tpu.memory_space<hbm>> -> memref<1x1x1x128xi32, #tpu.memory_space<hbm>>
          %dma_wait3A_284 = tpu.memref_squeeze %dma_wait3A_283 : memref<1x1x1x128xi32, #tpu.memory_space<hbm>> -> memref<1x128xi32, #tpu.memory_space<hbm>>
          %dma_wait3A_285 = arith.constant 0 : i32
          %dma_wait3A_286 = arith.constant 0 : i32
          %dma_wait3A_287 = tpu.memref_slice %arg10[%rem3A_226, %dma_wait3A_285, %dma_wait3A_286] : memref<2x1x128xi32, #tpu.memory_space<vmem>> -> memref<1x1x128xi32, #tpu.memory_space<vmem>>
          %dma_wait3A_288 = tpu.memref_squeeze %dma_wait3A_287 : memref<1x1x128xi32, #tpu.memory_space<vmem>> -> memref<1x128xi32, #tpu.memory_space<vmem>>
          %dma_wait3A_289 = arith.constant 0 : i32
          %dma_wait3A_290 = arith.constant 0 : i32
          %dma_wait3A_291 = tpu.memref_slice %arg5[%arg1, %scan3A_224, %dma_wait3A_289, %dma_wait3A_290] : memref<16x157x1x128xi32, #tpu.memory_space<hbm>> -> memref<1x1x1x128xi32, #tpu.memory_space<hbm>>
          %dma_wait3A_292 = tpu.memref_squeeze %dma_wait3A_291 : memref<1x1x1x128xi32, #tpu.memory_space<hbm>> -> memref<1x128xi32, #tpu.memory_space<hbm>>
          tpu.wait_dma2 semaphore(%run_scoped3A_260 : memref<!tpu.dma_semaphore, #tpu.memory_space<semaphore_mem>>) src(%dma_wait3A_292 : memref<1x128xi32, #tpu.memory_space<hbm>>) dst(%dma_wait3A_288 : memref<1x128xi32, #tpu.memory_space<vmem>>)
          tpu.yield
        }) : () -> ()
        %add3A_238 = arith.constant 1 : i32
        %add3A_239 = arith.addi %scan3A_224, %add3A_238 : i32
        %lt3A = arith.constant 157 : i32
        %lt3A_240 = arith.cmpi slt, %add3A_239, %lt3A : i32
        %convert_element_type3A_241 = arith.extui %lt3A_240 : i1 to i32
        %cond3A_242 = arith.constant 0 : i32
        %cond3A_243 = arith.cmpi ne, %convert_element_type3A_241, %cond3A_242 : i32
        scf.if %cond3A_243 {
          %add3A_260 = arith.constant 1 : i32
          %add3A_261 = arith.addi %scan3A_224, %add3A_260 : i32
          %sub3A = arith.constant 1 : i32
          %sub3A_262 = arith.subi %sub3A, %rem3A_226 : i32
          "tpu.region"() ({
            %run_scoped3A_263 = tpu.sem_alloc : memref<!tpu.dma_semaphore, #tpu.memory_space<semaphore_mem>>
            %dma_start3A_264 = arith.constant 0 : i32
            %dma_start3A_265 = arith.constant 0 : i32
            %dma_start3A_266 = tpu.memref_slice %arg9[%sub3A_262, %dma_start3A_264, %dma_start3A_265] : memref<2x1x128xi32, #tpu.memory_space<vmem>> -> memref<1x1x128xi32, #tpu.memory_space<vmem>>
            %dma_start3A_267 = tpu.memref_squeeze %dma_start3A_266 : memref<1x1x128xi32, #tpu.memory_space<vmem>> -> memref<1x128xi32, #tpu.memory_space<vmem>>
            %dma_start3A_268 = arith.constant 0 : i32
            %dma_start3A_269 = arith.constant 0 : i32
            %dma_start3A_270 = tpu.memref_slice %arg4[%arg1, %add3A_261, %dma_start3A_268, %dma_start3A_269] : memref<16x157x1x128xi32, #tpu.memory_space<hbm>> -> memref<1x1x1x128xi32, #tpu.memory_space<hbm>>
            %dma_start3A_271 = tpu.memref_squeeze %dma_start3A_270 : memref<1x1x1x128xi32, #tpu.memory_space<hbm>> -> memref<1x128xi32, #tpu.memory_space<hbm>>
            %dma_start3A_272 = arith.constant 0 : i32
            %dma_start3A_273 = arith.constant 0 : i32
            %dma_start3A_274 = tpu.memref_slice %arg9[%sub3A_262, %dma_start3A_272, %dma_start3A_273] : memref<2x1x128xi32, #tpu.memory_space<vmem>> -> memref<1x1x128xi32, #tpu.memory_space<vmem>>
            %dma_start3A_275 = tpu.memref_squeeze %dma_start3A_274 : memref<1x1x128xi32, #tpu.memory_space<vmem>> -> memref<1x128xi32, #tpu.memory_space<vmem>>
            %dma_start3A_276 = arith.constant 0 : i32
            %dma_start3A_277 = arith.constant 0 : i32
            %dma_start3A_278 = tpu.memref_slice %arg4[%arg1, %add3A_261, %dma_start3A_276, %dma_start3A_277] : memref<16x157x1x128xi32, #tpu.memory_space<hbm>> -> memref<1x1x1x128xi32, #tpu.memory_space<hbm>>
            %dma_start3A_279 = tpu.memref_squeeze %dma_start3A_278 : memref<1x1x1x128xi32, #tpu.memory_space<hbm>> -> memref<1x128xi32, #tpu.memory_space<hbm>>
            tpu.enqueue_dma source(%dma_start3A_279 : memref<1x128xi32, #tpu.memory_space<hbm>>) target(%dma_start3A_275 : memref<1x128xi32, #tpu.memory_space<vmem>>) target_semaphore(%run_scoped3A_263 : memref<!tpu.dma_semaphore, #tpu.memory_space<semaphore_mem>>)
            %dma_wait3A_280 = arith.constant 0 : i32
            %dma_wait3A_281 = arith.constant 0 : i32
            %dma_wait3A_282 = tpu.memref_slice %arg9[%sub3A_262, %dma_wait3A_280, %dma_wait3A_281] : memref<2x1x128xi32, #tpu.memory_space<vmem>> -> memref<1x1x128xi32, #tpu.memory_space<vmem>>
            %dma_wait3A_283 = tpu.memref_squeeze %dma_wait3A_282 : memref<1x1x128xi32, #tpu.memory_space<vmem>> -> memref<1x128xi32, #tpu.memory_space<vmem>>
            %dma_wait3A_284 = arith.constant 0 : i32
            %dma_wait3A_285 = arith.constant 0 : i32
            %dma_wait3A_286 = tpu.memref_slice %arg4[%arg1, %add3A_261, %dma_wait3A_284, %dma_wait3A_285] : memref<16x157x1x128xi32, #tpu.memory_space<hbm>> -> memref<1x1x1x128xi32, #tpu.memory_space<hbm>>
            %dma_wait3A_287 = tpu.memref_squeeze %dma_wait3A_286 : memref<1x1x1x128xi32, #tpu.memory_space<hbm>> -> memref<1x128xi32, #tpu.memory_space<hbm>>
            %dma_wait3A_288 = arith.constant 0 : i32
            %dma_wait3A_289 = arith.constant 0 : i32
            %dma_wait3A_290 = tpu.memref_slice %arg9[%sub3A_262, %dma_wait3A_288, %dma_wait3A_289] : memref<2x1x128xi32, #tpu.memory_space<vmem>> -> memref<1x1x128xi32, #tpu.memory_space<vmem>>
            %dma_wait3A_291 = tpu.memref_squeeze %dma_wait3A_290 : memref<1x1x128xi32, #tpu.memory_space<vmem>> -> memref<1x128xi32, #tpu.memory_space<vmem>>
            %dma_wait3A_292 = arith.constant 0 : i32
            %dma_wait3A_293 = arith.constant 0 : i32
            %dma_wait3A_294 = tpu.memref_slice %arg4[%arg1, %add3A_261, %dma_wait3A_292, %dma_wait3A_293] : memref<16x157x1x128xi32, #tpu.memory_space<hbm>> -> memref<1x1x1x128xi32, #tpu.memory_space<hbm>>
            %dma_wait3A_295 = tpu.memref_squeeze %dma_wait3A_294 : memref<1x1x1x128xi32, #tpu.memory_space<hbm>> -> memref<1x128xi32, #tpu.memory_space<hbm>>
            tpu.wait_dma2 semaphore(%run_scoped3A_263 : memref<!tpu.dma_semaphore, #tpu.memory_space<semaphore_mem>>) src(%dma_wait3A_295 : memref<1x128xi32, #tpu.memory_space<hbm>>) dst(%dma_wait3A_291 : memref<1x128xi32, #tpu.memory_space<vmem>>)
            tpu.yield
          }) : () -> ()
        } else {
        }
        %gt3A = arith.constant 0 : i32
        %gt3A_244 = arith.cmpi sgt, %scan3A_224, %gt3A : i32
        %convert_element_type3A_245 = arith.extui %gt3A_244 : i1 to i32
        %cond3A_246 = arith.constant 0 : i32
        %cond3A_247 = arith.cmpi ne, %convert_element_type3A_245, %cond3A_246 : i32
        scf.if %cond3A_247 {
          %sub3A = arith.constant 1 : i32
          %sub3A_260 = arith.subi %sub3A, %rem3A_226 : i32
          %sub3A_261 = arith.constant 1 : i32
          %sub3A_262 = arith.subi %sub3A_261, %rem3A_226 : i32
          %dma_start3A_263 = arith.constant 0 : i32
          %dma_start3A_264 = arith.constant 0 : i32
          %dma_start3A_265 = arith.constant 0 : i32
          %dma_start3A_266 = tpu.memref_slice %arg11[%sub3A_260, %dma_start3A_264, %dma_start3A_265] : memref<2x128x128xf32, #tpu.memory_space<vmem>> -> memref<1x128x128xf32, #tpu.memory_space<vmem>>
          %dma_start3A_267 = tpu.memref_squeeze %dma_start3A_266 : memref<1x128x128xf32, #tpu.memory_space<vmem>> -> memref<128x128xf32, #tpu.memory_space<vmem>>
          %dma_start3A_268 = arith.constant 0 : i32
          %dma_start3A_269 = tpu.memref_slice %arg10[%sub3A_262, %dma_start3A_263, %dma_start3A_268] : memref<2x1x128xi32, #tpu.memory_space<vmem>> -> memref<1x1x128xi32, #tpu.memory_space<vmem>>
          %dma_start3A_270 = tpu.memref_squeeze %dma_start3A_269 : memref<1x1x128xi32, #tpu.memory_space<vmem>> -> memref<128xi32, #tpu.memory_space<vmem>>
          %dma_start3A_271 = arith.constant 0 : i32
          %dma_start3A_272 = arith.constant 0 : i32
          %dma_start3A_273 = tpu.memref_slice %arg8[%dma_start3A_271, %dma_start3A_272] : memref<10240x128xf32, #tpu.memory_space<vmem_shared>> -> memref<10240x128xf32, #tpu.memory_space<vmem_shared>>
          tpu.enqueue_indirect_dma source(%dma_start3A_267 : memref<128x128xf32, #tpu.memory_space<vmem>>) target(%dma_start3A_273 : memref<10240x128xf32, #tpu.memory_space<vmem_shared>>) offsets(%dma_start3A_270 : memref<128xi32, #tpu.memory_space<vmem>>) semaphore(%arg13 : memref<!tpu.dma_semaphore, #tpu.memory_space<semaphore_mem>>) {add = true}
          %dma_wait3A_274 = arith.constant 0 : i32
          %dma_wait3A_275 = arith.constant 0 : i32
          %dma_wait3A_276 = arith.constant 0 : i32
          %dma_wait3A_277 = tpu.memref_slice %arg11[%sub3A_260, %dma_wait3A_275, %dma_wait3A_276] : memref<2x128x128xf32, #tpu.memory_space<vmem>> -> memref<1x128x128xf32, #tpu.memory_space<vmem>>
          %dma_wait3A_278 = tpu.memref_squeeze %dma_wait3A_277 : memref<1x128x128xf32, #tpu.memory_space<vmem>> -> memref<128x128xf32, #tpu.memory_space<vmem>>
          %dma_wait3A_279 = arith.constant 0 : i32
          %dma_wait3A_280 = tpu.memref_slice %arg10[%sub3A_262, %dma_wait3A_274, %dma_wait3A_279] : memref<2x1x128xi32, #tpu.memory_space<vmem>> -> memref<1x1x128xi32, #tpu.memory_space<vmem>>
          %dma_wait3A_281 = tpu.memref_squeeze %dma_wait3A_280 : memref<1x1x128xi32, #tpu.memory_space<vmem>> -> memref<128xi32, #tpu.memory_space<vmem>>
          %dma_wait3A_282 = arith.constant 0 : i32
          %dma_wait3A_283 = arith.constant 0 : i32
          %dma_wait3A_284 = tpu.memref_slice %arg8[%dma_wait3A_282, %dma_wait3A_283] : memref<10240x128xf32, #tpu.memory_space<vmem_shared>> -> memref<10240x128xf32, #tpu.memory_space<vmem_shared>>
          tpu.wait_indirect_dma semaphore(%arg13 : memref<!tpu.dma_semaphore, #tpu.memory_space<semaphore_mem>>) src(%dma_wait3A_278 : memref<128x128xf32, #tpu.memory_space<vmem>>) dst(%dma_wait3A_284 : memref<10240x128xf32, #tpu.memory_space<vmem_shared>>)
        } else {
        }
        %dma_wait3A_248 = arith.constant 0 : i32
        %dma_wait3A_249 = arith.constant 0 : i32
        %dma_wait3A_250 = arith.constant 0 : i32
        %dma_wait3A_251 = tpu.memref_slice %arg11[%rem3A_226, %dma_wait3A_249, %dma_wait3A_250] : memref<2x128x128xf32, #tpu.memory_space<vmem>> -> memref<1x128x128xf32, #tpu.memory_space<vmem>>
        %dma_wait3A_252 = tpu.memref_squeeze %dma_wait3A_251 : memref<1x128x128xf32, #tpu.memory_space<vmem>> -> memref<128x128xf32, #tpu.memory_space<vmem>>
        %dma_wait3A_253 = arith.constant 0 : i32
        %dma_wait3A_254 = tpu.memref_slice %arg9[%rem3A_226, %dma_wait3A_248, %dma_wait3A_253] : memref<2x1x128xi32, #tpu.memory_space<vmem>> -> memref<1x1x128xi32, #tpu.memory_space<vmem>>
        %dma_wait3A_255 = tpu.memref_squeeze %dma_wait3A_254 : memref<1x1x128xi32, #tpu.memory_space<vmem>> -> memref<128xi32, #tpu.memory_space<vmem>>
        %dma_wait3A_256 = arith.constant 0 : i32
        %dma_wait3A_257 = arith.constant 0 : i32
        %dma_wait3A_258 = tpu.memref_slice %arg3[%dma_wait3A_256, %dma_wait3A_257] : memref<10240x128xf32, #tpu.memory_space<hbm>> -> memref<10240x128xf32, #tpu.memory_space<hbm>>
        tpu.wait_indirect_dma semaphore(%arg12 : memref<!tpu.dma_semaphore, #tpu.memory_space<semaphore_mem>>) src(%dma_wait3A_258 : memref<10240x128xf32, #tpu.memory_space<hbm>>) dst(%dma_wait3A_252 : memref<128x128xf32, #tpu.memory_space<vmem>>)
        %scan3A_259 = arith.constant 0 : i32
        scf.yield %scan3A_259 : i32
      }
      %scan3A_43 = arith.constant 157 : i32
      %dma_start3A = arith.constant 0 : i32
      %dma_start3A_44 = arith.constant 0 : i32
      %dma_start3A_45 = arith.constant 0 : i32
      %dma_start3A_46 = arith.constant 0 : i32
      %dma_start3A_47 = arith.constant 0 : i32
      %dma_start3A_48 = tpu.memref_slice %arg11[%dma_start3A, %dma_start3A_46, %dma_start3A_47] : memref<2x128x128xf32, #tpu.memory_space<vmem>> -> memref<1x128x128xf32, #tpu.memory_space<vmem>>
      %dma_start3A_49 = tpu.memref_squeeze %dma_start3A_48 : memref<1x128x128xf32, #tpu.memory_space<vmem>> -> memref<128x128xf32, #tpu.memory_space<vmem>>
      %dma_start3A_50 = arith.constant 0 : i32
      %dma_start3A_51 = tpu.memref_slice %arg10[%dma_start3A_44, %dma_start3A_45, %dma_start3A_50] : memref<2x1x128xi32, #tpu.memory_space<vmem>> -> memref<1x1x128xi32, #tpu.memory_space<vmem>>
      %dma_start3A_52 = tpu.memref_squeeze %dma_start3A_51 : memref<1x1x128xi32, #tpu.memory_space<vmem>> -> memref<128xi32, #tpu.memory_space<vmem>>
      %dma_start3A_53 = arith.constant 0 : i32
      %dma_start3A_54 = arith.constant 0 : i32
      %dma_start3A_55 = tpu.memref_slice %arg8[%dma_start3A_53, %dma_start3A_54] : memref<10240x128xf32, #tpu.memory_space<vmem_shared>> -> memref<10240x128xf32, #tpu.memory_space<vmem_shared>>
      tpu.enqueue_indirect_dma source(%dma_start3A_49 : memref<128x128xf32, #tpu.memory_space<vmem>>) target(%dma_start3A_55 : memref<10240x128xf32, #tpu.memory_space<vmem_shared>>) offsets(%dma_start3A_52 : memref<128xi32, #tpu.memory_space<vmem>>) semaphore(%arg13 : memref<!tpu.dma_semaphore, #tpu.memory_space<semaphore_mem>>) {add = true}
      %dma_wait3A = arith.constant 0 : i32
      %dma_wait3A_56 = arith.constant 0 : i32
      %dma_wait3A_57 = arith.constant 0 : i32
      %dma_wait3A_58 = arith.constant 0 : i32
      %dma_wait3A_59 = arith.constant 0 : i32
      %dma_wait3A_60 = tpu.memref_slice %arg11[%dma_wait3A, %dma_wait3A_58, %dma_wait3A_59] : memref<2x128x128xf32, #tpu.memory_space<vmem>> -> memref<1x128x128xf32, #tpu.memory_space<vmem>>
      %dma_wait3A_61 = tpu.memref_squeeze %dma_wait3A_60 : memref<1x128x128xf32, #tpu.memory_space<vmem>> -> memref<128x128xf32, #tpu.memory_space<vmem>>
      %dma_wait3A_62 = arith.constant 0 : i32
      %dma_wait3A_63 = tpu.memref_slice %arg10[%dma_wait3A_56, %dma_wait3A_57, %dma_wait3A_62] : memref<2x1x128xi32, #tpu.memory_space<vmem>> -> memref<1x1x128xi32, #tpu.memory_space<vmem>>
      %dma_wait3A_64 = tpu.memref_squeeze %dma_wait3A_63 : memref<1x1x128xi32, #tpu.memory_space<vmem>> -> memref<128xi32, #tpu.memory_space<vmem>>
      %dma_wait3A_65 = arith.constant 0 : i32
      %dma_wait3A_66 = arith.constant 0 : i32
      %dma_wait3A_67 = tpu.memref_slice %arg8[%dma_wait3A_65, %dma_wait3A_66] : memref<10240x128xf32, #tpu.memory_space<vmem_shared>> -> memref<10240x128xf32, #tpu.memory_space<vmem_shared>>
      tpu.wait_indirect_dma semaphore(%arg13 : memref<!tpu.dma_semaphore, #tpu.memory_space<semaphore_mem>>) src(%dma_wait3A_61 : memref<128x128xf32, #tpu.memory_space<vmem>>) dst(%dma_wait3A_67 : memref<10240x128xf32, #tpu.memory_space<vmem_shared>>)
      %barrier3A_68 = arith.constant 0 : index
      tpu.barrier barrier_id(%barrier3A_68)
      %mul3A_69 = arith.constant 640 : i32
      %mul3A_70 = arith.muli %arg1, %mul3A_69 : i32
      %add3A_71 = arith.constant 0 : i32
      %add3A_72 = arith.addi %mul3A_70, %add3A_71 : i32
      %run_scoped3A_73 = arith.constant 0 : i32
      "tpu.region"() ({
        %run_scoped3A_224 = tpu.sem_alloc : memref<!tpu.dma_semaphore, #tpu.memory_space<semaphore_mem>>
        %dma_start3A_225 = arith.constant 0 : i32
        %dma_start3A_226 = arith.constant 0 : i32
        %dma_start3A_227 = tpu.memref_slice %arg11[%run_scoped3A_73, %dma_start3A_225, %dma_start3A_226] : memref<2x128x128xf32, #tpu.memory_space<vmem>> -> memref<1x128x128xf32, #tpu.memory_space<vmem>>
        %dma_start3A_228 = tpu.memref_squeeze %dma_start3A_227 : memref<1x128x128xf32, #tpu.memory_space<vmem>> -> memref<128x128xf32, #tpu.memory_space<vmem>>
        %dma_start3A_229 = arith.constant 0 : i32
        %dma_start3A_230 = tpu.memref_slice %arg8[%add3A_72, %dma_start3A_229] : memref<10240x128xf32, #tpu.memory_space<vmem_shared>> -> memref<128x128xf32, #tpu.memory_space<vmem_shared>>
        %dma_start3A_231 = arith.constant 0 : i32
        %dma_start3A_232 = arith.constant 0 : i32
        %dma_start3A_233 = tpu.memref_slice %arg11[%run_scoped3A_73, %dma_start3A_231, %dma_start3A_232] : memref<2x128x128xf32, #tpu.memory_space<vmem>> -> memref<1x128x128xf32, #tpu.memory_space<vmem>>
        %dma_start3A_234 = tpu.memref_squeeze %dma_start3A_233 : memref<1x128x128xf32, #tpu.memory_space<vmem>> -> memref<128x128xf32, #tpu.memory_space<vmem>>
        %dma_start3A_235 = arith.constant 0 : i32
        %dma_start3A_236 = tpu.memref_slice %arg8[%add3A_72, %dma_start3A_235] : memref<10240x128xf32, #tpu.memory_space<vmem_shared>> -> memref<128x128xf32, #tpu.memory_space<vmem_shared>>
        tpu.enqueue_dma source(%dma_start3A_236 : memref<128x128xf32, #tpu.memory_space<vmem_shared>>) target(%dma_start3A_234 : memref<128x128xf32, #tpu.memory_space<vmem>>) target_semaphore(%run_scoped3A_224 : memref<!tpu.dma_semaphore, #tpu.memory_space<semaphore_mem>>)
        %dma_wait3A_237 = arith.constant 0 : i32
        %dma_wait3A_238 = arith.constant 0 : i32
        %dma_wait3A_239 = tpu.memref_slice %arg11[%run_scoped3A_73, %dma_wait3A_237, %dma_wait3A_238] : memref<2x128x128xf32, #tpu.memory_space<vmem>> -> memref<1x128x128xf32, #tpu.memory_space<vmem>>
        %dma_wait3A_240 = tpu.memref_squeeze %dma_wait3A_239 : memref<1x128x128xf32, #tpu.memory_space<vmem>> -> memref<128x128xf32, #tpu.memory_space<vmem>>
        %dma_wait3A_241 = arith.constant 0 : i32
        %dma_wait3A_242 = tpu.memref_slice %arg8[%add3A_72, %dma_wait3A_241] : memref<10240x128xf32, #tpu.memory_space<vmem_shared>> -> memref<128x128xf32, #tpu.memory_space<vmem_shared>>
        %dma_wait3A_243 = arith.constant 0 : i32
        %dma_wait3A_244 = arith.constant 0 : i32
        %dma_wait3A_245 = tpu.memref_slice %arg11[%run_scoped3A_73, %dma_wait3A_243, %dma_wait3A_244] : memref<2x128x128xf32, #tpu.memory_space<vmem>> -> memref<1x128x128xf32, #tpu.memory_space<vmem>>
        %dma_wait3A_246 = tpu.memref_squeeze %dma_wait3A_245 : memref<1x128x128xf32, #tpu.memory_space<vmem>> -> memref<128x128xf32, #tpu.memory_space<vmem>>
        %dma_wait3A_247 = arith.constant 0 : i32
        %dma_wait3A_248 = tpu.memref_slice %arg8[%add3A_72, %dma_wait3A_247] : memref<10240x128xf32, #tpu.memory_space<vmem_shared>> -> memref<128x128xf32, #tpu.memory_space<vmem_shared>>
        tpu.wait_dma2 semaphore(%run_scoped3A_224 : memref<!tpu.dma_semaphore, #tpu.memory_space<semaphore_mem>>) src(%dma_wait3A_248 : memref<128x128xf32, #tpu.memory_space<vmem_shared>>) dst(%dma_wait3A_246 : memref<128x128xf32, #tpu.memory_space<vmem>>)
        tpu.yield
      }) : () -> ()
      %dma_start3A_74 = arith.constant 0 : i32
      %dma_start3A_75 = arith.constant 0 : i32
      %dma_start3A_76 = arith.constant 0 : i32
      %dma_start3A_77 = tpu.memref_slice %arg11[%dma_start3A_74, %dma_start3A_75, %dma_start3A_76] : memref<2x128x128xf32, #tpu.memory_space<vmem>> -> memref<1x128x128xf32, #tpu.memory_space<vmem>>
      %dma_start3A_78 = tpu.memref_squeeze %dma_start3A_77 : memref<1x128x128xf32, #tpu.memory_space<vmem>> -> memref<128x128xf32, #tpu.memory_space<vmem>>
      %dma_start3A_79 = arith.constant 0 : i32
      %dma_start3A_80 = tpu.memref_slice %arg7[%add3A_72, %dma_start3A_79] : memref<10240x128xf32, #tpu.memory_space<hbm>> -> memref<128x128xf32, #tpu.memory_space<hbm>>
      %dma_start3A_81 = arith.constant 0 : i32
      %dma_start3A_82 = tpu.memref_slice %arg7[%add3A_72, %dma_start3A_81] : memref<10240x128xf32, #tpu.memory_space<hbm>> -> memref<128x128xf32, #tpu.memory_space<hbm>>
      %dma_start3A_83 = arith.constant 0 : i32
      %dma_start3A_84 = arith.constant 0 : i32
      %dma_start3A_85 = tpu.memref_slice %arg11[%dma_start3A_74, %dma_start3A_83, %dma_start3A_84] : memref<2x128x128xf32, #tpu.memory_space<vmem>> -> memref<1x128x128xf32, #tpu.memory_space<vmem>>
      %dma_start3A_86 = tpu.memref_squeeze %dma_start3A_85 : memref<1x128x128xf32, #tpu.memory_space<vmem>> -> memref<128x128xf32, #tpu.memory_space<vmem>>
      tpu.enqueue_dma source(%dma_start3A_86 : memref<128x128xf32, #tpu.memory_space<vmem>>) target(%dma_start3A_82 : memref<128x128xf32, #tpu.memory_space<hbm>>) target_semaphore(%arg12 : memref<!tpu.dma_semaphore, #tpu.memory_space<semaphore_mem>>)
      %mul3A_87 = arith.constant 640 : i32
      %mul3A_88 = arith.muli %arg1, %mul3A_87 : i32
      %add3A_89 = arith.constant 128 : i32
      %add3A_90 = arith.addi %mul3A_88, %add3A_89 : i32
      %run_scoped3A_91 = arith.constant 1 : i32
      "tpu.region"() ({
        %run_scoped3A_224 = tpu.sem_alloc : memref<!tpu.dma_semaphore, #tpu.memory_space<semaphore_mem>>
        %dma_start3A_225 = arith.constant 0 : i32
        %dma_start3A_226 = arith.constant 0 : i32
        %dma_start3A_227 = tpu.memref_slice %arg11[%run_scoped3A_91, %dma_start3A_225, %dma_start3A_226] : memref<2x128x128xf32, #tpu.memory_space<vmem>> -> memref<1x128x128xf32, #tpu.memory_space<vmem>>
        %dma_start3A_228 = tpu.memref_squeeze %dma_start3A_227 : memref<1x128x128xf32, #tpu.memory_space<vmem>> -> memref<128x128xf32, #tpu.memory_space<vmem>>
        %dma_start3A_229 = arith.constant 0 : i32
        %dma_start3A_230 = tpu.memref_slice %arg8[%add3A_90, %dma_start3A_229] : memref<10240x128xf32, #tpu.memory_space<vmem_shared>> -> memref<128x128xf32, #tpu.memory_space<vmem_shared>>
        %dma_start3A_231 = arith.constant 0 : i32
        %dma_start3A_232 = arith.constant 0 : i32
        %dma_start3A_233 = tpu.memref_slice %arg11[%run_scoped3A_91, %dma_start3A_231, %dma_start3A_232] : memref<2x128x128xf32, #tpu.memory_space<vmem>> -> memref<1x128x128xf32, #tpu.memory_space<vmem>>
        %dma_start3A_234 = tpu.memref_squeeze %dma_start3A_233 : memref<1x128x128xf32, #tpu.memory_space<vmem>> -> memref<128x128xf32, #tpu.memory_space<vmem>>
        %dma_start3A_235 = arith.constant 0 : i32
        %dma_start3A_236 = tpu.memref_slice %arg8[%add3A_90, %dma_start3A_235] : memref<10240x128xf32, #tpu.memory_space<vmem_shared>> -> memref<128x128xf32, #tpu.memory_space<vmem_shared>>
        tpu.enqueue_dma source(%dma_start3A_236 : memref<128x128xf32, #tpu.memory_space<vmem_shared>>) target(%dma_start3A_234 : memref<128x128xf32, #tpu.memory_space<vmem>>) target_semaphore(%run_scoped3A_224 : memref<!tpu.dma_semaphore, #tpu.memory_space<semaphore_mem>>)
        %dma_wait3A_237 = arith.constant 0 : i32
        %dma_wait3A_238 = arith.constant 0 : i32
        %dma_wait3A_239 = tpu.memref_slice %arg11[%run_scoped3A_91, %dma_wait3A_237, %dma_wait3A_238] : memref<2x128x128xf32, #tpu.memory_space<vmem>> -> memref<1x128x128xf32, #tpu.memory_space<vmem>>
        %dma_wait3A_240 = tpu.memref_squeeze %dma_wait3A_239 : memref<1x128x128xf32, #tpu.memory_space<vmem>> -> memref<128x128xf32, #tpu.memory_space<vmem>>
        %dma_wait3A_241 = arith.constant 0 : i32
        %dma_wait3A_242 = tpu.memref_slice %arg8[%add3A_90, %dma_wait3A_241] : memref<10240x128xf32, #tpu.memory_space<vmem_shared>> -> memref<128x128xf32, #tpu.memory_space<vmem_shared>>
        %dma_wait3A_243 = arith.constant 0 : i32
        %dma_wait3A_244 = arith.constant 0 : i32
        %dma_wait3A_245 = tpu.memref_slice %arg11[%run_scoped3A_91, %dma_wait3A_243, %dma_wait3A_244] : memref<2x128x128xf32, #tpu.memory_space<vmem>> -> memref<1x128x128xf32, #tpu.memory_space<vmem>>
        %dma_wait3A_246 = tpu.memref_squeeze %dma_wait3A_245 : memref<1x128x128xf32, #tpu.memory_space<vmem>> -> memref<128x128xf32, #tpu.memory_space<vmem>>
        %dma_wait3A_247 = arith.constant 0 : i32
        %dma_wait3A_248 = tpu.memref_slice %arg8[%add3A_90, %dma_wait3A_247] : memref<10240x128xf32, #tpu.memory_space<vmem_shared>> -> memref<128x128xf32, #tpu.memory_space<vmem_shared>>
        tpu.wait_dma2 semaphore(%run_scoped3A_224 : memref<!tpu.dma_semaphore, #tpu.memory_space<semaphore_mem>>) src(%dma_wait3A_248 : memref<128x128xf32, #tpu.memory_space<vmem_shared>>) dst(%dma_wait3A_246 : memref<128x128xf32, #tpu.memory_space<vmem>>)
        tpu.yield
      }) : () -> ()
      %dma_start3A_92 = arith.constant 1 : i32
      %dma_start3A_93 = arith.constant 0 : i32
      %dma_start3A_94 = arith.constant 0 : i32
      %dma_start3A_95 = tpu.memref_slice %arg11[%dma_start3A_92, %dma_start3A_93, %dma_start3A_94] : memref<2x128x128xf32, #tpu.memory_space<vmem>> -> memref<1x128x128xf32, #tpu.memory_space<vmem>>
      %dma_start3A_96 = tpu.memref_squeeze %dma_start3A_95 : memref<1x128x128xf32, #tpu.memory_space<vmem>> -> memref<128x128xf32, #tpu.memory_space<vmem>>
      %dma_start3A_97 = arith.constant 0 : i32
      %dma_start3A_98 = tpu.memref_slice %arg7[%add3A_90, %dma_start3A_97] : memref<10240x128xf32, #tpu.memory_space<hbm>> -> memref<128x128xf32, #tpu.memory_space<hbm>>
      %dma_start3A_99 = arith.constant 0 : i32
      %dma_start3A_100 = tpu.memref_slice %arg7[%add3A_90, %dma_start3A_99] : memref<10240x128xf32, #tpu.memory_space<hbm>> -> memref<128x128xf32, #tpu.memory_space<hbm>>
      %dma_start3A_101 = arith.constant 0 : i32
      %dma_start3A_102 = arith.constant 0 : i32
      %dma_start3A_103 = tpu.memref_slice %arg11[%dma_start3A_92, %dma_start3A_101, %dma_start3A_102] : memref<2x128x128xf32, #tpu.memory_space<vmem>> -> memref<1x128x128xf32, #tpu.memory_space<vmem>>
      %dma_start3A_104 = tpu.memref_squeeze %dma_start3A_103 : memref<1x128x128xf32, #tpu.memory_space<vmem>> -> memref<128x128xf32, #tpu.memory_space<vmem>>
      tpu.enqueue_dma source(%dma_start3A_104 : memref<128x128xf32, #tpu.memory_space<vmem>>) target(%dma_start3A_100 : memref<128x128xf32, #tpu.memory_space<hbm>>) target_semaphore(%arg12 : memref<!tpu.dma_semaphore, #tpu.memory_space<semaphore_mem>>)
      %mul3A_105 = arith.constant 640 : i32
      %mul3A_106 = arith.muli %arg1, %mul3A_105 : i32
      %add3A_107 = arith.constant 256 : i32
      %add3A_108 = arith.addi %mul3A_106, %add3A_107 : i32
      %dma_wait3A_109 = arith.constant 0 : i32
      %dma_wait3A_110 = arith.constant 0 : i32
      %dma_wait3A_111 = arith.constant 0 : i32
      %dma_wait3A_112 = tpu.memref_slice %arg11[%dma_wait3A_109, %dma_wait3A_110, %dma_wait3A_111] : memref<2x128x128xf32, #tpu.memory_space<vmem>> -> memref<1x128x128xf32, #tpu.memory_space<vmem>>
      %dma_wait3A_113 = tpu.memref_squeeze %dma_wait3A_112 : memref<1x128x128xf32, #tpu.memory_space<vmem>> -> memref<128x128xf32, #tpu.memory_space<vmem>>
      %dma_wait3A_114 = arith.constant 0 : i32
      %dma_wait3A_115 = tpu.memref_slice %arg7[%add3A_72, %dma_wait3A_114] : memref<10240x128xf32, #tpu.memory_space<hbm>> -> memref<128x128xf32, #tpu.memory_space<hbm>>
      %dma_wait3A_116 = arith.constant 0 : i32
      %dma_wait3A_117 = tpu.memref_slice %arg7[%add3A_72, %dma_wait3A_116] : memref<10240x128xf32, #tpu.memory_space<hbm>> -> memref<128x128xf32, #tpu.memory_space<hbm>>
      %dma_wait3A_118 = arith.constant 0 : i32
      %dma_wait3A_119 = arith.constant 0 : i32
      %dma_wait3A_120 = tpu.memref_slice %arg11[%dma_wait3A_109, %dma_wait3A_118, %dma_wait3A_119] : memref<2x128x128xf32, #tpu.memory_space<vmem>> -> memref<1x128x128xf32, #tpu.memory_space<vmem>>
      %dma_wait3A_121 = tpu.memref_squeeze %dma_wait3A_120 : memref<1x128x128xf32, #tpu.memory_space<vmem>> -> memref<128x128xf32, #tpu.memory_space<vmem>>
      tpu.wait_dma2 semaphore(%arg12 : memref<!tpu.dma_semaphore, #tpu.memory_space<semaphore_mem>>) src(%dma_wait3A_121 : memref<128x128xf32, #tpu.memory_space<vmem>>) dst(%dma_wait3A_117 : memref<128x128xf32, #tpu.memory_space<hbm>>)
      %run_scoped3A_122 = arith.constant 0 : i32
      "tpu.region"() ({
        %run_scoped3A_224 = tpu.sem_alloc : memref<!tpu.dma_semaphore, #tpu.memory_space<semaphore_mem>>
        %dma_start3A_225 = arith.constant 0 : i32
        %dma_start3A_226 = arith.constant 0 : i32
        %dma_start3A_227 = tpu.memref_slice %arg11[%run_scoped3A_122, %dma_start3A_225, %dma_start3A_226] : memref<2x128x128xf32, #tpu.memory_space<vmem>> -> memref<1x128x128xf32, #tpu.memory_space<vmem>>
        %dma_start3A_228 = tpu.memref_squeeze %dma_start3A_227 : memref<1x128x128xf32, #tpu.memory_space<vmem>> -> memref<128x128xf32, #tpu.memory_space<vmem>>
        %dma_start3A_229 = arith.constant 0 : i32
        %dma_start3A_230 = tpu.memref_slice %arg8[%add3A_108, %dma_start3A_229] : memref<10240x128xf32, #tpu.memory_space<vmem_shared>> -> memref<128x128xf32, #tpu.memory_space<vmem_shared>>
        %dma_start3A_231 = arith.constant 0 : i32
        %dma_start3A_232 = arith.constant 0 : i32
        %dma_start3A_233 = tpu.memref_slice %arg11[%run_scoped3A_122, %dma_start3A_231, %dma_start3A_232] : memref<2x128x128xf32, #tpu.memory_space<vmem>> -> memref<1x128x128xf32, #tpu.memory_space<vmem>>
        %dma_start3A_234 = tpu.memref_squeeze %dma_start3A_233 : memref<1x128x128xf32, #tpu.memory_space<vmem>> -> memref<128x128xf32, #tpu.memory_space<vmem>>
        %dma_start3A_235 = arith.constant 0 : i32
        %dma_start3A_236 = tpu.memref_slice %arg8[%add3A_108, %dma_start3A_235] : memref<10240x128xf32, #tpu.memory_space<vmem_shared>> -> memref<128x128xf32, #tpu.memory_space<vmem_shared>>
        tpu.enqueue_dma source(%dma_start3A_236 : memref<128x128xf32, #tpu.memory_space<vmem_shared>>) target(%dma_start3A_234 : memref<128x128xf32, #tpu.memory_space<vmem>>) target_semaphore(%run_scoped3A_224 : memref<!tpu.dma_semaphore, #tpu.memory_space<semaphore_mem>>)
        %dma_wait3A_237 = arith.constant 0 : i32
        %dma_wait3A_238 = arith.constant 0 : i32
        %dma_wait3A_239 = tpu.memref_slice %arg11[%run_scoped3A_122, %dma_wait3A_237, %dma_wait3A_238] : memref<2x128x128xf32, #tpu.memory_space<vmem>> -> memref<1x128x128xf32, #tpu.memory_space<vmem>>
        %dma_wait3A_240 = tpu.memref_squeeze %dma_wait3A_239 : memref<1x128x128xf32, #tpu.memory_space<vmem>> -> memref<128x128xf32, #tpu.memory_space<vmem>>
        %dma_wait3A_241 = arith.constant 0 : i32
        %dma_wait3A_242 = tpu.memref_slice %arg8[%add3A_108, %dma_wait3A_241] : memref<10240x128xf32, #tpu.memory_space<vmem_shared>> -> memref<128x128xf32, #tpu.memory_space<vmem_shared>>
        %dma_wait3A_243 = arith.constant 0 : i32
        %dma_wait3A_244 = arith.constant 0 : i32
        %dma_wait3A_245 = tpu.memref_slice %arg11[%run_scoped3A_122, %dma_wait3A_243, %dma_wait3A_244] : memref<2x128x128xf32, #tpu.memory_space<vmem>> -> memref<1x128x128xf32, #tpu.memory_space<vmem>>
        %dma_wait3A_246 = tpu.memref_squeeze %dma_wait3A_245 : memref<1x128x128xf32, #tpu.memory_space<vmem>> -> memref<128x128xf32, #tpu.memory_space<vmem>>
        %dma_wait3A_247 = arith.constant 0 : i32
        %dma_wait3A_248 = tpu.memref_slice %arg8[%add3A_108, %dma_wait3A_247] : memref<10240x128xf32, #tpu.memory_space<vmem_shared>> -> memref<128x128xf32, #tpu.memory_space<vmem_shared>>
        tpu.wait_dma2 semaphore(%run_scoped3A_224 : memref<!tpu.dma_semaphore, #tpu.memory_space<semaphore_mem>>) src(%dma_wait3A_248 : memref<128x128xf32, #tpu.memory_space<vmem_shared>>) dst(%dma_wait3A_246 : memref<128x128xf32, #tpu.memory_space<vmem>>)
        tpu.yield
      }) : () -> ()
      %dma_start3A_123 = arith.constant 0 : i32
      %dma_start3A_124 = arith.constant 0 : i32
      %dma_start3A_125 = arith.constant 0 : i32
      %dma_start3A_126 = tpu.memref_slice %arg11[%dma_start3A_123, %dma_start3A_124, %dma_start3A_125] : memref<2x128x128xf32, #tpu.memory_space<vmem>> -> memref<1x128x128xf32, #tpu.memory_space<vmem>>
      %dma_start3A_127 = tpu.memref_squeeze %dma_start3A_126 : memref<1x128x128xf32, #tpu.memory_space<vmem>> -> memref<128x128xf32, #tpu.memory_space<vmem>>
      %dma_start3A_128 = arith.constant 0 : i32
      %dma_start3A_129 = tpu.memref_slice %arg7[%add3A_108, %dma_start3A_128] : memref<10240x128xf32, #tpu.memory_space<hbm>> -> memref<128x128xf32, #tpu.memory_space<hbm>>
      %dma_start3A_130 = arith.constant 0 : i32
      %dma_start3A_131 = tpu.memref_slice %arg7[%add3A_108, %dma_start3A_130] : memref<10240x128xf32, #tpu.memory_space<hbm>> -> memref<128x128xf32, #tpu.memory_space<hbm>>
      %dma_start3A_132 = arith.constant 0 : i32
      %dma_start3A_133 = arith.constant 0 : i32
      %dma_start3A_134 = tpu.memref_slice %arg11[%dma_start3A_123, %dma_start3A_132, %dma_start3A_133] : memref<2x128x128xf32, #tpu.memory_space<vmem>> -> memref<1x128x128xf32, #tpu.memory_space<vmem>>
      %dma_start3A_135 = tpu.memref_squeeze %dma_start3A_134 : memref<1x128x128xf32, #tpu.memory_space<vmem>> -> memref<128x128xf32, #tpu.memory_space<vmem>>
      tpu.enqueue_dma source(%dma_start3A_135 : memref<128x128xf32, #tpu.memory_space<vmem>>) target(%dma_start3A_131 : memref<128x128xf32, #tpu.memory_space<hbm>>) target_semaphore(%arg12 : memref<!tpu.dma_semaphore, #tpu.memory_space<semaphore_mem>>)
      %mul3A_136 = arith.constant 640 : i32
      %mul3A_137 = arith.muli %arg1, %mul3A_136 : i32
      %add3A_138 = arith.constant 384 : i32
      %add3A_139 = arith.addi %mul3A_137, %add3A_138 : i32
      %dma_wait3A_140 = arith.constant 1 : i32
      %dma_wait3A_141 = arith.constant 0 : i32
      %dma_wait3A_142 = arith.constant 0 : i32
      %dma_wait3A_143 = tpu.memref_slice %arg11[%dma_wait3A_140, %dma_wait3A_141, %dma_wait3A_142] : memref<2x128x128xf32, #tpu.memory_space<vmem>> -> memref<1x128x128xf32, #tpu.memory_space<vmem>>
      %dma_wait3A_144 = tpu.memref_squeeze %dma_wait3A_143 : memref<1x128x128xf32, #tpu.memory_space<vmem>> -> memref<128x128xf32, #tpu.memory_space<vmem>>
      %dma_wait3A_145 = arith.constant 0 : i32
      %dma_wait3A_146 = tpu.memref_slice %arg7[%add3A_90, %dma_wait3A_145] : memref<10240x128xf32, #tpu.memory_space<hbm>> -> memref<128x128xf32, #tpu.memory_space<hbm>>
      %dma_wait3A_147 = arith.constant 0 : i32
      %dma_wait3A_148 = tpu.memref_slice %arg7[%add3A_90, %dma_wait3A_147] : memref<10240x128xf32, #tpu.memory_space<hbm>> -> memref<128x128xf32, #tpu.memory_space<hbm>>
      %dma_wait3A_149 = arith.constant 0 : i32
      %dma_wait3A_150 = arith.constant 0 : i32
      %dma_wait3A_151 = tpu.memref_slice %arg11[%dma_wait3A_140, %dma_wait3A_149, %dma_wait3A_150] : memref<2x128x128xf32, #tpu.memory_space<vmem>> -> memref<1x128x128xf32, #tpu.memory_space<vmem>>
      %dma_wait3A_152 = tpu.memref_squeeze %dma_wait3A_151 : memref<1x128x128xf32, #tpu.memory_space<vmem>> -> memref<128x128xf32, #tpu.memory_space<vmem>>
      tpu.wait_dma2 semaphore(%arg12 : memref<!tpu.dma_semaphore, #tpu.memory_space<semaphore_mem>>) src(%dma_wait3A_152 : memref<128x128xf32, #tpu.memory_space<vmem>>) dst(%dma_wait3A_148 : memref<128x128xf32, #tpu.memory_space<hbm>>)
      %run_scoped3A_153 = arith.constant 1 : i32
      "tpu.region"() ({
        %run_scoped3A_224 = tpu.sem_alloc : memref<!tpu.dma_semaphore, #tpu.memory_space<semaphore_mem>>
        %dma_start3A_225 = arith.constant 0 : i32
        %dma_start3A_226 = arith.constant 0 : i32
        %dma_start3A_227 = tpu.memref_slice %arg11[%run_scoped3A_153, %dma_start3A_225, %dma_start3A_226] : memref<2x128x128xf32, #tpu.memory_space<vmem>> -> memref<1x128x128xf32, #tpu.memory_space<vmem>>
        %dma_start3A_228 = tpu.memref_squeeze %dma_start3A_227 : memref<1x128x128xf32, #tpu.memory_space<vmem>> -> memref<128x128xf32, #tpu.memory_space<vmem>>
        %dma_start3A_229 = arith.constant 0 : i32
        %dma_start3A_230 = tpu.memref_slice %arg8[%add3A_139, %dma_start3A_229] : memref<10240x128xf32, #tpu.memory_space<vmem_shared>> -> memref<128x128xf32, #tpu.memory_space<vmem_shared>>
        %dma_start3A_231 = arith.constant 0 : i32
        %dma_start3A_232 = arith.constant 0 : i32
        %dma_start3A_233 = tpu.memref_slice %arg11[%run_scoped3A_153, %dma_start3A_231, %dma_start3A_232] : memref<2x128x128xf32, #tpu.memory_space<vmem>> -> memref<1x128x128xf32, #tpu.memory_space<vmem>>
        %dma_start3A_234 = tpu.memref_squeeze %dma_start3A_233 : memref<1x128x128xf32, #tpu.memory_space<vmem>> -> memref<128x128xf32, #tpu.memory_space<vmem>>
        %dma_start3A_235 = arith.constant 0 : i32
        %dma_start3A_236 = tpu.memref_slice %arg8[%add3A_139, %dma_start3A_235] : memref<10240x128xf32, #tpu.memory_space<vmem_shared>> -> memref<128x128xf32, #tpu.memory_space<vmem_shared>>
        tpu.enqueue_dma source(%dma_start3A_236 : memref<128x128xf32, #tpu.memory_space<vmem_shared>>) target(%dma_start3A_234 : memref<128x128xf32, #tpu.memory_space<vmem>>) target_semaphore(%run_scoped3A_224 : memref<!tpu.dma_semaphore, #tpu.memory_space<semaphore_mem>>)
        %dma_wait3A_237 = arith.constant 0 : i32
        %dma_wait3A_238 = arith.constant 0 : i32
        %dma_wait3A_239 = tpu.memref_slice %arg11[%run_scoped3A_153, %dma_wait3A_237, %dma_wait3A_238] : memref<2x128x128xf32, #tpu.memory_space<vmem>> -> memref<1x128x128xf32, #tpu.memory_space<vmem>>
        %dma_wait3A_240 = tpu.memref_squeeze %dma_wait3A_239 : memref<1x128x128xf32, #tpu.memory_space<vmem>> -> memref<128x128xf32, #tpu.memory_space<vmem>>
        %dma_wait3A_241 = arith.constant 0 : i32
        %dma_wait3A_242 = tpu.memref_slice %arg8[%add3A_139, %dma_wait3A_241] : memref<10240x128xf32, #tpu.memory_space<vmem_shared>> -> memref<128x128xf32, #tpu.memory_space<vmem_shared>>
        %dma_wait3A_243 = arith.constant 0 : i32
        %dma_wait3A_244 = arith.constant 0 : i32
        %dma_wait3A_245 = tpu.memref_slice %arg11[%run_scoped3A_153, %dma_wait3A_243, %dma_wait3A_244] : memref<2x128x128xf32, #tpu.memory_space<vmem>> -> memref<1x128x128xf32, #tpu.memory_space<vmem>>
        %dma_wait3A_246 = tpu.memref_squeeze %dma_wait3A_245 : memref<1x128x128xf32, #tpu.memory_space<vmem>> -> memref<128x128xf32, #tpu.memory_space<vmem>>
        %dma_wait3A_247 = arith.constant 0 : i32
        %dma_wait3A_248 = tpu.memref_slice %arg8[%add3A_139, %dma_wait3A_247] : memref<10240x128xf32, #tpu.memory_space<vmem_shared>> -> memref<128x128xf32, #tpu.memory_space<vmem_shared>>
        tpu.wait_dma2 semaphore(%run_scoped3A_224 : memref<!tpu.dma_semaphore, #tpu.memory_space<semaphore_mem>>) src(%dma_wait3A_248 : memref<128x128xf32, #tpu.memory_space<vmem_shared>>) dst(%dma_wait3A_246 : memref<128x128xf32, #tpu.memory_space<vmem>>)
        tpu.yield
      }) : () -> ()
      %dma_start3A_154 = arith.constant 1 : i32
      %dma_start3A_155 = arith.constant 0 : i32
      %dma_start3A_156 = arith.constant 0 : i32
      %dma_start3A_157 = tpu.memref_slice %arg11[%dma_start3A_154, %dma_start3A_155, %dma_start3A_156] : memref<2x128x128xf32, #tpu.memory_space<vmem>> -> memref<1x128x128xf32, #tpu.memory_space<vmem>>
      %dma_start3A_158 = tpu.memref_squeeze %dma_start3A_157 : memref<1x128x128xf32, #tpu.memory_space<vmem>> -> memref<128x128xf32, #tpu.memory_space<vmem>>
      %dma_start3A_159 = arith.constant 0 : i32
      %dma_start3A_160 = tpu.memref_slice %arg7[%add3A_139, %dma_start3A_159] : memref<10240x128xf32, #tpu.memory_space<hbm>> -> memref<128x128xf32, #tpu.memory_space<hbm>>
      %dma_start3A_161 = arith.constant 0 : i32
      %dma_start3A_162 = tpu.memref_slice %arg7[%add3A_139, %dma_start3A_161] : memref<10240x128xf32, #tpu.memory_space<hbm>> -> memref<128x128xf32, #tpu.memory_space<hbm>>
      %dma_start3A_163 = arith.constant 0 : i32
      %dma_start3A_164 = arith.constant 0 : i32
      %dma_start3A_165 = tpu.memref_slice %arg11[%dma_start3A_154, %dma_start3A_163, %dma_start3A_164] : memref<2x128x128xf32, #tpu.memory_space<vmem>> -> memref<1x128x128xf32, #tpu.memory_space<vmem>>
      %dma_start3A_166 = tpu.memref_squeeze %dma_start3A_165 : memref<1x128x128xf32, #tpu.memory_space<vmem>> -> memref<128x128xf32, #tpu.memory_space<vmem>>
      tpu.enqueue_dma source(%dma_start3A_166 : memref<128x128xf32, #tpu.memory_space<vmem>>) target(%dma_start3A_162 : memref<128x128xf32, #tpu.memory_space<hbm>>) target_semaphore(%arg12 : memref<!tpu.dma_semaphore, #tpu.memory_space<semaphore_mem>>)
      %mul3A_167 = arith.constant 640 : i32
      %mul3A_168 = arith.muli %arg1, %mul3A_167 : i32
      %add3A_169 = arith.constant 512 : i32
      %add3A_170 = arith.addi %mul3A_168, %add3A_169 : i32
      %dma_wait3A_171 = arith.constant 0 : i32
      %dma_wait3A_172 = arith.constant 0 : i32
      %dma_wait3A_173 = arith.constant 0 : i32
      %dma_wait3A_174 = tpu.memref_slice %arg11[%dma_wait3A_171, %dma_wait3A_172, %dma_wait3A_173] : memref<2x128x128xf32, #tpu.memory_space<vmem>> -> memref<1x128x128xf32, #tpu.memory_space<vmem>>
      %dma_wait3A_175 = tpu.memref_squeeze %dma_wait3A_174 : memref<1x128x128xf32, #tpu.memory_space<vmem>> -> memref<128x128xf32, #tpu.memory_space<vmem>>
      %dma_wait3A_176 = arith.constant 0 : i32
      %dma_wait3A_177 = tpu.memref_slice %arg7[%add3A_108, %dma_wait3A_176] : memref<10240x128xf32, #tpu.memory_space<hbm>> -> memref<128x128xf32, #tpu.memory_space<hbm>>
      %dma_wait3A_178 = arith.constant 0 : i32
      %dma_wait3A_179 = tpu.memref_slice %arg7[%add3A_108, %dma_wait3A_178] : memref<10240x128xf32, #tpu.memory_space<hbm>> -> memref<128x128xf32, #tpu.memory_space<hbm>>
      %dma_wait3A_180 = arith.constant 0 : i32
      %dma_wait3A_181 = arith.constant 0 : i32
      %dma_wait3A_182 = tpu.memref_slice %arg11[%dma_wait3A_171, %dma_wait3A_180, %dma_wait3A_181] : memref<2x128x128xf32, #tpu.memory_space<vmem>> -> memref<1x128x128xf32, #tpu.memory_space<vmem>>
      %dma_wait3A_183 = tpu.memref_squeeze %dma_wait3A_182 : memref<1x128x128xf32, #tpu.memory_space<vmem>> -> memref<128x128xf32, #tpu.memory_space<vmem>>
      tpu.wait_dma2 semaphore(%arg12 : memref<!tpu.dma_semaphore, #tpu.memory_space<semaphore_mem>>) src(%dma_wait3A_183 : memref<128x128xf32, #tpu.memory_space<vmem>>) dst(%dma_wait3A_179 : memref<128x128xf32, #tpu.memory_space<hbm>>)
      %run_scoped3A_184 = arith.constant 0 : i32
      "tpu.region"() ({
        %run_scoped3A_224 = tpu.sem_alloc : memref<!tpu.dma_semaphore, #tpu.memory_space<semaphore_mem>>
        %dma_start3A_225 = arith.constant 0 : i32
        %dma_start3A_226 = arith.constant 0 : i32
        %dma_start3A_227 = tpu.memref_slice %arg11[%run_scoped3A_184, %dma_start3A_225, %dma_start3A_226] : memref<2x128x128xf32, #tpu.memory_space<vmem>> -> memref<1x128x128xf32, #tpu.memory_space<vmem>>
        %dma_start3A_228 = tpu.memref_squeeze %dma_start3A_227 : memref<1x128x128xf32, #tpu.memory_space<vmem>> -> memref<128x128xf32, #tpu.memory_space<vmem>>
        %dma_start3A_229 = arith.constant 0 : i32
        %dma_start3A_230 = tpu.memref_slice %arg8[%add3A_170, %dma_start3A_229] : memref<10240x128xf32, #tpu.memory_space<vmem_shared>> -> memref<128x128xf32, #tpu.memory_space<vmem_shared>>
        %dma_start3A_231 = arith.constant 0 : i32
        %dma_start3A_232 = arith.constant 0 : i32
        %dma_start3A_233 = tpu.memref_slice %arg11[%run_scoped3A_184, %dma_start3A_231, %dma_start3A_232] : memref<2x128x128xf32, #tpu.memory_space<vmem>> -> memref<1x128x128xf32, #tpu.memory_space<vmem>>
        %dma_start3A_234 = tpu.memref_squeeze %dma_start3A_233 : memref<1x128x128xf32, #tpu.memory_space<vmem>> -> memref<128x128xf32, #tpu.memory_space<vmem>>
        %dma_start3A_235 = arith.constant 0 : i32
        %dma_start3A_236 = tpu.memref_slice %arg8[%add3A_170, %dma_start3A_235] : memref<10240x128xf32, #tpu.memory_space<vmem_shared>> -> memref<128x128xf32, #tpu.memory_space<vmem_shared>>
        tpu.enqueue_dma source(%dma_start3A_236 : memref<128x128xf32, #tpu.memory_space<vmem_shared>>) target(%dma_start3A_234 : memref<128x128xf32, #tpu.memory_space<vmem>>) target_semaphore(%run_scoped3A_224 : memref<!tpu.dma_semaphore, #tpu.memory_space<semaphore_mem>>)
        %dma_wait3A_237 = arith.constant 0 : i32
        %dma_wait3A_238 = arith.constant 0 : i32
        %dma_wait3A_239 = tpu.memref_slice %arg11[%run_scoped3A_184, %dma_wait3A_237, %dma_wait3A_238] : memref<2x128x128xf32, #tpu.memory_space<vmem>> -> memref<1x128x128xf32, #tpu.memory_space<vmem>>
        %dma_wait3A_240 = tpu.memref_squeeze %dma_wait3A_239 : memref<1x128x128xf32, #tpu.memory_space<vmem>> -> memref<128x128xf32, #tpu.memory_space<vmem>>
        %dma_wait3A_241 = arith.constant 0 : i32
        %dma_wait3A_242 = tpu.memref_slice %arg8[%add3A_170, %dma_wait3A_241] : memref<10240x128xf32, #tpu.memory_space<vmem_shared>> -> memref<128x128xf32, #tpu.memory_space<vmem_shared>>
        %dma_wait3A_243 = arith.constant 0 : i32
        %dma_wait3A_244 = arith.constant 0 : i32
        %dma_wait3A_245 = tpu.memref_slice %arg11[%run_scoped3A_184, %dma_wait3A_243, %dma_wait3A_244] : memref<2x128x128xf32, #tpu.memory_space<vmem>> -> memref<1x128x128xf32, #tpu.memory_space<vmem>>
        %dma_wait3A_246 = tpu.memref_squeeze %dma_wait3A_245 : memref<1x128x128xf32, #tpu.memory_space<vmem>> -> memref<128x128xf32, #tpu.memory_space<vmem>>
        %dma_wait3A_247 = arith.constant 0 : i32
        %dma_wait3A_248 = tpu.memref_slice %arg8[%add3A_170, %dma_wait3A_247] : memref<10240x128xf32, #tpu.memory_space<vmem_shared>> -> memref<128x128xf32, #tpu.memory_space<vmem_shared>>
        tpu.wait_dma2 semaphore(%run_scoped3A_224 : memref<!tpu.dma_semaphore, #tpu.memory_space<semaphore_mem>>) src(%dma_wait3A_248 : memref<128x128xf32, #tpu.memory_space<vmem_shared>>) dst(%dma_wait3A_246 : memref<128x128xf32, #tpu.memory_space<vmem>>)
        tpu.yield
      }) : () -> ()
      %dma_start3A_185 = arith.constant 0 : i32
      %dma_start3A_186 = arith.constant 0 : i32
      %dma_start3A_187 = arith.constant 0 : i32
      %dma_start3A_188 = tpu.memref_slice %arg11[%dma_start3A_185, %dma_start3A_186, %dma_start3A_187] : memref<2x128x128xf32, #tpu.memory_space<vmem>> -> memref<1x128x128xf32, #tpu.memory_space<vmem>>
      %dma_start3A_189 = tpu.memref_squeeze %dma_start3A_188 : memref<1x128x128xf32, #tpu.memory_space<vmem>> -> memref<128x128xf32, #tpu.memory_space<vmem>>
      %dma_start3A_190 = arith.constant 0 : i32
      %dma_start3A_191 = tpu.memref_slice %arg7[%add3A_170, %dma_start3A_190] : memref<10240x128xf32, #tpu.memory_space<hbm>> -> memref<128x128xf32, #tpu.memory_space<hbm>>
      %dma_start3A_192 = arith.constant 0 : i32
      %dma_start3A_193 = tpu.memref_slice %arg7[%add3A_170, %dma_start3A_192] : memref<10240x128xf32, #tpu.memory_space<hbm>> -> memref<128x128xf32, #tpu.memory_space<hbm>>
      %dma_start3A_194 = arith.constant 0 : i32
      %dma_start3A_195 = arith.constant 0 : i32
      %dma_start3A_196 = tpu.memref_slice %arg11[%dma_start3A_185, %dma_start3A_194, %dma_start3A_195] : memref<2x128x128xf32, #tpu.memory_space<vmem>> -> memref<1x128x128xf32, #tpu.memory_space<vmem>>
      %dma_start3A_197 = tpu.memref_squeeze %dma_start3A_196 : memref<1x128x128xf32, #tpu.memory_space<vmem>> -> memref<128x128xf32, #tpu.memory_space<vmem>>
      tpu.enqueue_dma source(%dma_start3A_197 : memref<128x128xf32, #tpu.memory_space<vmem>>) target(%dma_start3A_193 : memref<128x128xf32, #tpu.memory_space<hbm>>) target_semaphore(%arg12 : memref<!tpu.dma_semaphore, #tpu.memory_space<semaphore_mem>>)
      %dma_wait3A_198 = arith.constant 1 : i32
      %dma_wait3A_199 = arith.constant 0 : i32
      %dma_wait3A_200 = arith.constant 0 : i32
      %dma_wait3A_201 = tpu.memref_slice %arg11[%dma_wait3A_198, %dma_wait3A_199, %dma_wait3A_200] : memref<2x128x128xf32, #tpu.memory_space<vmem>> -> memref<1x128x128xf32, #tpu.memory_space<vmem>>
      %dma_wait3A_202 = tpu.memref_squeeze %dma_wait3A_201 : memref<1x128x128xf32, #tpu.memory_space<vmem>> -> memref<128x128xf32, #tpu.memory_space<vmem>>
      %dma_wait3A_203 = arith.constant 0 : i32
      %dma_wait3A_204 = tpu.memref_slice %arg7[%add3A_139, %dma_wait3A_203] : memref<10240x128xf32, #tpu.memory_space<hbm>> -> memref<128x128xf32, #tpu.memory_space<hbm>>
      %dma_wait3A_205 = arith.constant 0 : i32
      %dma_wait3A_206 = tpu.memref_slice %arg7[%add3A_139, %dma_wait3A_205] : memref<10240x128xf32, #tpu.memory_space<hbm>> -> memref<128x128xf32, #tpu.memory_space<hbm>>
      %dma_wait3A_207 = arith.constant 0 : i32
      %dma_wait3A_208 = arith.constant 0 : i32
      %dma_wait3A_209 = tpu.memref_slice %arg11[%dma_wait3A_198, %dma_wait3A_207, %dma_wait3A_208] : memref<2x128x128xf32, #tpu.memory_space<vmem>> -> memref<1x128x128xf32, #tpu.memory_space<vmem>>
      %dma_wait3A_210 = tpu.memref_squeeze %dma_wait3A_209 : memref<1x128x128xf32, #tpu.memory_space<vmem>> -> memref<128x128xf32, #tpu.memory_space<vmem>>
      tpu.wait_dma2 semaphore(%arg12 : memref<!tpu.dma_semaphore, #tpu.memory_space<semaphore_mem>>) src(%dma_wait3A_210 : memref<128x128xf32, #tpu.memory_space<vmem>>) dst(%dma_wait3A_206 : memref<128x128xf32, #tpu.memory_space<hbm>>)
      %dma_wait3A_211 = arith.constant 0 : i32
      %dma_wait3A_212 = arith.constant 0 : i32
      %dma_wait3A_213 = arith.constant 0 : i32
      %dma_wait3A_214 = tpu.memref_slice %arg11[%dma_wait3A_211, %dma_wait3A_212, %dma_wait3A_213] : memref<2x128x128xf32, #tpu.memory_space<vmem>> -> memref<1x128x128xf32, #tpu.memory_space<vmem>>
      %dma_wait3A_215 = tpu.memref_squeeze %dma_wait3A_214 : memref<1x128x128xf32, #tpu.memory_space<vmem>> -> memref<128x128xf32, #tpu.memory_space<vmem>>
      %dma_wait3A_216 = arith.constant 0 : i32
      %dma_wait3A_217 = tpu.memref_slice %arg7[%add3A_170, %dma_wait3A_216] : memref<10240x128xf32, #tpu.memory_space<hbm>> -> memref<128x128xf32, #tpu.memory_space<hbm>>
      %dma_wait3A_218 = arith.constant 0 : i32
      %dma_wait3A_219 = tpu.memref_slice %arg7[%add3A_170, %dma_wait3A_218] : memref<10240x128xf32, #tpu.memory_space<hbm>> -> memref<128x128xf32, #tpu.memory_space<hbm>>
      %dma_wait3A_220 = arith.constant 0 : i32
      %dma_wait3A_221 = arith.constant 0 : i32
      %dma_wait3A_222 = tpu.memref_slice %arg11[%dma_wait3A_211, %dma_wait3A_220, %dma_wait3A_221] : memref<2x128x128xf32, #tpu.memory_space<vmem>> -> memref<1x128x128xf32, #tpu.memory_space<vmem>>
      %dma_wait3A_223 = tpu.memref_squeeze %dma_wait3A_222 : memref<1x128x128xf32, #tpu.memory_space<vmem>> -> memref<128x128xf32, #tpu.memory_space<vmem>>
      tpu.wait_dma2 semaphore(%arg12 : memref<!tpu.dma_semaphore, #tpu.memory_space<semaphore_mem>>) src(%dma_wait3A_223 : memref<128x128xf32, #tpu.memory_space<vmem>>) dst(%dma_wait3A_219 : memref<128x128xf32, #tpu.memory_space<hbm>>)
    } else {
    }
    return
  }
}

#map = affine_map<(d0, d1) -> (0, 0)>
#map1 = affine_map<(d0, d1) -> (0, 0, 0, 0)>
module attributes {stable_mosaic.version = 14 : i64} {
  func.func @_agg_body(%arg0: i32, %arg1: i32, %arg2: memref<10240x128xf32, #tpu.memory_space<hbm>>, %arg3: memref<10240x128xf32, #tpu.memory_space<hbm>>, %arg4: memref<16x157x1x128xi32, #tpu.memory_space<hbm>>, %arg5: memref<16x157x1x128xi32, #tpu.memory_space<hbm>>, %arg6: memref<10240x128xf32, #tpu.memory_space<hbm>>, %arg7: memref<10240x128xf32, #tpu.memory_space<hbm>>, %arg8: memref<10240x128xf32, #tpu.memory_space<vmem_shared>>, %arg9: memref<2x1x128xi32, #tpu.memory_space<vmem>>, %arg10: memref<2x1x128xi32, #tpu.memory_space<vmem>>, %arg11: memref<2x128x128xf32, #tpu.memory_space<vmem>>, %arg12: memref<!tpu.dma_semaphore, #tpu.memory_space<semaphore_mem>>, %arg13: memref<!tpu.dma_semaphore, #tpu.memory_space<semaphore_mem>>) attributes {dimension_semantics = [#tpu.dimension_semantics<core_parallel>, #tpu.dimension_semantics<subcore_parallel>], iteration_bounds = array<i64: 2, 16>, scalar_prefetch = 0 : i64, scratch_operands = 6 : i64, tpu.core_type = #tpu.core_type<sc_vector_subcore>, window_params = [{transform_indices = #map}, {transform_indices = #map}, {transform_indices = #map1}, {transform_indices = #map1}, {transform_indices = #map}, {transform_indices = #map}]} {
    %scan3A = arith.constant 0 : i32
    %scan3A_0 = arith.constant 0 : i32
    %scan3A_1 = arith.constant 128 : i32
    %scan3A_2 = arith.addi %scan3A_0, %scan3A_1 : i32
    %scan3A_3 = arith.constant 1 : i32
    %scan3A_4 = scf.for %scan3A_35 = %scan3A_0 to %scan3A_2 step %scan3A_3 iter_args(%scan3A_36 = %scan3A) -> (i32)  : i32 {
      %broadcast_in_dim3A = arith.constant 0.000000e+00 : f32
      %broadcast_in_dim3A_37 = vector.broadcast %broadcast_in_dim3A : f32 to vector<16xf32>
      %swap3A = arith.constant 0 : i32
      %swap3A_38 = arith.index_cast %swap3A : i32 to index
      %swap3A_39 = arith.index_cast %scan3A_35 : i32 to index
      %swap3A_40 = arith.constant 0 : index
      %swap3A_41 = tpu.vector_load %arg11[%swap3A_38, %swap3A_39, %swap3A_40] {strides = array<i32>} : memref<2x128x128xf32, #tpu.memory_space<vmem>>, vector<1x1x16xf32>,
      %swap3A_42 = vector.shape_cast %swap3A_41 : vector<1x1x16xf32> to vector<16xf32>
      %swap3A_43 = vector.shape_cast %broadcast_in_dim3A_37 : vector<16xf32> to vector<1x1x16xf32>
      tpu.vector_store %arg11[%swap3A_38, %swap3A_39, %swap3A_40], %swap3A_43 {strides = array<i32>} : memref<2x128x128xf32, #tpu.memory_space<vmem>>, vector<1x1x16xf32>,
      %broadcast_in_dim3A_44 = arith.constant 0.000000e+00 : f32
      %broadcast_in_dim3A_45 = vector.broadcast %broadcast_in_dim3A_44 : f32 to vector<16xf32>
      %swap3A_46 = arith.constant 0 : i32
      %swap3A_47 = arith.index_cast %swap3A_46 : i32 to index
      %swap3A_48 = arith.index_cast %scan3A_35 : i32 to index
      %swap3A_49 = arith.constant 16 : index
      %swap3A_50 = tpu.vector_load %arg11[%swap3A_47, %swap3A_48, %swap3A_49] {strides = array<i32>} : memref<2x128x128xf32, #tpu.memory_space<vmem>>, vector<1x1x16xf32>,
      %swap3A_51 = vector.shape_cast %swap3A_50 : vector<1x1x16xf32> to vector<16xf32>
      %swap3A_52 = vector.shape_cast %broadcast_in_dim3A_45 : vector<16xf32> to vector<1x1x16xf32>
      tpu.vector_store %arg11[%swap3A_47, %swap3A_48, %swap3A_49], %swap3A_52 {strides = array<i32>} : memref<2x128x128xf32, #tpu.memory_space<vmem>>, vector<1x1x16xf32>,
      %broadcast_in_dim3A_53 = arith.constant 0.000000e+00 : f32
      %broadcast_in_dim3A_54 = vector.broadcast %broadcast_in_dim3A_53 : f32 to vector<16xf32>
      %swap3A_55 = arith.constant 0 : i32
      %swap3A_56 = arith.index_cast %swap3A_55 : i32 to index
      %swap3A_57 = arith.index_cast %scan3A_35 : i32 to index
      %swap3A_58 = arith.constant 32 : index
      %swap3A_59 = tpu.vector_load %arg11[%swap3A_56, %swap3A_57, %swap3A_58] {strides = array<i32>} : memref<2x128x128xf32, #tpu.memory_space<vmem>>, vector<1x1x16xf32>,
      %swap3A_60 = vector.shape_cast %swap3A_59 : vector<1x1x16xf32> to vector<16xf32>
      %swap3A_61 = vector.shape_cast %broadcast_in_dim3A_54 : vector<16xf32> to vector<1x1x16xf32>
      tpu.vector_store %arg11[%swap3A_56, %swap3A_57, %swap3A_58], %swap3A_61 {strides = array<i32>} : memref<2x128x128xf32, #tpu.memory_space<vmem>>, vector<1x1x16xf32>,
      %broadcast_in_dim3A_62 = arith.constant 0.000000e+00 : f32
      %broadcast_in_dim3A_63 = vector.broadcast %broadcast_in_dim3A_62 : f32 to vector<16xf32>
      %swap3A_64 = arith.constant 0 : i32
      %swap3A_65 = arith.index_cast %swap3A_64 : i32 to index
      %swap3A_66 = arith.index_cast %scan3A_35 : i32 to index
      %swap3A_67 = arith.constant 48 : index
      %swap3A_68 = tpu.vector_load %arg11[%swap3A_65, %swap3A_66, %swap3A_67] {strides = array<i32>} : memref<2x128x128xf32, #tpu.memory_space<vmem>>, vector<1x1x16xf32>,
      %swap3A_69 = vector.shape_cast %swap3A_68 : vector<1x1x16xf32> to vector<16xf32>
      %swap3A_70 = vector.shape_cast %broadcast_in_dim3A_63 : vector<16xf32> to vector<1x1x16xf32>
      tpu.vector_store %arg11[%swap3A_65, %swap3A_66, %swap3A_67], %swap3A_70 {strides = array<i32>} : memref<2x128x128xf32, #tpu.memory_space<vmem>>, vector<1x1x16xf32>,
      %broadcast_in_dim3A_71 = arith.constant 0.000000e+00 : f32
      %broadcast_in_dim3A_72 = vector.broadcast %broadcast_in_dim3A_71 : f32 to vector<16xf32>
      %swap3A_73 = arith.constant 0 : i32
      %swap3A_74 = arith.index_cast %swap3A_73 : i32 to index
      %swap3A_75 = arith.index_cast %scan3A_35 : i32 to index
      %swap3A_76 = arith.constant 64 : index
      %swap3A_77 = tpu.vector_load %arg11[%swap3A_74, %swap3A_75, %swap3A_76] {strides = array<i32>} : memref<2x128x128xf32, #tpu.memory_space<vmem>>, vector<1x1x16xf32>,
      %swap3A_78 = vector.shape_cast %swap3A_77 : vector<1x1x16xf32> to vector<16xf32>
      %swap3A_79 = vector.shape_cast %broadcast_in_dim3A_72 : vector<16xf32> to vector<1x1x16xf32>
      tpu.vector_store %arg11[%swap3A_74, %swap3A_75, %swap3A_76], %swap3A_79 {strides = array<i32>} : memref<2x128x128xf32, #tpu.memory_space<vmem>>, vector<1x1x16xf32>,
      %broadcast_in_dim3A_80 = arith.constant 0.000000e+00 : f32
      %broadcast_in_dim3A_81 = vector.broadcast %broadcast_in_dim3A_80 : f32 to vector<16xf32>
      %swap3A_82 = arith.constant 0 : i32
      %swap3A_83 = arith.index_cast %swap3A_82 : i32 to index
      %swap3A_84 = arith.index_cast %scan3A_35 : i32 to index
      %swap3A_85 = arith.constant 80 : index
      %swap3A_86 = tpu.vector_load %arg11[%swap3A_83, %swap3A_84, %swap3A_85] {strides = array<i32>} : memref<2x128x128xf32, #tpu.memory_space<vmem>>, vector<1x1x16xf32>,
      %swap3A_87 = vector.shape_cast %swap3A_86 : vector<1x1x16xf32> to vector<16xf32>
      %swap3A_88 = vector.shape_cast %broadcast_in_dim3A_81 : vector<16xf32> to vector<1x1x16xf32>
      tpu.vector_store %arg11[%swap3A_83, %swap3A_84, %swap3A_85], %swap3A_88 {strides = array<i32>} : memref<2x128x128xf32, #tpu.memory_space<vmem>>, vector<1x1x16xf32>,
      %broadcast_in_dim3A_89 = arith.constant 0.000000e+00 : f32
      %broadcast_in_dim3A_90 = vector.broadcast %broadcast_in_dim3A_89 : f32 to vector<16xf32>
      %swap3A_91 = arith.constant 0 : i32
      %swap3A_92 = arith.index_cast %swap3A_91 : i32 to index
      %swap3A_93 = arith.index_cast %scan3A_35 : i32 to index
      %swap3A_94 = arith.constant 96 : index
      %swap3A_95 = tpu.vector_load %arg11[%swap3A_92, %swap3A_93, %swap3A_94] {strides = array<i32>} : memref<2x128x128xf32, #tpu.memory_space<vmem>>, vector<1x1x16xf32>,
      %swap3A_96 = vector.shape_cast %swap3A_95 : vector<1x1x16xf32> to vector<16xf32>
      %swap3A_97 = vector.shape_cast %broadcast_in_dim3A_90 : vector<16xf32> to vector<1x1x16xf32>
      tpu.vector_store %arg11[%swap3A_92, %swap3A_93, %swap3A_94], %swap3A_97 {strides = array<i32>} : memref<2x128x128xf32, #tpu.memory_space<vmem>>, vector<1x1x16xf32>,
      %broadcast_in_dim3A_98 = arith.constant 0.000000e+00 : f32
      %broadcast_in_dim3A_99 = vector.broadcast %broadcast_in_dim3A_98 : f32 to vector<16xf32>
      %swap3A_100 = arith.constant 0 : i32
      %swap3A_101 = arith.index_cast %swap3A_100 : i32 to index
      %swap3A_102 = arith.index_cast %scan3A_35 : i32 to index
      %swap3A_103 = arith.constant 112 : index
      %swap3A_104 = tpu.vector_load %arg11[%swap3A_101, %swap3A_102, %swap3A_103] {strides = array<i32>} : memref<2x128x128xf32, #tpu.memory_space<vmem>>, vector<1x1x16xf32>,
      %swap3A_105 = vector.shape_cast %swap3A_104 : vector<1x1x16xf32> to vector<16xf32>
      %swap3A_106 = vector.shape_cast %broadcast_in_dim3A_99 : vector<16xf32> to vector<1x1x16xf32>
      tpu.vector_store %arg11[%swap3A_101, %swap3A_102, %swap3A_103], %swap3A_106 {strides = array<i32>} : memref<2x128x128xf32, #tpu.memory_space<vmem>>, vector<1x1x16xf32>,
      %scan3A_107 = arith.constant 0 : i32
      scf.yield %scan3A_107 : i32
    }
    %scan3A_5 = arith.constant 128 : i32
    %mul3A = arith.constant 640 : i32
    %mul3A_6 = arith.muli %arg1, %mul3A : i32
    %add3A = arith.constant 0 : i32
    %add3A_7 = arith.addi %mul3A_6, %add3A : i32
    %run_scoped3A = arith.constant 0 : i32
    "tpu.region"() ({
      %run_scoped3A_35 = tpu.sem_alloc : memref<!tpu.dma_semaphore, #tpu.memory_space<semaphore_mem>>
      %dma_start3A = arith.constant 0 : i32
      %dma_start3A_36 = arith.constant 0 : i32
      %dma_start3A_37 = tpu.memref_slice %arg11[%run_scoped3A, %dma_start3A, %dma_start3A_36] : memref<2x128x128xf32, #tpu.memory_space<vmem>> -> memref<1x128x128xf32, #tpu.memory_space<vmem>>
      %dma_start3A_38 = tpu.memref_squeeze %dma_start3A_37 : memref<1x128x128xf32, #tpu.memory_space<vmem>> -> memref<128x128xf32, #tpu.memory_space<vmem>>
      %dma_start3A_39 = arith.constant 0 : i32
      %dma_start3A_40 = tpu.memref_slice %arg8[%add3A_7, %dma_start3A_39] : memref<10240x128xf32, #tpu.memory_space<vmem_shared>> -> memref<128x128xf32, #tpu.memory_space<vmem_shared>>
      %dma_start3A_41 = arith.constant 0 : i32
      %dma_start3A_42 = tpu.memref_slice %arg8[%add3A_7, %dma_start3A_41] : memref<10240x128xf32, #tpu.memory_space<vmem_shared>> -> memref<128x128xf32, #tpu.memory_space<vmem_shared>>
      %dma_start3A_43 = arith.constant 0 : i32
      %dma_start3A_44 = arith.constant 0 : i32
      %dma_start3A_45 = tpu.memref_slice %arg11[%run_scoped3A, %dma_start3A_43, %dma_start3A_44] : memref<2x128x128xf32, #tpu.memory_space<vmem>> -> memref<1x128x128xf32, #tpu.memory_space<vmem>>
      %dma_start3A_46 = tpu.memref_squeeze %dma_start3A_45 : memref<1x128x128xf32, #tpu.memory_space<vmem>> -> memref<128x128xf32, #tpu.memory_space<vmem>>
      tpu.enqueue_dma source(%dma_start3A_46 : memref<128x128xf32, #tpu.memory_space<vmem>>) target(%dma_start3A_42 : memref<128x128xf32, #tpu.memory_space<vmem_shared>>) target_semaphore(%run_scoped3A_35 : memref<!tpu.dma_semaphore, #tpu.memory_space<semaphore_mem>>)
      %dma_wait3A = arith.constant 0 : i32
      %dma_wait3A_47 = arith.constant 0 : i32
      %dma_wait3A_48 = tpu.memref_slice %arg11[%run_scoped3A, %dma_wait3A, %dma_wait3A_47] : memref<2x128x128xf32, #tpu.memory_space<vmem>> -> memref<1x128x128xf32, #tpu.memory_space<vmem>>
      %dma_wait3A_49 = tpu.memref_squeeze %dma_wait3A_48 : memref<1x128x128xf32, #tpu.memory_space<vmem>> -> memref<128x128xf32, #tpu.memory_space<vmem>>
      %dma_wait3A_50 = arith.constant 0 : i32
      %dma_wait3A_51 = tpu.memref_slice %arg8[%add3A_7, %dma_wait3A_50] : memref<10240x128xf32, #tpu.memory_space<vmem_shared>> -> memref<128x128xf32, #tpu.memory_space<vmem_shared>>
      %dma_wait3A_52 = arith.constant 0 : i32
      %dma_wait3A_53 = tpu.memref_slice %arg8[%add3A_7, %dma_wait3A_52] : memref<10240x128xf32, #tpu.memory_space<vmem_shared>> -> memref<128x128xf32, #tpu.memory_space<vmem_shared>>
      %dma_wait3A_54 = arith.constant 0 : i32
      %dma_wait3A_55 = arith.constant 0 : i32
      %dma_wait3A_56 = tpu.memref_slice %arg11[%run_scoped3A, %dma_wait3A_54, %dma_wait3A_55] : memref<2x128x128xf32, #tpu.memory_space<vmem>> -> memref<1x128x128xf32, #tpu.memory_space<vmem>>
      %dma_wait3A_57 = tpu.memref_squeeze %dma_wait3A_56 : memref<1x128x128xf32, #tpu.memory_space<vmem>> -> memref<128x128xf32, #tpu.memory_space<vmem>>
      tpu.wait_dma2 semaphore(%run_scoped3A_35 : memref<!tpu.dma_semaphore, #tpu.memory_space<semaphore_mem>>) src(%dma_wait3A_57 : memref<128x128xf32, #tpu.memory_space<vmem>>) dst(%dma_wait3A_53 : memref<128x128xf32, #tpu.memory_space<vmem_shared>>)
      tpu.yield
    }) : () -> ()
    %mul3A_8 = arith.constant 640 : i32
    %mul3A_9 = arith.muli %arg1, %mul3A_8 : i32
    %add3A_10 = arith.constant 128 : i32
    %add3A_11 = arith.addi %mul3A_9, %add3A_10 : i32
    %run_scoped3A_12 = arith.constant 0 : i32
    "tpu.region"() ({
      %run_scoped3A_35 = tpu.sem_alloc : memref<!tpu.dma_semaphore, #tpu.memory_space<semaphore_mem>>
      %dma_start3A = arith.constant 0 : i32
      %dma_start3A_36 = arith.constant 0 : i32
      %dma_start3A_37 = tpu.memref_slice %arg11[%run_scoped3A_12, %dma_start3A, %dma_start3A_36] : memref<2x128x128xf32, #tpu.memory_space<vmem>> -> memref<1x128x128xf32, #tpu.memory_space<vmem>>
      %dma_start3A_38 = tpu.memref_squeeze %dma_start3A_37 : memref<1x128x128xf32, #tpu.memory_space<vmem>> -> memref<128x128xf32, #tpu.memory_space<vmem>>
      %dma_start3A_39 = arith.constant 0 : i32
      %dma_start3A_40 = tpu.memref_slice %arg8[%add3A_11, %dma_start3A_39] : memref<10240x128xf32, #tpu.memory_space<vmem_shared>> -> memref<128x128xf32, #tpu.memory_space<vmem_shared>>
      %dma_start3A_41 = arith.constant 0 : i32
      %dma_start3A_42 = tpu.memref_slice %arg8[%add3A_11, %dma_start3A_41] : memref<10240x128xf32, #tpu.memory_space<vmem_shared>> -> memref<128x128xf32, #tpu.memory_space<vmem_shared>>
      %dma_start3A_43 = arith.constant 0 : i32
      %dma_start3A_44 = arith.constant 0 : i32
      %dma_start3A_45 = tpu.memref_slice %arg11[%run_scoped3A_12, %dma_start3A_43, %dma_start3A_44] : memref<2x128x128xf32, #tpu.memory_space<vmem>> -> memref<1x128x128xf32, #tpu.memory_space<vmem>>
      %dma_start3A_46 = tpu.memref_squeeze %dma_start3A_45 : memref<1x128x128xf32, #tpu.memory_space<vmem>> -> memref<128x128xf32, #tpu.memory_space<vmem>>
      tpu.enqueue_dma source(%dma_start3A_46 : memref<128x128xf32, #tpu.memory_space<vmem>>) target(%dma_start3A_42 : memref<128x128xf32, #tpu.memory_space<vmem_shared>>) target_semaphore(%run_scoped3A_35 : memref<!tpu.dma_semaphore, #tpu.memory_space<semaphore_mem>>)
      %dma_wait3A = arith.constant 0 : i32
      %dma_wait3A_47 = arith.constant 0 : i32
      %dma_wait3A_48 = tpu.memref_slice %arg11[%run_scoped3A_12, %dma_wait3A, %dma_wait3A_47] : memref<2x128x128xf32, #tpu.memory_space<vmem>> -> memref<1x128x128xf32, #tpu.memory_space<vmem>>
      %dma_wait3A_49 = tpu.memref_squeeze %dma_wait3A_48 : memref<1x128x128xf32, #tpu.memory_space<vmem>> -> memref<128x128xf32, #tpu.memory_space<vmem>>
      %dma_wait3A_50 = arith.constant 0 : i32
      %dma_wait3A_51 = tpu.memref_slice %arg8[%add3A_11, %dma_wait3A_50] : memref<10240x128xf32, #tpu.memory_space<vmem_shared>> -> memref<128x128xf32, #tpu.memory_space<vmem_shared>>
      %dma_wait3A_52 = arith.constant 0 : i32
      %dma_wait3A_53 = tpu.memref_slice %arg8[%add3A_11, %dma_wait3A_52] : memref<10240x128xf32, #tpu.memory_space<vmem_shared>> -> memref<128x128xf32, #tpu.memory_space<vmem_shared>>
      %dma_wait3A_54 = arith.constant 0 : i32
      %dma_wait3A_55 = arith.constant 0 : i32
      %dma_wait3A_56 = tpu.memref_slice %arg11[%run_scoped3A_12, %dma_wait3A_54, %dma_wait3A_55] : memref<2x128x128xf32, #tpu.memory_space<vmem>> -> memref<1x128x128xf32, #tpu.memory_space<vmem>>
      %dma_wait3A_57 = tpu.memref_squeeze %dma_wait3A_56 : memref<1x128x128xf32, #tpu.memory_space<vmem>> -> memref<128x128xf32, #tpu.memory_space<vmem>>
      tpu.wait_dma2 semaphore(%run_scoped3A_35 : memref<!tpu.dma_semaphore, #tpu.memory_space<semaphore_mem>>) src(%dma_wait3A_57 : memref<128x128xf32, #tpu.memory_space<vmem>>) dst(%dma_wait3A_53 : memref<128x128xf32, #tpu.memory_space<vmem_shared>>)
      tpu.yield
    }) : () -> ()
    %mul3A_13 = arith.constant 640 : i32
    %mul3A_14 = arith.muli %arg1, %mul3A_13 : i32
    %add3A_15 = arith.constant 256 : i32
    %add3A_16 = arith.addi %mul3A_14, %add3A_15 : i32
    %run_scoped3A_17 = arith.constant 0 : i32
    "tpu.region"() ({
      %run_scoped3A_35 = tpu.sem_alloc : memref<!tpu.dma_semaphore, #tpu.memory_space<semaphore_mem>>
      %dma_start3A = arith.constant 0 : i32
      %dma_start3A_36 = arith.constant 0 : i32
      %dma_start3A_37 = tpu.memref_slice %arg11[%run_scoped3A_17, %dma_start3A, %dma_start3A_36] : memref<2x128x128xf32, #tpu.memory_space<vmem>> -> memref<1x128x128xf32, #tpu.memory_space<vmem>>
      %dma_start3A_38 = tpu.memref_squeeze %dma_start3A_37 : memref<1x128x128xf32, #tpu.memory_space<vmem>> -> memref<128x128xf32, #tpu.memory_space<vmem>>
      %dma_start3A_39 = arith.constant 0 : i32
      %dma_start3A_40 = tpu.memref_slice %arg8[%add3A_16, %dma_start3A_39] : memref<10240x128xf32, #tpu.memory_space<vmem_shared>> -> memref<128x128xf32, #tpu.memory_space<vmem_shared>>
      %dma_start3A_41 = arith.constant 0 : i32
      %dma_start3A_42 = tpu.memref_slice %arg8[%add3A_16, %dma_start3A_41] : memref<10240x128xf32, #tpu.memory_space<vmem_shared>> -> memref<128x128xf32, #tpu.memory_space<vmem_shared>>
      %dma_start3A_43 = arith.constant 0 : i32
      %dma_start3A_44 = arith.constant 0 : i32
      %dma_start3A_45 = tpu.memref_slice %arg11[%run_scoped3A_17, %dma_start3A_43, %dma_start3A_44] : memref<2x128x128xf32, #tpu.memory_space<vmem>> -> memref<1x128x128xf32, #tpu.memory_space<vmem>>
      %dma_start3A_46 = tpu.memref_squeeze %dma_start3A_45 : memref<1x128x128xf32, #tpu.memory_space<vmem>> -> memref<128x128xf32, #tpu.memory_space<vmem>>
      tpu.enqueue_dma source(%dma_start3A_46 : memref<128x128xf32, #tpu.memory_space<vmem>>) target(%dma_start3A_42 : memref<128x128xf32, #tpu.memory_space<vmem_shared>>) target_semaphore(%run_scoped3A_35 : memref<!tpu.dma_semaphore, #tpu.memory_space<semaphore_mem>>)
      %dma_wait3A = arith.constant 0 : i32
      %dma_wait3A_47 = arith.constant 0 : i32
      %dma_wait3A_48 = tpu.memref_slice %arg11[%run_scoped3A_17, %dma_wait3A, %dma_wait3A_47] : memref<2x128x128xf32, #tpu.memory_space<vmem>> -> memref<1x128x128xf32, #tpu.memory_space<vmem>>
      %dma_wait3A_49 = tpu.memref_squeeze %dma_wait3A_48 : memref<1x128x128xf32, #tpu.memory_space<vmem>> -> memref<128x128xf32, #tpu.memory_space<vmem>>
      %dma_wait3A_50 = arith.constant 0 : i32
      %dma_wait3A_51 = tpu.memref_slice %arg8[%add3A_16, %dma_wait3A_50] : memref<10240x128xf32, #tpu.memory_space<vmem_shared>> -> memref<128x128xf32, #tpu.memory_space<vmem_shared>>
      %dma_wait3A_52 = arith.constant 0 : i32
      %dma_wait3A_53 = tpu.memref_slice %arg8[%add3A_16, %dma_wait3A_52] : memref<10240x128xf32, #tpu.memory_space<vmem_shared>> -> memref<128x128xf32, #tpu.memory_space<vmem_shared>>
      %dma_wait3A_54 = arith.constant 0 : i32
      %dma_wait3A_55 = arith.constant 0 : i32
      %dma_wait3A_56 = tpu.memref_slice %arg11[%run_scoped3A_17, %dma_wait3A_54, %dma_wait3A_55] : memref<2x128x128xf32, #tpu.memory_space<vmem>> -> memref<1x128x128xf32, #tpu.memory_space<vmem>>
      %dma_wait3A_57 = tpu.memref_squeeze %dma_wait3A_56 : memref<1x128x128xf32, #tpu.memory_space<vmem>> -> memref<128x128xf32, #tpu.memory_space<vmem>>
      tpu.wait_dma2 semaphore(%run_scoped3A_35 : memref<!tpu.dma_semaphore, #tpu.memory_space<semaphore_mem>>) src(%dma_wait3A_57 : memref<128x128xf32, #tpu.memory_space<vmem>>) dst(%dma_wait3A_53 : memref<128x128xf32, #tpu.memory_space<vmem_shared>>)
      tpu.yield
    }) : () -> ()
    %mul3A_18 = arith.constant 640 : i32
    %mul3A_19 = arith.muli %arg1, %mul3A_18 : i32
    %add3A_20 = arith.constant 384 : i32
    %add3A_21 = arith.addi %mul3A_19, %add3A_20 : i32
    %run_scoped3A_22 = arith.constant 0 : i32
    "tpu.region"() ({
      %run_scoped3A_35 = tpu.sem_alloc : memref<!tpu.dma_semaphore, #tpu.memory_space<semaphore_mem>>
      %dma_start3A = arith.constant 0 : i32
      %dma_start3A_36 = arith.constant 0 : i32
      %dma_start3A_37 = tpu.memref_slice %arg11[%run_scoped3A_22, %dma_start3A, %dma_start3A_36] : memref<2x128x128xf32, #tpu.memory_space<vmem>> -> memref<1x128x128xf32, #tpu.memory_space<vmem>>
      %dma_start3A_38 = tpu.memref_squeeze %dma_start3A_37 : memref<1x128x128xf32, #tpu.memory_space<vmem>> -> memref<128x128xf32, #tpu.memory_space<vmem>>
      %dma_start3A_39 = arith.constant 0 : i32
      %dma_start3A_40 = tpu.memref_slice %arg8[%add3A_21, %dma_start3A_39] : memref<10240x128xf32, #tpu.memory_space<vmem_shared>> -> memref<128x128xf32, #tpu.memory_space<vmem_shared>>
      %dma_start3A_41 = arith.constant 0 : i32
      %dma_start3A_42 = tpu.memref_slice %arg8[%add3A_21, %dma_start3A_41] : memref<10240x128xf32, #tpu.memory_space<vmem_shared>> -> memref<128x128xf32, #tpu.memory_space<vmem_shared>>
      %dma_start3A_43 = arith.constant 0 : i32
      %dma_start3A_44 = arith.constant 0 : i32
      %dma_start3A_45 = tpu.memref_slice %arg11[%run_scoped3A_22, %dma_start3A_43, %dma_start3A_44] : memref<2x128x128xf32, #tpu.memory_space<vmem>> -> memref<1x128x128xf32, #tpu.memory_space<vmem>>
      %dma_start3A_46 = tpu.memref_squeeze %dma_start3A_45 : memref<1x128x128xf32, #tpu.memory_space<vmem>> -> memref<128x128xf32, #tpu.memory_space<vmem>>
      tpu.enqueue_dma source(%dma_start3A_46 : memref<128x128xf32, #tpu.memory_space<vmem>>) target(%dma_start3A_42 : memref<128x128xf32, #tpu.memory_space<vmem_shared>>) target_semaphore(%run_scoped3A_35 : memref<!tpu.dma_semaphore, #tpu.memory_space<semaphore_mem>>)
      %dma_wait3A = arith.constant 0 : i32
      %dma_wait3A_47 = arith.constant 0 : i32
      %dma_wait3A_48 = tpu.memref_slice %arg11[%run_scoped3A_22, %dma_wait3A, %dma_wait3A_47] : memref<2x128x128xf32, #tpu.memory_space<vmem>> -> memref<1x128x128xf32, #tpu.memory_space<vmem>>
      %dma_wait3A_49 = tpu.memref_squeeze %dma_wait3A_48 : memref<1x128x128xf32, #tpu.memory_space<vmem>> -> memref<128x128xf32, #tpu.memory_space<vmem>>
      %dma_wait3A_50 = arith.constant 0 : i32
      %dma_wait3A_51 = tpu.memref_slice %arg8[%add3A_21, %dma_wait3A_50] : memref<10240x128xf32, #tpu.memory_space<vmem_shared>> -> memref<128x128xf32, #tpu.memory_space<vmem_shared>>
      %dma_wait3A_52 = arith.constant 0 : i32
      %dma_wait3A_53 = tpu.memref_slice %arg8[%add3A_21, %dma_wait3A_52] : memref<10240x128xf32, #tpu.memory_space<vmem_shared>> -> memref<128x128xf32, #tpu.memory_space<vmem_shared>>
      %dma_wait3A_54 = arith.constant 0 : i32
      %dma_wait3A_55 = arith.constant 0 : i32
      %dma_wait3A_56 = tpu.memref_slice %arg11[%run_scoped3A_22, %dma_wait3A_54, %dma_wait3A_55] : memref<2x128x128xf32, #tpu.memory_space<vmem>> -> memref<1x128x128xf32, #tpu.memory_space<vmem>>
      %dma_wait3A_57 = tpu.memref_squeeze %dma_wait3A_56 : memref<1x128x128xf32, #tpu.memory_space<vmem>> -> memref<128x128xf32, #tpu.memory_space<vmem>>
      tpu.wait_dma2 semaphore(%run_scoped3A_35 : memref<!tpu.dma_semaphore, #tpu.memory_space<semaphore_mem>>) src(%dma_wait3A_57 : memref<128x128xf32, #tpu.memory_space<vmem>>) dst(%dma_wait3A_53 : memref<128x128xf32, #tpu.memory_space<vmem_shared>>)
      tpu.yield
    }) : () -> ()
    %mul3A_23 = arith.constant 640 : i32
    %mul3A_24 = arith.muli %arg1, %mul3A_23 : i32
    %add3A_25 = arith.constant 512 : i32
    %add3A_26 = arith.addi %mul3A_24, %add3A_25 : i32
    %run_scoped3A_27 = arith.constant 0 : i32
    "tpu.region"() ({
      %run_scoped3A_35 = tpu.sem_alloc : memref<!tpu.dma_semaphore, #tpu.memory_space<semaphore_mem>>
      %dma_start3A = arith.constant 0 : i32
      %dma_start3A_36 = arith.constant 0 : i32
      %dma_start3A_37 = tpu.memref_slice %arg11[%run_scoped3A_27, %dma_start3A, %dma_start3A_36] : memref<2x128x128xf32, #tpu.memory_space<vmem>> -> memref<1x128x128xf32, #tpu.memory_space<vmem>>
      %dma_start3A_38 = tpu.memref_squeeze %dma_start3A_37 : memref<1x128x128xf32, #tpu.memory_space<vmem>> -> memref<128x128xf32, #tpu.memory_space<vmem>>
      %dma_start3A_39 = arith.constant 0 : i32
      %dma_start3A_40 = tpu.memref_slice %arg8[%add3A_26, %dma_start3A_39] : memref<10240x128xf32, #tpu.memory_space<vmem_shared>> -> memref<128x128xf32, #tpu.memory_space<vmem_shared>>
      %dma_start3A_41 = arith.constant 0 : i32
      %dma_start3A_42 = tpu.memref_slice %arg8[%add3A_26, %dma_start3A_41] : memref<10240x128xf32, #tpu.memory_space<vmem_shared>> -> memref<128x128xf32, #tpu.memory_space<vmem_shared>>
      %dma_start3A_43 = arith.constant 0 : i32
      %dma_start3A_44 = arith.constant 0 : i32
      %dma_start3A_45 = tpu.memref_slice %arg11[%run_scoped3A_27, %dma_start3A_43, %dma_start3A_44] : memref<2x128x128xf32, #tpu.memory_space<vmem>> -> memref<1x128x128xf32, #tpu.memory_space<vmem>>
      %dma_start3A_46 = tpu.memref_squeeze %dma_start3A_45 : memref<1x128x128xf32, #tpu.memory_space<vmem>> -> memref<128x128xf32, #tpu.memory_space<vmem>>
      tpu.enqueue_dma source(%dma_start3A_46 : memref<128x128xf32, #tpu.memory_space<vmem>>) target(%dma_start3A_42 : memref<128x128xf32, #tpu.memory_space<vmem_shared>>) target_semaphore(%run_scoped3A_35 : memref<!tpu.dma_semaphore, #tpu.memory_space<semaphore_mem>>)
      %dma_wait3A = arith.constant 0 : i32
      %dma_wait3A_47 = arith.constant 0 : i32
      %dma_wait3A_48 = tpu.memref_slice %arg11[%run_scoped3A_27, %dma_wait3A, %dma_wait3A_47] : memref<2x128x128xf32, #tpu.memory_space<vmem>> -> memref<1x128x128xf32, #tpu.memory_space<vmem>>
      %dma_wait3A_49 = tpu.memref_squeeze %dma_wait3A_48 : memref<1x128x128xf32, #tpu.memory_space<vmem>> -> memref<128x128xf32, #tpu.memory_space<vmem>>
      %dma_wait3A_50 = arith.constant 0 : i32
      %dma_wait3A_51 = tpu.memref_slice %arg8[%add3A_26, %dma_wait3A_50] : memref<10240x128xf32, #tpu.memory_space<vmem_shared>> -> memref<128x128xf32, #tpu.memory_space<vmem_shared>>
      %dma_wait3A_52 = arith.constant 0 : i32
      %dma_wait3A_53 = tpu.memref_slice %arg8[%add3A_26, %dma_wait3A_52] : memref<10240x128xf32, #tpu.memory_space<vmem_shared>> -> memref<128x128xf32, #tpu.memory_space<vmem_shared>>
      %dma_wait3A_54 = arith.constant 0 : i32
      %dma_wait3A_55 = arith.constant 0 : i32
      %dma_wait3A_56 = tpu.memref_slice %arg11[%run_scoped3A_27, %dma_wait3A_54, %dma_wait3A_55] : memref<2x128x128xf32, #tpu.memory_space<vmem>> -> memref<1x128x128xf32, #tpu.memory_space<vmem>>
      %dma_wait3A_57 = tpu.memref_squeeze %dma_wait3A_56 : memref<1x128x128xf32, #tpu.memory_space<vmem>> -> memref<128x128xf32, #tpu.memory_space<vmem>>
      tpu.wait_dma2 semaphore(%run_scoped3A_35 : memref<!tpu.dma_semaphore, #tpu.memory_space<semaphore_mem>>) src(%dma_wait3A_57 : memref<128x128xf32, #tpu.memory_space<vmem>>) dst(%dma_wait3A_53 : memref<128x128xf32, #tpu.memory_space<vmem_shared>>)
      tpu.yield
    }) : () -> ()
    %barrier3A = arith.constant 0 : index
    tpu.barrier barrier_id(%barrier3A)
    %eq3A = arith.constant 0 : i32
    %eq3A_28 = arith.cmpi eq, %arg0, %eq3A : i32
    %convert_element_type3A = arith.extui %eq3A_28 : i1 to i32
    %cond3A = arith.constant 0 : i32
    %cond3A_29 = arith.cmpi ne, %convert_element_type3A, %cond3A : i32
    scf.if %cond3A_29 {
      %run_scoped3A_35 = arith.constant 0 : i32
      %run_scoped3A_36 = arith.constant 0 : i32
      "tpu.region"() ({
        %run_scoped3A_224 = tpu.sem_alloc : memref<!tpu.dma_semaphore, #tpu.memory_space<semaphore_mem>>
        %dma_start3A_225 = arith.constant 0 : i32
        %dma_start3A_226 = arith.constant 0 : i32
        %dma_start3A_227 = tpu.memref_slice %arg9[%run_scoped3A_36, %dma_start3A_225, %dma_start3A_226] : memref<2x1x128xi32, #tpu.memory_space<vmem>> -> memref<1x1x128xi32, #tpu.memory_space<vmem>>
        %dma_start3A_228 = tpu.memref_squeeze %dma_start3A_227 : memref<1x1x128xi32, #tpu.memory_space<vmem>> -> memref<1x128xi32, #tpu.memory_space<vmem>>
        %dma_start3A_229 = arith.constant 0 : i32
        %dma_start3A_230 = arith.constant 0 : i32
        %dma_start3A_231 = tpu.memref_slice %arg4[%arg1, %run_scoped3A_35, %dma_start3A_229, %dma_start3A_230] : memref<16x157x1x128xi32, #tpu.memory_space<hbm>> -> memref<1x1x1x128xi32, #tpu.memory_space<hbm>>
        %dma_start3A_232 = tpu.memref_squeeze %dma_start3A_231 : memref<1x1x1x128xi32, #tpu.memory_space<hbm>> -> memref<1x128xi32, #tpu.memory_space<hbm>>
        %dma_start3A_233 = arith.constant 0 : i32
        %dma_start3A_234 = arith.constant 0 : i32
        %dma_start3A_235 = tpu.memref_slice %arg9[%run_scoped3A_36, %dma_start3A_233, %dma_start3A_234] : memref<2x1x128xi32, #tpu.memory_space<vmem>> -> memref<1x1x128xi32, #tpu.memory_space<vmem>>
        %dma_start3A_236 = tpu.memref_squeeze %dma_start3A_235 : memref<1x1x128xi32, #tpu.memory_space<vmem>> -> memref<1x128xi32, #tpu.memory_space<vmem>>
        %dma_start3A_237 = arith.constant 0 : i32
        %dma_start3A_238 = arith.constant 0 : i32
        %dma_start3A_239 = tpu.memref_slice %arg4[%arg1, %run_scoped3A_35, %dma_start3A_237, %dma_start3A_238] : memref<16x157x1x128xi32, #tpu.memory_space<hbm>> -> memref<1x1x1x128xi32, #tpu.memory_space<hbm>>
        %dma_start3A_240 = tpu.memref_squeeze %dma_start3A_239 : memref<1x1x1x128xi32, #tpu.memory_space<hbm>> -> memref<1x128xi32, #tpu.memory_space<hbm>>
        tpu.enqueue_dma source(%dma_start3A_240 : memref<1x128xi32, #tpu.memory_space<hbm>>) target(%dma_start3A_236 : memref<1x128xi32, #tpu.memory_space<vmem>>) target_semaphore(%run_scoped3A_224 : memref<!tpu.dma_semaphore, #tpu.memory_space<semaphore_mem>>)
        %dma_wait3A_241 = arith.constant 0 : i32
        %dma_wait3A_242 = arith.constant 0 : i32
        %dma_wait3A_243 = tpu.memref_slice %arg9[%run_scoped3A_36, %dma_wait3A_241, %dma_wait3A_242] : memref<2x1x128xi32, #tpu.memory_space<vmem>> -> memref<1x1x128xi32, #tpu.memory_space<vmem>>
        %dma_wait3A_244 = tpu.memref_squeeze %dma_wait3A_243 : memref<1x1x128xi32, #tpu.memory_space<vmem>> -> memref<1x128xi32, #tpu.memory_space<vmem>>
        %dma_wait3A_245 = arith.constant 0 : i32
        %dma_wait3A_246 = arith.constant 0 : i32
        %dma_wait3A_247 = tpu.memref_slice %arg4[%arg1, %run_scoped3A_35, %dma_wait3A_245, %dma_wait3A_246] : memref<16x157x1x128xi32, #tpu.memory_space<hbm>> -> memref<1x1x1x128xi32, #tpu.memory_space<hbm>>
        %dma_wait3A_248 = tpu.memref_squeeze %dma_wait3A_247 : memref<1x1x1x128xi32, #tpu.memory_space<hbm>> -> memref<1x128xi32, #tpu.memory_space<hbm>>
        %dma_wait3A_249 = arith.constant 0 : i32
        %dma_wait3A_250 = arith.constant 0 : i32
        %dma_wait3A_251 = tpu.memref_slice %arg9[%run_scoped3A_36, %dma_wait3A_249, %dma_wait3A_250] : memref<2x1x128xi32, #tpu.memory_space<vmem>> -> memref<1x1x128xi32, #tpu.memory_space<vmem>>
        %dma_wait3A_252 = tpu.memref_squeeze %dma_wait3A_251 : memref<1x1x128xi32, #tpu.memory_space<vmem>> -> memref<1x128xi32, #tpu.memory_space<vmem>>
        %dma_wait3A_253 = arith.constant 0 : i32
        %dma_wait3A_254 = arith.constant 0 : i32
        %dma_wait3A_255 = tpu.memref_slice %arg4[%arg1, %run_scoped3A_35, %dma_wait3A_253, %dma_wait3A_254] : memref<16x157x1x128xi32, #tpu.memory_space<hbm>> -> memref<1x1x1x128xi32, #tpu.memory_space<hbm>>
        %dma_wait3A_256 = tpu.memref_squeeze %dma_wait3A_255 : memref<1x1x1x128xi32, #tpu.memory_space<hbm>> -> memref<1x128xi32, #tpu.memory_space<hbm>>
        tpu.wait_dma2 semaphore(%run_scoped3A_224 : memref<!tpu.dma_semaphore, #tpu.memory_space<semaphore_mem>>) src(%dma_wait3A_256 : memref<1x128xi32, #tpu.memory_space<hbm>>) dst(%dma_wait3A_252 : memref<1x128xi32, #tpu.memory_space<vmem>>)
        tpu.yield
      }) : () -> ()
      %scan3A_37 = arith.constant 0 : i32
      %scan3A_38 = arith.constant 0 : i32
      %scan3A_39 = arith.constant 157 : i32
      %scan3A_40 = arith.addi %scan3A_38, %scan3A_39 : i32
      %scan3A_41 = arith.constant 1 : i32
      %scan3A_42 = scf.for %scan3A_224 = %scan3A_38 to %scan3A_40 step %scan3A_41 iter_args(%scan3A_225 = %scan3A_37) -> (i32)  : i32 {
        %rem3A = arith.constant 2 : i32
        %rem3A_226 = arith.remsi %scan3A_224, %rem3A : i32
        %dma_start3A_227 = arith.constant 0 : i32
        %dma_start3A_228 = arith.constant 0 : i32
        %dma_start3A_229 = arith.constant 0 : i32
        %dma_start3A_230 = tpu.memref_slice %arg11[%rem3A_226, %dma_start3A_228, %dma_start3A_229] : memref<2x128x128xf32, #tpu.memory_space<vmem>> -> memref<1x128x128xf32, #tpu.memory_space<vmem>>
        %dma_start3A_231 = tpu.memref_squeeze %dma_start3A_230 : memref<1x128x128xf32, #tpu.memory_space<vmem>> -> memref<128x128xf32, #tpu.memory_space<vmem>>
        %dma_start3A_232 = arith.constant 0 : i32
        %dma_start3A_233 = tpu.memref_slice %arg9[%rem3A_226, %dma_start3A_227, %dma_start3A_232] : memref<2x1x128xi32, #tpu.memory_space<vmem>> -> memref<1x1x128xi32, #tpu.memory_space<vmem>>
        %dma_start3A_234 = tpu.memref_squeeze %dma_start3A_233 : memref<1x1x128xi32, #tpu.memory_space<vmem>> -> memref<128xi32, #tpu.memory_space<vmem>>
        %dma_start3A_235 = arith.constant 0 : i32
        %dma_start3A_236 = arith.constant 0 : i32
        %dma_start3A_237 = tpu.memref_slice %arg2[%dma_start3A_235, %dma_start3A_236] : memref<10240x128xf32, #tpu.memory_space<hbm>> -> memref<10240x128xf32, #tpu.memory_space<hbm>>
        tpu.enqueue_indirect_dma source(%dma_start3A_237 : memref<10240x128xf32, #tpu.memory_space<hbm>>) target(%dma_start3A_231 : memref<128x128xf32, #tpu.memory_space<vmem>>) offsets(%dma_start3A_234 : memref<128xi32, #tpu.memory_space<vmem>>) semaphore(%arg12 : memref<!tpu.dma_semaphore, #tpu.memory_space<semaphore_mem>>)
        "tpu.region"() ({
          %run_scoped3A_260 = tpu.sem_alloc : memref<!tpu.dma_semaphore, #tpu.memory_space<semaphore_mem>>
          %dma_start3A_261 = arith.constant 0 : i32
          %dma_start3A_262 = arith.constant 0 : i32
          %dma_start3A_263 = tpu.memref_slice %arg10[%rem3A_226, %dma_start3A_261, %dma_start3A_262] : memref<2x1x128xi32, #tpu.memory_space<vmem>> -> memref<1x1x128xi32, #tpu.memory_space<vmem>>
          %dma_start3A_264 = tpu.memref_squeeze %dma_start3A_263 : memref<1x1x128xi32, #tpu.memory_space<vmem>> -> memref<1x128xi32, #tpu.memory_space<vmem>>
          %dma_start3A_265 = arith.constant 0 : i32
          %dma_start3A_266 = arith.constant 0 : i32
          %dma_start3A_267 = tpu.memref_slice %arg5[%arg1, %scan3A_224, %dma_start3A_265, %dma_start3A_266] : memref<16x157x1x128xi32, #tpu.memory_space<hbm>> -> memref<1x1x1x128xi32, #tpu.memory_space<hbm>>
          %dma_start3A_268 = tpu.memref_squeeze %dma_start3A_267 : memref<1x1x1x128xi32, #tpu.memory_space<hbm>> -> memref<1x128xi32, #tpu.memory_space<hbm>>
          %dma_start3A_269 = arith.constant 0 : i32
          %dma_start3A_270 = arith.constant 0 : i32
          %dma_start3A_271 = tpu.memref_slice %arg10[%rem3A_226, %dma_start3A_269, %dma_start3A_270] : memref<2x1x128xi32, #tpu.memory_space<vmem>> -> memref<1x1x128xi32, #tpu.memory_space<vmem>>
          %dma_start3A_272 = tpu.memref_squeeze %dma_start3A_271 : memref<1x1x128xi32, #tpu.memory_space<vmem>> -> memref<1x128xi32, #tpu.memory_space<vmem>>
          %dma_start3A_273 = arith.constant 0 : i32
          %dma_start3A_274 = arith.constant 0 : i32
          %dma_start3A_275 = tpu.memref_slice %arg5[%arg1, %scan3A_224, %dma_start3A_273, %dma_start3A_274] : memref<16x157x1x128xi32, #tpu.memory_space<hbm>> -> memref<1x1x1x128xi32, #tpu.memory_space<hbm>>
          %dma_start3A_276 = tpu.memref_squeeze %dma_start3A_275 : memref<1x1x1x128xi32, #tpu.memory_space<hbm>> -> memref<1x128xi32, #tpu.memory_space<hbm>>
          tpu.enqueue_dma source(%dma_start3A_276 : memref<1x128xi32, #tpu.memory_space<hbm>>) target(%dma_start3A_272 : memref<1x128xi32, #tpu.memory_space<vmem>>) target_semaphore(%run_scoped3A_260 : memref<!tpu.dma_semaphore, #tpu.memory_space<semaphore_mem>>)
          %dma_wait3A_277 = arith.constant 0 : i32
          %dma_wait3A_278 = arith.constant 0 : i32
          %dma_wait3A_279 = tpu.memref_slice %arg10[%rem3A_226, %dma_wait3A_277, %dma_wait3A_278] : memref<2x1x128xi32, #tpu.memory_space<vmem>> -> memref<1x1x128xi32, #tpu.memory_space<vmem>>
          %dma_wait3A_280 = tpu.memref_squeeze %dma_wait3A_279 : memref<1x1x128xi32, #tpu.memory_space<vmem>> -> memref<1x128xi32, #tpu.memory_space<vmem>>
          %dma_wait3A_281 = arith.constant 0 : i32
          %dma_wait3A_282 = arith.constant 0 : i32
          %dma_wait3A_283 = tpu.memref_slice %arg5[%arg1, %scan3A_224, %dma_wait3A_281, %dma_wait3A_282] : memref<16x157x1x128xi32, #tpu.memory_space<hbm>> -> memref<1x1x1x128xi32, #tpu.memory_space<hbm>>
          %dma_wait3A_284 = tpu.memref_squeeze %dma_wait3A_283 : memref<1x1x1x128xi32, #tpu.memory_space<hbm>> -> memref<1x128xi32, #tpu.memory_space<hbm>>
          %dma_wait3A_285 = arith.constant 0 : i32
          %dma_wait3A_286 = arith.constant 0 : i32
          %dma_wait3A_287 = tpu.memref_slice %arg10[%rem3A_226, %dma_wait3A_285, %dma_wait3A_286] : memref<2x1x128xi32, #tpu.memory_space<vmem>> -> memref<1x1x128xi32, #tpu.memory_space<vmem>>
          %dma_wait3A_288 = tpu.memref_squeeze %dma_wait3A_287 : memref<1x1x128xi32, #tpu.memory_space<vmem>> -> memref<1x128xi32, #tpu.memory_space<vmem>>
          %dma_wait3A_289 = arith.constant 0 : i32
          %dma_wait3A_290 = arith.constant 0 : i32
          %dma_wait3A_291 = tpu.memref_slice %arg5[%arg1, %scan3A_224, %dma_wait3A_289, %dma_wait3A_290] : memref<16x157x1x128xi32, #tpu.memory_space<hbm>> -> memref<1x1x1x128xi32, #tpu.memory_space<hbm>>
          %dma_wait3A_292 = tpu.memref_squeeze %dma_wait3A_291 : memref<1x1x1x128xi32, #tpu.memory_space<hbm>> -> memref<1x128xi32, #tpu.memory_space<hbm>>
          tpu.wait_dma2 semaphore(%run_scoped3A_260 : memref<!tpu.dma_semaphore, #tpu.memory_space<semaphore_mem>>) src(%dma_wait3A_292 : memref<1x128xi32, #tpu.memory_space<hbm>>) dst(%dma_wait3A_288 : memref<1x128xi32, #tpu.memory_space<vmem>>)
          tpu.yield
        }) : () -> ()
        %add3A_238 = arith.constant 1 : i32
        %add3A_239 = arith.addi %scan3A_224, %add3A_238 : i32
        %lt3A = arith.constant 157 : i32
        %lt3A_240 = arith.cmpi slt, %add3A_239, %lt3A : i32
        %convert_element_type3A_241 = arith.extui %lt3A_240 : i1 to i32
        %cond3A_242 = arith.constant 0 : i32
        %cond3A_243 = arith.cmpi ne, %convert_element_type3A_241, %cond3A_242 : i32
        scf.if %cond3A_243 {
          %add3A_260 = arith.constant 1 : i32
          %add3A_261 = arith.addi %scan3A_224, %add3A_260 : i32
          %sub3A = arith.constant 1 : i32
          %sub3A_262 = arith.subi %sub3A, %rem3A_226 : i32
          "tpu.region"() ({
            %run_scoped3A_263 = tpu.sem_alloc : memref<!tpu.dma_semaphore, #tpu.memory_space<semaphore_mem>>
            %dma_start3A_264 = arith.constant 0 : i32
            %dma_start3A_265 = arith.constant 0 : i32
            %dma_start3A_266 = tpu.memref_slice %arg9[%sub3A_262, %dma_start3A_264, %dma_start3A_265] : memref<2x1x128xi32, #tpu.memory_space<vmem>> -> memref<1x1x128xi32, #tpu.memory_space<vmem>>
            %dma_start3A_267 = tpu.memref_squeeze %dma_start3A_266 : memref<1x1x128xi32, #tpu.memory_space<vmem>> -> memref<1x128xi32, #tpu.memory_space<vmem>>
            %dma_start3A_268 = arith.constant 0 : i32
            %dma_start3A_269 = arith.constant 0 : i32
            %dma_start3A_270 = tpu.memref_slice %arg4[%arg1, %add3A_261, %dma_start3A_268, %dma_start3A_269] : memref<16x157x1x128xi32, #tpu.memory_space<hbm>> -> memref<1x1x1x128xi32, #tpu.memory_space<hbm>>
            %dma_start3A_271 = tpu.memref_squeeze %dma_start3A_270 : memref<1x1x1x128xi32, #tpu.memory_space<hbm>> -> memref<1x128xi32, #tpu.memory_space<hbm>>
            %dma_start3A_272 = arith.constant 0 : i32
            %dma_start3A_273 = arith.constant 0 : i32
            %dma_start3A_274 = tpu.memref_slice %arg9[%sub3A_262, %dma_start3A_272, %dma_start3A_273] : memref<2x1x128xi32, #tpu.memory_space<vmem>> -> memref<1x1x128xi32, #tpu.memory_space<vmem>>
            %dma_start3A_275 = tpu.memref_squeeze %dma_start3A_274 : memref<1x1x128xi32, #tpu.memory_space<vmem>> -> memref<1x128xi32, #tpu.memory_space<vmem>>
            %dma_start3A_276 = arith.constant 0 : i32
            %dma_start3A_277 = arith.constant 0 : i32
            %dma_start3A_278 = tpu.memref_slice %arg4[%arg1, %add3A_261, %dma_start3A_276, %dma_start3A_277] : memref<16x157x1x128xi32, #tpu.memory_space<hbm>> -> memref<1x1x1x128xi32, #tpu.memory_space<hbm>>
            %dma_start3A_279 = tpu.memref_squeeze %dma_start3A_278 : memref<1x1x1x128xi32, #tpu.memory_space<hbm>> -> memref<1x128xi32, #tpu.memory_space<hbm>>
            tpu.enqueue_dma source(%dma_start3A_279 : memref<1x128xi32, #tpu.memory_space<hbm>>) target(%dma_start3A_275 : memref<1x128xi32, #tpu.memory_space<vmem>>) target_semaphore(%run_scoped3A_263 : memref<!tpu.dma_semaphore, #tpu.memory_space<semaphore_mem>>)
            %dma_wait3A_280 = arith.constant 0 : i32
            %dma_wait3A_281 = arith.constant 0 : i32
            %dma_wait3A_282 = tpu.memref_slice %arg9[%sub3A_262, %dma_wait3A_280, %dma_wait3A_281] : memref<2x1x128xi32, #tpu.memory_space<vmem>> -> memref<1x1x128xi32, #tpu.memory_space<vmem>>
            %dma_wait3A_283 = tpu.memref_squeeze %dma_wait3A_282 : memref<1x1x128xi32, #tpu.memory_space<vmem>> -> memref<1x128xi32, #tpu.memory_space<vmem>>
            %dma_wait3A_284 = arith.constant 0 : i32
            %dma_wait3A_285 = arith.constant 0 : i32
            %dma_wait3A_286 = tpu.memref_slice %arg4[%arg1, %add3A_261, %dma_wait3A_284, %dma_wait3A_285] : memref<16x157x1x128xi32, #tpu.memory_space<hbm>> -> memref<1x1x1x128xi32, #tpu.memory_space<hbm>>
            %dma_wait3A_287 = tpu.memref_squeeze %dma_wait3A_286 : memref<1x1x1x128xi32, #tpu.memory_space<hbm>> -> memref<1x128xi32, #tpu.memory_space<hbm>>
            %dma_wait3A_288 = arith.constant 0 : i32
            %dma_wait3A_289 = arith.constant 0 : i32
            %dma_wait3A_290 = tpu.memref_slice %arg9[%sub3A_262, %dma_wait3A_288, %dma_wait3A_289] : memref<2x1x128xi32, #tpu.memory_space<vmem>> -> memref<1x1x128xi32, #tpu.memory_space<vmem>>
            %dma_wait3A_291 = tpu.memref_squeeze %dma_wait3A_290 : memref<1x1x128xi32, #tpu.memory_space<vmem>> -> memref<1x128xi32, #tpu.memory_space<vmem>>
            %dma_wait3A_292 = arith.constant 0 : i32
            %dma_wait3A_293 = arith.constant 0 : i32
            %dma_wait3A_294 = tpu.memref_slice %arg4[%arg1, %add3A_261, %dma_wait3A_292, %dma_wait3A_293] : memref<16x157x1x128xi32, #tpu.memory_space<hbm>> -> memref<1x1x1x128xi32, #tpu.memory_space<hbm>>
            %dma_wait3A_295 = tpu.memref_squeeze %dma_wait3A_294 : memref<1x1x1x128xi32, #tpu.memory_space<hbm>> -> memref<1x128xi32, #tpu.memory_space<hbm>>
            tpu.wait_dma2 semaphore(%run_scoped3A_263 : memref<!tpu.dma_semaphore, #tpu.memory_space<semaphore_mem>>) src(%dma_wait3A_295 : memref<1x128xi32, #tpu.memory_space<hbm>>) dst(%dma_wait3A_291 : memref<1x128xi32, #tpu.memory_space<vmem>>)
            tpu.yield
          }) : () -> ()
        } else {
        }
        %gt3A = arith.constant 0 : i32
        %gt3A_244 = arith.cmpi sgt, %scan3A_224, %gt3A : i32
        %convert_element_type3A_245 = arith.extui %gt3A_244 : i1 to i32
        %cond3A_246 = arith.constant 0 : i32
        %cond3A_247 = arith.cmpi ne, %convert_element_type3A_245, %cond3A_246 : i32
        scf.if %cond3A_247 {
          %sub3A = arith.constant 1 : i32
          %sub3A_260 = arith.subi %sub3A, %rem3A_226 : i32
          %sub3A_261 = arith.constant 1 : i32
          %sub3A_262 = arith.subi %sub3A_261, %rem3A_226 : i32
          %dma_start3A_263 = arith.constant 0 : i32
          %dma_start3A_264 = arith.constant 0 : i32
          %dma_start3A_265 = arith.constant 0 : i32
          %dma_start3A_266 = tpu.memref_slice %arg11[%sub3A_260, %dma_start3A_264, %dma_start3A_265] : memref<2x128x128xf32, #tpu.memory_space<vmem>> -> memref<1x128x128xf32, #tpu.memory_space<vmem>>
          %dma_start3A_267 = tpu.memref_squeeze %dma_start3A_266 : memref<1x128x128xf32, #tpu.memory_space<vmem>> -> memref<128x128xf32, #tpu.memory_space<vmem>>
          %dma_start3A_268 = arith.constant 0 : i32
          %dma_start3A_269 = tpu.memref_slice %arg10[%sub3A_262, %dma_start3A_263, %dma_start3A_268] : memref<2x1x128xi32, #tpu.memory_space<vmem>> -> memref<1x1x128xi32, #tpu.memory_space<vmem>>
          %dma_start3A_270 = tpu.memref_squeeze %dma_start3A_269 : memref<1x1x128xi32, #tpu.memory_space<vmem>> -> memref<128xi32, #tpu.memory_space<vmem>>
          %dma_start3A_271 = arith.constant 0 : i32
          %dma_start3A_272 = arith.constant 0 : i32
          %dma_start3A_273 = tpu.memref_slice %arg8[%dma_start3A_271, %dma_start3A_272] : memref<10240x128xf32, #tpu.memory_space<vmem_shared>> -> memref<10240x128xf32, #tpu.memory_space<vmem_shared>>
          tpu.enqueue_indirect_dma source(%dma_start3A_267 : memref<128x128xf32, #tpu.memory_space<vmem>>) target(%dma_start3A_273 : memref<10240x128xf32, #tpu.memory_space<vmem_shared>>) offsets(%dma_start3A_270 : memref<128xi32, #tpu.memory_space<vmem>>) semaphore(%arg13 : memref<!tpu.dma_semaphore, #tpu.memory_space<semaphore_mem>>) {add = true}
          %dma_wait3A_274 = arith.constant 0 : i32
          %dma_wait3A_275 = arith.constant 0 : i32
          %dma_wait3A_276 = arith.constant 0 : i32
          %dma_wait3A_277 = tpu.memref_slice %arg11[%sub3A_260, %dma_wait3A_275, %dma_wait3A_276] : memref<2x128x128xf32, #tpu.memory_space<vmem>> -> memref<1x128x128xf32, #tpu.memory_space<vmem>>
          %dma_wait3A_278 = tpu.memref_squeeze %dma_wait3A_277 : memref<1x128x128xf32, #tpu.memory_space<vmem>> -> memref<128x128xf32, #tpu.memory_space<vmem>>
          %dma_wait3A_279 = arith.constant 0 : i32
          %dma_wait3A_280 = tpu.memref_slice %arg10[%sub3A_262, %dma_wait3A_274, %dma_wait3A_279] : memref<2x1x128xi32, #tpu.memory_space<vmem>> -> memref<1x1x128xi32, #tpu.memory_space<vmem>>
          %dma_wait3A_281 = tpu.memref_squeeze %dma_wait3A_280 : memref<1x1x128xi32, #tpu.memory_space<vmem>> -> memref<128xi32, #tpu.memory_space<vmem>>
          %dma_wait3A_282 = arith.constant 0 : i32
          %dma_wait3A_283 = arith.constant 0 : i32
          %dma_wait3A_284 = tpu.memref_slice %arg8[%dma_wait3A_282, %dma_wait3A_283] : memref<10240x128xf32, #tpu.memory_space<vmem_shared>> -> memref<10240x128xf32, #tpu.memory_space<vmem_shared>>
          tpu.wait_indirect_dma semaphore(%arg13 : memref<!tpu.dma_semaphore, #tpu.memory_space<semaphore_mem>>) src(%dma_wait3A_278 : memref<128x128xf32, #tpu.memory_space<vmem>>) dst(%dma_wait3A_284 : memref<10240x128xf32, #tpu.memory_space<vmem_shared>>)
        } else {
        }
        %dma_wait3A_248 = arith.constant 0 : i32
        %dma_wait3A_249 = arith.constant 0 : i32
        %dma_wait3A_250 = arith.constant 0 : i32
        %dma_wait3A_251 = tpu.memref_slice %arg11[%rem3A_226, %dma_wait3A_249, %dma_wait3A_250] : memref<2x128x128xf32, #tpu.memory_space<vmem>> -> memref<1x128x128xf32, #tpu.memory_space<vmem>>
        %dma_wait3A_252 = tpu.memref_squeeze %dma_wait3A_251 : memref<1x128x128xf32, #tpu.memory_space<vmem>> -> memref<128x128xf32, #tpu.memory_space<vmem>>
        %dma_wait3A_253 = arith.constant 0 : i32
        %dma_wait3A_254 = tpu.memref_slice %arg9[%rem3A_226, %dma_wait3A_248, %dma_wait3A_253] : memref<2x1x128xi32, #tpu.memory_space<vmem>> -> memref<1x1x128xi32, #tpu.memory_space<vmem>>
        %dma_wait3A_255 = tpu.memref_squeeze %dma_wait3A_254 : memref<1x1x128xi32, #tpu.memory_space<vmem>> -> memref<128xi32, #tpu.memory_space<vmem>>
        %dma_wait3A_256 = arith.constant 0 : i32
        %dma_wait3A_257 = arith.constant 0 : i32
        %dma_wait3A_258 = tpu.memref_slice %arg2[%dma_wait3A_256, %dma_wait3A_257] : memref<10240x128xf32, #tpu.memory_space<hbm>> -> memref<10240x128xf32, #tpu.memory_space<hbm>>
        tpu.wait_indirect_dma semaphore(%arg12 : memref<!tpu.dma_semaphore, #tpu.memory_space<semaphore_mem>>) src(%dma_wait3A_258 : memref<10240x128xf32, #tpu.memory_space<hbm>>) dst(%dma_wait3A_252 : memref<128x128xf32, #tpu.memory_space<vmem>>)
        %scan3A_259 = arith.constant 0 : i32
        scf.yield %scan3A_259 : i32
      }
      %scan3A_43 = arith.constant 157 : i32
      %dma_start3A = arith.constant 0 : i32
      %dma_start3A_44 = arith.constant 0 : i32
      %dma_start3A_45 = arith.constant 0 : i32
      %dma_start3A_46 = arith.constant 0 : i32
      %dma_start3A_47 = arith.constant 0 : i32
      %dma_start3A_48 = tpu.memref_slice %arg11[%dma_start3A, %dma_start3A_46, %dma_start3A_47] : memref<2x128x128xf32, #tpu.memory_space<vmem>> -> memref<1x128x128xf32, #tpu.memory_space<vmem>>
      %dma_start3A_49 = tpu.memref_squeeze %dma_start3A_48 : memref<1x128x128xf32, #tpu.memory_space<vmem>> -> memref<128x128xf32, #tpu.memory_space<vmem>>
      %dma_start3A_50 = arith.constant 0 : i32
      %dma_start3A_51 = tpu.memref_slice %arg10[%dma_start3A_44, %dma_start3A_45, %dma_start3A_50] : memref<2x1x128xi32, #tpu.memory_space<vmem>> -> memref<1x1x128xi32, #tpu.memory_space<vmem>>
      %dma_start3A_52 = tpu.memref_squeeze %dma_start3A_51 : memref<1x1x128xi32, #tpu.memory_space<vmem>> -> memref<128xi32, #tpu.memory_space<vmem>>
      %dma_start3A_53 = arith.constant 0 : i32
      %dma_start3A_54 = arith.constant 0 : i32
      %dma_start3A_55 = tpu.memref_slice %arg8[%dma_start3A_53, %dma_start3A_54] : memref<10240x128xf32, #tpu.memory_space<vmem_shared>> -> memref<10240x128xf32, #tpu.memory_space<vmem_shared>>
      tpu.enqueue_indirect_dma source(%dma_start3A_49 : memref<128x128xf32, #tpu.memory_space<vmem>>) target(%dma_start3A_55 : memref<10240x128xf32, #tpu.memory_space<vmem_shared>>) offsets(%dma_start3A_52 : memref<128xi32, #tpu.memory_space<vmem>>) semaphore(%arg13 : memref<!tpu.dma_semaphore, #tpu.memory_space<semaphore_mem>>) {add = true}
      %dma_wait3A = arith.constant 0 : i32
      %dma_wait3A_56 = arith.constant 0 : i32
      %dma_wait3A_57 = arith.constant 0 : i32
      %dma_wait3A_58 = arith.constant 0 : i32
      %dma_wait3A_59 = arith.constant 0 : i32
      %dma_wait3A_60 = tpu.memref_slice %arg11[%dma_wait3A, %dma_wait3A_58, %dma_wait3A_59] : memref<2x128x128xf32, #tpu.memory_space<vmem>> -> memref<1x128x128xf32, #tpu.memory_space<vmem>>
      %dma_wait3A_61 = tpu.memref_squeeze %dma_wait3A_60 : memref<1x128x128xf32, #tpu.memory_space<vmem>> -> memref<128x128xf32, #tpu.memory_space<vmem>>
      %dma_wait3A_62 = arith.constant 0 : i32
      %dma_wait3A_63 = tpu.memref_slice %arg10[%dma_wait3A_56, %dma_wait3A_57, %dma_wait3A_62] : memref<2x1x128xi32, #tpu.memory_space<vmem>> -> memref<1x1x128xi32, #tpu.memory_space<vmem>>
      %dma_wait3A_64 = tpu.memref_squeeze %dma_wait3A_63 : memref<1x1x128xi32, #tpu.memory_space<vmem>> -> memref<128xi32, #tpu.memory_space<vmem>>
      %dma_wait3A_65 = arith.constant 0 : i32
      %dma_wait3A_66 = arith.constant 0 : i32
      %dma_wait3A_67 = tpu.memref_slice %arg8[%dma_wait3A_65, %dma_wait3A_66] : memref<10240x128xf32, #tpu.memory_space<vmem_shared>> -> memref<10240x128xf32, #tpu.memory_space<vmem_shared>>
      tpu.wait_indirect_dma semaphore(%arg13 : memref<!tpu.dma_semaphore, #tpu.memory_space<semaphore_mem>>) src(%dma_wait3A_61 : memref<128x128xf32, #tpu.memory_space<vmem>>) dst(%dma_wait3A_67 : memref<10240x128xf32, #tpu.memory_space<vmem_shared>>)
      %barrier3A_68 = arith.constant 0 : index
      tpu.barrier barrier_id(%barrier3A_68)
      %mul3A_69 = arith.constant 640 : i32
      %mul3A_70 = arith.muli %arg1, %mul3A_69 : i32
      %add3A_71 = arith.constant 0 : i32
      %add3A_72 = arith.addi %mul3A_70, %add3A_71 : i32
      %run_scoped3A_73 = arith.constant 0 : i32
      "tpu.region"() ({
        %run_scoped3A_224 = tpu.sem_alloc : memref<!tpu.dma_semaphore, #tpu.memory_space<semaphore_mem>>
        %dma_start3A_225 = arith.constant 0 : i32
        %dma_start3A_226 = arith.constant 0 : i32
        %dma_start3A_227 = tpu.memref_slice %arg11[%run_scoped3A_73, %dma_start3A_225, %dma_start3A_226] : memref<2x128x128xf32, #tpu.memory_space<vmem>> -> memref<1x128x128xf32, #tpu.memory_space<vmem>>
        %dma_start3A_228 = tpu.memref_squeeze %dma_start3A_227 : memref<1x128x128xf32, #tpu.memory_space<vmem>> -> memref<128x128xf32, #tpu.memory_space<vmem>>
        %dma_start3A_229 = arith.constant 0 : i32
        %dma_start3A_230 = tpu.memref_slice %arg8[%add3A_72, %dma_start3A_229] : memref<10240x128xf32, #tpu.memory_space<vmem_shared>> -> memref<128x128xf32, #tpu.memory_space<vmem_shared>>
        %dma_start3A_231 = arith.constant 0 : i32
        %dma_start3A_232 = arith.constant 0 : i32
        %dma_start3A_233 = tpu.memref_slice %arg11[%run_scoped3A_73, %dma_start3A_231, %dma_start3A_232] : memref<2x128x128xf32, #tpu.memory_space<vmem>> -> memref<1x128x128xf32, #tpu.memory_space<vmem>>
        %dma_start3A_234 = tpu.memref_squeeze %dma_start3A_233 : memref<1x128x128xf32, #tpu.memory_space<vmem>> -> memref<128x128xf32, #tpu.memory_space<vmem>>
        %dma_start3A_235 = arith.constant 0 : i32
        %dma_start3A_236 = tpu.memref_slice %arg8[%add3A_72, %dma_start3A_235] : memref<10240x128xf32, #tpu.memory_space<vmem_shared>> -> memref<128x128xf32, #tpu.memory_space<vmem_shared>>
        tpu.enqueue_dma source(%dma_start3A_236 : memref<128x128xf32, #tpu.memory_space<vmem_shared>>) target(%dma_start3A_234 : memref<128x128xf32, #tpu.memory_space<vmem>>) target_semaphore(%run_scoped3A_224 : memref<!tpu.dma_semaphore, #tpu.memory_space<semaphore_mem>>)
        %dma_wait3A_237 = arith.constant 0 : i32
        %dma_wait3A_238 = arith.constant 0 : i32
        %dma_wait3A_239 = tpu.memref_slice %arg11[%run_scoped3A_73, %dma_wait3A_237, %dma_wait3A_238] : memref<2x128x128xf32, #tpu.memory_space<vmem>> -> memref<1x128x128xf32, #tpu.memory_space<vmem>>
        %dma_wait3A_240 = tpu.memref_squeeze %dma_wait3A_239 : memref<1x128x128xf32, #tpu.memory_space<vmem>> -> memref<128x128xf32, #tpu.memory_space<vmem>>
        %dma_wait3A_241 = arith.constant 0 : i32
        %dma_wait3A_242 = tpu.memref_slice %arg8[%add3A_72, %dma_wait3A_241] : memref<10240x128xf32, #tpu.memory_space<vmem_shared>> -> memref<128x128xf32, #tpu.memory_space<vmem_shared>>
        %dma_wait3A_243 = arith.constant 0 : i32
        %dma_wait3A_244 = arith.constant 0 : i32
        %dma_wait3A_245 = tpu.memref_slice %arg11[%run_scoped3A_73, %dma_wait3A_243, %dma_wait3A_244] : memref<2x128x128xf32, #tpu.memory_space<vmem>> -> memref<1x128x128xf32, #tpu.memory_space<vmem>>
        %dma_wait3A_246 = tpu.memref_squeeze %dma_wait3A_245 : memref<1x128x128xf32, #tpu.memory_space<vmem>> -> memref<128x128xf32, #tpu.memory_space<vmem>>
        %dma_wait3A_247 = arith.constant 0 : i32
        %dma_wait3A_248 = tpu.memref_slice %arg8[%add3A_72, %dma_wait3A_247] : memref<10240x128xf32, #tpu.memory_space<vmem_shared>> -> memref<128x128xf32, #tpu.memory_space<vmem_shared>>
        tpu.wait_dma2 semaphore(%run_scoped3A_224 : memref<!tpu.dma_semaphore, #tpu.memory_space<semaphore_mem>>) src(%dma_wait3A_248 : memref<128x128xf32, #tpu.memory_space<vmem_shared>>) dst(%dma_wait3A_246 : memref<128x128xf32, #tpu.memory_space<vmem>>)
        tpu.yield
      }) : () -> ()
      %dma_start3A_74 = arith.constant 0 : i32
      %dma_start3A_75 = arith.constant 0 : i32
      %dma_start3A_76 = arith.constant 0 : i32
      %dma_start3A_77 = tpu.memref_slice %arg11[%dma_start3A_74, %dma_start3A_75, %dma_start3A_76] : memref<2x128x128xf32, #tpu.memory_space<vmem>> -> memref<1x128x128xf32, #tpu.memory_space<vmem>>
      %dma_start3A_78 = tpu.memref_squeeze %dma_start3A_77 : memref<1x128x128xf32, #tpu.memory_space<vmem>> -> memref<128x128xf32, #tpu.memory_space<vmem>>
      %dma_start3A_79 = arith.constant 0 : i32
      %dma_start3A_80 = tpu.memref_slice %arg6[%add3A_72, %dma_start3A_79] : memref<10240x128xf32, #tpu.memory_space<hbm>> -> memref<128x128xf32, #tpu.memory_space<hbm>>
      %dma_start3A_81 = arith.constant 0 : i32
      %dma_start3A_82 = tpu.memref_slice %arg6[%add3A_72, %dma_start3A_81] : memref<10240x128xf32, #tpu.memory_space<hbm>> -> memref<128x128xf32, #tpu.memory_space<hbm>>
      %dma_start3A_83 = arith.constant 0 : i32
      %dma_start3A_84 = arith.constant 0 : i32
      %dma_start3A_85 = tpu.memref_slice %arg11[%dma_start3A_74, %dma_start3A_83, %dma_start3A_84] : memref<2x128x128xf32, #tpu.memory_space<vmem>> -> memref<1x128x128xf32, #tpu.memory_space<vmem>>
      %dma_start3A_86 = tpu.memref_squeeze %dma_start3A_85 : memref<1x128x128xf32, #tpu.memory_space<vmem>> -> memref<128x128xf32, #tpu.memory_space<vmem>>
      tpu.enqueue_dma source(%dma_start3A_86 : memref<128x128xf32, #tpu.memory_space<vmem>>) target(%dma_start3A_82 : memref<128x128xf32, #tpu.memory_space<hbm>>) target_semaphore(%arg12 : memref<!tpu.dma_semaphore, #tpu.memory_space<semaphore_mem>>)
      %mul3A_87 = arith.constant 640 : i32
      %mul3A_88 = arith.muli %arg1, %mul3A_87 : i32
      %add3A_89 = arith.constant 128 : i32
      %add3A_90 = arith.addi %mul3A_88, %add3A_89 : i32
      %run_scoped3A_91 = arith.constant 1 : i32
      "tpu.region"() ({
        %run_scoped3A_224 = tpu.sem_alloc : memref<!tpu.dma_semaphore, #tpu.memory_space<semaphore_mem>>
        %dma_start3A_225 = arith.constant 0 : i32
        %dma_start3A_226 = arith.constant 0 : i32
        %dma_start3A_227 = tpu.memref_slice %arg11[%run_scoped3A_91, %dma_start3A_225, %dma_start3A_226] : memref<2x128x128xf32, #tpu.memory_space<vmem>> -> memref<1x128x128xf32, #tpu.memory_space<vmem>>
        %dma_start3A_228 = tpu.memref_squeeze %dma_start3A_227 : memref<1x128x128xf32, #tpu.memory_space<vmem>> -> memref<128x128xf32, #tpu.memory_space<vmem>>
        %dma_start3A_229 = arith.constant 0 : i32
        %dma_start3A_230 = tpu.memref_slice %arg8[%add3A_90, %dma_start3A_229] : memref<10240x128xf32, #tpu.memory_space<vmem_shared>> -> memref<128x128xf32, #tpu.memory_space<vmem_shared>>
        %dma_start3A_231 = arith.constant 0 : i32
        %dma_start3A_232 = arith.constant 0 : i32
        %dma_start3A_233 = tpu.memref_slice %arg11[%run_scoped3A_91, %dma_start3A_231, %dma_start3A_232] : memref<2x128x128xf32, #tpu.memory_space<vmem>> -> memref<1x128x128xf32, #tpu.memory_space<vmem>>
        %dma_start3A_234 = tpu.memref_squeeze %dma_start3A_233 : memref<1x128x128xf32, #tpu.memory_space<vmem>> -> memref<128x128xf32, #tpu.memory_space<vmem>>
        %dma_start3A_235 = arith.constant 0 : i32
        %dma_start3A_236 = tpu.memref_slice %arg8[%add3A_90, %dma_start3A_235] : memref<10240x128xf32, #tpu.memory_space<vmem_shared>> -> memref<128x128xf32, #tpu.memory_space<vmem_shared>>
        tpu.enqueue_dma source(%dma_start3A_236 : memref<128x128xf32, #tpu.memory_space<vmem_shared>>) target(%dma_start3A_234 : memref<128x128xf32, #tpu.memory_space<vmem>>) target_semaphore(%run_scoped3A_224 : memref<!tpu.dma_semaphore, #tpu.memory_space<semaphore_mem>>)
        %dma_wait3A_237 = arith.constant 0 : i32
        %dma_wait3A_238 = arith.constant 0 : i32
        %dma_wait3A_239 = tpu.memref_slice %arg11[%run_scoped3A_91, %dma_wait3A_237, %dma_wait3A_238] : memref<2x128x128xf32, #tpu.memory_space<vmem>> -> memref<1x128x128xf32, #tpu.memory_space<vmem>>
        %dma_wait3A_240 = tpu.memref_squeeze %dma_wait3A_239 : memref<1x128x128xf32, #tpu.memory_space<vmem>> -> memref<128x128xf32, #tpu.memory_space<vmem>>
        %dma_wait3A_241 = arith.constant 0 : i32
        %dma_wait3A_242 = tpu.memref_slice %arg8[%add3A_90, %dma_wait3A_241] : memref<10240x128xf32, #tpu.memory_space<vmem_shared>> -> memref<128x128xf32, #tpu.memory_space<vmem_shared>>
        %dma_wait3A_243 = arith.constant 0 : i32
        %dma_wait3A_244 = arith.constant 0 : i32
        %dma_wait3A_245 = tpu.memref_slice %arg11[%run_scoped3A_91, %dma_wait3A_243, %dma_wait3A_244] : memref<2x128x128xf32, #tpu.memory_space<vmem>> -> memref<1x128x128xf32, #tpu.memory_space<vmem>>
        %dma_wait3A_246 = tpu.memref_squeeze %dma_wait3A_245 : memref<1x128x128xf32, #tpu.memory_space<vmem>> -> memref<128x128xf32, #tpu.memory_space<vmem>>
        %dma_wait3A_247 = arith.constant 0 : i32
        %dma_wait3A_248 = tpu.memref_slice %arg8[%add3A_90, %dma_wait3A_247] : memref<10240x128xf32, #tpu.memory_space<vmem_shared>> -> memref<128x128xf32, #tpu.memory_space<vmem_shared>>
        tpu.wait_dma2 semaphore(%run_scoped3A_224 : memref<!tpu.dma_semaphore, #tpu.memory_space<semaphore_mem>>) src(%dma_wait3A_248 : memref<128x128xf32, #tpu.memory_space<vmem_shared>>) dst(%dma_wait3A_246 : memref<128x128xf32, #tpu.memory_space<vmem>>)
        tpu.yield
      }) : () -> ()
      %dma_start3A_92 = arith.constant 1 : i32
      %dma_start3A_93 = arith.constant 0 : i32
      %dma_start3A_94 = arith.constant 0 : i32
      %dma_start3A_95 = tpu.memref_slice %arg11[%dma_start3A_92, %dma_start3A_93, %dma_start3A_94] : memref<2x128x128xf32, #tpu.memory_space<vmem>> -> memref<1x128x128xf32, #tpu.memory_space<vmem>>
      %dma_start3A_96 = tpu.memref_squeeze %dma_start3A_95 : memref<1x128x128xf32, #tpu.memory_space<vmem>> -> memref<128x128xf32, #tpu.memory_space<vmem>>
      %dma_start3A_97 = arith.constant 0 : i32
      %dma_start3A_98 = tpu.memref_slice %arg6[%add3A_90, %dma_start3A_97] : memref<10240x128xf32, #tpu.memory_space<hbm>> -> memref<128x128xf32, #tpu.memory_space<hbm>>
      %dma_start3A_99 = arith.constant 0 : i32
      %dma_start3A_100 = tpu.memref_slice %arg6[%add3A_90, %dma_start3A_99] : memref<10240x128xf32, #tpu.memory_space<hbm>> -> memref<128x128xf32, #tpu.memory_space<hbm>>
      %dma_start3A_101 = arith.constant 0 : i32
      %dma_start3A_102 = arith.constant 0 : i32
      %dma_start3A_103 = tpu.memref_slice %arg11[%dma_start3A_92, %dma_start3A_101, %dma_start3A_102] : memref<2x128x128xf32, #tpu.memory_space<vmem>> -> memref<1x128x128xf32, #tpu.memory_space<vmem>>
      %dma_start3A_104 = tpu.memref_squeeze %dma_start3A_103 : memref<1x128x128xf32, #tpu.memory_space<vmem>> -> memref<128x128xf32, #tpu.memory_space<vmem>>
      tpu.enqueue_dma source(%dma_start3A_104 : memref<128x128xf32, #tpu.memory_space<vmem>>) target(%dma_start3A_100 : memref<128x128xf32, #tpu.memory_space<hbm>>) target_semaphore(%arg12 : memref<!tpu.dma_semaphore, #tpu.memory_space<semaphore_mem>>)
      %mul3A_105 = arith.constant 640 : i32
      %mul3A_106 = arith.muli %arg1, %mul3A_105 : i32
      %add3A_107 = arith.constant 256 : i32
      %add3A_108 = arith.addi %mul3A_106, %add3A_107 : i32
      %dma_wait3A_109 = arith.constant 0 : i32
      %dma_wait3A_110 = arith.constant 0 : i32
      %dma_wait3A_111 = arith.constant 0 : i32
      %dma_wait3A_112 = tpu.memref_slice %arg11[%dma_wait3A_109, %dma_wait3A_110, %dma_wait3A_111] : memref<2x128x128xf32, #tpu.memory_space<vmem>> -> memref<1x128x128xf32, #tpu.memory_space<vmem>>
      %dma_wait3A_113 = tpu.memref_squeeze %dma_wait3A_112 : memref<1x128x128xf32, #tpu.memory_space<vmem>> -> memref<128x128xf32, #tpu.memory_space<vmem>>
      %dma_wait3A_114 = arith.constant 0 : i32
      %dma_wait3A_115 = tpu.memref_slice %arg6[%add3A_72, %dma_wait3A_114] : memref<10240x128xf32, #tpu.memory_space<hbm>> -> memref<128x128xf32, #tpu.memory_space<hbm>>
      %dma_wait3A_116 = arith.constant 0 : i32
      %dma_wait3A_117 = tpu.memref_slice %arg6[%add3A_72, %dma_wait3A_116] : memref<10240x128xf32, #tpu.memory_space<hbm>> -> memref<128x128xf32, #tpu.memory_space<hbm>>
      %dma_wait3A_118 = arith.constant 0 : i32
      %dma_wait3A_119 = arith.constant 0 : i32
      %dma_wait3A_120 = tpu.memref_slice %arg11[%dma_wait3A_109, %dma_wait3A_118, %dma_wait3A_119] : memref<2x128x128xf32, #tpu.memory_space<vmem>> -> memref<1x128x128xf32, #tpu.memory_space<vmem>>
      %dma_wait3A_121 = tpu.memref_squeeze %dma_wait3A_120 : memref<1x128x128xf32, #tpu.memory_space<vmem>> -> memref<128x128xf32, #tpu.memory_space<vmem>>
      tpu.wait_dma2 semaphore(%arg12 : memref<!tpu.dma_semaphore, #tpu.memory_space<semaphore_mem>>) src(%dma_wait3A_121 : memref<128x128xf32, #tpu.memory_space<vmem>>) dst(%dma_wait3A_117 : memref<128x128xf32, #tpu.memory_space<hbm>>)
      %run_scoped3A_122 = arith.constant 0 : i32
      "tpu.region"() ({
        %run_scoped3A_224 = tpu.sem_alloc : memref<!tpu.dma_semaphore, #tpu.memory_space<semaphore_mem>>
        %dma_start3A_225 = arith.constant 0 : i32
        %dma_start3A_226 = arith.constant 0 : i32
        %dma_start3A_227 = tpu.memref_slice %arg11[%run_scoped3A_122, %dma_start3A_225, %dma_start3A_226] : memref<2x128x128xf32, #tpu.memory_space<vmem>> -> memref<1x128x128xf32, #tpu.memory_space<vmem>>
        %dma_start3A_228 = tpu.memref_squeeze %dma_start3A_227 : memref<1x128x128xf32, #tpu.memory_space<vmem>> -> memref<128x128xf32, #tpu.memory_space<vmem>>
        %dma_start3A_229 = arith.constant 0 : i32
        %dma_start3A_230 = tpu.memref_slice %arg8[%add3A_108, %dma_start3A_229] : memref<10240x128xf32, #tpu.memory_space<vmem_shared>> -> memref<128x128xf32, #tpu.memory_space<vmem_shared>>
        %dma_start3A_231 = arith.constant 0 : i32
        %dma_start3A_232 = arith.constant 0 : i32
        %dma_start3A_233 = tpu.memref_slice %arg11[%run_scoped3A_122, %dma_start3A_231, %dma_start3A_232] : memref<2x128x128xf32, #tpu.memory_space<vmem>> -> memref<1x128x128xf32, #tpu.memory_space<vmem>>
        %dma_start3A_234 = tpu.memref_squeeze %dma_start3A_233 : memref<1x128x128xf32, #tpu.memory_space<vmem>> -> memref<128x128xf32, #tpu.memory_space<vmem>>
        %dma_start3A_235 = arith.constant 0 : i32
        %dma_start3A_236 = tpu.memref_slice %arg8[%add3A_108, %dma_start3A_235] : memref<10240x128xf32, #tpu.memory_space<vmem_shared>> -> memref<128x128xf32, #tpu.memory_space<vmem_shared>>
        tpu.enqueue_dma source(%dma_start3A_236 : memref<128x128xf32, #tpu.memory_space<vmem_shared>>) target(%dma_start3A_234 : memref<128x128xf32, #tpu.memory_space<vmem>>) target_semaphore(%run_scoped3A_224 : memref<!tpu.dma_semaphore, #tpu.memory_space<semaphore_mem>>)
        %dma_wait3A_237 = arith.constant 0 : i32
        %dma_wait3A_238 = arith.constant 0 : i32
        %dma_wait3A_239 = tpu.memref_slice %arg11[%run_scoped3A_122, %dma_wait3A_237, %dma_wait3A_238] : memref<2x128x128xf32, #tpu.memory_space<vmem>> -> memref<1x128x128xf32, #tpu.memory_space<vmem>>
        %dma_wait3A_240 = tpu.memref_squeeze %dma_wait3A_239 : memref<1x128x128xf32, #tpu.memory_space<vmem>> -> memref<128x128xf32, #tpu.memory_space<vmem>>
        %dma_wait3A_241 = arith.constant 0 : i32
        %dma_wait3A_242 = tpu.memref_slice %arg8[%add3A_108, %dma_wait3A_241] : memref<10240x128xf32, #tpu.memory_space<vmem_shared>> -> memref<128x128xf32, #tpu.memory_space<vmem_shared>>
        %dma_wait3A_243 = arith.constant 0 : i32
        %dma_wait3A_244 = arith.constant 0 : i32
        %dma_wait3A_245 = tpu.memref_slice %arg11[%run_scoped3A_122, %dma_wait3A_243, %dma_wait3A_244] : memref<2x128x128xf32, #tpu.memory_space<vmem>> -> memref<1x128x128xf32, #tpu.memory_space<vmem>>
        %dma_wait3A_246 = tpu.memref_squeeze %dma_wait3A_245 : memref<1x128x128xf32, #tpu.memory_space<vmem>> -> memref<128x128xf32, #tpu.memory_space<vmem>>
        %dma_wait3A_247 = arith.constant 0 : i32
        %dma_wait3A_248 = tpu.memref_slice %arg8[%add3A_108, %dma_wait3A_247] : memref<10240x128xf32, #tpu.memory_space<vmem_shared>> -> memref<128x128xf32, #tpu.memory_space<vmem_shared>>
        tpu.wait_dma2 semaphore(%run_scoped3A_224 : memref<!tpu.dma_semaphore, #tpu.memory_space<semaphore_mem>>) src(%dma_wait3A_248 : memref<128x128xf32, #tpu.memory_space<vmem_shared>>) dst(%dma_wait3A_246 : memref<128x128xf32, #tpu.memory_space<vmem>>)
        tpu.yield
      }) : () -> ()
      %dma_start3A_123 = arith.constant 0 : i32
      %dma_start3A_124 = arith.constant 0 : i32
      %dma_start3A_125 = arith.constant 0 : i32
      %dma_start3A_126 = tpu.memref_slice %arg11[%dma_start3A_123, %dma_start3A_124, %dma_start3A_125] : memref<2x128x128xf32, #tpu.memory_space<vmem>> -> memref<1x128x128xf32, #tpu.memory_space<vmem>>
      %dma_start3A_127 = tpu.memref_squeeze %dma_start3A_126 : memref<1x128x128xf32, #tpu.memory_space<vmem>> -> memref<128x128xf32, #tpu.memory_space<vmem>>
      %dma_start3A_128 = arith.constant 0 : i32
      %dma_start3A_129 = tpu.memref_slice %arg6[%add3A_108, %dma_start3A_128] : memref<10240x128xf32, #tpu.memory_space<hbm>> -> memref<128x128xf32, #tpu.memory_space<hbm>>
      %dma_start3A_130 = arith.constant 0 : i32
      %dma_start3A_131 = tpu.memref_slice %arg6[%add3A_108, %dma_start3A_130] : memref<10240x128xf32, #tpu.memory_space<hbm>> -> memref<128x128xf32, #tpu.memory_space<hbm>>
      %dma_start3A_132 = arith.constant 0 : i32
      %dma_start3A_133 = arith.constant 0 : i32
      %dma_start3A_134 = tpu.memref_slice %arg11[%dma_start3A_123, %dma_start3A_132, %dma_start3A_133] : memref<2x128x128xf32, #tpu.memory_space<vmem>> -> memref<1x128x128xf32, #tpu.memory_space<vmem>>
      %dma_start3A_135 = tpu.memref_squeeze %dma_start3A_134 : memref<1x128x128xf32, #tpu.memory_space<vmem>> -> memref<128x128xf32, #tpu.memory_space<vmem>>
      tpu.enqueue_dma source(%dma_start3A_135 : memref<128x128xf32, #tpu.memory_space<vmem>>) target(%dma_start3A_131 : memref<128x128xf32, #tpu.memory_space<hbm>>) target_semaphore(%arg12 : memref<!tpu.dma_semaphore, #tpu.memory_space<semaphore_mem>>)
      %mul3A_136 = arith.constant 640 : i32
      %mul3A_137 = arith.muli %arg1, %mul3A_136 : i32
      %add3A_138 = arith.constant 384 : i32
      %add3A_139 = arith.addi %mul3A_137, %add3A_138 : i32
      %dma_wait3A_140 = arith.constant 1 : i32
      %dma_wait3A_141 = arith.constant 0 : i32
      %dma_wait3A_142 = arith.constant 0 : i32
      %dma_wait3A_143 = tpu.memref_slice %arg11[%dma_wait3A_140, %dma_wait3A_141, %dma_wait3A_142] : memref<2x128x128xf32, #tpu.memory_space<vmem>> -> memref<1x128x128xf32, #tpu.memory_space<vmem>>
      %dma_wait3A_144 = tpu.memref_squeeze %dma_wait3A_143 : memref<1x128x128xf32, #tpu.memory_space<vmem>> -> memref<128x128xf32, #tpu.memory_space<vmem>>
      %dma_wait3A_145 = arith.constant 0 : i32
      %dma_wait3A_146 = tpu.memref_slice %arg6[%add3A_90, %dma_wait3A_145] : memref<10240x128xf32, #tpu.memory_space<hbm>> -> memref<128x128xf32, #tpu.memory_space<hbm>>
      %dma_wait3A_147 = arith.constant 0 : i32
      %dma_wait3A_148 = tpu.memref_slice %arg6[%add3A_90, %dma_wait3A_147] : memref<10240x128xf32, #tpu.memory_space<hbm>> -> memref<128x128xf32, #tpu.memory_space<hbm>>
      %dma_wait3A_149 = arith.constant 0 : i32
      %dma_wait3A_150 = arith.constant 0 : i32
      %dma_wait3A_151 = tpu.memref_slice %arg11[%dma_wait3A_140, %dma_wait3A_149, %dma_wait3A_150] : memref<2x128x128xf32, #tpu.memory_space<vmem>> -> memref<1x128x128xf32, #tpu.memory_space<vmem>>
      %dma_wait3A_152 = tpu.memref_squeeze %dma_wait3A_151 : memref<1x128x128xf32, #tpu.memory_space<vmem>> -> memref<128x128xf32, #tpu.memory_space<vmem>>
      tpu.wait_dma2 semaphore(%arg12 : memref<!tpu.dma_semaphore, #tpu.memory_space<semaphore_mem>>) src(%dma_wait3A_152 : memref<128x128xf32, #tpu.memory_space<vmem>>) dst(%dma_wait3A_148 : memref<128x128xf32, #tpu.memory_space<hbm>>)
      %run_scoped3A_153 = arith.constant 1 : i32
      "tpu.region"() ({
        %run_scoped3A_224 = tpu.sem_alloc : memref<!tpu.dma_semaphore, #tpu.memory_space<semaphore_mem>>
        %dma_start3A_225 = arith.constant 0 : i32
        %dma_start3A_226 = arith.constant 0 : i32
        %dma_start3A_227 = tpu.memref_slice %arg11[%run_scoped3A_153, %dma_start3A_225, %dma_start3A_226] : memref<2x128x128xf32, #tpu.memory_space<vmem>> -> memref<1x128x128xf32, #tpu.memory_space<vmem>>
        %dma_start3A_228 = tpu.memref_squeeze %dma_start3A_227 : memref<1x128x128xf32, #tpu.memory_space<vmem>> -> memref<128x128xf32, #tpu.memory_space<vmem>>
        %dma_start3A_229 = arith.constant 0 : i32
        %dma_start3A_230 = tpu.memref_slice %arg8[%add3A_139, %dma_start3A_229] : memref<10240x128xf32, #tpu.memory_space<vmem_shared>> -> memref<128x128xf32, #tpu.memory_space<vmem_shared>>
        %dma_start3A_231 = arith.constant 0 : i32
        %dma_start3A_232 = arith.constant 0 : i32
        %dma_start3A_233 = tpu.memref_slice %arg11[%run_scoped3A_153, %dma_start3A_231, %dma_start3A_232] : memref<2x128x128xf32, #tpu.memory_space<vmem>> -> memref<1x128x128xf32, #tpu.memory_space<vmem>>
        %dma_start3A_234 = tpu.memref_squeeze %dma_start3A_233 : memref<1x128x128xf32, #tpu.memory_space<vmem>> -> memref<128x128xf32, #tpu.memory_space<vmem>>
        %dma_start3A_235 = arith.constant 0 : i32
        %dma_start3A_236 = tpu.memref_slice %arg8[%add3A_139, %dma_start3A_235] : memref<10240x128xf32, #tpu.memory_space<vmem_shared>> -> memref<128x128xf32, #tpu.memory_space<vmem_shared>>
        tpu.enqueue_dma source(%dma_start3A_236 : memref<128x128xf32, #tpu.memory_space<vmem_shared>>) target(%dma_start3A_234 : memref<128x128xf32, #tpu.memory_space<vmem>>) target_semaphore(%run_scoped3A_224 : memref<!tpu.dma_semaphore, #tpu.memory_space<semaphore_mem>>)
        %dma_wait3A_237 = arith.constant 0 : i32
        %dma_wait3A_238 = arith.constant 0 : i32
        %dma_wait3A_239 = tpu.memref_slice %arg11[%run_scoped3A_153, %dma_wait3A_237, %dma_wait3A_238] : memref<2x128x128xf32, #tpu.memory_space<vmem>> -> memref<1x128x128xf32, #tpu.memory_space<vmem>>
        %dma_wait3A_240 = tpu.memref_squeeze %dma_wait3A_239 : memref<1x128x128xf32, #tpu.memory_space<vmem>> -> memref<128x128xf32, #tpu.memory_space<vmem>>
        %dma_wait3A_241 = arith.constant 0 : i32
        %dma_wait3A_242 = tpu.memref_slice %arg8[%add3A_139, %dma_wait3A_241] : memref<10240x128xf32, #tpu.memory_space<vmem_shared>> -> memref<128x128xf32, #tpu.memory_space<vmem_shared>>
        %dma_wait3A_243 = arith.constant 0 : i32
        %dma_wait3A_244 = arith.constant 0 : i32
        %dma_wait3A_245 = tpu.memref_slice %arg11[%run_scoped3A_153, %dma_wait3A_243, %dma_wait3A_244] : memref<2x128x128xf32, #tpu.memory_space<vmem>> -> memref<1x128x128xf32, #tpu.memory_space<vmem>>
        %dma_wait3A_246 = tpu.memref_squeeze %dma_wait3A_245 : memref<1x128x128xf32, #tpu.memory_space<vmem>> -> memref<128x128xf32, #tpu.memory_space<vmem>>
        %dma_wait3A_247 = arith.constant 0 : i32
        %dma_wait3A_248 = tpu.memref_slice %arg8[%add3A_139, %dma_wait3A_247] : memref<10240x128xf32, #tpu.memory_space<vmem_shared>> -> memref<128x128xf32, #tpu.memory_space<vmem_shared>>
        tpu.wait_dma2 semaphore(%run_scoped3A_224 : memref<!tpu.dma_semaphore, #tpu.memory_space<semaphore_mem>>) src(%dma_wait3A_248 : memref<128x128xf32, #tpu.memory_space<vmem_shared>>) dst(%dma_wait3A_246 : memref<128x128xf32, #tpu.memory_space<vmem>>)
        tpu.yield
      }) : () -> ()
      %dma_start3A_154 = arith.constant 1 : i32
      %dma_start3A_155 = arith.constant 0 : i32
      %dma_start3A_156 = arith.constant 0 : i32
      %dma_start3A_157 = tpu.memref_slice %arg11[%dma_start3A_154, %dma_start3A_155, %dma_start3A_156] : memref<2x128x128xf32, #tpu.memory_space<vmem>> -> memref<1x128x128xf32, #tpu.memory_space<vmem>>
      %dma_start3A_158 = tpu.memref_squeeze %dma_start3A_157 : memref<1x128x128xf32, #tpu.memory_space<vmem>> -> memref<128x128xf32, #tpu.memory_space<vmem>>
      %dma_start3A_159 = arith.constant 0 : i32
      %dma_start3A_160 = tpu.memref_slice %arg6[%add3A_139, %dma_start3A_159] : memref<10240x128xf32, #tpu.memory_space<hbm>> -> memref<128x128xf32, #tpu.memory_space<hbm>>
      %dma_start3A_161 = arith.constant 0 : i32
      %dma_start3A_162 = tpu.memref_slice %arg6[%add3A_139, %dma_start3A_161] : memref<10240x128xf32, #tpu.memory_space<hbm>> -> memref<128x128xf32, #tpu.memory_space<hbm>>
      %dma_start3A_163 = arith.constant 0 : i32
      %dma_start3A_164 = arith.constant 0 : i32
      %dma_start3A_165 = tpu.memref_slice %arg11[%dma_start3A_154, %dma_start3A_163, %dma_start3A_164] : memref<2x128x128xf32, #tpu.memory_space<vmem>> -> memref<1x128x128xf32, #tpu.memory_space<vmem>>
      %dma_start3A_166 = tpu.memref_squeeze %dma_start3A_165 : memref<1x128x128xf32, #tpu.memory_space<vmem>> -> memref<128x128xf32, #tpu.memory_space<vmem>>
      tpu.enqueue_dma source(%dma_start3A_166 : memref<128x128xf32, #tpu.memory_space<vmem>>) target(%dma_start3A_162 : memref<128x128xf32, #tpu.memory_space<hbm>>) target_semaphore(%arg12 : memref<!tpu.dma_semaphore, #tpu.memory_space<semaphore_mem>>)
      %mul3A_167 = arith.constant 640 : i32
      %mul3A_168 = arith.muli %arg1, %mul3A_167 : i32
      %add3A_169 = arith.constant 512 : i32
      %add3A_170 = arith.addi %mul3A_168, %add3A_169 : i32
      %dma_wait3A_171 = arith.constant 0 : i32
      %dma_wait3A_172 = arith.constant 0 : i32
      %dma_wait3A_173 = arith.constant 0 : i32
      %dma_wait3A_174 = tpu.memref_slice %arg11[%dma_wait3A_171, %dma_wait3A_172, %dma_wait3A_173] : memref<2x128x128xf32, #tpu.memory_space<vmem>> -> memref<1x128x128xf32, #tpu.memory_space<vmem>>
      %dma_wait3A_175 = tpu.memref_squeeze %dma_wait3A_174 : memref<1x128x128xf32, #tpu.memory_space<vmem>> -> memref<128x128xf32, #tpu.memory_space<vmem>>
      %dma_wait3A_176 = arith.constant 0 : i32
      %dma_wait3A_177 = tpu.memref_slice %arg6[%add3A_108, %dma_wait3A_176] : memref<10240x128xf32, #tpu.memory_space<hbm>> -> memref<128x128xf32, #tpu.memory_space<hbm>>
      %dma_wait3A_178 = arith.constant 0 : i32
      %dma_wait3A_179 = tpu.memref_slice %arg6[%add3A_108, %dma_wait3A_178] : memref<10240x128xf32, #tpu.memory_space<hbm>> -> memref<128x128xf32, #tpu.memory_space<hbm>>
      %dma_wait3A_180 = arith.constant 0 : i32
      %dma_wait3A_181 = arith.constant 0 : i32
      %dma_wait3A_182 = tpu.memref_slice %arg11[%dma_wait3A_171, %dma_wait3A_180, %dma_wait3A_181] : memref<2x128x128xf32, #tpu.memory_space<vmem>> -> memref<1x128x128xf32, #tpu.memory_space<vmem>>
      %dma_wait3A_183 = tpu.memref_squeeze %dma_wait3A_182 : memref<1x128x128xf32, #tpu.memory_space<vmem>> -> memref<128x128xf32, #tpu.memory_space<vmem>>
      tpu.wait_dma2 semaphore(%arg12 : memref<!tpu.dma_semaphore, #tpu.memory_space<semaphore_mem>>) src(%dma_wait3A_183 : memref<128x128xf32, #tpu.memory_space<vmem>>) dst(%dma_wait3A_179 : memref<128x128xf32, #tpu.memory_space<hbm>>)
      %run_scoped3A_184 = arith.constant 0 : i32
      "tpu.region"() ({
        %run_scoped3A_224 = tpu.sem_alloc : memref<!tpu.dma_semaphore, #tpu.memory_space<semaphore_mem>>
        %dma_start3A_225 = arith.constant 0 : i32
        %dma_start3A_226 = arith.constant 0 : i32
        %dma_start3A_227 = tpu.memref_slice %arg11[%run_scoped3A_184, %dma_start3A_225, %dma_start3A_226] : memref<2x128x128xf32, #tpu.memory_space<vmem>> -> memref<1x128x128xf32, #tpu.memory_space<vmem>>
        %dma_start3A_228 = tpu.memref_squeeze %dma_start3A_227 : memref<1x128x128xf32, #tpu.memory_space<vmem>> -> memref<128x128xf32, #tpu.memory_space<vmem>>
        %dma_start3A_229 = arith.constant 0 : i32
        %dma_start3A_230 = tpu.memref_slice %arg8[%add3A_170, %dma_start3A_229] : memref<10240x128xf32, #tpu.memory_space<vmem_shared>> -> memref<128x128xf32, #tpu.memory_space<vmem_shared>>
        %dma_start3A_231 = arith.constant 0 : i32
        %dma_start3A_232 = arith.constant 0 : i32
        %dma_start3A_233 = tpu.memref_slice %arg11[%run_scoped3A_184, %dma_start3A_231, %dma_start3A_232] : memref<2x128x128xf32, #tpu.memory_space<vmem>> -> memref<1x128x128xf32, #tpu.memory_space<vmem>>
        %dma_start3A_234 = tpu.memref_squeeze %dma_start3A_233 : memref<1x128x128xf32, #tpu.memory_space<vmem>> -> memref<128x128xf32, #tpu.memory_space<vmem>>
        %dma_start3A_235 = arith.constant 0 : i32
        %dma_start3A_236 = tpu.memref_slice %arg8[%add3A_170, %dma_start3A_235] : memref<10240x128xf32, #tpu.memory_space<vmem_shared>> -> memref<128x128xf32, #tpu.memory_space<vmem_shared>>
        tpu.enqueue_dma source(%dma_start3A_236 : memref<128x128xf32, #tpu.memory_space<vmem_shared>>) target(%dma_start3A_234 : memref<128x128xf32, #tpu.memory_space<vmem>>) target_semaphore(%run_scoped3A_224 : memref<!tpu.dma_semaphore, #tpu.memory_space<semaphore_mem>>)
        %dma_wait3A_237 = arith.constant 0 : i32
        %dma_wait3A_238 = arith.constant 0 : i32
        %dma_wait3A_239 = tpu.memref_slice %arg11[%run_scoped3A_184, %dma_wait3A_237, %dma_wait3A_238] : memref<2x128x128xf32, #tpu.memory_space<vmem>> -> memref<1x128x128xf32, #tpu.memory_space<vmem>>
        %dma_wait3A_240 = tpu.memref_squeeze %dma_wait3A_239 : memref<1x128x128xf32, #tpu.memory_space<vmem>> -> memref<128x128xf32, #tpu.memory_space<vmem>>
        %dma_wait3A_241 = arith.constant 0 : i32
        %dma_wait3A_242 = tpu.memref_slice %arg8[%add3A_170, %dma_wait3A_241] : memref<10240x128xf32, #tpu.memory_space<vmem_shared>> -> memref<128x128xf32, #tpu.memory_space<vmem_shared>>
        %dma_wait3A_243 = arith.constant 0 : i32
        %dma_wait3A_244 = arith.constant 0 : i32
        %dma_wait3A_245 = tpu.memref_slice %arg11[%run_scoped3A_184, %dma_wait3A_243, %dma_wait3A_244] : memref<2x128x128xf32, #tpu.memory_space<vmem>> -> memref<1x128x128xf32, #tpu.memory_space<vmem>>
        %dma_wait3A_246 = tpu.memref_squeeze %dma_wait3A_245 : memref<1x128x128xf32, #tpu.memory_space<vmem>> -> memref<128x128xf32, #tpu.memory_space<vmem>>
        %dma_wait3A_247 = arith.constant 0 : i32
        %dma_wait3A_248 = tpu.memref_slice %arg8[%add3A_170, %dma_wait3A_247] : memref<10240x128xf32, #tpu.memory_space<vmem_shared>> -> memref<128x128xf32, #tpu.memory_space<vmem_shared>>
        tpu.wait_dma2 semaphore(%run_scoped3A_224 : memref<!tpu.dma_semaphore, #tpu.memory_space<semaphore_mem>>) src(%dma_wait3A_248 : memref<128x128xf32, #tpu.memory_space<vmem_shared>>) dst(%dma_wait3A_246 : memref<128x128xf32, #tpu.memory_space<vmem>>)
        tpu.yield
      }) : () -> ()
      %dma_start3A_185 = arith.constant 0 : i32
      %dma_start3A_186 = arith.constant 0 : i32
      %dma_start3A_187 = arith.constant 0 : i32
      %dma_start3A_188 = tpu.memref_slice %arg11[%dma_start3A_185, %dma_start3A_186, %dma_start3A_187] : memref<2x128x128xf32, #tpu.memory_space<vmem>> -> memref<1x128x128xf32, #tpu.memory_space<vmem>>
      %dma_start3A_189 = tpu.memref_squeeze %dma_start3A_188 : memref<1x128x128xf32, #tpu.memory_space<vmem>> -> memref<128x128xf32, #tpu.memory_space<vmem>>
      %dma_start3A_190 = arith.constant 0 : i32
      %dma_start3A_191 = tpu.memref_slice %arg6[%add3A_170, %dma_start3A_190] : memref<10240x128xf32, #tpu.memory_space<hbm>> -> memref<128x128xf32, #tpu.memory_space<hbm>>
      %dma_start3A_192 = arith.constant 0 : i32
      %dma_start3A_193 = tpu.memref_slice %arg6[%add3A_170, %dma_start3A_192] : memref<10240x128xf32, #tpu.memory_space<hbm>> -> memref<128x128xf32, #tpu.memory_space<hbm>>
      %dma_start3A_194 = arith.constant 0 : i32
      %dma_start3A_195 = arith.constant 0 : i32
      %dma_start3A_196 = tpu.memref_slice %arg11[%dma_start3A_185, %dma_start3A_194, %dma_start3A_195] : memref<2x128x128xf32, #tpu.memory_space<vmem>> -> memref<1x128x128xf32, #tpu.memory_space<vmem>>
      %dma_start3A_197 = tpu.memref_squeeze %dma_start3A_196 : memref<1x128x128xf32, #tpu.memory_space<vmem>> -> memref<128x128xf32, #tpu.memory_space<vmem>>
      tpu.enqueue_dma source(%dma_start3A_197 : memref<128x128xf32, #tpu.memory_space<vmem>>) target(%dma_start3A_193 : memref<128x128xf32, #tpu.memory_space<hbm>>) target_semaphore(%arg12 : memref<!tpu.dma_semaphore, #tpu.memory_space<semaphore_mem>>)
      %dma_wait3A_198 = arith.constant 1 : i32
      %dma_wait3A_199 = arith.constant 0 : i32
      %dma_wait3A_200 = arith.constant 0 : i32
      %dma_wait3A_201 = tpu.memref_slice %arg11[%dma_wait3A_198, %dma_wait3A_199, %dma_wait3A_200] : memref<2x128x128xf32, #tpu.memory_space<vmem>> -> memref<1x128x128xf32, #tpu.memory_space<vmem>>
      %dma_wait3A_202 = tpu.memref_squeeze %dma_wait3A_201 : memref<1x128x128xf32, #tpu.memory_space<vmem>> -> memref<128x128xf32, #tpu.memory_space<vmem>>
      %dma_wait3A_203 = arith.constant 0 : i32
      %dma_wait3A_204 = tpu.memref_slice %arg6[%add3A_139, %dma_wait3A_203] : memref<10240x128xf32, #tpu.memory_space<hbm>> -> memref<128x128xf32, #tpu.memory_space<hbm>>
      %dma_wait3A_205 = arith.constant 0 : i32
      %dma_wait3A_206 = tpu.memref_slice %arg6[%add3A_139, %dma_wait3A_205] : memref<10240x128xf32, #tpu.memory_space<hbm>> -> memref<128x128xf32, #tpu.memory_space<hbm>>
      %dma_wait3A_207 = arith.constant 0 : i32
      %dma_wait3A_208 = arith.constant 0 : i32
      %dma_wait3A_209 = tpu.memref_slice %arg11[%dma_wait3A_198, %dma_wait3A_207, %dma_wait3A_208] : memref<2x128x128xf32, #tpu.memory_space<vmem>> -> memref<1x128x128xf32, #tpu.memory_space<vmem>>
      %dma_wait3A_210 = tpu.memref_squeeze %dma_wait3A_209 : memref<1x128x128xf32, #tpu.memory_space<vmem>> -> memref<128x128xf32, #tpu.memory_space<vmem>>
      tpu.wait_dma2 semaphore(%arg12 : memref<!tpu.dma_semaphore, #tpu.memory_space<semaphore_mem>>) src(%dma_wait3A_210 : memref<128x128xf32, #tpu.memory_space<vmem>>) dst(%dma_wait3A_206 : memref<128x128xf32, #tpu.memory_space<hbm>>)
      %dma_wait3A_211 = arith.constant 0 : i32
      %dma_wait3A_212 = arith.constant 0 : i32
      %dma_wait3A_213 = arith.constant 0 : i32
      %dma_wait3A_214 = tpu.memref_slice %arg11[%dma_wait3A_211, %dma_wait3A_212, %dma_wait3A_213] : memref<2x128x128xf32, #tpu.memory_space<vmem>> -> memref<1x128x128xf32, #tpu.memory_space<vmem>>
      %dma_wait3A_215 = tpu.memref_squeeze %dma_wait3A_214 : memref<1x128x128xf32, #tpu.memory_space<vmem>> -> memref<128x128xf32, #tpu.memory_space<vmem>>
      %dma_wait3A_216 = arith.constant 0 : i32
      %dma_wait3A_217 = tpu.memref_slice %arg6[%add3A_170, %dma_wait3A_216] : memref<10240x128xf32, #tpu.memory_space<hbm>> -> memref<128x128xf32, #tpu.memory_space<hbm>>
      %dma_wait3A_218 = arith.constant 0 : i32
      %dma_wait3A_219 = tpu.memref_slice %arg6[%add3A_170, %dma_wait3A_218] : memref<10240x128xf32, #tpu.memory_space<hbm>> -> memref<128x128xf32, #tpu.memory_space<hbm>>
      %dma_wait3A_220 = arith.constant 0 : i32
      %dma_wait3A_221 = arith.constant 0 : i32
      %dma_wait3A_222 = tpu.memref_slice %arg11[%dma_wait3A_211, %dma_wait3A_220, %dma_wait3A_221] : memref<2x128x128xf32, #tpu.memory_space<vmem>> -> memref<1x128x128xf32, #tpu.memory_space<vmem>>
      %dma_wait3A_223 = tpu.memref_squeeze %dma_wait3A_222 : memref<1x128x128xf32, #tpu.memory_space<vmem>> -> memref<128x128xf32, #tpu.memory_space<vmem>>
      tpu.wait_dma2 semaphore(%arg12 : memref<!tpu.dma_semaphore, #tpu.memory_space<semaphore_mem>>) src(%dma_wait3A_223 : memref<128x128xf32, #tpu.memory_space<vmem>>) dst(%dma_wait3A_219 : memref<128x128xf32, #tpu.memory_space<hbm>>)
    } else {
    }
    %eq3A_30 = arith.constant 1 : i32
    %eq3A_31 = arith.cmpi eq, %arg0, %eq3A_30 : i32
    %convert_element_type3A_32 = arith.extui %eq3A_31 : i1 to i32
    %cond3A_33 = arith.constant 0 : i32
    %cond3A_34 = arith.cmpi ne, %convert_element_type3A_32, %cond3A_33 : i32
    scf.if %cond3A_34 {
      %run_scoped3A_35 = arith.constant 0 : i32
      %run_scoped3A_36 = arith.constant 0 : i32
      "tpu.region"() ({
        %run_scoped3A_224 = tpu.sem_alloc : memref<!tpu.dma_semaphore, #tpu.memory_space<semaphore_mem>>
        %dma_start3A_225 = arith.constant 0 : i32
        %dma_start3A_226 = arith.constant 0 : i32
        %dma_start3A_227 = tpu.memref_slice %arg9[%run_scoped3A_36, %dma_start3A_225, %dma_start3A_226] : memref<2x1x128xi32, #tpu.memory_space<vmem>> -> memref<1x1x128xi32, #tpu.memory_space<vmem>>
        %dma_start3A_228 = tpu.memref_squeeze %dma_start3A_227 : memref<1x1x128xi32, #tpu.memory_space<vmem>> -> memref<1x128xi32, #tpu.memory_space<vmem>>
        %dma_start3A_229 = arith.constant 0 : i32
        %dma_start3A_230 = arith.constant 0 : i32
        %dma_start3A_231 = tpu.memref_slice %arg4[%arg1, %run_scoped3A_35, %dma_start3A_229, %dma_start3A_230] : memref<16x157x1x128xi32, #tpu.memory_space<hbm>> -> memref<1x1x1x128xi32, #tpu.memory_space<hbm>>
        %dma_start3A_232 = tpu.memref_squeeze %dma_start3A_231 : memref<1x1x1x128xi32, #tpu.memory_space<hbm>> -> memref<1x128xi32, #tpu.memory_space<hbm>>
        %dma_start3A_233 = arith.constant 0 : i32
        %dma_start3A_234 = arith.constant 0 : i32
        %dma_start3A_235 = tpu.memref_slice %arg9[%run_scoped3A_36, %dma_start3A_233, %dma_start3A_234] : memref<2x1x128xi32, #tpu.memory_space<vmem>> -> memref<1x1x128xi32, #tpu.memory_space<vmem>>
        %dma_start3A_236 = tpu.memref_squeeze %dma_start3A_235 : memref<1x1x128xi32, #tpu.memory_space<vmem>> -> memref<1x128xi32, #tpu.memory_space<vmem>>
        %dma_start3A_237 = arith.constant 0 : i32
        %dma_start3A_238 = arith.constant 0 : i32
        %dma_start3A_239 = tpu.memref_slice %arg4[%arg1, %run_scoped3A_35, %dma_start3A_237, %dma_start3A_238] : memref<16x157x1x128xi32, #tpu.memory_space<hbm>> -> memref<1x1x1x128xi32, #tpu.memory_space<hbm>>
        %dma_start3A_240 = tpu.memref_squeeze %dma_start3A_239 : memref<1x1x1x128xi32, #tpu.memory_space<hbm>> -> memref<1x128xi32, #tpu.memory_space<hbm>>
        tpu.enqueue_dma source(%dma_start3A_240 : memref<1x128xi32, #tpu.memory_space<hbm>>) target(%dma_start3A_236 : memref<1x128xi32, #tpu.memory_space<vmem>>) target_semaphore(%run_scoped3A_224 : memref<!tpu.dma_semaphore, #tpu.memory_space<semaphore_mem>>)
        %dma_wait3A_241 = arith.constant 0 : i32
        %dma_wait3A_242 = arith.constant 0 : i32
        %dma_wait3A_243 = tpu.memref_slice %arg9[%run_scoped3A_36, %dma_wait3A_241, %dma_wait3A_242] : memref<2x1x128xi32, #tpu.memory_space<vmem>> -> memref<1x1x128xi32, #tpu.memory_space<vmem>>
        %dma_wait3A_244 = tpu.memref_squeeze %dma_wait3A_243 : memref<1x1x128xi32, #tpu.memory_space<vmem>> -> memref<1x128xi32, #tpu.memory_space<vmem>>
        %dma_wait3A_245 = arith.constant 0 : i32
        %dma_wait3A_246 = arith.constant 0 : i32
        %dma_wait3A_247 = tpu.memref_slice %arg4[%arg1, %run_scoped3A_35, %dma_wait3A_245, %dma_wait3A_246] : memref<16x157x1x128xi32, #tpu.memory_space<hbm>> -> memref<1x1x1x128xi32, #tpu.memory_space<hbm>>
        %dma_wait3A_248 = tpu.memref_squeeze %dma_wait3A_247 : memref<1x1x1x128xi32, #tpu.memory_space<hbm>> -> memref<1x128xi32, #tpu.memory_space<hbm>>
        %dma_wait3A_249 = arith.constant 0 : i32
        %dma_wait3A_250 = arith.constant 0 : i32
        %dma_wait3A_251 = tpu.memref_slice %arg9[%run_scoped3A_36, %dma_wait3A_249, %dma_wait3A_250] : memref<2x1x128xi32, #tpu.memory_space<vmem>> -> memref<1x1x128xi32, #tpu.memory_space<vmem>>
        %dma_wait3A_252 = tpu.memref_squeeze %dma_wait3A_251 : memref<1x1x128xi32, #tpu.memory_space<vmem>> -> memref<1x128xi32, #tpu.memory_space<vmem>>
        %dma_wait3A_253 = arith.constant 0 : i32
        %dma_wait3A_254 = arith.constant 0 : i32
        %dma_wait3A_255 = tpu.memref_slice %arg4[%arg1, %run_scoped3A_35, %dma_wait3A_253, %dma_wait3A_254] : memref<16x157x1x128xi32, #tpu.memory_space<hbm>> -> memref<1x1x1x128xi32, #tpu.memory_space<hbm>>
        %dma_wait3A_256 = tpu.memref_squeeze %dma_wait3A_255 : memref<1x1x1x128xi32, #tpu.memory_space<hbm>> -> memref<1x128xi32, #tpu.memory_space<hbm>>
        tpu.wait_dma2 semaphore(%run_scoped3A_224 : memref<!tpu.dma_semaphore, #tpu.memory_space<semaphore_mem>>) src(%dma_wait3A_256 : memref<1x128xi32, #tpu.memory_space<hbm>>) dst(%dma_wait3A_252 : memref<1x128xi32, #tpu.memory_space<vmem>>)
        tpu.yield
      }) : () -> ()
      %scan3A_37 = arith.constant 0 : i32
      %scan3A_38 = arith.constant 0 : i32
      %scan3A_39 = arith.constant 157 : i32
      %scan3A_40 = arith.addi %scan3A_38, %scan3A_39 : i32
      %scan3A_41 = arith.constant 1 : i32
      %scan3A_42 = scf.for %scan3A_224 = %scan3A_38 to %scan3A_40 step %scan3A_41 iter_args(%scan3A_225 = %scan3A_37) -> (i32)  : i32 {
        %rem3A = arith.constant 2 : i32
        %rem3A_226 = arith.remsi %scan3A_224, %rem3A : i32
        %dma_start3A_227 = arith.constant 0 : i32
        %dma_start3A_228 = arith.constant 0 : i32
        %dma_start3A_229 = arith.constant 0 : i32
        %dma_start3A_230 = tpu.memref_slice %arg11[%rem3A_226, %dma_start3A_228, %dma_start3A_229] : memref<2x128x128xf32, #tpu.memory_space<vmem>> -> memref<1x128x128xf32, #tpu.memory_space<vmem>>
        %dma_start3A_231 = tpu.memref_squeeze %dma_start3A_230 : memref<1x128x128xf32, #tpu.memory_space<vmem>> -> memref<128x128xf32, #tpu.memory_space<vmem>>
        %dma_start3A_232 = arith.constant 0 : i32
        %dma_start3A_233 = tpu.memref_slice %arg9[%rem3A_226, %dma_start3A_227, %dma_start3A_232] : memref<2x1x128xi32, #tpu.memory_space<vmem>> -> memref<1x1x128xi32, #tpu.memory_space<vmem>>
        %dma_start3A_234 = tpu.memref_squeeze %dma_start3A_233 : memref<1x1x128xi32, #tpu.memory_space<vmem>> -> memref<128xi32, #tpu.memory_space<vmem>>
        %dma_start3A_235 = arith.constant 0 : i32
        %dma_start3A_236 = arith.constant 0 : i32
        %dma_start3A_237 = tpu.memref_slice %arg3[%dma_start3A_235, %dma_start3A_236] : memref<10240x128xf32, #tpu.memory_space<hbm>> -> memref<10240x128xf32, #tpu.memory_space<hbm>>
        tpu.enqueue_indirect_dma source(%dma_start3A_237 : memref<10240x128xf32, #tpu.memory_space<hbm>>) target(%dma_start3A_231 : memref<128x128xf32, #tpu.memory_space<vmem>>) offsets(%dma_start3A_234 : memref<128xi32, #tpu.memory_space<vmem>>) semaphore(%arg12 : memref<!tpu.dma_semaphore, #tpu.memory_space<semaphore_mem>>)
        "tpu.region"() ({
          %run_scoped3A_260 = tpu.sem_alloc : memref<!tpu.dma_semaphore, #tpu.memory_space<semaphore_mem>>
          %dma_start3A_261 = arith.constant 0 : i32
          %dma_start3A_262 = arith.constant 0 : i32
          %dma_start3A_263 = tpu.memref_slice %arg10[%rem3A_226, %dma_start3A_261, %dma_start3A_262] : memref<2x1x128xi32, #tpu.memory_space<vmem>> -> memref<1x1x128xi32, #tpu.memory_space<vmem>>
          %dma_start3A_264 = tpu.memref_squeeze %dma_start3A_263 : memref<1x1x128xi32, #tpu.memory_space<vmem>> -> memref<1x128xi32, #tpu.memory_space<vmem>>
          %dma_start3A_265 = arith.constant 0 : i32
          %dma_start3A_266 = arith.constant 0 : i32
          %dma_start3A_267 = tpu.memref_slice %arg5[%arg1, %scan3A_224, %dma_start3A_265, %dma_start3A_266] : memref<16x157x1x128xi32, #tpu.memory_space<hbm>> -> memref<1x1x1x128xi32, #tpu.memory_space<hbm>>
          %dma_start3A_268 = tpu.memref_squeeze %dma_start3A_267 : memref<1x1x1x128xi32, #tpu.memory_space<hbm>> -> memref<1x128xi32, #tpu.memory_space<hbm>>
          %dma_start3A_269 = arith.constant 0 : i32
          %dma_start3A_270 = arith.constant 0 : i32
          %dma_start3A_271 = tpu.memref_slice %arg10[%rem3A_226, %dma_start3A_269, %dma_start3A_270] : memref<2x1x128xi32, #tpu.memory_space<vmem>> -> memref<1x1x128xi32, #tpu.memory_space<vmem>>
          %dma_start3A_272 = tpu.memref_squeeze %dma_start3A_271 : memref<1x1x128xi32, #tpu.memory_space<vmem>> -> memref<1x128xi32, #tpu.memory_space<vmem>>
          %dma_start3A_273 = arith.constant 0 : i32
          %dma_start3A_274 = arith.constant 0 : i32
          %dma_start3A_275 = tpu.memref_slice %arg5[%arg1, %scan3A_224, %dma_start3A_273, %dma_start3A_274] : memref<16x157x1x128xi32, #tpu.memory_space<hbm>> -> memref<1x1x1x128xi32, #tpu.memory_space<hbm>>
          %dma_start3A_276 = tpu.memref_squeeze %dma_start3A_275 : memref<1x1x1x128xi32, #tpu.memory_space<hbm>> -> memref<1x128xi32, #tpu.memory_space<hbm>>
          tpu.enqueue_dma source(%dma_start3A_276 : memref<1x128xi32, #tpu.memory_space<hbm>>) target(%dma_start3A_272 : memref<1x128xi32, #tpu.memory_space<vmem>>) target_semaphore(%run_scoped3A_260 : memref<!tpu.dma_semaphore, #tpu.memory_space<semaphore_mem>>)
          %dma_wait3A_277 = arith.constant 0 : i32
          %dma_wait3A_278 = arith.constant 0 : i32
          %dma_wait3A_279 = tpu.memref_slice %arg10[%rem3A_226, %dma_wait3A_277, %dma_wait3A_278] : memref<2x1x128xi32, #tpu.memory_space<vmem>> -> memref<1x1x128xi32, #tpu.memory_space<vmem>>
          %dma_wait3A_280 = tpu.memref_squeeze %dma_wait3A_279 : memref<1x1x128xi32, #tpu.memory_space<vmem>> -> memref<1x128xi32, #tpu.memory_space<vmem>>
          %dma_wait3A_281 = arith.constant 0 : i32
          %dma_wait3A_282 = arith.constant 0 : i32
          %dma_wait3A_283 = tpu.memref_slice %arg5[%arg1, %scan3A_224, %dma_wait3A_281, %dma_wait3A_282] : memref<16x157x1x128xi32, #tpu.memory_space<hbm>> -> memref<1x1x1x128xi32, #tpu.memory_space<hbm>>
          %dma_wait3A_284 = tpu.memref_squeeze %dma_wait3A_283 : memref<1x1x1x128xi32, #tpu.memory_space<hbm>> -> memref<1x128xi32, #tpu.memory_space<hbm>>
          %dma_wait3A_285 = arith.constant 0 : i32
          %dma_wait3A_286 = arith.constant 0 : i32
          %dma_wait3A_287 = tpu.memref_slice %arg10[%rem3A_226, %dma_wait3A_285, %dma_wait3A_286] : memref<2x1x128xi32, #tpu.memory_space<vmem>> -> memref<1x1x128xi32, #tpu.memory_space<vmem>>
          %dma_wait3A_288 = tpu.memref_squeeze %dma_wait3A_287 : memref<1x1x128xi32, #tpu.memory_space<vmem>> -> memref<1x128xi32, #tpu.memory_space<vmem>>
          %dma_wait3A_289 = arith.constant 0 : i32
          %dma_wait3A_290 = arith.constant 0 : i32
          %dma_wait3A_291 = tpu.memref_slice %arg5[%arg1, %scan3A_224, %dma_wait3A_289, %dma_wait3A_290] : memref<16x157x1x128xi32, #tpu.memory_space<hbm>> -> memref<1x1x1x128xi32, #tpu.memory_space<hbm>>
          %dma_wait3A_292 = tpu.memref_squeeze %dma_wait3A_291 : memref<1x1x1x128xi32, #tpu.memory_space<hbm>> -> memref<1x128xi32, #tpu.memory_space<hbm>>
          tpu.wait_dma2 semaphore(%run_scoped3A_260 : memref<!tpu.dma_semaphore, #tpu.memory_space<semaphore_mem>>) src(%dma_wait3A_292 : memref<1x128xi32, #tpu.memory_space<hbm>>) dst(%dma_wait3A_288 : memref<1x128xi32, #tpu.memory_space<vmem>>)
          tpu.yield
        }) : () -> ()
        %add3A_238 = arith.constant 1 : i32
        %add3A_239 = arith.addi %scan3A_224, %add3A_238 : i32
        %lt3A = arith.constant 157 : i32
        %lt3A_240 = arith.cmpi slt, %add3A_239, %lt3A : i32
        %convert_element_type3A_241 = arith.extui %lt3A_240 : i1 to i32
        %cond3A_242 = arith.constant 0 : i32
        %cond3A_243 = arith.cmpi ne, %convert_element_type3A_241, %cond3A_242 : i32
        scf.if %cond3A_243 {
          %add3A_260 = arith.constant 1 : i32
          %add3A_261 = arith.addi %scan3A_224, %add3A_260 : i32
          %sub3A = arith.constant 1 : i32
          %sub3A_262 = arith.subi %sub3A, %rem3A_226 : i32
          "tpu.region"() ({
            %run_scoped3A_263 = tpu.sem_alloc : memref<!tpu.dma_semaphore, #tpu.memory_space<semaphore_mem>>
            %dma_start3A_264 = arith.constant 0 : i32
            %dma_start3A_265 = arith.constant 0 : i32
            %dma_start3A_266 = tpu.memref_slice %arg9[%sub3A_262, %dma_start3A_264, %dma_start3A_265] : memref<2x1x128xi32, #tpu.memory_space<vmem>> -> memref<1x1x128xi32, #tpu.memory_space<vmem>>
            %dma_start3A_267 = tpu.memref_squeeze %dma_start3A_266 : memref<1x1x128xi32, #tpu.memory_space<vmem>> -> memref<1x128xi32, #tpu.memory_space<vmem>>
            %dma_start3A_268 = arith.constant 0 : i32
            %dma_start3A_269 = arith.constant 0 : i32
            %dma_start3A_270 = tpu.memref_slice %arg4[%arg1, %add3A_261, %dma_start3A_268, %dma_start3A_269] : memref<16x157x1x128xi32, #tpu.memory_space<hbm>> -> memref<1x1x1x128xi32, #tpu.memory_space<hbm>>
            %dma_start3A_271 = tpu.memref_squeeze %dma_start3A_270 : memref<1x1x1x128xi32, #tpu.memory_space<hbm>> -> memref<1x128xi32, #tpu.memory_space<hbm>>
            %dma_start3A_272 = arith.constant 0 : i32
            %dma_start3A_273 = arith.constant 0 : i32
            %dma_start3A_274 = tpu.memref_slice %arg9[%sub3A_262, %dma_start3A_272, %dma_start3A_273] : memref<2x1x128xi32, #tpu.memory_space<vmem>> -> memref<1x1x128xi32, #tpu.memory_space<vmem>>
            %dma_start3A_275 = tpu.memref_squeeze %dma_start3A_274 : memref<1x1x128xi32, #tpu.memory_space<vmem>> -> memref<1x128xi32, #tpu.memory_space<vmem>>
            %dma_start3A_276 = arith.constant 0 : i32
            %dma_start3A_277 = arith.constant 0 : i32
            %dma_start3A_278 = tpu.memref_slice %arg4[%arg1, %add3A_261, %dma_start3A_276, %dma_start3A_277] : memref<16x157x1x128xi32, #tpu.memory_space<hbm>> -> memref<1x1x1x128xi32, #tpu.memory_space<hbm>>
            %dma_start3A_279 = tpu.memref_squeeze %dma_start3A_278 : memref<1x1x1x128xi32, #tpu.memory_space<hbm>> -> memref<1x128xi32, #tpu.memory_space<hbm>>
            tpu.enqueue_dma source(%dma_start3A_279 : memref<1x128xi32, #tpu.memory_space<hbm>>) target(%dma_start3A_275 : memref<1x128xi32, #tpu.memory_space<vmem>>) target_semaphore(%run_scoped3A_263 : memref<!tpu.dma_semaphore, #tpu.memory_space<semaphore_mem>>)
            %dma_wait3A_280 = arith.constant 0 : i32
            %dma_wait3A_281 = arith.constant 0 : i32
            %dma_wait3A_282 = tpu.memref_slice %arg9[%sub3A_262, %dma_wait3A_280, %dma_wait3A_281] : memref<2x1x128xi32, #tpu.memory_space<vmem>> -> memref<1x1x128xi32, #tpu.memory_space<vmem>>
            %dma_wait3A_283 = tpu.memref_squeeze %dma_wait3A_282 : memref<1x1x128xi32, #tpu.memory_space<vmem>> -> memref<1x128xi32, #tpu.memory_space<vmem>>
            %dma_wait3A_284 = arith.constant 0 : i32
            %dma_wait3A_285 = arith.constant 0 : i32
            %dma_wait3A_286 = tpu.memref_slice %arg4[%arg1, %add3A_261, %dma_wait3A_284, %dma_wait3A_285] : memref<16x157x1x128xi32, #tpu.memory_space<hbm>> -> memref<1x1x1x128xi32, #tpu.memory_space<hbm>>
            %dma_wait3A_287 = tpu.memref_squeeze %dma_wait3A_286 : memref<1x1x1x128xi32, #tpu.memory_space<hbm>> -> memref<1x128xi32, #tpu.memory_space<hbm>>
            %dma_wait3A_288 = arith.constant 0 : i32
            %dma_wait3A_289 = arith.constant 0 : i32
            %dma_wait3A_290 = tpu.memref_slice %arg9[%sub3A_262, %dma_wait3A_288, %dma_wait3A_289] : memref<2x1x128xi32, #tpu.memory_space<vmem>> -> memref<1x1x128xi32, #tpu.memory_space<vmem>>
            %dma_wait3A_291 = tpu.memref_squeeze %dma_wait3A_290 : memref<1x1x128xi32, #tpu.memory_space<vmem>> -> memref<1x128xi32, #tpu.memory_space<vmem>>
            %dma_wait3A_292 = arith.constant 0 : i32
            %dma_wait3A_293 = arith.constant 0 : i32
            %dma_wait3A_294 = tpu.memref_slice %arg4[%arg1, %add3A_261, %dma_wait3A_292, %dma_wait3A_293] : memref<16x157x1x128xi32, #tpu.memory_space<hbm>> -> memref<1x1x1x128xi32, #tpu.memory_space<hbm>>
            %dma_wait3A_295 = tpu.memref_squeeze %dma_wait3A_294 : memref<1x1x1x128xi32, #tpu.memory_space<hbm>> -> memref<1x128xi32, #tpu.memory_space<hbm>>
            tpu.wait_dma2 semaphore(%run_scoped3A_263 : memref<!tpu.dma_semaphore, #tpu.memory_space<semaphore_mem>>) src(%dma_wait3A_295 : memref<1x128xi32, #tpu.memory_space<hbm>>) dst(%dma_wait3A_291 : memref<1x128xi32, #tpu.memory_space<vmem>>)
            tpu.yield
          }) : () -> ()
        } else {
        }
        %gt3A = arith.constant 0 : i32
        %gt3A_244 = arith.cmpi sgt, %scan3A_224, %gt3A : i32
        %convert_element_type3A_245 = arith.extui %gt3A_244 : i1 to i32
        %cond3A_246 = arith.constant 0 : i32
        %cond3A_247 = arith.cmpi ne, %convert_element_type3A_245, %cond3A_246 : i32
        scf.if %cond3A_247 {
          %sub3A = arith.constant 1 : i32
          %sub3A_260 = arith.subi %sub3A, %rem3A_226 : i32
          %sub3A_261 = arith.constant 1 : i32
          %sub3A_262 = arith.subi %sub3A_261, %rem3A_226 : i32
          %dma_start3A_263 = arith.constant 0 : i32
          %dma_start3A_264 = arith.constant 0 : i32
          %dma_start3A_265 = arith.constant 0 : i32
          %dma_start3A_266 = tpu.memref_slice %arg11[%sub3A_260, %dma_start3A_264, %dma_start3A_265] : memref<2x128x128xf32, #tpu.memory_space<vmem>> -> memref<1x128x128xf32, #tpu.memory_space<vmem>>
          %dma_start3A_267 = tpu.memref_squeeze %dma_start3A_266 : memref<1x128x128xf32, #tpu.memory_space<vmem>> -> memref<128x128xf32, #tpu.memory_space<vmem>>
          %dma_start3A_268 = arith.constant 0 : i32
          %dma_start3A_269 = tpu.memref_slice %arg10[%sub3A_262, %dma_start3A_263, %dma_start3A_268] : memref<2x1x128xi32, #tpu.memory_space<vmem>> -> memref<1x1x128xi32, #tpu.memory_space<vmem>>
          %dma_start3A_270 = tpu.memref_squeeze %dma_start3A_269 : memref<1x1x128xi32, #tpu.memory_space<vmem>> -> memref<128xi32, #tpu.memory_space<vmem>>
          %dma_start3A_271 = arith.constant 0 : i32
          %dma_start3A_272 = arith.constant 0 : i32
          %dma_start3A_273 = tpu.memref_slice %arg8[%dma_start3A_271, %dma_start3A_272] : memref<10240x128xf32, #tpu.memory_space<vmem_shared>> -> memref<10240x128xf32, #tpu.memory_space<vmem_shared>>
          tpu.enqueue_indirect_dma source(%dma_start3A_267 : memref<128x128xf32, #tpu.memory_space<vmem>>) target(%dma_start3A_273 : memref<10240x128xf32, #tpu.memory_space<vmem_shared>>) offsets(%dma_start3A_270 : memref<128xi32, #tpu.memory_space<vmem>>) semaphore(%arg13 : memref<!tpu.dma_semaphore, #tpu.memory_space<semaphore_mem>>) {add = true}
          %dma_wait3A_274 = arith.constant 0 : i32
          %dma_wait3A_275 = arith.constant 0 : i32
          %dma_wait3A_276 = arith.constant 0 : i32
          %dma_wait3A_277 = tpu.memref_slice %arg11[%sub3A_260, %dma_wait3A_275, %dma_wait3A_276] : memref<2x128x128xf32, #tpu.memory_space<vmem>> -> memref<1x128x128xf32, #tpu.memory_space<vmem>>
          %dma_wait3A_278 = tpu.memref_squeeze %dma_wait3A_277 : memref<1x128x128xf32, #tpu.memory_space<vmem>> -> memref<128x128xf32, #tpu.memory_space<vmem>>
          %dma_wait3A_279 = arith.constant 0 : i32
          %dma_wait3A_280 = tpu.memref_slice %arg10[%sub3A_262, %dma_wait3A_274, %dma_wait3A_279] : memref<2x1x128xi32, #tpu.memory_space<vmem>> -> memref<1x1x128xi32, #tpu.memory_space<vmem>>
          %dma_wait3A_281 = tpu.memref_squeeze %dma_wait3A_280 : memref<1x1x128xi32, #tpu.memory_space<vmem>> -> memref<128xi32, #tpu.memory_space<vmem>>
          %dma_wait3A_282 = arith.constant 0 : i32
          %dma_wait3A_283 = arith.constant 0 : i32
          %dma_wait3A_284 = tpu.memref_slice %arg8[%dma_wait3A_282, %dma_wait3A_283] : memref<10240x128xf32, #tpu.memory_space<vmem_shared>> -> memref<10240x128xf32, #tpu.memory_space<vmem_shared>>
          tpu.wait_indirect_dma semaphore(%arg13 : memref<!tpu.dma_semaphore, #tpu.memory_space<semaphore_mem>>) src(%dma_wait3A_278 : memref<128x128xf32, #tpu.memory_space<vmem>>) dst(%dma_wait3A_284 : memref<10240x128xf32, #tpu.memory_space<vmem_shared>>)
        } else {
        }
        %dma_wait3A_248 = arith.constant 0 : i32
        %dma_wait3A_249 = arith.constant 0 : i32
        %dma_wait3A_250 = arith.constant 0 : i32
        %dma_wait3A_251 = tpu.memref_slice %arg11[%rem3A_226, %dma_wait3A_249, %dma_wait3A_250] : memref<2x128x128xf32, #tpu.memory_space<vmem>> -> memref<1x128x128xf32, #tpu.memory_space<vmem>>
        %dma_wait3A_252 = tpu.memref_squeeze %dma_wait3A_251 : memref<1x128x128xf32, #tpu.memory_space<vmem>> -> memref<128x128xf32, #tpu.memory_space<vmem>>
        %dma_wait3A_253 = arith.constant 0 : i32
        %dma_wait3A_254 = tpu.memref_slice %arg9[%rem3A_226, %dma_wait3A_248, %dma_wait3A_253] : memref<2x1x128xi32, #tpu.memory_space<vmem>> -> memref<1x1x128xi32, #tpu.memory_space<vmem>>
        %dma_wait3A_255 = tpu.memref_squeeze %dma_wait3A_254 : memref<1x1x128xi32, #tpu.memory_space<vmem>> -> memref<128xi32, #tpu.memory_space<vmem>>
        %dma_wait3A_256 = arith.constant 0 : i32
        %dma_wait3A_257 = arith.constant 0 : i32
        %dma_wait3A_258 = tpu.memref_slice %arg3[%dma_wait3A_256, %dma_wait3A_257] : memref<10240x128xf32, #tpu.memory_space<hbm>> -> memref<10240x128xf32, #tpu.memory_space<hbm>>
        tpu.wait_indirect_dma semaphore(%arg12 : memref<!tpu.dma_semaphore, #tpu.memory_space<semaphore_mem>>) src(%dma_wait3A_258 : memref<10240x128xf32, #tpu.memory_space<hbm>>) dst(%dma_wait3A_252 : memref<128x128xf32, #tpu.memory_space<vmem>>)
        %scan3A_259 = arith.constant 0 : i32
        scf.yield %scan3A_259 : i32
      }
      %scan3A_43 = arith.constant 157 : i32
      %dma_start3A = arith.constant 0 : i32
      %dma_start3A_44 = arith.constant 0 : i32
      %dma_start3A_45 = arith.constant 0 : i32
      %dma_start3A_46 = arith.constant 0 : i32
      %dma_start3A_47 = arith.constant 0 : i32
      %dma_start3A_48 = tpu.memref_slice %arg11[%dma_start3A, %dma_start3A_46, %dma_start3A_47] : memref<2x128x128xf32, #tpu.memory_space<vmem>> -> memref<1x128x128xf32, #tpu.memory_space<vmem>>
      %dma_start3A_49 = tpu.memref_squeeze %dma_start3A_48 : memref<1x128x128xf32, #tpu.memory_space<vmem>> -> memref<128x128xf32, #tpu.memory_space<vmem>>
      %dma_start3A_50 = arith.constant 0 : i32
      %dma_start3A_51 = tpu.memref_slice %arg10[%dma_start3A_44, %dma_start3A_45, %dma_start3A_50] : memref<2x1x128xi32, #tpu.memory_space<vmem>> -> memref<1x1x128xi32, #tpu.memory_space<vmem>>
      %dma_start3A_52 = tpu.memref_squeeze %dma_start3A_51 : memref<1x1x128xi32, #tpu.memory_space<vmem>> -> memref<128xi32, #tpu.memory_space<vmem>>
      %dma_start3A_53 = arith.constant 0 : i32
      %dma_start3A_54 = arith.constant 0 : i32
      %dma_start3A_55 = tpu.memref_slice %arg8[%dma_start3A_53, %dma_start3A_54] : memref<10240x128xf32, #tpu.memory_space<vmem_shared>> -> memref<10240x128xf32, #tpu.memory_space<vmem_shared>>
      tpu.enqueue_indirect_dma source(%dma_start3A_49 : memref<128x128xf32, #tpu.memory_space<vmem>>) target(%dma_start3A_55 : memref<10240x128xf32, #tpu.memory_space<vmem_shared>>) offsets(%dma_start3A_52 : memref<128xi32, #tpu.memory_space<vmem>>) semaphore(%arg13 : memref<!tpu.dma_semaphore, #tpu.memory_space<semaphore_mem>>) {add = true}
      %dma_wait3A = arith.constant 0 : i32
      %dma_wait3A_56 = arith.constant 0 : i32
      %dma_wait3A_57 = arith.constant 0 : i32
      %dma_wait3A_58 = arith.constant 0 : i32
      %dma_wait3A_59 = arith.constant 0 : i32
      %dma_wait3A_60 = tpu.memref_slice %arg11[%dma_wait3A, %dma_wait3A_58, %dma_wait3A_59] : memref<2x128x128xf32, #tpu.memory_space<vmem>> -> memref<1x128x128xf32, #tpu.memory_space<vmem>>
      %dma_wait3A_61 = tpu.memref_squeeze %dma_wait3A_60 : memref<1x128x128xf32, #tpu.memory_space<vmem>> -> memref<128x128xf32, #tpu.memory_space<vmem>>
      %dma_wait3A_62 = arith.constant 0 : i32
      %dma_wait3A_63 = tpu.memref_slice %arg10[%dma_wait3A_56, %dma_wait3A_57, %dma_wait3A_62] : memref<2x1x128xi32, #tpu.memory_space<vmem>> -> memref<1x1x128xi32, #tpu.memory_space<vmem>>
      %dma_wait3A_64 = tpu.memref_squeeze %dma_wait3A_63 : memref<1x1x128xi32, #tpu.memory_space<vmem>> -> memref<128xi32, #tpu.memory_space<vmem>>
      %dma_wait3A_65 = arith.constant 0 : i32
      %dma_wait3A_66 = arith.constant 0 : i32
      %dma_wait3A_67 = tpu.memref_slice %arg8[%dma_wait3A_65, %dma_wait3A_66] : memref<10240x128xf32, #tpu.memory_space<vmem_shared>> -> memref<10240x128xf32, #tpu.memory_space<vmem_shared>>
      tpu.wait_indirect_dma semaphore(%arg13 : memref<!tpu.dma_semaphore, #tpu.memory_space<semaphore_mem>>) src(%dma_wait3A_61 : memref<128x128xf32, #tpu.memory_space<vmem>>) dst(%dma_wait3A_67 : memref<10240x128xf32, #tpu.memory_space<vmem_shared>>)
      %barrier3A_68 = arith.constant 0 : index
      tpu.barrier barrier_id(%barrier3A_68)
      %mul3A_69 = arith.constant 640 : i32
      %mul3A_70 = arith.muli %arg1, %mul3A_69 : i32
      %add3A_71 = arith.constant 0 : i32
      %add3A_72 = arith.addi %mul3A_70, %add3A_71 : i32
      %run_scoped3A_73 = arith.constant 0 : i32
      "tpu.region"() ({
        %run_scoped3A_224 = tpu.sem_alloc : memref<!tpu.dma_semaphore, #tpu.memory_space<semaphore_mem>>
        %dma_start3A_225 = arith.constant 0 : i32
        %dma_start3A_226 = arith.constant 0 : i32
        %dma_start3A_227 = tpu.memref_slice %arg11[%run_scoped3A_73, %dma_start3A_225, %dma_start3A_226] : memref<2x128x128xf32, #tpu.memory_space<vmem>> -> memref<1x128x128xf32, #tpu.memory_space<vmem>>
        %dma_start3A_228 = tpu.memref_squeeze %dma_start3A_227 : memref<1x128x128xf32, #tpu.memory_space<vmem>> -> memref<128x128xf32, #tpu.memory_space<vmem>>
        %dma_start3A_229 = arith.constant 0 : i32
        %dma_start3A_230 = tpu.memref_slice %arg8[%add3A_72, %dma_start3A_229] : memref<10240x128xf32, #tpu.memory_space<vmem_shared>> -> memref<128x128xf32, #tpu.memory_space<vmem_shared>>
        %dma_start3A_231 = arith.constant 0 : i32
        %dma_start3A_232 = arith.constant 0 : i32
        %dma_start3A_233 = tpu.memref_slice %arg11[%run_scoped3A_73, %dma_start3A_231, %dma_start3A_232] : memref<2x128x128xf32, #tpu.memory_space<vmem>> -> memref<1x128x128xf32, #tpu.memory_space<vmem>>
        %dma_start3A_234 = tpu.memref_squeeze %dma_start3A_233 : memref<1x128x128xf32, #tpu.memory_space<vmem>> -> memref<128x128xf32, #tpu.memory_space<vmem>>
        %dma_start3A_235 = arith.constant 0 : i32
        %dma_start3A_236 = tpu.memref_slice %arg8[%add3A_72, %dma_start3A_235] : memref<10240x128xf32, #tpu.memory_space<vmem_shared>> -> memref<128x128xf32, #tpu.memory_space<vmem_shared>>
        tpu.enqueue_dma source(%dma_start3A_236 : memref<128x128xf32, #tpu.memory_space<vmem_shared>>) target(%dma_start3A_234 : memref<128x128xf32, #tpu.memory_space<vmem>>) target_semaphore(%run_scoped3A_224 : memref<!tpu.dma_semaphore, #tpu.memory_space<semaphore_mem>>)
        %dma_wait3A_237 = arith.constant 0 : i32
        %dma_wait3A_238 = arith.constant 0 : i32
        %dma_wait3A_239 = tpu.memref_slice %arg11[%run_scoped3A_73, %dma_wait3A_237, %dma_wait3A_238] : memref<2x128x128xf32, #tpu.memory_space<vmem>> -> memref<1x128x128xf32, #tpu.memory_space<vmem>>
        %dma_wait3A_240 = tpu.memref_squeeze %dma_wait3A_239 : memref<1x128x128xf32, #tpu.memory_space<vmem>> -> memref<128x128xf32, #tpu.memory_space<vmem>>
        %dma_wait3A_241 = arith.constant 0 : i32
        %dma_wait3A_242 = tpu.memref_slice %arg8[%add3A_72, %dma_wait3A_241] : memref<10240x128xf32, #tpu.memory_space<vmem_shared>> -> memref<128x128xf32, #tpu.memory_space<vmem_shared>>
        %dma_wait3A_243 = arith.constant 0 : i32
        %dma_wait3A_244 = arith.constant 0 : i32
        %dma_wait3A_245 = tpu.memref_slice %arg11[%run_scoped3A_73, %dma_wait3A_243, %dma_wait3A_244] : memref<2x128x128xf32, #tpu.memory_space<vmem>> -> memref<1x128x128xf32, #tpu.memory_space<vmem>>
        %dma_wait3A_246 = tpu.memref_squeeze %dma_wait3A_245 : memref<1x128x128xf32, #tpu.memory_space<vmem>> -> memref<128x128xf32, #tpu.memory_space<vmem>>
        %dma_wait3A_247 = arith.constant 0 : i32
        %dma_wait3A_248 = tpu.memref_slice %arg8[%add3A_72, %dma_wait3A_247] : memref<10240x128xf32, #tpu.memory_space<vmem_shared>> -> memref<128x128xf32, #tpu.memory_space<vmem_shared>>
        tpu.wait_dma2 semaphore(%run_scoped3A_224 : memref<!tpu.dma_semaphore, #tpu.memory_space<semaphore_mem>>) src(%dma_wait3A_248 : memref<128x128xf32, #tpu.memory_space<vmem_shared>>) dst(%dma_wait3A_246 : memref<128x128xf32, #tpu.memory_space<vmem>>)
        tpu.yield
      }) : () -> ()
      %dma_start3A_74 = arith.constant 0 : i32
      %dma_start3A_75 = arith.constant 0 : i32
      %dma_start3A_76 = arith.constant 0 : i32
      %dma_start3A_77 = tpu.memref_slice %arg11[%dma_start3A_74, %dma_start3A_75, %dma_start3A_76] : memref<2x128x128xf32, #tpu.memory_space<vmem>> -> memref<1x128x128xf32, #tpu.memory_space<vmem>>
      %dma_start3A_78 = tpu.memref_squeeze %dma_start3A_77 : memref<1x128x128xf32, #tpu.memory_space<vmem>> -> memref<128x128xf32, #tpu.memory_space<vmem>>
      %dma_start3A_79 = arith.constant 0 : i32
      %dma_start3A_80 = tpu.memref_slice %arg7[%add3A_72, %dma_start3A_79] : memref<10240x128xf32, #tpu.memory_space<hbm>> -> memref<128x128xf32, #tpu.memory_space<hbm>>
      %dma_start3A_81 = arith.constant 0 : i32
      %dma_start3A_82 = tpu.memref_slice %arg7[%add3A_72, %dma_start3A_81] : memref<10240x128xf32, #tpu.memory_space<hbm>> -> memref<128x128xf32, #tpu.memory_space<hbm>>
      %dma_start3A_83 = arith.constant 0 : i32
      %dma_start3A_84 = arith.constant 0 : i32
      %dma_start3A_85 = tpu.memref_slice %arg11[%dma_start3A_74, %dma_start3A_83, %dma_start3A_84] : memref<2x128x128xf32, #tpu.memory_space<vmem>> -> memref<1x128x128xf32, #tpu.memory_space<vmem>>
      %dma_start3A_86 = tpu.memref_squeeze %dma_start3A_85 : memref<1x128x128xf32, #tpu.memory_space<vmem>> -> memref<128x128xf32, #tpu.memory_space<vmem>>
      tpu.enqueue_dma source(%dma_start3A_86 : memref<128x128xf32, #tpu.memory_space<vmem>>) target(%dma_start3A_82 : memref<128x128xf32, #tpu.memory_space<hbm>>) target_semaphore(%arg12 : memref<!tpu.dma_semaphore, #tpu.memory_space<semaphore_mem>>)
      %mul3A_87 = arith.constant 640 : i32
      %mul3A_88 = arith.muli %arg1, %mul3A_87 : i32
      %add3A_89 = arith.constant 128 : i32
      %add3A_90 = arith.addi %mul3A_88, %add3A_89 : i32
      %run_scoped3A_91 = arith.constant 1 : i32
      "tpu.region"() ({
        %run_scoped3A_224 = tpu.sem_alloc : memref<!tpu.dma_semaphore, #tpu.memory_space<semaphore_mem>>
        %dma_start3A_225 = arith.constant 0 : i32
        %dma_start3A_226 = arith.constant 0 : i32
        %dma_start3A_227 = tpu.memref_slice %arg11[%run_scoped3A_91, %dma_start3A_225, %dma_start3A_226] : memref<2x128x128xf32, #tpu.memory_space<vmem>> -> memref<1x128x128xf32, #tpu.memory_space<vmem>>
        %dma_start3A_228 = tpu.memref_squeeze %dma_start3A_227 : memref<1x128x128xf32, #tpu.memory_space<vmem>> -> memref<128x128xf32, #tpu.memory_space<vmem>>
        %dma_start3A_229 = arith.constant 0 : i32
        %dma_start3A_230 = tpu.memref_slice %arg8[%add3A_90, %dma_start3A_229] : memref<10240x128xf32, #tpu.memory_space<vmem_shared>> -> memref<128x128xf32, #tpu.memory_space<vmem_shared>>
        %dma_start3A_231 = arith.constant 0 : i32
        %dma_start3A_232 = arith.constant 0 : i32
        %dma_start3A_233 = tpu.memref_slice %arg11[%run_scoped3A_91, %dma_start3A_231, %dma_start3A_232] : memref<2x128x128xf32, #tpu.memory_space<vmem>> -> memref<1x128x128xf32, #tpu.memory_space<vmem>>
        %dma_start3A_234 = tpu.memref_squeeze %dma_start3A_233 : memref<1x128x128xf32, #tpu.memory_space<vmem>> -> memref<128x128xf32, #tpu.memory_space<vmem>>
        %dma_start3A_235 = arith.constant 0 : i32
        %dma_start3A_236 = tpu.memref_slice %arg8[%add3A_90, %dma_start3A_235] : memref<10240x128xf32, #tpu.memory_space<vmem_shared>> -> memref<128x128xf32, #tpu.memory_space<vmem_shared>>
        tpu.enqueue_dma source(%dma_start3A_236 : memref<128x128xf32, #tpu.memory_space<vmem_shared>>) target(%dma_start3A_234 : memref<128x128xf32, #tpu.memory_space<vmem>>) target_semaphore(%run_scoped3A_224 : memref<!tpu.dma_semaphore, #tpu.memory_space<semaphore_mem>>)
        %dma_wait3A_237 = arith.constant 0 : i32
        %dma_wait3A_238 = arith.constant 0 : i32
        %dma_wait3A_239 = tpu.memref_slice %arg11[%run_scoped3A_91, %dma_wait3A_237, %dma_wait3A_238] : memref<2x128x128xf32, #tpu.memory_space<vmem>> -> memref<1x128x128xf32, #tpu.memory_space<vmem>>
        %dma_wait3A_240 = tpu.memref_squeeze %dma_wait3A_239 : memref<1x128x128xf32, #tpu.memory_space<vmem>> -> memref<128x128xf32, #tpu.memory_space<vmem>>
        %dma_wait3A_241 = arith.constant 0 : i32
        %dma_wait3A_242 = tpu.memref_slice %arg8[%add3A_90, %dma_wait3A_241] : memref<10240x128xf32, #tpu.memory_space<vmem_shared>> -> memref<128x128xf32, #tpu.memory_space<vmem_shared>>
        %dma_wait3A_243 = arith.constant 0 : i32
        %dma_wait3A_244 = arith.constant 0 : i32
        %dma_wait3A_245 = tpu.memref_slice %arg11[%run_scoped3A_91, %dma_wait3A_243, %dma_wait3A_244] : memref<2x128x128xf32, #tpu.memory_space<vmem>> -> memref<1x128x128xf32, #tpu.memory_space<vmem>>
        %dma_wait3A_246 = tpu.memref_squeeze %dma_wait3A_245 : memref<1x128x128xf32, #tpu.memory_space<vmem>> -> memref<128x128xf32, #tpu.memory_space<vmem>>
        %dma_wait3A_247 = arith.constant 0 : i32
        %dma_wait3A_248 = tpu.memref_slice %arg8[%add3A_90, %dma_wait3A_247] : memref<10240x128xf32, #tpu.memory_space<vmem_shared>> -> memref<128x128xf32, #tpu.memory_space<vmem_shared>>
        tpu.wait_dma2 semaphore(%run_scoped3A_224 : memref<!tpu.dma_semaphore, #tpu.memory_space<semaphore_mem>>) src(%dma_wait3A_248 : memref<128x128xf32, #tpu.memory_space<vmem_shared>>) dst(%dma_wait3A_246 : memref<128x128xf32, #tpu.memory_space<vmem>>)
        tpu.yield
      }) : () -> ()
      %dma_start3A_92 = arith.constant 1 : i32
      %dma_start3A_93 = arith.constant 0 : i32
      %dma_start3A_94 = arith.constant 0 : i32
      %dma_start3A_95 = tpu.memref_slice %arg11[%dma_start3A_92, %dma_start3A_93, %dma_start3A_94] : memref<2x128x128xf32, #tpu.memory_space<vmem>> -> memref<1x128x128xf32, #tpu.memory_space<vmem>>
      %dma_start3A_96 = tpu.memref_squeeze %dma_start3A_95 : memref<1x128x128xf32, #tpu.memory_space<vmem>> -> memref<128x128xf32, #tpu.memory_space<vmem>>
      %dma_start3A_97 = arith.constant 0 : i32
      %dma_start3A_98 = tpu.memref_slice %arg7[%add3A_90, %dma_start3A_97] : memref<10240x128xf32, #tpu.memory_space<hbm>> -> memref<128x128xf32, #tpu.memory_space<hbm>>
      %dma_start3A_99 = arith.constant 0 : i32
      %dma_start3A_100 = tpu.memref_slice %arg7[%add3A_90, %dma_start3A_99] : memref<10240x128xf32, #tpu.memory_space<hbm>> -> memref<128x128xf32, #tpu.memory_space<hbm>>
      %dma_start3A_101 = arith.constant 0 : i32
      %dma_start3A_102 = arith.constant 0 : i32
      %dma_start3A_103 = tpu.memref_slice %arg11[%dma_start3A_92, %dma_start3A_101, %dma_start3A_102] : memref<2x128x128xf32, #tpu.memory_space<vmem>> -> memref<1x128x128xf32, #tpu.memory_space<vmem>>
      %dma_start3A_104 = tpu.memref_squeeze %dma_start3A_103 : memref<1x128x128xf32, #tpu.memory_space<vmem>> -> memref<128x128xf32, #tpu.memory_space<vmem>>
      tpu.enqueue_dma source(%dma_start3A_104 : memref<128x128xf32, #tpu.memory_space<vmem>>) target(%dma_start3A_100 : memref<128x128xf32, #tpu.memory_space<hbm>>) target_semaphore(%arg12 : memref<!tpu.dma_semaphore, #tpu.memory_space<semaphore_mem>>)
      %mul3A_105 = arith.constant 640 : i32
      %mul3A_106 = arith.muli %arg1, %mul3A_105 : i32
      %add3A_107 = arith.constant 256 : i32
      %add3A_108 = arith.addi %mul3A_106, %add3A_107 : i32
      %dma_wait3A_109 = arith.constant 0 : i32
      %dma_wait3A_110 = arith.constant 0 : i32
      %dma_wait3A_111 = arith.constant 0 : i32
      %dma_wait3A_112 = tpu.memref_slice %arg11[%dma_wait3A_109, %dma_wait3A_110, %dma_wait3A_111] : memref<2x128x128xf32, #tpu.memory_space<vmem>> -> memref<1x128x128xf32, #tpu.memory_space<vmem>>
      %dma_wait3A_113 = tpu.memref_squeeze %dma_wait3A_112 : memref<1x128x128xf32, #tpu.memory_space<vmem>> -> memref<128x128xf32, #tpu.memory_space<vmem>>
      %dma_wait3A_114 = arith.constant 0 : i32
      %dma_wait3A_115 = tpu.memref_slice %arg7[%add3A_72, %dma_wait3A_114] : memref<10240x128xf32, #tpu.memory_space<hbm>> -> memref<128x128xf32, #tpu.memory_space<hbm>>
      %dma_wait3A_116 = arith.constant 0 : i32
      %dma_wait3A_117 = tpu.memref_slice %arg7[%add3A_72, %dma_wait3A_116] : memref<10240x128xf32, #tpu.memory_space<hbm>> -> memref<128x128xf32, #tpu.memory_space<hbm>>
      %dma_wait3A_118 = arith.constant 0 : i32
      %dma_wait3A_119 = arith.constant 0 : i32
      %dma_wait3A_120 = tpu.memref_slice %arg11[%dma_wait3A_109, %dma_wait3A_118, %dma_wait3A_119] : memref<2x128x128xf32, #tpu.memory_space<vmem>> -> memref<1x128x128xf32, #tpu.memory_space<vmem>>
      %dma_wait3A_121 = tpu.memref_squeeze %dma_wait3A_120 : memref<1x128x128xf32, #tpu.memory_space<vmem>> -> memref<128x128xf32, #tpu.memory_space<vmem>>
      tpu.wait_dma2 semaphore(%arg12 : memref<!tpu.dma_semaphore, #tpu.memory_space<semaphore_mem>>) src(%dma_wait3A_121 : memref<128x128xf32, #tpu.memory_space<vmem>>) dst(%dma_wait3A_117 : memref<128x128xf32, #tpu.memory_space<hbm>>)
      %run_scoped3A_122 = arith.constant 0 : i32
      "tpu.region"() ({
        %run_scoped3A_224 = tpu.sem_alloc : memref<!tpu.dma_semaphore, #tpu.memory_space<semaphore_mem>>
        %dma_start3A_225 = arith.constant 0 : i32
        %dma_start3A_226 = arith.constant 0 : i32
        %dma_start3A_227 = tpu.memref_slice %arg11[%run_scoped3A_122, %dma_start3A_225, %dma_start3A_226] : memref<2x128x128xf32, #tpu.memory_space<vmem>> -> memref<1x128x128xf32, #tpu.memory_space<vmem>>
        %dma_start3A_228 = tpu.memref_squeeze %dma_start3A_227 : memref<1x128x128xf32, #tpu.memory_space<vmem>> -> memref<128x128xf32, #tpu.memory_space<vmem>>
        %dma_start3A_229 = arith.constant 0 : i32
        %dma_start3A_230 = tpu.memref_slice %arg8[%add3A_108, %dma_start3A_229] : memref<10240x128xf32, #tpu.memory_space<vmem_shared>> -> memref<128x128xf32, #tpu.memory_space<vmem_shared>>
        %dma_start3A_231 = arith.constant 0 : i32
        %dma_start3A_232 = arith.constant 0 : i32
        %dma_start3A_233 = tpu.memref_slice %arg11[%run_scoped3A_122, %dma_start3A_231, %dma_start3A_232] : memref<2x128x128xf32, #tpu.memory_space<vmem>> -> memref<1x128x128xf32, #tpu.memory_space<vmem>>
        %dma_start3A_234 = tpu.memref_squeeze %dma_start3A_233 : memref<1x128x128xf32, #tpu.memory_space<vmem>> -> memref<128x128xf32, #tpu.memory_space<vmem>>
        %dma_start3A_235 = arith.constant 0 : i32
        %dma_start3A_236 = tpu.memref_slice %arg8[%add3A_108, %dma_start3A_235] : memref<10240x128xf32, #tpu.memory_space<vmem_shared>> -> memref<128x128xf32, #tpu.memory_space<vmem_shared>>
        tpu.enqueue_dma source(%dma_start3A_236 : memref<128x128xf32, #tpu.memory_space<vmem_shared>>) target(%dma_start3A_234 : memref<128x128xf32, #tpu.memory_space<vmem>>) target_semaphore(%run_scoped3A_224 : memref<!tpu.dma_semaphore, #tpu.memory_space<semaphore_mem>>)
        %dma_wait3A_237 = arith.constant 0 : i32
        %dma_wait3A_238 = arith.constant 0 : i32
        %dma_wait3A_239 = tpu.memref_slice %arg11[%run_scoped3A_122, %dma_wait3A_237, %dma_wait3A_238] : memref<2x128x128xf32, #tpu.memory_space<vmem>> -> memref<1x128x128xf32, #tpu.memory_space<vmem>>
        %dma_wait3A_240 = tpu.memref_squeeze %dma_wait3A_239 : memref<1x128x128xf32, #tpu.memory_space<vmem>> -> memref<128x128xf32, #tpu.memory_space<vmem>>
        %dma_wait3A_241 = arith.constant 0 : i32
        %dma_wait3A_242 = tpu.memref_slice %arg8[%add3A_108, %dma_wait3A_241] : memref<10240x128xf32, #tpu.memory_space<vmem_shared>> -> memref<128x128xf32, #tpu.memory_space<vmem_shared>>
        %dma_wait3A_243 = arith.constant 0 : i32
        %dma_wait3A_244 = arith.constant 0 : i32
        %dma_wait3A_245 = tpu.memref_slice %arg11[%run_scoped3A_122, %dma_wait3A_243, %dma_wait3A_244] : memref<2x128x128xf32, #tpu.memory_space<vmem>> -> memref<1x128x128xf32, #tpu.memory_space<vmem>>
        %dma_wait3A_246 = tpu.memref_squeeze %dma_wait3A_245 : memref<1x128x128xf32, #tpu.memory_space<vmem>> -> memref<128x128xf32, #tpu.memory_space<vmem>>
        %dma_wait3A_247 = arith.constant 0 : i32
        %dma_wait3A_248 = tpu.memref_slice %arg8[%add3A_108, %dma_wait3A_247] : memref<10240x128xf32, #tpu.memory_space<vmem_shared>> -> memref<128x128xf32, #tpu.memory_space<vmem_shared>>
        tpu.wait_dma2 semaphore(%run_scoped3A_224 : memref<!tpu.dma_semaphore, #tpu.memory_space<semaphore_mem>>) src(%dma_wait3A_248 : memref<128x128xf32, #tpu.memory_space<vmem_shared>>) dst(%dma_wait3A_246 : memref<128x128xf32, #tpu.memory_space<vmem>>)
        tpu.yield
      }) : () -> ()
      %dma_start3A_123 = arith.constant 0 : i32
      %dma_start3A_124 = arith.constant 0 : i32
      %dma_start3A_125 = arith.constant 0 : i32
      %dma_start3A_126 = tpu.memref_slice %arg11[%dma_start3A_123, %dma_start3A_124, %dma_start3A_125] : memref<2x128x128xf32, #tpu.memory_space<vmem>> -> memref<1x128x128xf32, #tpu.memory_space<vmem>>
      %dma_start3A_127 = tpu.memref_squeeze %dma_start3A_126 : memref<1x128x128xf32, #tpu.memory_space<vmem>> -> memref<128x128xf32, #tpu.memory_space<vmem>>
      %dma_start3A_128 = arith.constant 0 : i32
      %dma_start3A_129 = tpu.memref_slice %arg7[%add3A_108, %dma_start3A_128] : memref<10240x128xf32, #tpu.memory_space<hbm>> -> memref<128x128xf32, #tpu.memory_space<hbm>>
      %dma_start3A_130 = arith.constant 0 : i32
      %dma_start3A_131 = tpu.memref_slice %arg7[%add3A_108, %dma_start3A_130] : memref<10240x128xf32, #tpu.memory_space<hbm>> -> memref<128x128xf32, #tpu.memory_space<hbm>>
      %dma_start3A_132 = arith.constant 0 : i32
      %dma_start3A_133 = arith.constant 0 : i32
      %dma_start3A_134 = tpu.memref_slice %arg11[%dma_start3A_123, %dma_start3A_132, %dma_start3A_133] : memref<2x128x128xf32, #tpu.memory_space<vmem>> -> memref<1x128x128xf32, #tpu.memory_space<vmem>>
      %dma_start3A_135 = tpu.memref_squeeze %dma_start3A_134 : memref<1x128x128xf32, #tpu.memory_space<vmem>> -> memref<128x128xf32, #tpu.memory_space<vmem>>
      tpu.enqueue_dma source(%dma_start3A_135 : memref<128x128xf32, #tpu.memory_space<vmem>>) target(%dma_start3A_131 : memref<128x128xf32, #tpu.memory_space<hbm>>) target_semaphore(%arg12 : memref<!tpu.dma_semaphore, #tpu.memory_space<semaphore_mem>>)
      %mul3A_136 = arith.constant 640 : i32
      %mul3A_137 = arith.muli %arg1, %mul3A_136 : i32
      %add3A_138 = arith.constant 384 : i32
      %add3A_139 = arith.addi %mul3A_137, %add3A_138 : i32
      %dma_wait3A_140 = arith.constant 1 : i32
      %dma_wait3A_141 = arith.constant 0 : i32
      %dma_wait3A_142 = arith.constant 0 : i32
      %dma_wait3A_143 = tpu.memref_slice %arg11[%dma_wait3A_140, %dma_wait3A_141, %dma_wait3A_142] : memref<2x128x128xf32, #tpu.memory_space<vmem>> -> memref<1x128x128xf32, #tpu.memory_space<vmem>>
      %dma_wait3A_144 = tpu.memref_squeeze %dma_wait3A_143 : memref<1x128x128xf32, #tpu.memory_space<vmem>> -> memref<128x128xf32, #tpu.memory_space<vmem>>
      %dma_wait3A_145 = arith.constant 0 : i32
      %dma_wait3A_146 = tpu.memref_slice %arg7[%add3A_90, %dma_wait3A_145] : memref<10240x128xf32, #tpu.memory_space<hbm>> -> memref<128x128xf32, #tpu.memory_space<hbm>>
      %dma_wait3A_147 = arith.constant 0 : i32
      %dma_wait3A_148 = tpu.memref_slice %arg7[%add3A_90, %dma_wait3A_147] : memref<10240x128xf32, #tpu.memory_space<hbm>> -> memref<128x128xf32, #tpu.memory_space<hbm>>
      %dma_wait3A_149 = arith.constant 0 : i32
      %dma_wait3A_150 = arith.constant 0 : i32
      %dma_wait3A_151 = tpu.memref_slice %arg11[%dma_wait3A_140, %dma_wait3A_149, %dma_wait3A_150] : memref<2x128x128xf32, #tpu.memory_space<vmem>> -> memref<1x128x128xf32, #tpu.memory_space<vmem>>
      %dma_wait3A_152 = tpu.memref_squeeze %dma_wait3A_151 : memref<1x128x128xf32, #tpu.memory_space<vmem>> -> memref<128x128xf32, #tpu.memory_space<vmem>>
      tpu.wait_dma2 semaphore(%arg12 : memref<!tpu.dma_semaphore, #tpu.memory_space<semaphore_mem>>) src(%dma_wait3A_152 : memref<128x128xf32, #tpu.memory_space<vmem>>) dst(%dma_wait3A_148 : memref<128x128xf32, #tpu.memory_space<hbm>>)
      %run_scoped3A_153 = arith.constant 1 : i32
      "tpu.region"() ({
        %run_scoped3A_224 = tpu.sem_alloc : memref<!tpu.dma_semaphore, #tpu.memory_space<semaphore_mem>>
        %dma_start3A_225 = arith.constant 0 : i32
        %dma_start3A_226 = arith.constant 0 : i32
        %dma_start3A_227 = tpu.memref_slice %arg11[%run_scoped3A_153, %dma_start3A_225, %dma_start3A_226] : memref<2x128x128xf32, #tpu.memory_space<vmem>> -> memref<1x128x128xf32, #tpu.memory_space<vmem>>
        %dma_start3A_228 = tpu.memref_squeeze %dma_start3A_227 : memref<1x128x128xf32, #tpu.memory_space<vmem>> -> memref<128x128xf32, #tpu.memory_space<vmem>>
        %dma_start3A_229 = arith.constant 0 : i32
        %dma_start3A_230 = tpu.memref_slice %arg8[%add3A_139, %dma_start3A_229] : memref<10240x128xf32, #tpu.memory_space<vmem_shared>> -> memref<128x128xf32, #tpu.memory_space<vmem_shared>>
        %dma_start3A_231 = arith.constant 0 : i32
        %dma_start3A_232 = arith.constant 0 : i32
        %dma_start3A_233 = tpu.memref_slice %arg11[%run_scoped3A_153, %dma_start3A_231, %dma_start3A_232] : memref<2x128x128xf32, #tpu.memory_space<vmem>> -> memref<1x128x128xf32, #tpu.memory_space<vmem>>
        %dma_start3A_234 = tpu.memref_squeeze %dma_start3A_233 : memref<1x128x128xf32, #tpu.memory_space<vmem>> -> memref<128x128xf32, #tpu.memory_space<vmem>>
        %dma_start3A_235 = arith.constant 0 : i32
        %dma_start3A_236 = tpu.memref_slice %arg8[%add3A_139, %dma_start3A_235] : memref<10240x128xf32, #tpu.memory_space<vmem_shared>> -> memref<128x128xf32, #tpu.memory_space<vmem_shared>>
        tpu.enqueue_dma source(%dma_start3A_236 : memref<128x128xf32, #tpu.memory_space<vmem_shared>>) target(%dma_start3A_234 : memref<128x128xf32, #tpu.memory_space<vmem>>) target_semaphore(%run_scoped3A_224 : memref<!tpu.dma_semaphore, #tpu.memory_space<semaphore_mem>>)
        %dma_wait3A_237 = arith.constant 0 : i32
        %dma_wait3A_238 = arith.constant 0 : i32
        %dma_wait3A_239 = tpu.memref_slice %arg11[%run_scoped3A_153, %dma_wait3A_237, %dma_wait3A_238] : memref<2x128x128xf32, #tpu.memory_space<vmem>> -> memref<1x128x128xf32, #tpu.memory_space<vmem>>
        %dma_wait3A_240 = tpu.memref_squeeze %dma_wait3A_239 : memref<1x128x128xf32, #tpu.memory_space<vmem>> -> memref<128x128xf32, #tpu.memory_space<vmem>>
        %dma_wait3A_241 = arith.constant 0 : i32
        %dma_wait3A_242 = tpu.memref_slice %arg8[%add3A_139, %dma_wait3A_241] : memref<10240x128xf32, #tpu.memory_space<vmem_shared>> -> memref<128x128xf32, #tpu.memory_space<vmem_shared>>
        %dma_wait3A_243 = arith.constant 0 : i32
        %dma_wait3A_244 = arith.constant 0 : i32
        %dma_wait3A_245 = tpu.memref_slice %arg11[%run_scoped3A_153, %dma_wait3A_243, %dma_wait3A_244] : memref<2x128x128xf32, #tpu.memory_space<vmem>> -> memref<1x128x128xf32, #tpu.memory_space<vmem>>
        %dma_wait3A_246 = tpu.memref_squeeze %dma_wait3A_245 : memref<1x128x128xf32, #tpu.memory_space<vmem>> -> memref<128x128xf32, #tpu.memory_space<vmem>>
        %dma_wait3A_247 = arith.constant 0 : i32
        %dma_wait3A_248 = tpu.memref_slice %arg8[%add3A_139, %dma_wait3A_247] : memref<10240x128xf32, #tpu.memory_space<vmem_shared>> -> memref<128x128xf32, #tpu.memory_space<vmem_shared>>
        tpu.wait_dma2 semaphore(%run_scoped3A_224 : memref<!tpu.dma_semaphore, #tpu.memory_space<semaphore_mem>>) src(%dma_wait3A_248 : memref<128x128xf32, #tpu.memory_space<vmem_shared>>) dst(%dma_wait3A_246 : memref<128x128xf32, #tpu.memory_space<vmem>>)
        tpu.yield
      }) : () -> ()
      %dma_start3A_154 = arith.constant 1 : i32
      %dma_start3A_155 = arith.constant 0 : i32
      %dma_start3A_156 = arith.constant 0 : i32
      %dma_start3A_157 = tpu.memref_slice %arg11[%dma_start3A_154, %dma_start3A_155, %dma_start3A_156] : memref<2x128x128xf32, #tpu.memory_space<vmem>> -> memref<1x128x128xf32, #tpu.memory_space<vmem>>
      %dma_start3A_158 = tpu.memref_squeeze %dma_start3A_157 : memref<1x128x128xf32, #tpu.memory_space<vmem>> -> memref<128x128xf32, #tpu.memory_space<vmem>>
      %dma_start3A_159 = arith.constant 0 : i32
      %dma_start3A_160 = tpu.memref_slice %arg7[%add3A_139, %dma_start3A_159] : memref<10240x128xf32, #tpu.memory_space<hbm>> -> memref<128x128xf32, #tpu.memory_space<hbm>>
      %dma_start3A_161 = arith.constant 0 : i32
      %dma_start3A_162 = tpu.memref_slice %arg7[%add3A_139, %dma_start3A_161] : memref<10240x128xf32, #tpu.memory_space<hbm>> -> memref<128x128xf32, #tpu.memory_space<hbm>>
      %dma_start3A_163 = arith.constant 0 : i32
      %dma_start3A_164 = arith.constant 0 : i32
      %dma_start3A_165 = tpu.memref_slice %arg11[%dma_start3A_154, %dma_start3A_163, %dma_start3A_164] : memref<2x128x128xf32, #tpu.memory_space<vmem>> -> memref<1x128x128xf32, #tpu.memory_space<vmem>>
      %dma_start3A_166 = tpu.memref_squeeze %dma_start3A_165 : memref<1x128x128xf32, #tpu.memory_space<vmem>> -> memref<128x128xf32, #tpu.memory_space<vmem>>
      tpu.enqueue_dma source(%dma_start3A_166 : memref<128x128xf32, #tpu.memory_space<vmem>>) target(%dma_start3A_162 : memref<128x128xf32, #tpu.memory_space<hbm>>) target_semaphore(%arg12 : memref<!tpu.dma_semaphore, #tpu.memory_space<semaphore_mem>>)
      %mul3A_167 = arith.constant 640 : i32
      %mul3A_168 = arith.muli %arg1, %mul3A_167 : i32
      %add3A_169 = arith.constant 512 : i32
      %add3A_170 = arith.addi %mul3A_168, %add3A_169 : i32
      %dma_wait3A_171 = arith.constant 0 : i32
      %dma_wait3A_172 = arith.constant 0 : i32
      %dma_wait3A_173 = arith.constant 0 : i32
      %dma_wait3A_174 = tpu.memref_slice %arg11[%dma_wait3A_171, %dma_wait3A_172, %dma_wait3A_173] : memref<2x128x128xf32, #tpu.memory_space<vmem>> -> memref<1x128x128xf32, #tpu.memory_space<vmem>>
      %dma_wait3A_175 = tpu.memref_squeeze %dma_wait3A_174 : memref<1x128x128xf32, #tpu.memory_space<vmem>> -> memref<128x128xf32, #tpu.memory_space<vmem>>
      %dma_wait3A_176 = arith.constant 0 : i32
      %dma_wait3A_177 = tpu.memref_slice %arg7[%add3A_108, %dma_wait3A_176] : memref<10240x128xf32, #tpu.memory_space<hbm>> -> memref<128x128xf32, #tpu.memory_space<hbm>>
      %dma_wait3A_178 = arith.constant 0 : i32
      %dma_wait3A_179 = tpu.memref_slice %arg7[%add3A_108, %dma_wait3A_178] : memref<10240x128xf32, #tpu.memory_space<hbm>> -> memref<128x128xf32, #tpu.memory_space<hbm>>
      %dma_wait3A_180 = arith.constant 0 : i32
      %dma_wait3A_181 = arith.constant 0 : i32
      %dma_wait3A_182 = tpu.memref_slice %arg11[%dma_wait3A_171, %dma_wait3A_180, %dma_wait3A_181] : memref<2x128x128xf32, #tpu.memory_space<vmem>> -> memref<1x128x128xf32, #tpu.memory_space<vmem>>
      %dma_wait3A_183 = tpu.memref_squeeze %dma_wait3A_182 : memref<1x128x128xf32, #tpu.memory_space<vmem>> -> memref<128x128xf32, #tpu.memory_space<vmem>>
      tpu.wait_dma2 semaphore(%arg12 : memref<!tpu.dma_semaphore, #tpu.memory_space<semaphore_mem>>) src(%dma_wait3A_183 : memref<128x128xf32, #tpu.memory_space<vmem>>) dst(%dma_wait3A_179 : memref<128x128xf32, #tpu.memory_space<hbm>>)
      %run_scoped3A_184 = arith.constant 0 : i32
      "tpu.region"() ({
        %run_scoped3A_224 = tpu.sem_alloc : memref<!tpu.dma_semaphore, #tpu.memory_space<semaphore_mem>>
        %dma_start3A_225 = arith.constant 0 : i32
        %dma_start3A_226 = arith.constant 0 : i32
        %dma_start3A_227 = tpu.memref_slice %arg11[%run_scoped3A_184, %dma_start3A_225, %dma_start3A_226] : memref<2x128x128xf32, #tpu.memory_space<vmem>> -> memref<1x128x128xf32, #tpu.memory_space<vmem>>
        %dma_start3A_228 = tpu.memref_squeeze %dma_start3A_227 : memref<1x128x128xf32, #tpu.memory_space<vmem>> -> memref<128x128xf32, #tpu.memory_space<vmem>>
        %dma_start3A_229 = arith.constant 0 : i32
        %dma_start3A_230 = tpu.memref_slice %arg8[%add3A_170, %dma_start3A_229] : memref<10240x128xf32, #tpu.memory_space<vmem_shared>> -> memref<128x128xf32, #tpu.memory_space<vmem_shared>>
        %dma_start3A_231 = arith.constant 0 : i32
        %dma_start3A_232 = arith.constant 0 : i32
        %dma_start3A_233 = tpu.memref_slice %arg11[%run_scoped3A_184, %dma_start3A_231, %dma_start3A_232] : memref<2x128x128xf32, #tpu.memory_space<vmem>> -> memref<1x128x128xf32, #tpu.memory_space<vmem>>
        %dma_start3A_234 = tpu.memref_squeeze %dma_start3A_233 : memref<1x128x128xf32, #tpu.memory_space<vmem>> -> memref<128x128xf32, #tpu.memory_space<vmem>>
        %dma_start3A_235 = arith.constant 0 : i32
        %dma_start3A_236 = tpu.memref_slice %arg8[%add3A_170, %dma_start3A_235] : memref<10240x128xf32, #tpu.memory_space<vmem_shared>> -> memref<128x128xf32, #tpu.memory_space<vmem_shared>>
        tpu.enqueue_dma source(%dma_start3A_236 : memref<128x128xf32, #tpu.memory_space<vmem_shared>>) target(%dma_start3A_234 : memref<128x128xf32, #tpu.memory_space<vmem>>) target_semaphore(%run_scoped3A_224 : memref<!tpu.dma_semaphore, #tpu.memory_space<semaphore_mem>>)
        %dma_wait3A_237 = arith.constant 0 : i32
        %dma_wait3A_238 = arith.constant 0 : i32
        %dma_wait3A_239 = tpu.memref_slice %arg11[%run_scoped3A_184, %dma_wait3A_237, %dma_wait3A_238] : memref<2x128x128xf32, #tpu.memory_space<vmem>> -> memref<1x128x128xf32, #tpu.memory_space<vmem>>
        %dma_wait3A_240 = tpu.memref_squeeze %dma_wait3A_239 : memref<1x128x128xf32, #tpu.memory_space<vmem>> -> memref<128x128xf32, #tpu.memory_space<vmem>>
        %dma_wait3A_241 = arith.constant 0 : i32
        %dma_wait3A_242 = tpu.memref_slice %arg8[%add3A_170, %dma_wait3A_241] : memref<10240x128xf32, #tpu.memory_space<vmem_shared>> -> memref<128x128xf32, #tpu.memory_space<vmem_shared>>
        %dma_wait3A_243 = arith.constant 0 : i32
        %dma_wait3A_244 = arith.constant 0 : i32
        %dma_wait3A_245 = tpu.memref_slice %arg11[%run_scoped3A_184, %dma_wait3A_243, %dma_wait3A_244] : memref<2x128x128xf32, #tpu.memory_space<vmem>> -> memref<1x128x128xf32, #tpu.memory_space<vmem>>
        %dma_wait3A_246 = tpu.memref_squeeze %dma_wait3A_245 : memref<1x128x128xf32, #tpu.memory_space<vmem>> -> memref<128x128xf32, #tpu.memory_space<vmem>>
        %dma_wait3A_247 = arith.constant 0 : i32
        %dma_wait3A_248 = tpu.memref_slice %arg8[%add3A_170, %dma_wait3A_247] : memref<10240x128xf32, #tpu.memory_space<vmem_shared>> -> memref<128x128xf32, #tpu.memory_space<vmem_shared>>
        tpu.wait_dma2 semaphore(%run_scoped3A_224 : memref<!tpu.dma_semaphore, #tpu.memory_space<semaphore_mem>>) src(%dma_wait3A_248 : memref<128x128xf32, #tpu.memory_space<vmem_shared>>) dst(%dma_wait3A_246 : memref<128x128xf32, #tpu.memory_space<vmem>>)
        tpu.yield
      }) : () -> ()
      %dma_start3A_185 = arith.constant 0 : i32
      %dma_start3A_186 = arith.constant 0 : i32
      %dma_start3A_187 = arith.constant 0 : i32
      %dma_start3A_188 = tpu.memref_slice %arg11[%dma_start3A_185, %dma_start3A_186, %dma_start3A_187] : memref<2x128x128xf32, #tpu.memory_space<vmem>> -> memref<1x128x128xf32, #tpu.memory_space<vmem>>
      %dma_start3A_189 = tpu.memref_squeeze %dma_start3A_188 : memref<1x128x128xf32, #tpu.memory_space<vmem>> -> memref<128x128xf32, #tpu.memory_space<vmem>>
      %dma_start3A_190 = arith.constant 0 : i32
      %dma_start3A_191 = tpu.memref_slice %arg7[%add3A_170, %dma_start3A_190] : memref<10240x128xf32, #tpu.memory_space<hbm>> -> memref<128x128xf32, #tpu.memory_space<hbm>>
      %dma_start3A_192 = arith.constant 0 : i32
      %dma_start3A_193 = tpu.memref_slice %arg7[%add3A_170, %dma_start3A_192] : memref<10240x128xf32, #tpu.memory_space<hbm>> -> memref<128x128xf32, #tpu.memory_space<hbm>>
      %dma_start3A_194 = arith.constant 0 : i32
      %dma_start3A_195 = arith.constant 0 : i32
      %dma_start3A_196 = tpu.memref_slice %arg11[%dma_start3A_185, %dma_start3A_194, %dma_start3A_195] : memref<2x128x128xf32, #tpu.memory_space<vmem>> -> memref<1x128x128xf32, #tpu.memory_space<vmem>>
      %dma_start3A_197 = tpu.memref_squeeze %dma_start3A_196 : memref<1x128x128xf32, #tpu.memory_space<vmem>> -> memref<128x128xf32, #tpu.memory_space<vmem>>
      tpu.enqueue_dma source(%dma_start3A_197 : memref<128x128xf32, #tpu.memory_space<vmem>>) target(%dma_start3A_193 : memref<128x128xf32, #tpu.memory_space<hbm>>) target_semaphore(%arg12 : memref<!tpu.dma_semaphore, #tpu.memory_space<semaphore_mem>>)
      %dma_wait3A_198 = arith.constant 1 : i32
      %dma_wait3A_199 = arith.constant 0 : i32
      %dma_wait3A_200 = arith.constant 0 : i32
      %dma_wait3A_201 = tpu.memref_slice %arg11[%dma_wait3A_198, %dma_wait3A_199, %dma_wait3A_200] : memref<2x128x128xf32, #tpu.memory_space<vmem>> -> memref<1x128x128xf32, #tpu.memory_space<vmem>>
      %dma_wait3A_202 = tpu.memref_squeeze %dma_wait3A_201 : memref<1x128x128xf32, #tpu.memory_space<vmem>> -> memref<128x128xf32, #tpu.memory_space<vmem>>
      %dma_wait3A_203 = arith.constant 0 : i32
      %dma_wait3A_204 = tpu.memref_slice %arg7[%add3A_139, %dma_wait3A_203] : memref<10240x128xf32, #tpu.memory_space<hbm>> -> memref<128x128xf32, #tpu.memory_space<hbm>>
      %dma_wait3A_205 = arith.constant 0 : i32
      %dma_wait3A_206 = tpu.memref_slice %arg7[%add3A_139, %dma_wait3A_205] : memref<10240x128xf32, #tpu.memory_space<hbm>> -> memref<128x128xf32, #tpu.memory_space<hbm>>
      %dma_wait3A_207 = arith.constant 0 : i32
      %dma_wait3A_208 = arith.constant 0 : i32
      %dma_wait3A_209 = tpu.memref_slice %arg11[%dma_wait3A_198, %dma_wait3A_207, %dma_wait3A_208] : memref<2x128x128xf32, #tpu.memory_space<vmem>> -> memref<1x128x128xf32, #tpu.memory_space<vmem>>
      %dma_wait3A_210 = tpu.memref_squeeze %dma_wait3A_209 : memref<1x128x128xf32, #tpu.memory_space<vmem>> -> memref<128x128xf32, #tpu.memory_space<vmem>>
      tpu.wait_dma2 semaphore(%arg12 : memref<!tpu.dma_semaphore, #tpu.memory_space<semaphore_mem>>) src(%dma_wait3A_210 : memref<128x128xf32, #tpu.memory_space<vmem>>) dst(%dma_wait3A_206 : memref<128x128xf32, #tpu.memory_space<hbm>>)
      %dma_wait3A_211 = arith.constant 0 : i32
      %dma_wait3A_212 = arith.constant 0 : i32
      %dma_wait3A_213 = arith.constant 0 : i32
      %dma_wait3A_214 = tpu.memref_slice %arg11[%dma_wait3A_211, %dma_wait3A_212, %dma_wait3A_213] : memref<2x128x128xf32, #tpu.memory_space<vmem>> -> memref<1x128x128xf32, #tpu.memory_space<vmem>>
      %dma_wait3A_215 = tpu.memref_squeeze %dma_wait3A_214 : memref<1x128x128xf32, #tpu.memory_space<vmem>> -> memref<128x128xf32, #tpu.memory_space<vmem>>
      %dma_wait3A_216 = arith.constant 0 : i32
      %dma_wait3A_217 = tpu.memref_slice %arg7[%add3A_170, %dma_wait3A_216] : memref<10240x128xf32, #tpu.memory_space<hbm>> -> memref<128x128xf32, #tpu.memory_space<hbm>>
      %dma_wait3A_218 = arith.constant 0 : i32
      %dma_wait3A_219 = tpu.memref_slice %arg7[%add3A_170, %dma_wait3A_218] : memref<10240x128xf32, #tpu.memory_space<hbm>> -> memref<128x128xf32, #tpu.memory_space<hbm>>
      %dma_wait3A_220 = arith.constant 0 : i32
      %dma_wait3A_221 = arith.constant 0 : i32
      %dma_wait3A_222 = tpu.memref_slice %arg11[%dma_wait3A_211, %dma_wait3A_220, %dma_wait3A_221] : memref<2x128x128xf32, #tpu.memory_space<vmem>> -> memref<1x128x128xf32, #tpu.memory_space<vmem>>
      %dma_wait3A_223 = tpu.memref_squeeze %dma_wait3A_222 : memref<1x128x128xf32, #tpu.memory_space<vmem>> -> memref<128x128xf32, #tpu.memory_space<vmem>>
      tpu.wait_dma2 semaphore(%arg12 : memref<!tpu.dma_semaphore, #tpu.memory_space<semaphore_mem>>) src(%dma_wait3A_223 : memref<128x128xf32, #tpu.memory_space<vmem>>) dst(%dma_wait3A_219 : memref<128x128xf32, #tpu.memory_space<hbm>>)
    } else {
    }
    return
  }
}

module attributes {stable_mosaic.version = 14 : i64} {
  func.func @_y1_body(%arg0: i32, %arg1: memref<1024x128xf32, #tpu.memory_space<vmem>>, %arg2: memref<128x256xf32, #tpu.memory_space<vmem>>, %arg3: memref<1024x16xf32, #tpu.memory_space<vmem>>, %arg4: memref<1024x16xf32, #tpu.memory_space<vmem>>, %arg5: memref<1024x128xf32, #tpu.memory_space<vmem>>, %arg6: memref<1024x128xf32, #tpu.memory_space<vmem>>) attributes {dimension_semantics = [#tpu.dimension_semantics<arbitrary>], iteration_bounds = array<i64: 10>, scalar_prefetch = 0 : i64, scratch_operands = 0 : i64, tpu.core_type = #tpu.core_type<tc>, window_params = [{transform_indices = @transform_0, window_bounds = array<i64: 1024, 128>}, {pipeline_mode = #tpu.pipeline_mode<synchronous>, transform_indices = @transform_1, window_bounds = array<i64: 128, 256>}, {transform_indices = @transform_2, window_bounds = array<i64: 1024, 16>}, {transform_indices = @transform_3, window_bounds = array<i64: 1024, 16>}, {transform_indices = @transform_4, window_bounds = array<i64: 1024, 128>}, {transform_indices = @transform_5, window_bounds = array<i64: 1024, 128>}]} {
    %get3A = arith.constant 0 : index
    %get3A_0 = arith.constant 0 : index
    %get3A_1 = vector.load %arg1[%get3A, %get3A_0] : memref<1024x128xf32, #tpu.memory_space<vmem>>, vector<1024x128xf32>
    %get3A_2 = arith.constant 0 : index
    %get3A_3 = arith.constant 0 : index
    %get3A_4 = vector.load %arg2[%get3A_2, %get3A_3] : memref<128x256xf32, #tpu.memory_space<vmem>>, vector<128x256xf32>
    %dot_general3A = arith.constant dense<0.000000e+00> : vector<1024x256xf32>
    %dot_general3A_5 = tpu.matmul %get3A_1, %get3A_4, %dot_general3A {dimension_numbers = #tpu.dot_dimension_numbers<[1], [0], [0], [1], [0, 0, 1, 1], [], []>, transpose_lhs_hint = false} : vector<1024x128xf32>, vector<128x256xf32>, vector<1024x256xf32> -> vector<1024x256xf32>
    %get3A_6 = arith.constant 0 : index
    %get3A_7 = arith.constant 0 : index
    %get3A_8 = vector.load %arg3[%get3A_6, %get3A_7] : memref<1024x16xf32, #tpu.memory_space<vmem>>, vector<1024x16xf32>
    %slice3A = vector.extract_strided_slice %get3A_8 {offsets = [0, 0], sizes = [1024, 1], strides = [1, 1]} : vector<1024x16xf32> to vector<1024x1xf32>
    %get3A_9 = arith.constant 0 : index
    %get3A_10 = arith.constant 0 : index
    %get3A_11 = vector.load %arg4[%get3A_9, %get3A_10] : memref<1024x16xf32, #tpu.memory_space<vmem>>, vector<1024x16xf32>
    %slice3A_12 = vector.extract_strided_slice %get3A_11 {offsets = [0, 0], sizes = [1024, 1], strides = [1, 1]} : vector<1024x16xf32> to vector<1024x1xf32>
    %add3A = arith.addf %slice3A, %slice3A_12 : vector<1024x1xf32>
    %add3A_13 = arith.constant 1.000000e+00 : f32
    %add3A_14 = vector.broadcast %add3A_13 : f32 to vector<1024x1xf32>
    %add3A_15 = arith.addf %add3A, %add3A_14 : vector<1024x1xf32>
    %rsqrt3A = math.rsqrt %add3A_15 : vector<1024x1xf32>
    %mul3A = vector.broadcast %rsqrt3A : vector<1024x1xf32> to vector<1024x256xf32>
    %mul3A_16 = arith.mulf %dot_general3A_5, %mul3A : vector<1024x256xf32>
    %slice3A_17 = vector.extract_strided_slice %mul3A_16 {offsets = [0, 0], sizes = [1024, 128], strides = [1, 1]} : vector<1024x256xf32> to vector<1024x128xf32>
    %swap3A = arith.constant 0 : index
    %swap3A_18 = arith.constant 0 : index
    %swap3A_19 = vector.load %arg5[%swap3A, %swap3A_18] : memref<1024x128xf32, #tpu.memory_space<vmem>>, vector<1024x128xf32>
    tpu.vector_store %arg5[%swap3A, %swap3A_18], %slice3A_17 {strides = array<i32>} : memref<1024x128xf32, #tpu.memory_space<vmem>>, vector<1024x128xf32>,
    %slice3A_20 = vector.extract_strided_slice %mul3A_16 {offsets = [0, 128], sizes = [1024, 128], strides = [1, 1]} : vector<1024x256xf32> to vector<1024x128xf32>
    %swap3A_21 = arith.constant 0 : index
    %swap3A_22 = arith.constant 0 : index
    %swap3A_23 = vector.load %arg6[%swap3A_21, %swap3A_22] : memref<1024x128xf32, #tpu.memory_space<vmem>>, vector<1024x128xf32>
    tpu.vector_store %arg6[%swap3A_21, %swap3A_22], %slice3A_20 {strides = array<i32>} : memref<1024x128xf32, #tpu.memory_space<vmem>>, vector<1024x128xf32>,
    return
  }
  func.func @transform_0(%arg0: i32) -> (i32, i32) {
    %c0_i32 = arith.constant 0 : i32
    %c0_i32_0 = arith.constant 0 : i32
    return %arg0, %c0_i32 : i32, i32
  }
  func.func @transform_1(%arg0: i32) -> (i32, i32) {
    %c0_i32 = arith.constant 0 : i32
    %c0_i32_0 = arith.constant 0 : i32
    %c0_i32_1 = arith.constant 0 : i32
    return %c0_i32, %c0_i32_0 : i32, i32
  }
  func.func @transform_2(%arg0: i32) -> (i32, i32) {
    %c0_i32 = arith.constant 0 : i32
    %c0_i32_0 = arith.constant 0 : i32
    return %arg0, %c0_i32 : i32, i32
  }
  func.func @transform_3(%arg0: i32) -> (i32, i32) {
    %c0_i32 = arith.constant 0 : i32
    %c0_i32_0 = arith.constant 0 : i32
    return %arg0, %c0_i32 : i32, i32
  }
  func.func @transform_4(%arg0: i32) -> (i32, i32) {
    %c0_i32 = arith.constant 0 : i32
    %c0_i32_0 = arith.constant 0 : i32
    return %arg0, %c0_i32 : i32, i32
  }
  func.func @transform_5(%arg0: i32) -> (i32, i32) {
    %c0_i32 = arith.constant 0 : i32
    %c0_i32_0 = arith.constant 0 : i32
    return %arg0, %c0_i32 : i32, i32
  }
}

module attributes {stable_mosaic.version = 14 : i64} {
  func.func @_mid_body(%arg0: i32, %arg1: memref<1024x128xf32, #tpu.memory_space<vmem>>, %arg2: memref<1024x128xf32, #tpu.memory_space<vmem>>, %arg3: memref<1024x128xf32, #tpu.memory_space<vmem>>, %arg4: memref<1024x128xf32, #tpu.memory_space<vmem>>, %arg5: memref<1024x16xf32, #tpu.memory_space<vmem>>, %arg6: memref<1024x16xf32, #tpu.memory_space<vmem>>, %arg7: memref<8x256xf32, #tpu.memory_space<vmem>>, %arg8: memref<1x256xf32, #tpu.memory_space<vmem>>, %arg9: memref<1x256xf32, #tpu.memory_space<vmem>>, %arg10: memref<1x256xf32, #tpu.memory_space<vmem>>, %arg11: memref<256x256xf32, #tpu.memory_space<vmem>>, %arg12: memref<1024x128xf32, #tpu.memory_space<vmem>>, %arg13: memref<1024x128xf32, #tpu.memory_space<vmem>>) attributes {dimension_semantics = [#tpu.dimension_semantics<arbitrary>], iteration_bounds = array<i64: 10>, scalar_prefetch = 0 : i64, scratch_operands = 0 : i64, tpu.core_type = #tpu.core_type<tc>, window_params = [{transform_indices = @transform_0, window_bounds = array<i64: 1024, 128>}, {transform_indices = @transform_1, window_bounds = array<i64: 1024, 128>}, {transform_indices = @transform_2, window_bounds = array<i64: 1024, 128>}, {transform_indices = @transform_3, window_bounds = array<i64: 1024, 128>}, {transform_indices = @transform_4, window_bounds = array<i64: 1024, 16>}, {transform_indices = @transform_5, window_bounds = array<i64: 1024, 16>}, {pipeline_mode = #tpu.pipeline_mode<synchronous>, transform_indices = @transform_6, window_bounds = array<i64: 8, 256>}, {pipeline_mode = #tpu.pipeline_mode<synchronous>, transform_indices = @transform_7, window_bounds = array<i64: 1, 256>}, {pipeline_mode = #tpu.pipeline_mode<synchronous>, transform_indices = @transform_8, window_bounds = array<i64: 1, 256>}, {pipeline_mode = #tpu.pipeline_mode<synchronous>, transform_indices = @transform_9, window_bounds = array<i64: 1, 256>}, {pipeline_mode = #tpu.pipeline_mode<synchronous>, transform_indices = @transform_10, window_bounds = array<i64: 256, 256>}, {transform_indices = @transform_11, window_bounds = array<i64: 1024, 128>}, {transform_indices = @transform_12, window_bounds = array<i64: 1024, 128>}]} {
    %get3A = arith.constant 0 : index
    %get3A_0 = arith.constant 0 : index
    %get3A_1 = vector.load %arg1[%get3A, %get3A_0] : memref<1024x128xf32, #tpu.memory_space<vmem>>, vector<1024x128xf32>
    %get3A_2 = arith.constant 0 : index
    %get3A_3 = arith.constant 0 : index
    %get3A_4 = vector.load %arg2[%get3A_2, %get3A_3] : memref<1024x128xf32, #tpu.memory_space<vmem>>, vector<1024x128xf32>
    %concatenate3A = tpu.concatenate %get3A_1, %get3A_4 in 1 : vector<1024x128xf32>, vector<1024x128xf32> -> vector<1024x256xf32>
    %get3A_5 = arith.constant 0 : index
    %get3A_6 = arith.constant 0 : index
    %get3A_7 = vector.load %arg3[%get3A_5, %get3A_6] : memref<1024x128xf32, #tpu.memory_space<vmem>>, vector<1024x128xf32>
    %get3A_8 = arith.constant 0 : index
    %get3A_9 = arith.constant 0 : index
    %get3A_10 = vector.load %arg4[%get3A_8, %get3A_9] : memref<1024x128xf32, #tpu.memory_space<vmem>>, vector<1024x128xf32>
    %concatenate3A_11 = tpu.concatenate %get3A_7, %get3A_10 in 1 : vector<1024x128xf32>, vector<1024x128xf32> -> vector<1024x256xf32>
    %get3A_12 = arith.constant 0 : index
    %get3A_13 = arith.constant 0 : index
    %get3A_14 = vector.load %arg5[%get3A_12, %get3A_13] : memref<1024x16xf32, #tpu.memory_space<vmem>>, vector<1024x16xf32>
    %slice3A = vector.extract_strided_slice %get3A_14 {offsets = [0, 0], sizes = [1024, 1], strides = [1, 1]} : vector<1024x16xf32> to vector<1024x1xf32>
    %get3A_15 = arith.constant 0 : index
    %get3A_16 = arith.constant 0 : index
    %get3A_17 = vector.load %arg6[%get3A_15, %get3A_16] : memref<1024x16xf32, #tpu.memory_space<vmem>>, vector<1024x16xf32>
    %slice3A_18 = vector.extract_strided_slice %get3A_17 {offsets = [0, 0], sizes = [1024, 1], strides = [1, 1]} : vector<1024x16xf32> to vector<1024x1xf32>
    %add3A = arith.addf %slice3A, %slice3A_18 : vector<1024x1xf32>
    %add3A_19 = arith.constant 1.000000e+00 : f32
    %add3A_20 = vector.broadcast %add3A_19 : f32 to vector<1024x1xf32>
    %add3A_21 = arith.addf %add3A, %add3A_20 : vector<1024x1xf32>
    %rsqrt3A = math.rsqrt %add3A_21 : vector<1024x1xf32>
    %add3A_22 = arith.addf %concatenate3A, %concatenate3A_11 : vector<1024x256xf32>
    %mul3A = vector.broadcast %rsqrt3A : vector<1024x1xf32> to vector<1024x256xf32>
    %mul3A_23 = arith.mulf %mul3A, %add3A_22 : vector<1024x256xf32>
    %get3A_24 = arith.constant 0 : index
    %get3A_25 = arith.constant 0 : index
    %get3A_26 = vector.load %arg8[%get3A_24, %get3A_25] : memref<1x256xf32, #tpu.memory_space<vmem>>, vector<1x256xf32>
    %add3A_27 = vector.broadcast %get3A_26 : vector<1x256xf32> to vector<1024x256xf32>
    %add3A_28 = arith.addf %mul3A_23, %add3A_27 : vector<1024x256xf32>
    %get3A_29 = arith.constant 0 : index
    %get3A_30 = arith.constant 0 : index
    %get3A_31 = vector.load %arg7[%get3A_29, %get3A_30] : memref<8x256xf32, #tpu.memory_space<vmem>>, vector<1x256xf32>
    %mul3A_32 = arith.constant 9.99999974E-5 : f32
    %mul3A_33 = vector.broadcast %mul3A_32 : f32 to vector<1x256xf32>
    %mul3A_34 = arith.mulf %get3A_31, %mul3A_33 : vector<1x256xf32>
    %get3A_35 = arith.constant 1 : index
    %get3A_36 = arith.constant 0 : index
    %get3A_37 = vector.load %arg7[%get3A_35, %get3A_36] : memref<8x256xf32, #tpu.memory_space<vmem>>, vector<1x256xf32>
    %mul3A_38 = arith.constant 9.99999974E-5 : f32
    %mul3A_39 = vector.broadcast %mul3A_38 : f32 to vector<1x256xf32>
    %mul3A_40 = arith.mulf %get3A_37, %mul3A_39 : vector<1x256xf32>
    %mul3A_41 = arith.mulf %mul3A_34, %mul3A_34 : vector<1x256xf32>
    %sub3A = arith.subf %mul3A_40, %mul3A_41 : vector<1x256xf32>
    %add3A_42 = arith.constant 9.99999974E-6 : f32
    %add3A_43 = vector.broadcast %add3A_42 : f32 to vector<1x256xf32>
    %add3A_44 = arith.addf %sub3A, %add3A_43 : vector<1x256xf32>
    %rsqrt3A_45 = math.rsqrt %add3A_44 : vector<1x256xf32>
    %sub3A_46 = vector.broadcast %mul3A_34 : vector<1x256xf32> to vector<1024x256xf32>
    %sub3A_47 = arith.subf %add3A_28, %sub3A_46 : vector<1024x256xf32>
    %mul3A_48 = vector.broadcast %rsqrt3A_45 : vector<1x256xf32> to vector<1024x256xf32>
    %mul3A_49 = arith.mulf %sub3A_47, %mul3A_48 : vector<1024x256xf32>
    %get3A_50 = arith.constant 0 : index
    %get3A_51 = arith.constant 0 : index
    %get3A_52 = vector.load %arg9[%get3A_50, %get3A_51] : memref<1x256xf32, #tpu.memory_space<vmem>>, vector<1x256xf32>
    %mul3A_53 = vector.broadcast %get3A_52 : vector<1x256xf32> to vector<1024x256xf32>
    %mul3A_54 = arith.mulf %mul3A_49, %mul3A_53 : vector<1024x256xf32>
    %get3A_55 = arith.constant 0 : index
    %get3A_56 = arith.constant 0 : index
    %get3A_57 = vector.load %arg10[%get3A_55, %get3A_56] : memref<1x256xf32, #tpu.memory_space<vmem>>, vector<1x256xf32>
    %add3A_58 = vector.broadcast %get3A_57 : vector<1x256xf32> to vector<1024x256xf32>
    %add3A_59 = arith.addf %mul3A_54, %add3A_58 : vector<1024x256xf32>
    %max3A = arith.constant 0.000000e+00 : f32
    %max3A_60 = vector.broadcast %max3A : f32 to vector<1024x256xf32>
    %max3A_61 = arith.maximumf %add3A_59, %max3A_60 : vector<1024x256xf32>
    %get3A_62 = arith.constant 0 : index
    %get3A_63 = arith.constant 0 : index
    %get3A_64 = vector.load %arg11[%get3A_62, %get3A_63] : memref<256x256xf32, #tpu.memory_space<vmem>>, vector<256x256xf32>
    %dot_general3A = arith.constant dense<0.000000e+00> : vector<1024x256xf32>
    %dot_general3A_65 = tpu.matmul %max3A_61, %get3A_64, %dot_general3A {dimension_numbers = #tpu.dot_dimension_numbers<[1], [0], [0], [1], [0, 0, 1, 1], [], []>, transpose_lhs_hint = false} : vector<1024x256xf32>, vector<256x256xf32>, vector<1024x256xf32> -> vector<1024x256xf32>
    %get3A_66 = arith.constant 0 : index
    %get3A_67 = arith.constant 0 : index
    %get3A_68 = vector.load %arg5[%get3A_66, %get3A_67] : memref<1024x16xf32, #tpu.memory_space<vmem>>, vector<1024x16xf32>
    %slice3A_69 = vector.extract_strided_slice %get3A_68 {offsets = [0, 0], sizes = [1024, 1], strides = [1, 1]} : vector<1024x16xf32> to vector<1024x1xf32>
    %get3A_70 = arith.constant 0 : index
    %get3A_71 = arith.constant 0 : index
    %get3A_72 = vector.load %arg6[%get3A_70, %get3A_71] : memref<1024x16xf32, #tpu.memory_space<vmem>>, vector<1024x16xf32>
    %slice3A_73 = vector.extract_strided_slice %get3A_72 {offsets = [0, 0], sizes = [1024, 1], strides = [1, 1]} : vector<1024x16xf32> to vector<1024x1xf32>
    %add3A_74 = arith.addf %slice3A_69, %slice3A_73 : vector<1024x1xf32>
    %add3A_75 = arith.constant 1.000000e+00 : f32
    %add3A_76 = vector.broadcast %add3A_75 : f32 to vector<1024x1xf32>
    %add3A_77 = arith.addf %add3A_74, %add3A_76 : vector<1024x1xf32>
    %rsqrt3A_78 = math.rsqrt %add3A_77 : vector<1024x1xf32>
    %mul3A_79 = vector.broadcast %rsqrt3A_78 : vector<1024x1xf32> to vector<1024x256xf32>
    %mul3A_80 = arith.mulf %dot_general3A_65, %mul3A_79 : vector<1024x256xf32>
    %slice3A_81 = vector.extract_strided_slice %mul3A_80 {offsets = [0, 0], sizes = [1024, 128], strides = [1, 1]} : vector<1024x256xf32> to vector<1024x128xf32>
    %swap3A = arith.constant 0 : index
    %swap3A_82 = arith.constant 0 : index
    %swap3A_83 = vector.load %arg12[%swap3A, %swap3A_82] : memref<1024x128xf32, #tpu.memory_space<vmem>>, vector<1024x128xf32>
    tpu.vector_store %arg12[%swap3A, %swap3A_82], %slice3A_81 {strides = array<i32>} : memref<1024x128xf32, #tpu.memory_space<vmem>>, vector<1024x128xf32>,
    %slice3A_84 = vector.extract_strided_slice %mul3A_80 {offsets = [0, 128], sizes = [1024, 128], strides = [1, 1]} : vector<1024x256xf32> to vector<1024x128xf32>
    %swap3A_85 = arith.constant 0 : index
    %swap3A_86 = arith.constant 0 : index
    %swap3A_87 = vector.load %arg13[%swap3A_85, %swap3A_86] : memref<1024x128xf32, #tpu.memory_space<vmem>>, vector<1024x128xf32>
    tpu.vector_store %arg13[%swap3A_85, %swap3A_86], %slice3A_84 {strides = array<i32>} : memref<1024x128xf32, #tpu.memory_space<vmem>>, vector<1024x128xf32>,
    return
  }
  func.func @transform_0(%arg0: i32) -> (i32, i32) {
    %c0_i32 = arith.constant 0 : i32
    %c0_i32_0 = arith.constant 0 : i32
    return %arg0, %c0_i32 : i32, i32
  }
  func.func @transform_1(%arg0: i32) -> (i32, i32) {
    %c0_i32 = arith.constant 0 : i32
    %c0_i32_0 = arith.constant 0 : i32
    return %arg0, %c0_i32 : i32, i32
  }
  func.func @transform_2(%arg0: i32) -> (i32, i32) {
    %c0_i32 = arith.constant 0 : i32
    %c0_i32_0 = arith.constant 0 : i32
    return %arg0, %c0_i32 : i32, i32
  }
  func.func @transform_3(%arg0: i32) -> (i32, i32) {
    %c0_i32 = arith.constant 0 : i32
    %c0_i32_0 = arith.constant 0 : i32
    return %arg0, %c0_i32 : i32, i32
  }
  func.func @transform_4(%arg0: i32) -> (i32, i32) {
    %c0_i32 = arith.constant 0 : i32
    %c0_i32_0 = arith.constant 0 : i32
    return %arg0, %c0_i32 : i32, i32
  }
  func.func @transform_5(%arg0: i32) -> (i32, i32) {
    %c0_i32 = arith.constant 0 : i32
    %c0_i32_0 = arith.constant 0 : i32
    return %arg0, %c0_i32 : i32, i32
  }
  func.func @transform_6(%arg0: i32) -> (i32, i32) {
    %c0_i32 = arith.constant 0 : i32
    %c0_i32_0 = arith.constant 0 : i32
    %c0_i32_1 = arith.constant 0 : i32
    return %c0_i32, %c0_i32_0 : i32, i32
  }
  func.func @transform_7(%arg0: i32) -> (i32, i32) {
    %c0_i32 = arith.constant 0 : i32
    %c0_i32_0 = arith.constant 0 : i32
    %c0_i32_1 = arith.constant 0 : i32
    return %c0_i32, %c0_i32_0 : i32, i32
  }
  func.func @transform_8(%arg0: i32) -> (i32, i32) {
    %c0_i32 = arith.constant 0 : i32
    %c0_i32_0 = arith.constant 0 : i32
    %c0_i32_1 = arith.constant 0 : i32
    return %c0_i32, %c0_i32_0 : i32, i32
  }
  func.func @transform_9(%arg0: i32) -> (i32, i32) {
    %c0_i32 = arith.constant 0 : i32
    %c0_i32_0 = arith.constant 0 : i32
    %c0_i32_1 = arith.constant 0 : i32
    return %c0_i32, %c0_i32_0 : i32, i32
  }
  func.func @transform_10(%arg0: i32) -> (i32, i32) {
    %c0_i32 = arith.constant 0 : i32
    %c0_i32_0 = arith.constant 0 : i32
    %c0_i32_1 = arith.constant 0 : i32
    return %c0_i32, %c0_i32_0 : i32, i32
  }
  func.func @transform_11(%arg0: i32) -> (i32, i32) {
    %c0_i32 = arith.constant 0 : i32
    %c0_i32_0 = arith.constant 0 : i32
    return %arg0, %c0_i32 : i32, i32
  }
  func.func @transform_12(%arg0: i32) -> (i32, i32) {
    %c0_i32 = arith.constant 0 : i32
    %c0_i32_0 = arith.constant 0 : i32
    return %arg0, %c0_i32 : i32, i32
  }
}

module attributes {stable_mosaic.version = 14 : i64} {
  func.func @_stats_body(%arg0: i32, %arg1: memref<1024x128xf32, #tpu.memory_space<vmem>>, %arg2: memref<1024x128xf32, #tpu.memory_space<vmem>>, %arg3: memref<1024x128xf32, #tpu.memory_space<vmem>>, %arg4: memref<1024x128xf32, #tpu.memory_space<vmem>>, %arg5: memref<1024x16xf32, #tpu.memory_space<vmem>>, %arg6: memref<1024x16xf32, #tpu.memory_space<vmem>>, %arg7: memref<1x256xf32, #tpu.memory_space<vmem>>, %arg8: memref<8x256xf32, #tpu.memory_space<vmem>>) attributes {dimension_semantics = [#tpu.dimension_semantics<arbitrary>], iteration_bounds = array<i64: 10>, scalar_prefetch = 0 : i64, scratch_operands = 0 : i64, tpu.core_type = #tpu.core_type<tc>, window_params = [{transform_indices = @transform_0, window_bounds = array<i64: 1024, 128>}, {transform_indices = @transform_1, window_bounds = array<i64: 1024, 128>}, {transform_indices = @transform_2, window_bounds = array<i64: 1024, 128>}, {transform_indices = @transform_3, window_bounds = array<i64: 1024, 128>}, {transform_indices = @transform_4, window_bounds = array<i64: 1024, 16>}, {transform_indices = @transform_5, window_bounds = array<i64: 1024, 16>}, {pipeline_mode = #tpu.pipeline_mode<synchronous>, transform_indices = @transform_6, window_bounds = array<i64: 1, 256>}, {pipeline_mode = #tpu.pipeline_mode<synchronous>, transform_indices = @transform_7, window_bounds = array<i64: 8, 256>}]} {
    %eq3A = arith.constant 0 : i32
    %eq3A_0 = arith.cmpi eq, %arg0, %eq3A : i32
    %convert_element_type3A = arith.extui %eq3A_0 : i1 to i32
    %cond3A = arith.constant 0 : i32
    %cond3A_1 = arith.cmpi ne, %convert_element_type3A, %cond3A : i32
    scf.if %cond3A_1 {
      %broadcast_in_dim3A_59 = arith.constant 0.000000e+00 : f32
      %broadcast_in_dim3A_60 = vector.broadcast %broadcast_in_dim3A_59 : f32 to vector<8x256xf32>
      %swap3A_61 = arith.constant 0 : index
      %swap3A_62 = arith.constant 0 : index
      %swap3A_63 = vector.load %arg8[%swap3A_61, %swap3A_62] : memref<8x256xf32, #tpu.memory_space<vmem>>, vector<8x256xf32>
      tpu.vector_store %arg8[%swap3A_61, %swap3A_62], %broadcast_in_dim3A_60 {strides = array<i32>} : memref<8x256xf32, #tpu.memory_space<vmem>>, vector<8x256xf32>,
    } else {
    }
    %get3A = arith.constant 0 : index
    %get3A_2 = arith.constant 0 : index
    %get3A_3 = vector.load %arg1[%get3A, %get3A_2] : memref<1024x128xf32, #tpu.memory_space<vmem>>, vector<1024x128xf32>
    %get3A_4 = arith.constant 0 : index
    %get3A_5 = arith.constant 0 : index
    %get3A_6 = vector.load %arg2[%get3A_4, %get3A_5] : memref<1024x128xf32, #tpu.memory_space<vmem>>, vector<1024x128xf32>
    %concatenate3A = tpu.concatenate %get3A_3, %get3A_6 in 1 : vector<1024x128xf32>, vector<1024x128xf32> -> vector<1024x256xf32>
    %get3A_7 = arith.constant 0 : index
    %get3A_8 = arith.constant 0 : index
    %get3A_9 = vector.load %arg3[%get3A_7, %get3A_8] : memref<1024x128xf32, #tpu.memory_space<vmem>>, vector<1024x128xf32>
    %get3A_10 = arith.constant 0 : index
    %get3A_11 = arith.constant 0 : index
    %get3A_12 = vector.load %arg4[%get3A_10, %get3A_11] : memref<1024x128xf32, #tpu.memory_space<vmem>>, vector<1024x128xf32>
    %concatenate3A_13 = tpu.concatenate %get3A_9, %get3A_12 in 1 : vector<1024x128xf32>, vector<1024x128xf32> -> vector<1024x256xf32>
    %get3A_14 = arith.constant 0 : index
    %get3A_15 = arith.constant 0 : index
    %get3A_16 = vector.load %arg5[%get3A_14, %get3A_15] : memref<1024x16xf32, #tpu.memory_space<vmem>>, vector<1024x16xf32>
    %slice3A = vector.extract_strided_slice %get3A_16 {offsets = [0, 0], sizes = [1024, 1], strides = [1, 1]} : vector<1024x16xf32> to vector<1024x1xf32>
    %get3A_17 = arith.constant 0 : index
    %get3A_18 = arith.constant 0 : index
    %get3A_19 = vector.load %arg6[%get3A_17, %get3A_18] : memref<1024x16xf32, #tpu.memory_space<vmem>>, vector<1024x16xf32>
    %slice3A_20 = vector.extract_strided_slice %get3A_19 {offsets = [0, 0], sizes = [1024, 1], strides = [1, 1]} : vector<1024x16xf32> to vector<1024x1xf32>
    %add3A = arith.addf %slice3A, %slice3A_20 : vector<1024x1xf32>
    %add3A_21 = arith.constant 1.000000e+00 : f32
    %add3A_22 = vector.broadcast %add3A_21 : f32 to vector<1024x1xf32>
    %add3A_23 = arith.addf %add3A, %add3A_22 : vector<1024x1xf32>
    %rsqrt3A = math.rsqrt %add3A_23 : vector<1024x1xf32>
    %add3A_24 = arith.addf %concatenate3A, %concatenate3A_13 : vector<1024x256xf32>
    %mul3A = vector.broadcast %rsqrt3A : vector<1024x1xf32> to vector<1024x256xf32>
    %mul3A_25 = arith.mulf %mul3A, %add3A_24 : vector<1024x256xf32>
    %get3A_26 = arith.constant 0 : index
    %get3A_27 = arith.constant 0 : index
    %get3A_28 = vector.load %arg7[%get3A_26, %get3A_27] : memref<1x256xf32, #tpu.memory_space<vmem>>, vector<1x256xf32>
    %add3A_29 = vector.broadcast %get3A_28 : vector<1x256xf32> to vector<1024x256xf32>
    %add3A_30 = arith.addf %mul3A_25, %add3A_29 : vector<1024x256xf32>
    %mul3A_31 = arith.constant 1024 : i32
    %mul3A_32 = arith.muli %arg0, %mul3A_31 : i32
    %iota3A = tpu.iota {dimensions = array<i32: 0>} : vector<1024x1xi32>
    %add3A_33 = vector.broadcast %mul3A_32 : i32 to vector<1024x1xi32>
    %add3A_34 = arith.addi %add3A_33, %iota3A : vector<1024x1xi32>
    %lt3A = arith.constant 10000 : i32
    %lt3A_35 = vector.broadcast %lt3A : i32 to vector<1024x1xi32>
    %lt3A_36 = arith.cmpi slt, %add3A_34, %lt3A_35 : vector<1024x1xi32>
    %convert_element_type3A_37 = arith.extui %lt3A_36 : vector<1024x1xi1> to vector<1024x1xi32>
    %convert_element_type3A_38 = arith.sitofp %convert_element_type3A_37 : vector<1024x1xi32> to vector<1024x1xf32>
    %mul3A_39 = vector.broadcast %convert_element_type3A_38 : vector<1024x1xf32> to vector<1024x256xf32>
    %mul3A_40 = arith.mulf %add3A_30, %mul3A_39 : vector<1024x256xf32>
    %get3A_41 = arith.constant 0 : index
    %get3A_42 = arith.constant 0 : index
    %get3A_43 = vector.load %arg8[%get3A_41, %get3A_42] : memref<8x256xf32, #tpu.memory_space<vmem>>, vector<1x256xf32>
    %reduce_sum3A = arith.constant dense<0.000000e+00> : vector<256xf32>
    %reduce_sum3A_44 = vector.multi_reduction <add>, %mul3A_40, %reduce_sum3A [0] : vector<1024x256xf32> to vector<256xf32>
    %broadcast_in_dim3A = vector.shape_cast %reduce_sum3A_44 : vector<256xf32> to vector<1x256xf32>
    %add3A_45 = arith.addf %get3A_43, %broadcast_in_dim3A : vector<1x256xf32>
    %swap3A = arith.constant 0 : index
    %swap3A_46 = arith.constant 0 : index
    %swap3A_47 = vector.load %arg8[%swap3A, %swap3A_46] : memref<8x256xf32, #tpu.memory_space<vmem>>, vector<1x256xf32>
    tpu.vector_store %arg8[%swap3A, %swap3A_46], %add3A_45 {strides = array<i32>} : memref<8x256xf32, #tpu.memory_space<vmem>>, vector<1x256xf32>,
    %get3A_48 = arith.constant 1 : index
    %get3A_49 = arith.constant 0 : index
    %get3A_50 = vector.load %arg8[%get3A_48, %get3A_49] : memref<8x256xf32, #tpu.memory_space<vmem>>, vector<1x256xf32>
    %mul3A_51 = arith.mulf %mul3A_40, %mul3A_40 : vector<1024x256xf32>
    %reduce_sum3A_52 = arith.constant dense<0.000000e+00> : vector<256xf32>
    %reduce_sum3A_53 = vector.multi_reduction <add>, %mul3A_51, %reduce_sum3A_52 [0] : vector<1024x256xf32> to vector<256xf32>
    %broadcast_in_dim3A_54 = vector.shape_cast %reduce_sum3A_53 : vector<256xf32> to vector<1x256xf32>
    %add3A_55 = arith.addf %get3A_50, %broadcast_in_dim3A_54 : vector<1x256xf32>
    %swap3A_56 = arith.constant 1 : index
    %swap3A_57 = arith.constant 0 : index
    %swap3A_58 = vector.load %arg8[%swap3A_56, %swap3A_57] : memref<8x256xf32, #tpu.memory_space<vmem>>, vector<1x256xf32>
    tpu.vector_store %arg8[%swap3A_56, %swap3A_57], %add3A_55 {strides = array<i32>} : memref<8x256xf32, #tpu.memory_space<vmem>>, vector<1x256xf32>,
    return
  }
  func.func @transform_0(%arg0: i32) -> (i32, i32) {
    %c0_i32 = arith.constant 0 : i32
    %c0_i32_0 = arith.constant 0 : i32
    return %arg0, %c0_i32 : i32, i32
  }
  func.func @transform_1(%arg0: i32) -> (i32, i32) {
    %c0_i32 = arith.constant 0 : i32
    %c0_i32_0 = arith.constant 0 : i32
    return %arg0, %c0_i32 : i32, i32
  }
  func.func @transform_2(%arg0: i32) -> (i32, i32) {
    %c0_i32 = arith.constant 0 : i32
    %c0_i32_0 = arith.constant 0 : i32
    return %arg0, %c0_i32 : i32, i32
  }
  func.func @transform_3(%arg0: i32) -> (i32, i32) {
    %c0_i32 = arith.constant 0 : i32
    %c0_i32_0 = arith.constant 0 : i32
    return %arg0, %c0_i32 : i32, i32
  }
  func.func @transform_4(%arg0: i32) -> (i32, i32) {
    %c0_i32 = arith.constant 0 : i32
    %c0_i32_0 = arith.constant 0 : i32
    return %arg0, %c0_i32 : i32, i32
  }
  func.func @transform_5(%arg0: i32) -> (i32, i32) {
    %c0_i32 = arith.constant 0 : i32
    %c0_i32_0 = arith.constant 0 : i32
    return %arg0, %c0_i32 : i32, i32
  }
  func.func @transform_6(%arg0: i32) -> (i32, i32) {
    %c0_i32 = arith.constant 0 : i32
    %c0_i32_0 = arith.constant 0 : i32
    %c0_i32_1 = arith.constant 0 : i32
    return %c0_i32, %c0_i32_0 : i32, i32
  }
  func.func @transform_7(%arg0: i32) -> (i32, i32) {
    %c0_i32 = arith.constant 0 : i32
    %c0_i32_0 = arith.constant 0 : i32
    %c0_i32_1 = arith.constant 0 : i32
    return %c0_i32, %c0_i32_0 : i32, i32
  }
}

module attributes {stable_mosaic.version = 14 : i64} {
  func.func @_final_body(%arg0: i32, %arg1: memref<1024x128xf32, #tpu.memory_space<vmem>>, %arg2: memref<1024x128xf32, #tpu.memory_space<vmem>>, %arg3: memref<1024x128xf32, #tpu.memory_space<vmem>>, %arg4: memref<1024x128xf32, #tpu.memory_space<vmem>>, %arg5: memref<1024x16xf32, #tpu.memory_space<vmem>>, %arg6: memref<1024x16xf32, #tpu.memory_space<vmem>>, %arg7: memref<8x256xf32, #tpu.memory_space<vmem>>, %arg8: memref<1x256xf32, #tpu.memory_space<vmem>>, %arg9: memref<1x256xf32, #tpu.memory_space<vmem>>, %arg10: memref<1x256xf32, #tpu.memory_space<vmem>>, %arg11: memref<1024x8xf32, #tpu.memory_space<vmem>>, %arg12: memref<256x128xf32, #tpu.memory_space<vmem>>, %arg13: memref<1x128xf32, #tpu.memory_space<vmem>>, %arg14: memref<128x128xf32, #tpu.memory_space<vmem>>, %arg15: memref<1x128xf32, #tpu.memory_space<vmem>>, %arg16: memref<64x128xf32, #tpu.memory_space<vmem>>, %arg17: memref<64x256xf32, #tpu.memory_space<vmem>>, %arg18: memref<64x128xf32, #tpu.memory_space<vmem>>) attributes {dimension_semantics = [#tpu.dimension_semantics<arbitrary>], iteration_bounds = array<i64: 10>, scalar_prefetch = 0 : i64, scratch_operands = 2 : i64, tpu.core_type = #tpu.core_type<tc>, window_params = [{transform_indices = @transform_0, window_bounds = array<i64: 1024, 128>}, {transform_indices = @transform_1, window_bounds = array<i64: 1024, 128>}, {transform_indices = @transform_2, window_bounds = array<i64: 1024, 128>}, {transform_indices = @transform_3, window_bounds = array<i64: 1024, 128>}, {transform_indices = @transform_4, window_bounds = array<i64: 1024, 16>}, {transform_indices = @transform_5, window_bounds = array<i64: 1024, 16>}, {pipeline_mode = #tpu.pipeline_mode<synchronous>, transform_indices = @transform_6, window_bounds = array<i64: 8, 256>}, {pipeline_mode = #tpu.pipeline_mode<synchronous>, transform_indices = @transform_7, window_bounds = array<i64: 1, 256>}, {pipeline_mode = #tpu.pipeline_mode<synchronous>, transform_indices = @transform_8, window_bounds = array<i64: 1, 256>}, {pipeline_mode = #tpu.pipeline_mode<synchronous>, transform_indices = @transform_9, window_bounds = array<i64: 1, 256>}, {transform_indices = @transform_10, window_bounds = array<i64: 1024, 8>}, {pipeline_mode = #tpu.pipeline_mode<synchronous>, transform_indices = @transform_11, window_bounds = array<i64: 256, 128>}, {pipeline_mode = #tpu.pipeline_mode<synchronous>, transform_indices = @transform_12, window_bounds = array<i64: 1, 128>}, {pipeline_mode = #tpu.pipeline_mode<synchronous>, transform_indices = @transform_13, window_bounds = array<i64: 128, 128>}, {pipeline_mode = #tpu.pipeline_mode<synchronous>, transform_indices = @transform_14, window_bounds = array<i64: 1, 128>}, {pipeline_mode = #tpu.pipeline_mode<synchronous>, transform_indices = @transform_15, window_bounds = array<i64: 64, 128>}]} {
    %eq3A = arith.constant 0 : i32
    %eq3A_0 = arith.cmpi eq, %arg0, %eq3A : i32
    %convert_element_type3A = arith.extui %eq3A_0 : i1 to i32
    %cond3A = arith.constant 0 : i32
    %cond3A_1 = arith.cmpi ne, %convert_element_type3A, %cond3A : i32
    scf.if %cond3A_1 {
      %broadcast_in_dim3A_106 = arith.constant 0.000000e+00 : f32
      %broadcast_in_dim3A_107 = vector.broadcast %broadcast_in_dim3A_106 : f32 to vector<64x256xf32>
      %swap3A_108 = arith.constant 0 : index
      %swap3A_109 = arith.constant 0 : index
      %swap3A_110 = vector.load %arg17[%swap3A_108, %swap3A_109] : memref<64x256xf32, #tpu.memory_space<vmem>>, vector<64x256xf32>
      tpu.vector_store %arg17[%swap3A_108, %swap3A_109], %broadcast_in_dim3A_107 {strides = array<i32>} : memref<64x256xf32, #tpu.memory_space<vmem>>, vector<64x256xf32>,
      %broadcast_in_dim3A_111 = arith.constant 0.000000e+00 : f32
      %broadcast_in_dim3A_112 = vector.broadcast %broadcast_in_dim3A_111 : f32 to vector<64x128xf32>
      %swap3A_113 = arith.constant 0 : index
      %swap3A_114 = arith.constant 0 : index
      %swap3A_115 = vector.load %arg18[%swap3A_113, %swap3A_114] : memref<64x128xf32, #tpu.memory_space<vmem>>, vector<64x128xf32>
      tpu.vector_store %arg18[%swap3A_113, %swap3A_114], %broadcast_in_dim3A_112 {strides = array<i32>} : memref<64x128xf32, #tpu.memory_space<vmem>>, vector<64x128xf32>,
    } else {
    }
    %get3A = arith.constant 0 : index
    %get3A_2 = arith.constant 0 : index
    %get3A_3 = vector.load %arg1[%get3A, %get3A_2] : memref<1024x128xf32, #tpu.memory_space<vmem>>, vector<1024x128xf32>
    %get3A_4 = arith.constant 0 : index
    %get3A_5 = arith.constant 0 : index
    %get3A_6 = vector.load %arg2[%get3A_4, %get3A_5] : memref<1024x128xf32, #tpu.memory_space<vmem>>, vector<1024x128xf32>
    %concatenate3A = tpu.concatenate %get3A_3, %get3A_6 in 1 : vector<1024x128xf32>, vector<1024x128xf32> -> vector<1024x256xf32>
    %get3A_7 = arith.constant 0 : index
    %get3A_8 = arith.constant 0 : index
    %get3A_9 = vector.load %arg3[%get3A_7, %get3A_8] : memref<1024x128xf32, #tpu.memory_space<vmem>>, vector<1024x128xf32>
    %get3A_10 = arith.constant 0 : index
    %get3A_11 = arith.constant 0 : index
    %get3A_12 = vector.load %arg4[%get3A_10, %get3A_11] : memref<1024x128xf32, #tpu.memory_space<vmem>>, vector<1024x128xf32>
    %concatenate3A_13 = tpu.concatenate %get3A_9, %get3A_12 in 1 : vector<1024x128xf32>, vector<1024x128xf32> -> vector<1024x256xf32>
    %get3A_14 = arith.constant 0 : index
    %get3A_15 = arith.constant 0 : index
    %get3A_16 = vector.load %arg5[%get3A_14, %get3A_15] : memref<1024x16xf32, #tpu.memory_space<vmem>>, vector<1024x16xf32>
    %slice3A = vector.extract_strided_slice %get3A_16 {offsets = [0, 0], sizes = [1024, 1], strides = [1, 1]} : vector<1024x16xf32> to vector<1024x1xf32>
    %get3A_17 = arith.constant 0 : index
    %get3A_18 = arith.constant 0 : index
    %get3A_19 = vector.load %arg6[%get3A_17, %get3A_18] : memref<1024x16xf32, #tpu.memory_space<vmem>>, vector<1024x16xf32>
    %slice3A_20 = vector.extract_strided_slice %get3A_19 {offsets = [0, 0], sizes = [1024, 1], strides = [1, 1]} : vector<1024x16xf32> to vector<1024x1xf32>
    %add3A = arith.addf %slice3A, %slice3A_20 : vector<1024x1xf32>
    %add3A_21 = arith.constant 1.000000e+00 : f32
    %add3A_22 = vector.broadcast %add3A_21 : f32 to vector<1024x1xf32>
    %add3A_23 = arith.addf %add3A, %add3A_22 : vector<1024x1xf32>
    %rsqrt3A = math.rsqrt %add3A_23 : vector<1024x1xf32>
    %add3A_24 = arith.addf %concatenate3A, %concatenate3A_13 : vector<1024x256xf32>
    %mul3A = vector.broadcast %rsqrt3A : vector<1024x1xf32> to vector<1024x256xf32>
    %mul3A_25 = arith.mulf %mul3A, %add3A_24 : vector<1024x256xf32>
    %get3A_26 = arith.constant 0 : index
    %get3A_27 = arith.constant 0 : index
    %get3A_28 = vector.load %arg8[%get3A_26, %get3A_27] : memref<1x256xf32, #tpu.memory_space<vmem>>, vector<1x256xf32>
    %add3A_29 = vector.broadcast %get3A_28 : vector<1x256xf32> to vector<1024x256xf32>
    %add3A_30 = arith.addf %mul3A_25, %add3A_29 : vector<1024x256xf32>
    %get3A_31 = arith.constant 0 : index
    %get3A_32 = arith.constant 0 : index
    %get3A_33 = vector.load %arg7[%get3A_31, %get3A_32] : memref<8x256xf32, #tpu.memory_space<vmem>>, vector<1x256xf32>
    %mul3A_34 = arith.constant 9.99999974E-5 : f32
    %mul3A_35 = vector.broadcast %mul3A_34 : f32 to vector<1x256xf32>
    %mul3A_36 = arith.mulf %get3A_33, %mul3A_35 : vector<1x256xf32>
    %get3A_37 = arith.constant 1 : index
    %get3A_38 = arith.constant 0 : index
    %get3A_39 = vector.load %arg7[%get3A_37, %get3A_38] : memref<8x256xf32, #tpu.memory_space<vmem>>, vector<1x256xf32>
    %mul3A_40 = arith.constant 9.99999974E-5 : f32
    %mul3A_41 = vector.broadcast %mul3A_40 : f32 to vector<1x256xf32>
    %mul3A_42 = arith.mulf %get3A_39, %mul3A_41 : vector<1x256xf32>
    %mul3A_43 = arith.mulf %mul3A_36, %mul3A_36 : vector<1x256xf32>
    %sub3A = arith.subf %mul3A_42, %mul3A_43 : vector<1x256xf32>
    %add3A_44 = arith.constant 9.99999974E-6 : f32
    %add3A_45 = vector.broadcast %add3A_44 : f32 to vector<1x256xf32>
    %add3A_46 = arith.addf %sub3A, %add3A_45 : vector<1x256xf32>
    %rsqrt3A_47 = math.rsqrt %add3A_46 : vector<1x256xf32>
    %sub3A_48 = vector.broadcast %mul3A_36 : vector<1x256xf32> to vector<1024x256xf32>
    %sub3A_49 = arith.subf %add3A_30, %sub3A_48 : vector<1024x256xf32>
    %mul3A_50 = vector.broadcast %rsqrt3A_47 : vector<1x256xf32> to vector<1024x256xf32>
    %mul3A_51 = arith.mulf %sub3A_49, %mul3A_50 : vector<1024x256xf32>
    %get3A_52 = arith.constant 0 : index
    %get3A_53 = arith.constant 0 : index
    %get3A_54 = vector.load %arg9[%get3A_52, %get3A_53] : memref<1x256xf32, #tpu.memory_space<vmem>>, vector<1x256xf32>
    %mul3A_55 = vector.broadcast %get3A_54 : vector<1x256xf32> to vector<1024x256xf32>
    %mul3A_56 = arith.mulf %mul3A_51, %mul3A_55 : vector<1024x256xf32>
    %get3A_57 = arith.constant 0 : index
    %get3A_58 = arith.constant 0 : index
    %get3A_59 = vector.load %arg10[%get3A_57, %get3A_58] : memref<1x256xf32, #tpu.memory_space<vmem>>, vector<1x256xf32>
    %add3A_60 = vector.broadcast %get3A_59 : vector<1x256xf32> to vector<1024x256xf32>
    %add3A_61 = arith.addf %mul3A_56, %add3A_60 : vector<1024x256xf32>
    %max3A = arith.constant 0.000000e+00 : f32
    %max3A_62 = vector.broadcast %max3A : f32 to vector<1024x256xf32>
    %max3A_63 = arith.maximumf %add3A_61, %max3A_62 : vector<1024x256xf32>
    %iota3A = tpu.iota {dimensions = array<i32: 1>} : vector<1024x64xi32>
    %convert_element_type3A_64 = arith.sitofp %iota3A : vector<1024x64xi32> to vector<1024x64xf32>
    %get3A_65 = arith.constant 0 : index
    %get3A_66 = arith.constant 0 : index
    %get3A_67 = vector.load %arg11[%get3A_65, %get3A_66] : memref<1024x8xf32, #tpu.memory_space<vmem>>, vector<1024x8xf32>
    %slice3A_68 = vector.extract_strided_slice %get3A_67 {offsets = [0, 0], sizes = [1024, 1], strides = [1, 1]} : vector<1024x8xf32> to vector<1024x1xf32>
    %eq3A_69 = vector.broadcast %slice3A_68 : vector<1024x1xf32> to vector<1024x64xf32>
    %eq3A_70 = arith.cmpf oeq, %eq3A_69, %convert_element_type3A_64 : vector<1024x64xf32>
    %convert_element_type3A_71 = arith.extui %eq3A_70 : vector<1024x64xi1> to vector<1024x64xi32>
    %convert_element_type3A_72 = arith.sitofp %convert_element_type3A_71 : vector<1024x64xi32> to vector<1024x64xf32>
    %mul3A_73 = arith.constant 1024 : i32
    %mul3A_74 = arith.muli %arg0, %mul3A_73 : i32
    %iota3A_75 = tpu.iota {dimensions = array<i32: 0>} : vector<1024x1xi32>
    %add3A_76 = vector.broadcast %mul3A_74 : i32 to vector<1024x1xi32>
    %add3A_77 = arith.addi %add3A_76, %iota3A_75 : vector<1024x1xi32>
    %lt3A = arith.constant 10000 : i32
    %lt3A_78 = vector.broadcast %lt3A : i32 to vector<1024x1xi32>
    %lt3A_79 = arith.cmpi slt, %add3A_77, %lt3A_78 : vector<1024x1xi32>
    %convert_element_type3A_80 = arith.extui %lt3A_79 : vector<1024x1xi1> to vector<1024x1xi32>
    %convert_element_type3A_81 = arith.sitofp %convert_element_type3A_80 : vector<1024x1xi32> to vector<1024x1xf32>
    %mul3A_82 = vector.broadcast %convert_element_type3A_81 : vector<1024x1xf32> to vector<1024x64xf32>
    %mul3A_83 = arith.mulf %convert_element_type3A_72, %mul3A_82 : vector<1024x64xf32>
    %get3A_84 = arith.constant 0 : index
    %get3A_85 = arith.constant 0 : index
    %get3A_86 = vector.load %arg17[%get3A_84, %get3A_85] : memref<64x256xf32, #tpu.memory_space<vmem>>, vector<64x256xf32>
    %dot_general3A = arith.constant dense<0.000000e+00> : vector<64x256xf32>
    %dot_general3A_87 = tpu.matmul %mul3A_83, %max3A_63, %dot_general3A {dimension_numbers = #tpu.dot_dimension_numbers<[0], [0], [1], [1], [0, 1, 1, 1], [], []>, transpose_lhs_hint = false} : vector<1024x64xf32>, vector<1024x256xf32>, vector<64x256xf32> -> vector<64x256xf32>
    %add3A_88 = arith.addf %get3A_86, %dot_general3A_87 : vector<64x256xf32>
    %swap3A = arith.constant 0 : index
    %swap3A_89 = arith.constant 0 : index
    %swap3A_90 = vector.load %arg17[%swap3A, %swap3A_89] : memref<64x256xf32, #tpu.memory_space<vmem>>, vector<64x256xf32>
    tpu.vector_store %arg17[%swap3A, %swap3A_89], %add3A_88 {strides = array<i32>} : memref<64x256xf32, #tpu.memory_space<vmem>>, vector<64x256xf32>,
    %get3A_91 = arith.constant 0 : index
    %get3A_92 = arith.constant 0 : index
    %get3A_93 = vector.load %arg18[%get3A_91, %get3A_92] : memref<64x128xf32, #tpu.memory_space<vmem>>, vector<64x128xf32>
    %reduce_sum3A = arith.constant dense<0.000000e+00> : vector<64xf32>
    %reduce_sum3A_94 = vector.multi_reduction <add>, %mul3A_83, %reduce_sum3A [0] : vector<1024x64xf32> to vector<64xf32>
    %broadcast_in_dim3A = vector.shape_cast %reduce_sum3A_94 : vector<64xf32> to vector<64x1xf32>
    %broadcast_in_dim3A_95 = vector.shape_cast %broadcast_in_dim3A : vector<64x1xf32> to vector<64x1xf32>
    %broadcast_in_dim3A_96 = vector.broadcast %broadcast_in_dim3A_95 : vector<64x1xf32> to vector<64x128xf32>
    %add3A_97 = arith.addf %get3A_93, %broadcast_in_dim3A_96 : vector<64x128xf32>
    %swap3A_98 = arith.constant 0 : index
    %swap3A_99 = arith.constant 0 : index
    %swap3A_100 = vector.load %arg18[%swap3A_98, %swap3A_99] : memref<64x128xf32, #tpu.memory_space<vmem>>, vector<64x128xf32>
    tpu.vector_store %arg18[%swap3A_98, %swap3A_99], %add3A_97 {strides = array<i32>} : memref<64x128xf32, #tpu.memory_space<vmem>>, vector<64x128xf32>,
    %eq3A_101 = arith.constant 9 : i32
    %eq3A_102 = arith.cmpi eq, %arg0, %eq3A_101 : i32
    %convert_element_type3A_103 = arith.extui %eq3A_102 : i1 to i32
    %cond3A_104 = arith.constant 0 : i32
    %cond3A_105 = arith.cmpi ne, %convert_element_type3A_103, %cond3A_104 : i32
    scf.if %cond3A_105 {
      %get3A_106 = arith.constant 0 : index
      %get3A_107 = arith.constant 0 : index
      %get3A_108 = vector.load %arg17[%get3A_106, %get3A_107] : memref<64x256xf32, #tpu.memory_space<vmem>>, vector<64x256xf32>
      %get3A_109 = arith.constant 0 : index
      %get3A_110 = arith.constant 0 : index
      %get3A_111 = vector.load %arg18[%get3A_109, %get3A_110] : memref<64x128xf32, #tpu.memory_space<vmem>>, vector<64x128xf32>
      %slice3A_112 = vector.extract_strided_slice %get3A_111 {offsets = [0, 0], sizes = [64, 1], strides = [1, 1]} : vector<64x128xf32> to vector<64x1xf32>
      %max3A_113 = arith.constant 1.000000e+00 : f32
      %max3A_114 = vector.broadcast %max3A_113 : f32 to vector<64x1xf32>
      %max3A_115 = arith.maximumf %slice3A_112, %max3A_114 : vector<64x1xf32>
      %div3A = vector.broadcast %max3A_115 : vector<64x1xf32> to vector<64x256xf32>
      %div3A_116 = arith.divf %get3A_108, %div3A : vector<64x256xf32>
      %get3A_117 = arith.constant 0 : index
      %get3A_118 = arith.constant 0 : index
      %get3A_119 = vector.load %arg12[%get3A_117, %get3A_118] : memref<256x128xf32, #tpu.memory_space<vmem>>, vector<256x128xf32>
      %dot_general3A_120 = arith.constant dense<0.000000e+00> : vector<64x128xf32>
      %dot_general3A_121 = tpu.matmul %div3A_116, %get3A_119, %dot_general3A_120 {dimension_numbers = #tpu.dot_dimension_numbers<[1], [0], [0], [1], [0, 0, 1, 1], [], []>, transpose_lhs_hint = false} : vector<64x256xf32>, vector<256x128xf32>, vector<64x128xf32> -> vector<64x128xf32>
      %get3A_122 = arith.constant 0 : index
      %get3A_123 = arith.constant 0 : index
      %get3A_124 = vector.load %arg13[%get3A_122, %get3A_123] : memref<1x128xf32, #tpu.memory_space<vmem>>, vector<1x128xf32>
      %add3A_125 = vector.broadcast %get3A_124 : vector<1x128xf32> to vector<64x128xf32>
      %add3A_126 = arith.addf %dot_general3A_121, %add3A_125 : vector<64x128xf32>
      %max3A_127 = arith.constant 0.000000e+00 : f32
      %max3A_128 = vector.broadcast %max3A_127 : f32 to vector<64x128xf32>
      %max3A_129 = arith.maximumf %add3A_126, %max3A_128 : vector<64x128xf32>
      %get3A_130 = arith.constant 0 : index
      %get3A_131 = arith.constant 0 : index
      %get3A_132 = vector.load %arg14[%get3A_130, %get3A_131] : memref<128x128xf32, #tpu.memory_space<vmem>>, vector<128x128xf32>
      %dot_general3A_133 = arith.constant dense<0.000000e+00> : vector<64x128xf32>
      %dot_general3A_134 = tpu.matmul %max3A_129, %get3A_132, %dot_general3A_133 {dimension_numbers = #tpu.dot_dimension_numbers<[1], [0], [0], [1], [0, 0, 1, 1], [], []>, transpose_lhs_hint = false} : vector<64x128xf32>, vector<128x128xf32>, vector<64x128xf32> -> vector<64x128xf32>
      %get3A_135 = arith.constant 0 : index
      %get3A_136 = arith.constant 0 : index
      %get3A_137 = vector.load %arg15[%get3A_135, %get3A_136] : memref<1x128xf32, #tpu.memory_space<vmem>>, vector<1x128xf32>
      %add3A_138 = vector.broadcast %get3A_137 : vector<1x128xf32> to vector<64x128xf32>
      %add3A_139 = arith.addf %dot_general3A_134, %add3A_138 : vector<64x128xf32>
      %swap3A_140 = arith.constant 0 : index
      %swap3A_141 = arith.constant 0 : index
      %swap3A_142 = vector.load %arg16[%swap3A_140, %swap3A_141] : memref<64x128xf32, #tpu.memory_space<vmem>>, vector<64x128xf32>
      tpu.vector_store %arg16[%swap3A_140, %swap3A_141], %add3A_139 {strides = array<i32>} : memref<64x128xf32, #tpu.memory_space<vmem>>, vector<64x128xf32>,
    } else {
    }
    return
  }
  func.func @transform_0(%arg0: i32) -> (i32, i32) {
    %c0_i32 = arith.constant 0 : i32
    %c0_i32_0 = arith.constant 0 : i32
    return %arg0, %c0_i32 : i32, i32
  }
  func.func @transform_1(%arg0: i32) -> (i32, i32) {
    %c0_i32 = arith.constant 0 : i32
    %c0_i32_0 = arith.constant 0 : i32
    return %arg0, %c0_i32 : i32, i32
  }
  func.func @transform_2(%arg0: i32) -> (i32, i32) {
    %c0_i32 = arith.constant 0 : i32
    %c0_i32_0 = arith.constant 0 : i32
    return %arg0, %c0_i32 : i32, i32
  }
  func.func @transform_3(%arg0: i32) -> (i32, i32) {
    %c0_i32 = arith.constant 0 : i32
    %c0_i32_0 = arith.constant 0 : i32
    return %arg0, %c0_i32 : i32, i32
  }
  func.func @transform_4(%arg0: i32) -> (i32, i32) {
    %c0_i32 = arith.constant 0 : i32
    %c0_i32_0 = arith.constant 0 : i32
    return %arg0, %c0_i32 : i32, i32
  }
  func.func @transform_5(%arg0: i32) -> (i32, i32) {
    %c0_i32 = arith.constant 0 : i32
    %c0_i32_0 = arith.constant 0 : i32
    return %arg0, %c0_i32 : i32, i32
  }
  func.func @transform_6(%arg0: i32) -> (i32, i32) {
    %c0_i32 = arith.constant 0 : i32
    %c0_i32_0 = arith.constant 0 : i32
    %c0_i32_1 = arith.constant 0 : i32
    return %c0_i32, %c0_i32_0 : i32, i32
  }
  func.func @transform_7(%arg0: i32) -> (i32, i32) {
    %c0_i32 = arith.constant 0 : i32
    %c0_i32_0 = arith.constant 0 : i32
    %c0_i32_1 = arith.constant 0 : i32
    return %c0_i32, %c0_i32_0 : i32, i32
  }
  func.func @transform_8(%arg0: i32) -> (i32, i32) {
    %c0_i32 = arith.constant 0 : i32
    %c0_i32_0 = arith.constant 0 : i32
    %c0_i32_1 = arith.constant 0 : i32
    return %c0_i32, %c0_i32_0 : i32, i32
  }
  func.func @transform_9(%arg0: i32) -> (i32, i32) {
    %c0_i32 = arith.constant 0 : i32
    %c0_i32_0 = arith.constant 0 : i32
    %c0_i32_1 = arith.constant 0 : i32
    return %c0_i32, %c0_i32_0 : i32, i32
  }
  func.func @transform_10(%arg0: i32) -> (i32, i32) {
    %c0_i32 = arith.constant 0 : i32
    %c0_i32_0 = arith.constant 0 : i32
    return %arg0, %c0_i32 : i32, i32
  }
  func.func @transform_11(%arg0: i32) -> (i32, i32) {
    %c0_i32 = arith.constant 0 : i32
    %c0_i32_0 = arith.constant 0 : i32
    %c0_i32_1 = arith.constant 0 : i32
    return %c0_i32, %c0_i32_0 : i32, i32
  }
  func.func @transform_12(%arg0: i32) -> (i32, i32) {
    %c0_i32 = arith.constant 0 : i32
    %c0_i32_0 = arith.constant 0 : i32
    %c0_i32_1 = arith.constant 0 : i32
    return %c0_i32, %c0_i32_0 : i32, i32
  }
  func.func @transform_13(%arg0: i32) -> (i32, i32) {
    %c0_i32 = arith.constant 0 : i32
    %c0_i32_0 = arith.constant 0 : i32
    %c0_i32_1 = arith.constant 0 : i32
    return %c0_i32, %c0_i32_0 : i32, i32
  }
  func.func @transform_14(%arg0: i32) -> (i32, i32) {
    %c0_i32 = arith.constant 0 : i32
    %c0_i32_0 = arith.constant 0 : i32
    %c0_i32_1 = arith.constant 0 : i32
    return %c0_i32, %c0_i32_0 : i32, i32
  }
  func.func @transform_15(%arg0: i32) -> (i32, i32) {
    %c0_i32 = arith.constant 0 : i32
    %c0_i32_0 = arith.constant 0 : i32
    %c0_i32_1 = arith.constant 0 : i32
    return %c0_i32, %c0_i32_0 : i32, i32
  }
}

</mosaic_0001>

<sc_bundles>
// kernel: kernel.10.cloned.1.call-start
scs
__scs_entry_jumppad:
0x0: {  	(pc) =	sbr.rel $0x88, $3  }
0x1: {  	(tag) =	ssettag $0x0;
	lr =	simm.s32 $0x1  }
0x2: {  	[smem:$0x3F92] =	sst lr;
	_ =	strace $0xD0000000  }
0x3: {  	_ = 	snop  }
0x4: {  	_ = 	snop  }
0x5: {  	_ = 	snop  }
0x6: {  	_ = 	snop  }
0x7: {  	_ = 	snop  }
__scs_overlays_trampoline_lowered:
0x8: {  	[smem:$0x3FA1] =	sst s0  }
0x9: {  	[smem:$0x3FA2] =	sst s1  }
0xa: {  	[smem:$0x3FA3] =	sst s2  }
0xb: {  	[smem:$0x3FA4] =	sst s3  }
0xc: {  	[smem:$0x3FA5] =	sst s4  }
0xd: {  	[smem:$0x3FA6] =	sst s5  }
0xe: {  	[smem:$0x3FA7] =	sst s6  }
0xf: {  	[smem:$0x3FA8] =	sst s7  }
0x10: {  	[smem:$0x3FA9] =	sst s8  }
0x11: {  	[smem:$0x3FAA] =	sst s9;
	s0 =	simm.s32 @!p0 $0x0  }
0x12: {  	s1 =	sld [smem:$0x3F90];
	s0 =	simm.s32 @p0 $0x1  }
0x13: {  	[smem:$0x3FAB] =	sst s0;
	s0 =	simm.s32 @!p1 $0x0  }
0x14: {  	s2 =	sld [smem:$0x3F8F];
	s0 =	simm.s32 @p1 $0x1  }
0x15: {  	[smem:$0x3FAC] =	sst s0;
	s0 =	simm.s32 @!p2 $0x0  }
0x16: {  	s3 =	sld [smem:$0x3FDB];
	s0 =	simm.s32 @p2 $0x1  }
0x17: {  	s4 =	simm.s32 $0x1BF5;
	[smem:$0x3FAE] =	sst s0  }
0x18: {  	s0 =	sld [smem:$0x3F91];
	_ =	swait.ge [sflag:s4], $0x0  }
0x19: {  	s7 =	sld [smem:$0x3F92]  }
0x1a: {  	s8 =	sadd.s32 $0xFFFFE003, lr  }
0x1b: {  	s9 =	sadd.s32 $0xFFFFFEF7, lr;
	s5 =	simm.s32 $0xFFFFFFFF;
	p2 =	slt.u32 s8, $0xFFFFF086  }
0x1c: {  	p1 =	slt.u32 s9, $0xF7A;
	s5 =	simm.s32 @!p2 $0x0  }
0x1d: {  	s5 =	simm.s32 @p1 $0x1;
	p0 =	seq.s32 s7, s2  }
0x1e: {  	s7 =	smul.u32 @!p0 $0xF7A, s2;
	p2 =	seq.s32 @!p0 s5, $0x0  }
0x1f: {  	s9 =	smul.u32 $0xF7A, s1;
	s8 =	simm.s32 @!p0 $0x1BF5;
	p2 =	por !p2, p0  }
0x20: {  	[sflag:s8] =	ssyncset.s32 @!p0 $0xFFFFF086;
	s6 =	sadd.s32 @!p0 s3, s7;
	s7 =	simm.s32 @!p0 $0x108  }
0x21: {  	s3 =	sadd.s32 s3, s9;
	s6 =	sadd.s32 @!p0 $0x88, s6;
	s7 =	simm.s32 @p2 $0x1082  }
0x22: {  	[simem:s7], [sflag:s8] =	dma.local @!p0 [hbm:s6], $0xF7A  }
0x23: {  	s9 =	sor.u32 $0xD0000000, s2;
	s6 =	simm.s32 $0x108;
	_ =	swait.ge @!p0 [sflag:s8], $0x0  }
0x24: {  	s3 =	sadd.s32 $0x88, s3;
	s6 =	simm.s32 @!p1 $0x1082;
	[sflag:s4] =	ssyncset.s32 $0xFFFFF086  }
0x25: {  	[simem:s6], [sflag:s4] =	dma.local [hbm:s3], $0xF7A  }
0x26: {  	[smem:$0x3F92] =	sst s1;
	(tag) =	ssettag s2;
	_ =	strace s9  }
0x27: {  	s1 =	sld [smem:$0x3FA2]  }
0x28: {  	s2 =	sld [smem:$0x3FA3]  }
0x29: {  	s4 =	sld [smem:$0x3FA5]  }
0x2a: {  	p0 =	seq.s32 s5, $0x0;
	s5 =	sld [smem:$0x3FA6]  }
0x2b: {  	s6 =	sld [smem:$0x3FA7]  }
0x2c: {  	s7 =	sld [smem:$0x3FA8]  }
0x2d: {  	s3 =	simm.s32 $0x108;
	s8 =	sld [smem:$0x3FA9]  }
0x2e: {  	s3 =	simm.s32 @!p0 $0x1082;
	s9 =	sld [smem:$0x3FAA]  }
0x2f: {  	lr =	sadd.s32 s0, s3;
	s0 =	sld [smem:$0x3FA1]  }
0x30: {  	s3 =	sld [smem:$0x3FA4]  }
0x31: {  	[smem:$0x3FAD] =	sst s10  }
0x32: {  	s10 =	sld [smem:$0x3FAB];
	_ =	sdelay $0x3  }
0x33: {  	p0 =	seq.s32 s10, $0x1;
	s10 =	sld [smem:$0x3FAD];
	_ =	sdelay $0x3  }
0x34: {  	[smem:$0x3FAD] =	sst s10  }
0x35: {  	s10 =	sld [smem:$0x3FAC];
	_ =	sdelay $0x3  }
0x36: {  	p1 =	seq.s32 s10, $0x1;
	s10 =	sld [smem:$0x3FAD];
	_ =	sdelay $0x3  }
0x37: {  	[smem:$0x3FAD] =	sst s10  }
0x38: {  	s10 =	sld [smem:$0x3FAE]  }
0x39: {  	_ = 	snop;
	(pc) =	sbr.ind lr, $3  }
0x3a: {  	_ = 	snop  }
0x3b: {  	_ = 	snop  }
0x3c: {  	p2 =	seq.s32 s10, $0x1;
	s10 =	sld [smem:$0x3FAD]  }
0x3d: {  	_ =	shalt  }
0x3e: {  	_ =	shalt  }
0x3f: {  	_ =	shalt  }
0x40: {  	_ =	shalt  }
0x41: {  	_ =	shalt  }
0x42: {  	_ =	shalt  }
0x43: {  	_ =	shalt  }
0x44: {  	_ =	shalt  }
0x45: {  	_ =	shalt  }
0x46: {  	_ =	shalt  }
0x47: {  	_ =	shalt  }
0x48: {  	_ =	shalt  }
0x49: {  	_ =	shalt  }
0x4a: {  	_ =	shalt  }
0x4b: {  	_ =	shalt  }
0x4c: {  	_ =	shalt  }
0x4d: {  	_ =	shalt  }
0x4e: {  	_ =	shalt  }
0x4f: {  	_ =	shalt  }
0x50: {  	_ =	shalt  }
0x51: {  	_ =	shalt  }
0x52: {  	_ =	shalt  }
0x53: {  	_ =	shalt  }
0x54: {  	_ =	shalt  }
0x55: {  	_ =	shalt  }
0x56: {  	_ =	shalt  }
0x57: {  	_ =	shalt  }
0x58: {  	_ =	shalt  }
0x59: {  	_ =	shalt  }
0x5a: {  	_ =	shalt  }
0x5b: {  	_ =	shalt  }
0x5c: {  	_ =	shalt  }
0x5d: {  	_ =	shalt  }
0x5e: {  	_ =	shalt  }
0x5f: {  	_ =	shalt  }
0x60: {  	_ =	shalt  }
0x61: {  	_ =	shalt  }
0x62: {  	_ =	shalt  }
0x63: {  	_ =	shalt  }
0x64: {  	_ =	shalt  }
0x65: {  	_ =	shalt  }
0x66: {  	_ =	shalt  }
0x67: {  	_ =	shalt  }
0x68: {  	_ =	shalt  }
0x69: {  	_ =	shalt  }
0x6a: {  	_ =	shalt  }
0x6b: {  	_ =	shalt  }
0x6c: {  	_ =	shalt  }
0x6d: {  	_ =	shalt  }
0x6e: {  	_ =	shalt  }
0x6f: {  	_ =	shalt  }
0x70: {  	_ =	shalt  }
0x71: {  	_ =	shalt  }
0x72: {  	_ =	shalt  }
0x73: {  	_ =	shalt  }
0x74: {  	_ =	shalt  }
0x75: {  	_ =	shalt  }
0x76: {  	_ =	shalt  }
0x77: {  	_ =	shalt  }
0x78: {  	_ =	shalt  }
0x79: {  	_ =	shalt  }
0x7a: {  	_ =	shalt  }
0x7b: {  	_ =	shalt  }
0x7c: {  	_ =	shalt  }
0x7d: {  	_ =	shalt  }
0x7e: {  	_ =	shalt  }
0x7f: {  	_ =	shalt  }
0x80: {  	_ =	shalt  }
0x81: {  	_ =	shalt  }
0x82: {  	_ =	shalt  }
0x83: {  	_ =	shalt  }
0x84: {  	_ =	shalt  }
0x85: {  	_ =	shalt  }
0x86: {  	_ =	shalt  }
0x87: {  	_ =	shalt  }
.Lfunc_end0:
.L_simem_size_0:
called_computation_lowered:
.L_overlay_start_0:
0x88: {  	s2 =	sld [smem:$0x3FD9]  }
0x89: {  	s3 =	sld [smem:$0x3FFE];
	_ =	sdelay $0x1  }
0x8a: {  	s1 =	srdreg.scid  }
0x8b: {  	s0 =	sand.u32 $0x1, s1  }
0x8c: {  	s16 =	sshll.u32 s0, $0xA;
	s2 =	sadd.s32 s3, s2  }
0x8d: {  	s2 =	sadd.s32 s2, s16  }
0x8e: {  	[smem:$0x3FB9] =	sst s2  }
0x8f: {  	_ = 	snop  }
0x90: {  	(tm) =	ssettm $0x1  }
0x91: {  	s17 =	sld [smem:$0x3FFB];
	_ =	sdelay $0x3  }
0x92: {  	_ =	strace s17  }
0x93: {  	s2 =	sld [smem:$0x3FFC];
	_ =	sdelay $0x3  }
0x94: {  	_ =	strace s2  }
0x95: {  	s2 =	sld [smem:$0x3FFD];
	_ =	sdelay $0x3  }
0x96: {  	_ =	strace s2  }
0x97: {  	_ =	strace $0x8FFFFFFF  }
0x98: {  	s18 =	sld [smem:$0x3FDB];
	_ =	sdelay $0x1  }
0x99: {  	s19 =	simm.s32 $_scs_section_size  }
0x9a: {  	s4 =	simm.s32 $_size__tile_overlayer_lowered;
	s5 =	simm.s32 $_tile_overlayer_lowered  }
0x9b: {  	s22 =	simm.s32 $0x1BFF;
	s21 =	sshll.u32 s5, $0x1;
	s2 =	sadd.s32 s19, s18  }
0x9c: {  	s6 =	simm.s32 $0x0;
	s20 =	sshll.u32 s4, $0x1;
	s4 =	sadd.s32 s21, s2  }
0x9d: {  	[timem:s6], [sflag:s22] =	dma.local [hbm:s4], s20  }
0x9e: {  	_ =	swait.ge [sflag:s22], s20  }
0x9f: {  	s3 =	ssub.s32 $0x0, s20;
	[sflag:s22] =	ssyncset.done $0x0  }
0xa0: {  	[sflag:s22] =	ssyncadd.s32 s3;
	_ =	sdelay $0x1  }
0xa1: {  	s23 =	simm.s32 $0x1B8B  }
0xa2: {  	_ =	swait.ge [sflag:s23], $0x1  }
0xa3: {  	[sflag:s23] =	ssyncset.done $0x0  }
0xa4: {  	s25 =	simm.s32 $0x1B8E;
	s24 =	sld [smem:$0x3FFE];
	[sflag:s23] =	ssyncadd.s32 $0xFFFFFFFF  }
0xa5: {  	s26 =	simm.s32 $execute0_lowered;
	[smem:$0x3FD2] =	sst s25  }
0xa6: {  	s4 =	sshll.u32 s26, $0x1;
	_ =	strace $0x80000046;
	[dreg:$0x1] =	wrdreg $0xFFFFFFFF  }
0xa7: {  	s28 =	simm.s32 $_size_execute0_lowered;
	s2 =	sadd.s32 s2, s4;
	[dreg:$0x0] =	wrdreg $0x0  }
0xa8: {  	s4 =	sshll.u32 s28, $0x1;
	[dreg:$0x2] =	wrdreg s2  }
0xa9: {  	[dreg:$0x3] =	wrdreg s4  }
0xaa: {  	[dreg:$0x4] =	wrdreg $0xC0  }
0xab: {  	_ =	task [dreg:s6], $0x5FFFF  }
0xac: {  	[dreg:$0x1] =	wrdreg $0xFFFFFFFF  }
0xad: {  	[dreg:$0x0] =	wrdreg $0x60  }
0xae: {  	[dreg:$0x2] =	wrdreg s24  }
0xaf: {  	[dreg:$0x3] =	wrdreg $0x0  }
0xb0: {  	[dreg:$0x4] =	wrdreg $0x9  }
0xb1: {  	_ =	task.clear_ibuf [dreg:s6], $0x5FFFF;
	_ =	strace $0x90000046  }
0xb2: {  	s29 =	simm.s32 $0x9;
	_ =	strace $0x80000048  }
0xb3: {  	_ =	swait.ge [sflag:s29], $0x1  }
0xb4: {  	[sflag:s29] =	ssyncadd.s32 $0xFFFFFFFF  }
0xb5: {  	_ =	strace $0x90000048  }
0xb6: {  	_ =	sfence  }
0xb7: {  	s30 =	sld [smem:$0x0];
	_ =	sdelay $0x2  }
0xb8: {  	s31 =	sshll.u32 s1, $0xD;
	s1 =	sshrl.u32 s1, $0x2  }
0xb9: {  	s3 =	sand.u32 $0x4000, s31;
	s1 =	sadd.s32 s1, s30  }
0xba: {  	s0 =	sor.u32 s3, s0;
	s1 =	sshll.u32 s1, $0x11  }
0xbb: {  	s0 =	sor.u32 s1, s0  }
0xbc: {  	s0 =	sadd.s32 $0x8F2B, s0  }
0xbd: {  	[sflag:s0] =	ssyncadd.remote.s32 $0x1  }
0xbe: {  	_ =	sfence.sel $0xFFFF  }
0xbf: {  	[dreg:$0x0] =	wrdreg $0xFFFFFFFF;
	(pc) =	sbr.abs _section_cstart, $3  }
0xc0: {  	[dreg:$0x1] =	wrdreg $0xFFFFFFFF  }
0xc1: {  	_ =	task.clear_ibuf [dreg:s6], $0x2FFFF;
	_ =	strace $0x9FFFFFFF  }
0xc2: {  	(tm) =	ssettm $0x7FFFFFFF  }
0xc3: {  	_ =	shalt  }
tec
execute0_lowered:
.L_overlay_start_1:
0x0: {  	(tag) =	ssettag $0x1  }
0x1: {  	s5 =	rddreg [dreg:$0x0]  }
0x2: {  	s0 =	srdreg.scid;
	s2 =	rddreg [dreg:$0x1];
	s4 =	simm.s32 $0x0  }
0x3: {  	s20 =	simm.s32 $0x2800;
	s21 =	simm.s32 $0x80;
	s22 =	simm.s32 $0x0  }
0x4: {  	s8 =	sand.u32 $0x1, s0;
	s0 =	stileid.u32;
	[smem:$0x7FF] =	sst s4  }
0x5: {  	s11 =	sadd.s32 $0xFA00, s5;
	s16 =	sadd.s32 $0x37A00, s5;
	s6 =	smul.u32 $0x4E80, s0  }
0x6: {  	s1 =	ssub.s32 $0x0, s8;
	s9 =	smul.u32 $0x280, s0;
	s24 =	ssub.s32 $0x2, s8  }
0x7: {  	s25 =	smul.u32 $0x50000, s0;
	p0 =	seq.s32 s8, $0x0;
	s8 =	simm.s32 $0x4F  }
0x8: {  	s31 =	smul.u32 $0x2800, s0;
	s3 =	sand.u32 $0x4F, s1;
	s1 =	rddreg [dreg:$0x2]  }
0x9: {  	_ =	strace $0x80000047;
	s26 =	sshrl.u32 s24, $0x1;
	s8 =	simm.s32 @!p0 $0x9D  }
0xa: {  	s16 =	smov.u32 @p0 s11;
	s7 =	sshll.u32 s3, $0x7;
	s12 =	ssub.s32 s24, s26  }
0xb: {  	s28 =	sshrl.u32 s25, $0x2;
	s13 =	sadd.s32 $0x80, s9;
	s14 =	sadd.s32 $0x100, s9  }
0xc: {  	s15 =	sadd.s32 $0x180, s9;
	s18 =	sadd.s32 $0x200, s9;
	s6 =	sadd.s32 s7, s6  }
0xd: {  	s29 =	sshll.u32 s13, $0x7;
	s30 =	sshll.u32 s14, $0x7;
	s10 =	sshll.u32 s15, $0x7  }
0xe: {  	s19 =	sshll.u32 s18, $0x7;
	s13 =	sshll.u32 s13, $0x4;
	s14 =	sshll.u32 s14, $0x4  }
0xf: {  	s15 =	sshll.u32 s15, $0x4;
	s18 =	sshll.u32 s18, $0x4;
	s11 =	smax.u32 s12, $0x1  }
0x10: {  	s12 =	sadd.s32 s16, s31;
	s6 =	sshrl.u32 s6, $0x3;
	s7 =	sadd.s32 s30, s2  }
0x11: {  	s9 =	sadd.s32 s10, s2;
	s10 =	sadd.s32 s19, s2;
	s13 =	sadd.s32 s16, s13  }
0x12: {  	s14 =	sadd.s32 s16, s14;
	s15 =	sadd.s32 s16, s15;
	s16 =	sadd.s32 s16, s18  }
0x13: {  	s18 =	simm.s32 $0x2880;
	s19 =	simm.s32 $0x1;
	s17 =	sadd.s32 s6, s5  }
0x14: {  	v0 =	vimm.f32 $0.0e+00;
	v1 =	vimm.f32 $1.000000000e+00;
	s5 =	sadd.s32 s28, s2;
	s6 =	sadd.s32 s29, s2;
	s17 =	sadd.s32 $0x5C00, s17  }
.LBB2_1:
0x15: {  	s23 =	simm.s32 $0x200;
	s24 =	simm.s32 $0x0  }
.LBB2_2:
0x16: {  	p0 =	sne.s32 s23, $0xFE00;
	[tilespmem:s24+$0x2880] =	vst v0;
	s24 =	smov.u32 s23;
	s23 =	sadd.s32 $0x200, s23  }
.Ltmp0:
0x17: {  	(pc) =	sbr.rel @p0 .LBB2_2-.Ltmp0, $2  }
0x18: {  	_ =	sdelay $0x2  }
0x19: {  	s24 =	sshra.s32 s24, $0x2  }
0x1a: {  	[tilespmem:s24+$0x2880] =	vst v0  }
0x1b: {  	[spmem:s5] =	stream.linear.scatter [tilespmem:s18], [sflag:$0x1], $0x4000, $0x38;
	[tilespmem:$0x6880] =	vst v63  }
0x1c: {  	_ =	swait.ge [sflag:s19], $0x4000  }
0x1d: {  	[sflag:s19] =	ssyncset.done $0x0  }
0x1e: {  	[sflag:s19] =	ssyncadd.s32 $0xFFFFC000  }
0x1f: {  	[spmem:s6] =	stream.linear.scatter [tilespmem:s18], [sflag:$0x1], $0x4000, $0x38;
	[tilespmem:$0x6880] =	vst v63  }
0x20: {  	_ =	swait.ge [sflag:s19], $0x4000  }
0x21: {  	[sflag:s19] =	ssyncset.done $0x0  }
0x22: {  	[sflag:s19] =	ssyncadd.s32 $0xFFFFC000  }
0x23: {  	[spmem:s7] =	stream.linear.scatter [tilespmem:s18], [sflag:$0x1], $0x4000, $0x38;
	[tilespmem:$0x6880] =	vst v63  }
0x24: {  	_ =	swait.ge [sflag:s19], $0x4000  }
0x25: {  	[sflag:s19] =	ssyncset.done $0x0  }
0x26: {  	[sflag:s19] =	ssyncadd.s32 $0xFFFFC000  }
0x27: {  	[spmem:s9] =	stream.linear.scatter [tilespmem:s18], [sflag:$0x1], $0x4000, $0x38;
	[tilespmem:$0x6880] =	vst v63  }
0x28: {  	_ =	swait.ge [sflag:s19], $0x4000  }
0x29: {  	[sflag:s19] =	ssyncset.done $0x0  }
0x2a: {  	[sflag:s19] =	ssyncadd.s32 $0xFFFFC000  }
0x2b: {  	[spmem:s10] =	stream.linear.scatter [tilespmem:s18], [sflag:$0x1], $0x4000, $0x38;
	[tilespmem:$0x6880] =	vst v63  }
0x2c: {  	_ =	swait.ge [sflag:s19], $0x4000  }
0x2d: {  	[sflag:s19] =	ssyncset.done $0x0  }
0x2e: {  	[sflag:s19] =	ssyncadd.s32 $0xFFFFC000  }
0x2f: {  	s23 =	simm.s32 $0x200;
	s24 =	simm.s32 $0x0;
	[bflag:$0x0] =	sbarrier.arrive $0xFFFF  }
.LBB2_4:
0x30: {  	p0 =	sne.s32 s23, $0xFE00;
	[tilespmem:s24+$0x2880] =	vst v1;
	s24 =	smov.u32 s23;
	s23 =	sadd.s32 $0x200, s23  }
.Ltmp1:
0x31: {  	(pc) =	sbr.rel @p0 .LBB2_4-.Ltmp1, $2  }
0x32: {  	_ =	sdelay $0x2  }
0x33: {  	s24 =	sshra.s32 s24, $0x2  }
0x34: {  	[tilespmem:s24+$0x2880] =	vst v1;
	s23 =	sadd.s32 $0x1, s3  }
0x35: {  	[tilespmem:s20], [sflag:$0x1] =	stream.linear.gather [hbm4b:s17+s4], $0x80, $0x38;
	[tilespmem:$0x6880] =	vst v63  }
0x36: {  	p0 =	slt.u32 s23, s8;
	_ =	swait.ge [sflag:s19], $0x80  }
.Ltmp2:
0x37: {  	[sflag:s19] =	ssyncset.done $0x0;
	(pc) =	sbr.rel @!p0 .LBB2_7-.Ltmp2, $4  }
0x38: {  	[sflag:s19] =	ssyncadd.s32 $0xFFFFFF80  }
0x39: {  	[spmem:s2] =	stream.indirect.scatter.add.f32 [tilespmem:s18], [sflag:$0x1], $0x10, s20, s21, $0xb8;
	[tilespmem:$0x6880] =	vst v63  }
0x3a: {  	_ =	swait.ge [sflag:s19], $0x800  }
0x3b: {  	s24 =	smov.u32 s17;
	[sflag:s19] =	ssyncset.done $0x0  }
.LBB2_6:
0x3c: {  	s23 =	sadd.s32 $0x1, s23;
	[sflag:s19] =	ssyncadd.s32 $0xFFFFF800;
	s24 =	sadd.s32 $0x10, s24  }
0x3d: {  	[tilespmem:s20], [sflag:$0x1] =	stream.linear.gather [hbm4b:s24+s4], $0x80, $0x38;
	[tilespmem:$0x6880] =	vst v63  }
0x3e: {  	p0 =	slt.u32 s23, s8;
	_ =	swait.ge [sflag:s19], $0x80  }
.Ltmp3:
0x3f: {  	[sflag:s19] =	ssyncset.done $0x0;
	(pc) =	sbr.rel @p0 .LBB2_6-.Ltmp3, $4  }
0x40: {  	[sflag:s19] =	ssyncadd.s32 $0xFFFFFF80  }
0x41: {  	[spmem:s2] =	stream.indirect.scatter.add.f32 [tilespmem:s18], [sflag:$0x1], $0x10, s20, s21, $0xb8;
	[tilespmem:$0x6880] =	vst v63  }
0x42: {  	_ =	swait.ge [sflag:s19], $0x800  }
0x43: {  	[sflag:s19] =	ssyncset.done $0x0  }
.LBB2_7:
0x44: {  	[sflag:s19] =	ssyncadd.s32 $0xFFFFF800  }
0x45: {  	[bflag:$0x0] =	sbarrier.arrive $0xFFFF  }
0x46: {  	[tilespmem:s18], [sflag:$0x1] =	stream.linear.gather [spmem:s5], $0x4000, $0x38;
	[tilespmem:$0x6880] =	vst v63  }
0x47: {  	_ =	swait.ge [sflag:s19], $0x4000  }
0x48: {  	[sflag:s19] =	ssyncset.done $0x0  }
0x49: {  	[sflag:s19] =	ssyncadd.s32 $0xFFFFC000  }
0x4a: {  	[hbm4b:s12+s4] =	stream.linear.scatter [tilespmem:s18], [sflag:$0x1], $0x4000, $0x38;
	[tilespmem:$0x6880] =	vst v63  }
0x4b: {  	_ =	swait.ge [sflag:s19], $0x4000  }
0x4c: {  	[sflag:s19] =	ssyncset.done $0x0  }
0x4d: {  	[sflag:s19] =	ssyncadd.s32 $0xFFFFC000  }
0x4e: {  	[tilespmem:s18], [sflag:$0x1] =	stream.linear.gather [spmem:s6], $0x4000, $0x38;
	[tilespmem:$0x6880] =	vst v63  }
0x4f: {  	_ =	swait.ge [sflag:s19], $0x4000  }
0x50: {  	[sflag:s19] =	ssyncset.done $0x0  }
0x51: {  	[sflag:s19] =	ssyncadd.s32 $0xFFFFC000  }
0x52: {  	[hbm4b:s13+s4] =	stream.linear.scatter [tilespmem:s18], [sflag:$0x1], $0x4000, $0x38;
	[tilespmem:$0x6880] =	vst v63  }
0x53: {  	_ =	swait.ge [sflag:s19], $0x4000  }
0x54: {  	[sflag:s19] =	ssyncset.done $0x0  }
0x55: {  	[sflag:s19] =	ssyncadd.s32 $0xFFFFC000  }
0x56: {  	[tilespmem:s18], [sflag:$0x1] =	stream.linear.gather [spmem:s7], $0x4000, $0x38;
	[tilespmem:$0x6880] =	vst v63  }
0x57: {  	_ =	swait.ge [sflag:s19], $0x4000  }
0x58: {  	[sflag:s19] =	ssyncset.done $0x0  }
0x59: {  	[sflag:s19] =	ssyncadd.s32 $0xFFFFC000  }
0x5a: {  	[hbm4b:s14+s4] =	stream.linear.scatter [tilespmem:s18], [sflag:$0x1], $0x4000, $0x38;
	[tilespmem:$0x6880] =	vst v63  }
0x5b: {  	_ =	swait.ge [sflag:s19], $0x4000  }
0x5c: {  	[sflag:s19] =	ssyncset.done $0x0  }
0x5d: {  	[sflag:s19] =	ssyncadd.s32 $0xFFFFC000  }
0x5e: {  	[tilespmem:s18], [sflag:$0x1] =	stream.linear.gather [spmem:s9], $0x4000, $0x38;
	[tilespmem:$0x6880] =	vst v63  }
0x5f: {  	_ =	swait.ge [sflag:s19], $0x4000  }
0x60: {  	[sflag:s19] =	ssyncset.done $0x0  }
0x61: {  	[sflag:s19] =	ssyncadd.s32 $0xFFFFC000  }
0x62: {  	[hbm4b:s15+s4] =	stream.linear.scatter [tilespmem:s18], [sflag:$0x1], $0x4000, $0x38;
	[tilespmem:$0x6880] =	vst v63  }
0x63: {  	_ =	swait.ge [sflag:s19], $0x4000  }
0x64: {  	[sflag:s19] =	ssyncset.done $0x0  }
0x65: {  	[sflag:s19] =	ssyncadd.s32 $0xFFFFC000  }
0x66: {  	[tilespmem:s18], [sflag:$0x1] =	stream.linear.gather [spmem:s10], $0x4000, $0x38;
	[tilespmem:$0x6880] =	vst v63  }
0x67: {  	s22 =	sadd.s32 $0x1, s22;
	_ =	swait.ge [sflag:s19], $0x4000  }
0x68: {  	p0 =	sne.s32 s22, s11;
	[sflag:s19] =	ssyncset.done $0x0  }
.Ltmp4:
0x69: {  	[sflag:s19] =	ssyncadd.s32 $0xFFFFC000;
	(pc) =	sbr.rel @p0 .LBB2_1-.Ltmp4, $4  }
0x6a: {  	[hbm4b:s16+s4] =	stream.linear.scatter [tilespmem:s18], [sflag:$0x1], $0x4000, $0x38;
	[tilespmem:$0x6880] =	vst v63  }
0x6b: {  	_ =	swait.ge [sflag:s19], $0x4000  }
0x6c: {  	[sflag:s19] =	ssyncset.done $0x0  }
0x6d: {  	[sflag:s19] =	ssyncadd.s32 $0xFFFFC000  }
0x6e: {  	_ =	sfence.sel $0x180000  }
0x6f: {  	[bflag:$0x0] =	sbarrier.arrive $0xFFFF  }
0x70: {  	p0 =	sne.s32 s0, $0x0;
	_ =	strace $0x90000047  }
0x71: {  	s0 =	sadd.s32 @!p0 $0x100000, s1;
	[bflag:$0x2] =	sbarrier.arrive $0xFFFF  }
0x72: {  	[sflag:s0] =	ssyncadd.tile.s32 @!p0 $0x1;
	_ =	shalt  }
.Lfunc_end2:
_tile_overlayer_lowered:
.L_overlay_start_2:
0x73: {  	(tag) =	ssettag $0x2  }
0x74: {  	s0 =	rddreg [dreg:$0x0];
	s2 =	stileid.u32  }
0x75: {  	s1 =	rddreg [dreg:$0x1];
	p0 =	sne.s32 s2, $0x0  }
0x76: {  	s3 =	rddreg [dreg:$0x2];
	[bflag:$0x3] =	sbarrier.arrive $0xFFFF;
	s2 =	simm.s32 @!p0 $0x1C01  }
0x77: {  	[timem:s3], [sflag:s2] =	dma.local @!p0 [hbm:s0], s1  }
0x78: {  	s0 =	simm.s32 @!p0 $0x1  }
0x79: {  	_ =	swait.ge @!p0 [sflag:s0], s1  }
0x7a: {  	s1 =	ssub.s32 @!p0 $0x0, s1;
	[sflag:s0] =	ssyncset.done @!p0 $0x0  }
0x7b: {  	[sflag:s0] =	ssyncadd.s32 @!p0 s1  }
0x7c: {  	[bflag:$0x3] =	sbarrier.arrive $0xFFFF  }
0x7d: {  	_ =	shalt  }

// kernel: kernel.13.cloned.1.call-start
scs
__scs_entry_jumppad:
0x0: {  	(pc) =	sbr.rel $0x88, $3  }
0x1: {  	(tag) =	ssettag $0x0;
	lr =	simm.s32 $0x1  }
0x2: {  	[smem:$0x3F92] =	sst lr;
	_ =	strace $0xD0000000  }
0x3: {  	_ = 	snop  }
0x4: {  	_ = 	snop  }
0x5: {  	_ = 	snop  }
0x6: {  	_ = 	snop  }
0x7: {  	_ = 	snop  }
__scs_overlays_trampoline_lowered:
0x8: {  	[smem:$0x3FA1] =	sst s0  }
0x9: {  	[smem:$0x3FA2] =	sst s1  }
0xa: {  	[smem:$0x3FA3] =	sst s2  }
0xb: {  	[smem:$0x3FA4] =	sst s3  }
0xc: {  	[smem:$0x3FA5] =	sst s4  }
0xd: {  	[smem:$0x3FA6] =	sst s5  }
0xe: {  	[smem:$0x3FA7] =	sst s6  }
0xf: {  	[smem:$0x3FA8] =	sst s7  }
0x10: {  	[smem:$0x3FA9] =	sst s8  }
0x11: {  	[smem:$0x3FAA] =	sst s9;
	s0 =	simm.s32 @!p0 $0x0  }
0x12: {  	s1 =	sld [smem:$0x3F90];
	s0 =	simm.s32 @p0 $0x1  }
0x13: {  	[smem:$0x3FAB] =	sst s0;
	s0 =	simm.s32 @!p1 $0x0  }
0x14: {  	s2 =	sld [smem:$0x3F8F];
	s0 =	simm.s32 @p1 $0x1  }
0x15: {  	[smem:$0x3FAC] =	sst s0;
	s0 =	simm.s32 @!p2 $0x0  }
0x16: {  	s3 =	sld [smem:$0x3FDB];
	s0 =	simm.s32 @p2 $0x1  }
0x17: {  	s4 =	simm.s32 $0x1BF5;
	[smem:$0x3FAE] =	sst s0  }
0x18: {  	s0 =	sld [smem:$0x3F91];
	_ =	swait.ge [sflag:s4], $0x0  }
0x19: {  	s7 =	sld [smem:$0x3F92]  }
0x1a: {  	s8 =	sadd.s32 $0xFFFFE003, lr  }
0x1b: {  	s9 =	sadd.s32 $0xFFFFFEF7, lr;
	s5 =	simm.s32 $0xFFFFFFFF;
	p2 =	slt.u32 s8, $0xFFFFF086  }
0x1c: {  	p1 =	slt.u32 s9, $0xF7A;
	s5 =	simm.s32 @!p2 $0x0  }
0x1d: {  	s5 =	simm.s32 @p1 $0x1;
	p0 =	seq.s32 s7, s2  }
0x1e: {  	s7 =	smul.u32 @!p0 $0xF7A, s2;
	p2 =	seq.s32 @!p0 s5, $0x0  }
0x1f: {  	s9 =	smul.u32 $0xF7A, s1;
	s8 =	simm.s32 @!p0 $0x1BF5;
	p2 =	por !p2, p0  }
0x20: {  	[sflag:s8] =	ssyncset.s32 @!p0 $0xFFFFF086;
	s6 =	sadd.s32 @!p0 s3, s7;
	s7 =	simm.s32 @!p0 $0x108  }
0x21: {  	s3 =	sadd.s32 s3, s9;
	s6 =	sadd.s32 @!p0 $0x88, s6;
	s7 =	simm.s32 @p2 $0x1082  }
0x22: {  	[simem:s7], [sflag:s8] =	dma.local @!p0 [hbm:s6], $0xF7A  }
0x23: {  	s9 =	sor.u32 $0xD0000000, s2;
	s6 =	simm.s32 $0x108;
	_ =	swait.ge @!p0 [sflag:s8], $0x0  }
0x24: {  	s3 =	sadd.s32 $0x88, s3;
	s6 =	simm.s32 @!p1 $0x1082;
	[sflag:s4] =	ssyncset.s32 $0xFFFFF086  }
0x25: {  	[simem:s6], [sflag:s4] =	dma.local [hbm:s3], $0xF7A  }
0x26: {  	[smem:$0x3F92] =	sst s1;
	(tag) =	ssettag s2;
	_ =	strace s9  }
0x27: {  	s1 =	sld [smem:$0x3FA2]  }
0x28: {  	s2 =	sld [smem:$0x3FA3]  }
0x29: {  	s4 =	sld [smem:$0x3FA5]  }
0x2a: {  	p0 =	seq.s32 s5, $0x0;
	s5 =	sld [smem:$0x3FA6]  }
0x2b: {  	s6 =	sld [smem:$0x3FA7]  }
0x2c: {  	s7 =	sld [smem:$0x3FA8]  }
0x2d: {  	s3 =	simm.s32 $0x108;
	s8 =	sld [smem:$0x3FA9]  }
0x2e: {  	s3 =	simm.s32 @!p0 $0x1082;
	s9 =	sld [smem:$0x3FAA]  }
0x2f: {  	lr =	sadd.s32 s0, s3;
	s0 =	sld [smem:$0x3FA1]  }
0x30: {  	s3 =	sld [smem:$0x3FA4]  }
0x31: {  	[smem:$0x3FAD] =	sst s10  }
0x32: {  	s10 =	sld [smem:$0x3FAB];
	_ =	sdelay $0x3  }
0x33: {  	p0 =	seq.s32 s10, $0x1;
	s10 =	sld [smem:$0x3FAD];
	_ =	sdelay $0x3  }
0x34: {  	[smem:$0x3FAD] =	sst s10  }
0x35: {  	s10 =	sld [smem:$0x3FAC];
	_ =	sdelay $0x3  }
0x36: {  	p1 =	seq.s32 s10, $0x1;
	s10 =	sld [smem:$0x3FAD];
	_ =	sdelay $0x3  }
0x37: {  	[smem:$0x3FAD] =	sst s10  }
0x38: {  	s10 =	sld [smem:$0x3FAE]  }
0x39: {  	_ = 	snop;
	(pc) =	sbr.ind lr, $3  }
0x3a: {  	_ = 	snop  }
0x3b: {  	_ = 	snop  }
0x3c: {  	p2 =	seq.s32 s10, $0x1;
	s10 =	sld [smem:$0x3FAD]  }
0x3d: {  	_ =	shalt  }
0x3e: {  	_ =	shalt  }
0x3f: {  	_ =	shalt  }
0x40: {  	_ =	shalt  }
0x41: {  	_ =	shalt  }
0x42: {  	_ =	shalt  }
0x43: {  	_ =	shalt  }
0x44: {  	_ =	shalt  }
0x45: {  	_ =	shalt  }
0x46: {  	_ =	shalt  }
0x47: {  	_ =	shalt  }
0x48: {  	_ =	shalt  }
0x49: {  	_ =	shalt  }
0x4a: {  	_ =	shalt  }
0x4b: {  	_ =	shalt  }
0x4c: {  	_ =	shalt  }
0x4d: {  	_ =	shalt  }
0x4e: {  	_ =	shalt  }
0x4f: {  	_ =	shalt  }
0x50: {  	_ =	shalt  }
0x51: {  	_ =	shalt  }
0x52: {  	_ =	shalt  }
0x53: {  	_ =	shalt  }
0x54: {  	_ =	shalt  }
0x55: {  	_ =	shalt  }
0x56: {  	_ =	shalt  }
0x57: {  	_ =	shalt  }
0x58: {  	_ =	shalt  }
0x59: {  	_ =	shalt  }
0x5a: {  	_ =	shalt  }
0x5b: {  	_ =	shalt  }
0x5c: {  	_ =	shalt  }
0x5d: {  	_ =	shalt  }
0x5e: {  	_ =	shalt  }
0x5f: {  	_ =	shalt  }
0x60: {  	_ =	shalt  }
0x61: {  	_ =	shalt  }
0x62: {  	_ =	shalt  }
0x63: {  	_ =	shalt  }
0x64: {  	_ =	shalt  }
0x65: {  	_ =	shalt  }
0x66: {  	_ =	shalt  }
0x67: {  	_ =	shalt  }
0x68: {  	_ =	shalt  }
0x69: {  	_ =	shalt  }
0x6a: {  	_ =	shalt  }
0x6b: {  	_ =	shalt  }
0x6c: {  	_ =	shalt  }
0x6d: {  	_ =	shalt  }
0x6e: {  	_ =	shalt  }
0x6f: {  	_ =	shalt  }
0x70: {  	_ =	shalt  }
0x71: {  	_ =	shalt  }
0x72: {  	_ =	shalt  }
0x73: {  	_ =	shalt  }
0x74: {  	_ =	shalt  }
0x75: {  	_ =	shalt  }
0x76: {  	_ =	shalt  }
0x77: {  	_ =	shalt  }
0x78: {  	_ =	shalt  }
0x79: {  	_ =	shalt  }
0x7a: {  	_ =	shalt  }
0x7b: {  	_ =	shalt  }
0x7c: {  	_ =	shalt  }
0x7d: {  	_ =	shalt  }
0x7e: {  	_ =	shalt  }
0x7f: {  	_ =	shalt  }
0x80: {  	_ =	shalt  }
0x81: {  	_ =	shalt  }
0x82: {  	_ =	shalt  }
0x83: {  	_ =	shalt  }
0x84: {  	_ =	shalt  }
0x85: {  	_ =	shalt  }
0x86: {  	_ =	shalt  }
0x87: {  	_ =	shalt  }
.Lfunc_end0:
.L_simem_size_0:
called_computation.1_lowered:
.L_overlay_start_0:
0x88: {  	s2 =	sld [smem:$0x3FD9]  }
0x89: {  	s3 =	sld [smem:$0x3FFE];
	_ =	sdelay $0x1  }
0x8a: {  	s1 =	srdreg.scid  }
0x8b: {  	s0 =	sand.u32 $0x1, s1  }
0x8c: {  	s16 =	sshll.u32 s0, $0xA;
	s2 =	sadd.s32 s3, s2  }
0x8d: {  	s2 =	sadd.s32 s2, s16  }
0x8e: {  	[smem:$0x3FB9] =	sst s2  }
0x8f: {  	_ = 	snop  }
0x90: {  	(tm) =	ssettm $0x1  }
0x91: {  	s17 =	sld [smem:$0x3FFB];
	_ =	sdelay $0x3  }
0x92: {  	_ =	strace s17  }
0x93: {  	s2 =	sld [smem:$0x3FFC];
	_ =	sdelay $0x3  }
0x94: {  	_ =	strace s2  }
0x95: {  	s2 =	sld [smem:$0x3FFD];
	_ =	sdelay $0x3  }
0x96: {  	_ =	strace s2  }
0x97: {  	_ =	strace $0x8FFFFFFF  }
0x98: {  	s18 =	sld [smem:$0x3FDB];
	_ =	sdelay $0x1  }
0x99: {  	s19 =	simm.s32 $_scs_section_size  }
0x9a: {  	s4 =	simm.s32 $_size__tile_overlayer_lowered;
	s5 =	simm.s32 $_tile_overlayer_lowered  }
0x9b: {  	s22 =	simm.s32 $0x1BFF;
	s21 =	sshll.u32 s5, $0x1;
	s2 =	sadd.s32 s19, s18  }
0x9c: {  	s6 =	simm.s32 $0x0;
	s20 =	sshll.u32 s4, $0x1;
	s4 =	sadd.s32 s21, s2  }
0x9d: {  	[timem:s6], [sflag:s22] =	dma.local [hbm:s4], s20  }
0x9e: {  	_ =	swait.ge [sflag:s22], s20  }
0x9f: {  	s3 =	ssub.s32 $0x0, s20;
	[sflag:s22] =	ssyncset.done $0x0  }
0xa0: {  	[sflag:s22] =	ssyncadd.s32 s3;
	_ =	sdelay $0x1  }
0xa1: {  	s23 =	simm.s32 $0x1B8B  }
0xa2: {  	_ =	swait.ge [sflag:s23], $0x1  }
0xa3: {  	[sflag:s23] =	ssyncset.done $0x0  }
0xa4: {  	s25 =	simm.s32 $0x1B8E;
	s24 =	sld [smem:$0x3FFE];
	[sflag:s23] =	ssyncadd.s32 $0xFFFFFFFF  }
0xa5: {  	s26 =	simm.s32 $execute0_lowered;
	[smem:$0x3FD2] =	sst s25  }
0xa6: {  	s4 =	sshll.u32 s26, $0x1;
	_ =	strace $0x80000049;
	[dreg:$0x1] =	wrdreg $0xFFFFFFFF  }
0xa7: {  	s28 =	simm.s32 $_size_execute0_lowered;
	s2 =	sadd.s32 s2, s4;
	[dreg:$0x0] =	wrdreg $0x0  }
0xa8: {  	s4 =	sshll.u32 s28, $0x1;
	[dreg:$0x2] =	wrdreg s2  }
0xa9: {  	[dreg:$0x3] =	wrdreg s4  }
0xaa: {  	[dreg:$0x4] =	wrdreg $0xC0  }
0xab: {  	_ =	task [dreg:s6], $0x5FFFF  }
0xac: {  	[dreg:$0x1] =	wrdreg $0xFFFFFFFF  }
0xad: {  	[dreg:$0x0] =	wrdreg $0x60  }
0xae: {  	[dreg:$0x2] =	wrdreg s24  }
0xaf: {  	[dreg:$0x3] =	wrdreg $0x0  }
0xb0: {  	[dreg:$0x4] =	wrdreg $0x9  }
0xb1: {  	_ =	task.clear_ibuf [dreg:s6], $0x5FFFF;
	_ =	strace $0x90000049  }
0xb2: {  	s29 =	simm.s32 $0x9;
	_ =	strace $0x8000004B  }
0xb3: {  	_ =	swait.ge [sflag:s29], $0x1  }
0xb4: {  	[sflag:s29] =	ssyncadd.s32 $0xFFFFFFFF  }
0xb5: {  	_ =	strace $0x9000004B  }
0xb6: {  	_ =	sfence  }
0xb7: {  	s30 =	sld [smem:$0x0];
	_ =	sdelay $0x2  }
0xb8: {  	s31 =	sshll.u32 s1, $0xD;
	s1 =	sshrl.u32 s1, $0x2  }
0xb9: {  	s3 =	sand.u32 $0x4000, s31;
	s1 =	sadd.s32 s1, s30  }
0xba: {  	s0 =	sor.u32 s3, s0;
	s1 =	sshll.u32 s1, $0x11  }
0xbb: {  	s0 =	sor.u32 s1, s0  }
0xbc: {  	s0 =	sadd.s32 $0x8F2B, s0  }
0xbd: {  	[sflag:s0] =	ssyncadd.remote.s32 $0x1  }
0xbe: {  	_ =	sfence.sel $0xFFFF  }
0xbf: {  	[dreg:$0x0] =	wrdreg $0xFFFFFFFF;
	(pc) =	sbr.abs _section_cstart, $3  }
0xc0: {  	[dreg:$0x1] =	wrdreg $0xFFFFFFFF  }
0xc1: {  	_ =	task.clear_ibuf [dreg:s6], $0x2FFFF;
	_ =	strace $0x9FFFFFFF  }
0xc2: {  	(tm) =	ssettm $0x7FFFFFFF  }
0xc3: {  	_ =	shalt  }
tec
execute0_lowered:
.L_overlay_start_1:
0x0: {  	(tag) =	ssettag $0x1  }
0x1: {  	s0 =	rddreg [dreg:$0x0]  }
0x2: {  	s1 =	rddreg [dreg:$0x1];
	s2 =	simm.s32 $0x0;
	s3 =	srdreg.scid  }
0x3: {  	s19 =	stileid.u32;
	s28 =	simm.s32 $0x14000;
	s29 =	simm.s32 $0x80  }
0x4: {  	s30 =	simm.s32 $0x14100;
	s31 =	simm.s32 $0x0;
	[smem:$0x7FF] =	sst s2  }
0x5: {  	s4 =	sadd.s32 $0x69800, s0;
	s5 =	sadd.s32 $0x91800, s0;
	s6 =	sadd.s32 $0x5FA00, s0  }
0x6: {  	s3 =	sand.u32 $0x1, s3;
	s7 =	sadd.s32 $0x5C00, s0;
	s10 =	smul.u32 $0x280, s19  }
0x7: {  	s9 =	sadd.s32 $0xB9800, s0;
	s11 =	smul.u32 $0x50000, s19;
	s0 =	sadd.s32 $0xE1800, s0  }
0x8: {  	s13 =	smul.u32 $0x4E80, s19;
	_ =	strace $0x8000004A;
	[dreg:$0x3] =	wrdreg s9  }
0x9: {  	s26 =	smul.u32 $0x2800, s19;
	s8 =	ssub.s32 $0x2, s3;
	[dreg:$0x4] =	wrdreg s0  }
0xa: {  	p0 =	seq.s32 s3, $0x1;
	s3 =	simm.s32 $0x1;
	s21 =	sshrl.u32 s8, $0x1  }
0xb: {  	s14 =	sadd.s32 $0x80, s10;
	s22 =	sshrl.u32 s11, $0x2;
	s15 =	sadd.s32 $0x100, s10  }
0xc: {  	s16 =	sadd.s32 $0x180, s10;
	s17 =	sadd.s32 $0x200, s10;
	s18 =	sshrl.u32 s13, $0x3  }
0xd: {  	[dreg:$0x5] =	wrdreg s26;
	s0 =	ssub.s32 s8, s21;
	s23 =	sshll.u32 s14, $0x7  }
0xe: {  	s8 =	sadd.s32 s22, s1;
	s24 =	sshll.u32 s15, $0x7;
	s25 =	sshll.u32 s16, $0x7  }
0xf: {  	s12 =	sshll.u32 s17, $0x7;
	s13 =	sadd.s32 s6, s18;
	s14 =	sshll.u32 s14, $0x4  }
0x10: {  	s20 =	sshll.u32 s15, $0x4;
	s21 =	smul.u32 $0x9D0, s19;
	[dreg:$0x6] =	wrdreg s14  }
0x11: {  	s22 =	sshll.u32 s16, $0x4;
	s9 =	sadd.s32 s23, s1;
	[dreg:$0x7] =	wrdreg s20  }
0x12: {  	s10 =	sadd.s32 s24, s1;
	[dreg:$0x8] =	wrdreg s22;
	s23 =	sshll.u32 s17, $0x4  }
0x13: {  	s11 =	sadd.s32 s25, s1;
	s0 =	smax.u32 s0, $0x1;
	[dreg:$0x9] =	wrdreg s23  }
.Ltmp0:
0x14: {  	s24 =	sadd.s32 $0x10, s13;
	[dreg:$0xa] =	wrdreg s0;
	(pc) =	sbr.rel .LBB2_1-.Ltmp0, $4  }
0x15: {  	s12 =	sadd.s32 s12, s1;
	s20 =	sadd.s32 s7, s18;
	[dreg:$0xb] =	wrdreg s24  }
0x16: {  	s25 =	sadd.s32 s21, s7;
	s22 =	sadd.s32 $0x9C0, s20;
	s26 =	sadd.s32 s21, s6  }
0x17: {  	s0 =	simm.s32 $0x2;
	s7 =	simm.s32 $0x18200;
	s23 =	sadd.s32 $0x10, s25  }
0x18: {  	v0 =	vimm.f32 $0.0e+00;
	s24 =	sadd.s32 $0x20, s26;
	s25 =	simm.s32 $0x14200;
	s26 =	simm.s32 $0x3  }
.LBB2_6:
0x19: {  	s17 =	sadd.s32 $0x14200, s18;
	s19 =	sor.u32 $0x14000, s15;
	[sflag:s3] =	ssyncadd.s32 $0xFFFFC000  }
0x1a: {  	[tilespmem:s17], [sflag:$0x1] =	stream.indirect.gather [hbm4b:s4+s29], $0x80, s19, s29, $0xb8;
	[tilespmem:$0x1C200] =	vst v63  }
0x1b: {  	s21 =	sor.u32 $0x14100, s15  }
0x1c: {  	[tilespmem:s21], [sflag:$0x3] =	stream.linear.gather [hbm4b:s14+s2], $0x80, $0x38;
	[tilespmem:$0x1C200] =	vst v63  }
0x1d: {  	_ =	swait.ge [sflag:s26], $0x80  }
0x1e: {  	[sflag:s26] =	ssyncset.done $0x0  }
0x1f: {  	s17 =	sxor.u32 $0x14080, s15;
	[sflag:s26] =	ssyncadd.s32 $0xFFFFFF80  }
0x20: {  	[tilespmem:s17], [sflag:$0x3] =	stream.linear.gather [hbm4b:s6+s2], $0x80, $0x38;
	[tilespmem:$0x1C200] =	vst v63  }
0x21: {  	s18 =	sxor.u32 $0x1, s16;
	_ =	swait.ge [sflag:s26], $0x80  }
0x22: {  	s19 =	sshll.u32 s18, $0xE;
	s6 =	sshll.u32 s18, $0x7;
	[sflag:s26] =	ssyncset.done $0x0  }
0x23: {  	s14 =	sadd.s32 $0x14200, s19;
	s6 =	sor.u32 $0x14100, s6;
	[sflag:s26] =	ssyncadd.s32 $0xFFFFFF80  }
0x24: {  	[spmem:s1] =	stream.indirect.scatter.add.f32 [tilespmem:s14], [sflag:$0x2], $0x80, s6, s29, $0xb8;
	[tilespmem:$0x1C200] =	vst v63  }
0x25: {  	_ =	swait.ge [sflag:s0], $0x4000  }
0x26: {  	[sflag:s0] =	ssyncset.done $0x0  }
0x27: {  	[sflag:s0] =	ssyncadd.s32 $0xFFFFC000  }
0x28: {  	_ =	swait.ge [sflag:s3], $0x4000  }
0x29: {  	[sflag:s3] =	ssyncset.done $0x0  }
0x2a: {  	[sflag:s3] =	ssyncadd.s32 $0xFFFFC000  }
0x2b: {  	[tilespmem:s25], [sflag:$0x1] =	stream.indirect.gather [hbm4b:s4+s29], $0x80, s28, s29, $0xb8;
	[tilespmem:$0x1C200] =	vst v63  }
0x2c: {  	_ = 	snop  }
0x2d: {  	[tilespmem:s30], [sflag:$0x3] =	stream.linear.gather [hbm4b:s22+s2], $0x80, $0x38;
	[tilespmem:$0x1C200] =	vst v63  }
0x2e: {  	_ =	swait.ge [sflag:s26], $0x80  }
0x2f: {  	[sflag:s26] =	ssyncset.done $0x0  }
0x30: {  	s21 =	simm.s32 $0x14180;
	[sflag:s26] =	ssyncadd.s32 $0xFFFFFF80  }
0x31: {  	[spmem:s1] =	stream.indirect.scatter.add.f32 [tilespmem:s7], [sflag:$0x2], $0x80, s21, s29, $0xb8;
	[tilespmem:$0x1C200] =	vst v63  }
0x32: {  	_ =	swait.ge [sflag:s0], $0x4000  }
0x33: {  	[sflag:s0] =	ssyncset.done $0x0  }
0x34: {  	[sflag:s0] =	ssyncadd.s32 $0xFFFFC000  }
0x35: {  	_ =	swait.ge [sflag:s3], $0x4000  }
0x36: {  	[sflag:s3] =	ssyncset.done $0x0  }
0x37: {  	s6 =	rddreg [dreg:$0x3];
	[sflag:s3] =	ssyncadd.s32 $0xFFFFC000  }
.LBB2_10:
0x38: {  	[spmem:s1] =	stream.indirect.scatter.add.f32 [tilespmem:s25], [sflag:$0x2], $0x80, s30, s29, $0xb8;
	[tilespmem:$0x1C200] =	vst v63  }
0x39: {  	_ =	swait.ge [sflag:s0], $0x4000  }
0x3a: {  	[sflag:s0] =	ssyncset.done $0x0  }
0x3b: {  	[sflag:s0] =	ssyncadd.s32 $0xFFFFC000  }
0x3c: {  	[bflag:$0x0] =	sbarrier.arrive $0xFFFF  }
0x3d: {  	[tilespmem:s25], [sflag:$0x3] =	stream.linear.gather [spmem:s8], $0x4000, $0x38;
	[tilespmem:$0x1C200] =	vst v63  }
0x3e: {  	_ =	swait.ge [sflag:s26], $0x4000  }
0x3f: {  	[sflag:s26] =	ssyncset.done $0x0;
	s14 =	rddreg [dreg:$0x5]  }
0x40: {  	s14 =	sadd.s32 s6, s14;
	[sflag:s26] =	ssyncadd.s32 $0xFFFFC000  }
0x41: {  	[hbm4b:s14+s2] =	stream.linear.scatter [tilespmem:s25], [sflag:$0x1], $0x4000, $0x38;
	[tilespmem:$0x1C200] =	vst v63  }
0x42: {  	_ = 	snop  }
0x43: {  	[tilespmem:s7], [sflag:$0x3] =	stream.linear.gather [spmem:s9], $0x4000, $0x38;
	[tilespmem:$0x1C200] =	vst v63  }
0x44: {  	_ =	swait.ge [sflag:s26], $0x4000  }
0x45: {  	[sflag:s26] =	ssyncset.done $0x0;
	s15 =	rddreg [dreg:$0x6]  }
0x46: {  	s14 =	sadd.s32 s6, s15;
	[sflag:s26] =	ssyncadd.s32 $0xFFFFC000  }
0x47: {  	[hbm4b:s14+s2] =	stream.linear.scatter [tilespmem:s7], [sflag:$0x1], $0x4000, $0x38;
	[tilespmem:$0x1C200] =	vst v63  }
0x48: {  	_ =	swait.ge [sflag:s3], $0x4000  }
0x49: {  	[sflag:s3] =	ssyncset.done $0x0  }
0x4a: {  	[sflag:s3] =	ssyncadd.s32 $0xFFFFC000  }
0x4b: {  	[tilespmem:s25], [sflag:$0x3] =	stream.linear.gather [spmem:s10], $0x4000, $0x38;
	[tilespmem:$0x1C200] =	vst v63  }
0x4c: {  	_ =	swait.ge [sflag:s26], $0x4000  }
0x4d: {  	[sflag:s26] =	ssyncset.done $0x0;
	s16 =	rddreg [dreg:$0x7]  }
0x4e: {  	s14 =	sadd.s32 s6, s16;
	[sflag:s26] =	ssyncadd.s32 $0xFFFFC000  }
0x4f: {  	[hbm4b:s14+s2] =	stream.linear.scatter [tilespmem:s25], [sflag:$0x1], $0x4000, $0x38;
	[tilespmem:$0x1C200] =	vst v63  }
0x50: {  	_ =	swait.ge [sflag:s3], $0x4000  }
0x51: {  	[sflag:s3] =	ssyncset.done $0x0  }
0x52: {  	[sflag:s3] =	ssyncadd.s32 $0xFFFFC000  }
0x53: {  	[tilespmem:s7], [sflag:$0x3] =	stream.linear.gather [spmem:s11], $0x4000, $0x38;
	[tilespmem:$0x1C200] =	vst v63  }
0x54: {  	_ =	swait.ge [sflag:s26], $0x4000  }
0x55: {  	[sflag:s26] =	ssyncset.done $0x0;
	s17 =	rddreg [dreg:$0x8]  }
0x56: {  	s14 =	sadd.s32 s6, s17;
	[sflag:s26] =	ssyncadd.s32 $0xFFFFC000  }
0x57: {  	[hbm4b:s14+s2] =	stream.linear.scatter [tilespmem:s7], [sflag:$0x1], $0x4000, $0x38;
	[tilespmem:$0x1C200] =	vst v63  }
0x58: {  	_ =	swait.ge [sflag:s3], $0x4000  }
0x59: {  	[sflag:s3] =	ssyncset.done $0x0  }
0x5a: {  	[sflag:s3] =	ssyncadd.s32 $0xFFFFC000  }
0x5b: {  	[tilespmem:s25], [sflag:$0x3] =	stream.linear.gather [spmem:s12], $0x4000, $0x38;
	[tilespmem:$0x1C200] =	vst v63  }
0x5c: {  	_ =	swait.ge [sflag:s26], $0x4000  }
0x5d: {  	[sflag:s26] =	ssyncset.done $0x0;
	s18 =	rddreg [dreg:$0x9]  }
0x5e: {  	s19 =	sadd.s32 s6, s18;
	[sflag:s26] =	ssyncadd.s32 $0xFFFFC000  }
0x5f: {  	[hbm4b:s19+s2] =	stream.linear.scatter [tilespmem:s25], [sflag:$0x1], $0x4000, $0x38;
	[tilespmem:$0x1C200] =	vst v63  }
0x60: {  	_ =	swait.ge [sflag:s3], $0x4000  }
0x61: {  	[sflag:s3] =	ssyncset.done $0x0  }
0x62: {  	[sflag:s3] =	ssyncadd.s32 $0xFFFFC000  }
0x63: {  	_ =	swait.ge [sflag:s3], $0x4000  }
0x64: {  	s31 =	sadd.s32 $0x1, s31;
	s21 =	rddreg [dreg:$0xa]  }
0x65: {  	p1 =	sne.s32 s31, s21  }
.Ltmp1:
0x66: {  	_ = 	snop;
	(pc) =	sbr.rel @!p1 .LBB2_11-.Ltmp1, $3  }
0x67: {  	_ =	sdelay $0x1  }
0x68: {  	[sflag:s3] =	ssyncset.done $0x0  }
0x69: {  	[sflag:s3] =	ssyncadd.s32 $0xFFFFC000  }
.LBB2_1:
0x6a: {  	s6 =	simm.s32 $0x0;
	s14 =	simm.s32 $0x200  }
.LBB2_2:
0x6b: {  	p1 =	sne.s32 s14, $0xFE00;
	[tilespmem:s6+$0x14270] =	vst v0  }
0x6c: {  	[tilespmem:s6+$0x14200] =	vst v0  }
0x6d: {  	[tilespmem:s6+$0x14210] =	vst v0  }
.Ltmp2:
0x6e: {  	[tilespmem:s6+$0x14220] =	vst v0;
	(pc) =	sbr.rel @p1 .LBB2_2-.Ltmp2, $4  }
0x6f: {  	[tilespmem:s6+$0x14230] =	vst v0  }
0x70: {  	[tilespmem:s6+$0x14240] =	vst v0  }
0x71: {  	[tilespmem:s6+$0x14250] =	vst v0  }
0x72: {  	[tilespmem:s6+$0x14260] =	vst v0;
	s6 =	sshra.s32 s14, $0x2;
	s14 =	sadd.s32 $0x200, s14  }
0x73: {  	[tilespmem:s6+$0x14270] =	vst v0  }
0x74: {  	[tilespmem:s6+$0x14200] =	vst v0  }
0x75: {  	[tilespmem:s6+$0x14210] =	vst v0  }
0x76: {  	[tilespmem:s6+$0x14220] =	vst v0  }
0x77: {  	[tilespmem:s6+$0x14230] =	vst v0  }
0x78: {  	[tilespmem:s6+$0x14240] =	vst v0  }
0x79: {  	[tilespmem:s6+$0x14250] =	vst v0  }
0x7a: {  	[tilespmem:s6+$0x14260] =	vst v0  }
0x7b: {  	[spmem:s8] =	stream.linear.scatter [tilespmem:s25], [sflag:$0x3], $0x4000, $0x38;
	[tilespmem:$0x1C200] =	vst v63  }
0x7c: {  	_ =	swait.ge [sflag:s26], $0x4000  }
0x7d: {  	[sflag:s26] =	ssyncset.done $0x0  }
0x7e: {  	[sflag:s26] =	ssyncadd.s32 $0xFFFFC000  }
0x7f: {  	[spmem:s9] =	stream.linear.scatter [tilespmem:s25], [sflag:$0x3], $0x4000, $0x38;
	[tilespmem:$0x1C200] =	vst v63  }
0x80: {  	_ =	swait.ge [sflag:s26], $0x4000  }
0x81: {  	[sflag:s26] =	ssyncset.done $0x0  }
0x82: {  	[sflag:s26] =	ssyncadd.s32 $0xFFFFC000  }
0x83: {  	[spmem:s10] =	stream.linear.scatter [tilespmem:s25], [sflag:$0x3], $0x4000, $0x38;
	[tilespmem:$0x1C200] =	vst v63  }
0x84: {  	_ =	swait.ge [sflag:s26], $0x4000  }
0x85: {  	[sflag:s26] =	ssyncset.done $0x0  }
0x86: {  	[sflag:s26] =	ssyncadd.s32 $0xFFFFC000  }
0x87: {  	[spmem:s11] =	stream.linear.scatter [tilespmem:s25], [sflag:$0x3], $0x4000, $0x38;
	[tilespmem:$0x1C200] =	vst v63  }
0x88: {  	_ =	swait.ge [sflag:s26], $0x4000  }
0x89: {  	[sflag:s26] =	ssyncset.done $0x0  }
0x8a: {  	[sflag:s26] =	ssyncadd.s32 $0xFFFFC000  }
0x8b: {  	[spmem:s12] =	stream.linear.scatter [tilespmem:s25], [sflag:$0x3], $0x4000, $0x38;
	[tilespmem:$0x1C200] =	vst v63  }
0x8c: {  	_ =	swait.ge [sflag:s26], $0x4000  }
0x8d: {  	[sflag:s26] =	ssyncset.done $0x0  }
0x8e: {  	[sflag:s26] =	ssyncadd.s32 $0xFFFFC000  }
.Ltmp3:
0x8f: {  	[bflag:$0x0] =	sbarrier.arrive $0xFFFF;
	(pc) =	sbr.rel @!p0 .LBB2_4-.Ltmp3, $4  }
0x90: {  	[tilespmem:s28], [sflag:$0x3] =	stream.linear.gather [hbm4b:s13+s2], $0x80, $0x38;
	[tilespmem:$0x1C200] =	vst v63  }
0x91: {  	_ =	swait.ge [sflag:s26], $0x80  }
0x92: {  	[sflag:s26] =	ssyncset.done $0x0  }
0x93: {  	[sflag:s26] =	ssyncadd.s32 $0xFFFFFF80  }
0x94: {  	[tilespmem:s25], [sflag:$0x1] =	stream.indirect.gather [hbm4b:s5+s29], $0x80, s28, s29, $0xb8;
	[tilespmem:$0x1C200] =	vst v63  }
0x95: {  	_ = 	snop  }
0x96: {  	[tilespmem:s30], [sflag:$0x3] =	stream.linear.gather [hbm4b:s20+s2], $0x80, $0x38;
	[tilespmem:$0x1C200] =	vst v63  }
0x97: {  	_ =	swait.ge [sflag:s26], $0x80  }
0x98: {  	[sflag:s26] =	ssyncset.done $0x0  }
0x99: {  	s14 =	simm.s32 $0x14080;
	s6 =	rddreg [dreg:$0xb];
	[sflag:s26] =	ssyncadd.s32 $0xFFFFFF80  }
0x9a: {  	[tilespmem:s14], [sflag:$0x3] =	stream.linear.gather [hbm4b:s6+s2], $0x80, $0x38;
	[tilespmem:$0x1C200] =	vst v63  }
0x9b: {  	_ =	swait.ge [sflag:s26], $0x80  }
0x9c: {  	[sflag:s26] =	ssyncset.done $0x0  }
0x9d: {  	s18 =	simm.s32 $0x1;
	[sflag:s26] =	ssyncadd.s32 $0xFFFFFF80  }
0x9e: {  	s14 =	sand.u32 $0x1, s18;
	_ =	swait.ge [sflag:s18], $0x4000  }
0x9f: {  	s15 =	sshll.u32 s14, $0xE;
	s16 =	sshll.u32 s14, $0x7;
	[sflag:s18] =	ssyncset.done $0x0  }
0xa0: {  	s19 =	sadd.s32 $0x14200, s15;
	s21 =	sor.u32 $0x14000, s16;
	[sflag:s18] =	ssyncadd.s32 $0xFFFFC000  }
0xa1: {  	[tilespmem:s19], [sflag:$0x1] =	stream.indirect.gather [hbm4b:s5+s29], $0x80, s21, s29, $0xb8;
	[tilespmem:$0x1C200] =	vst v63  }
0xa2: {  	s17 =	sor.u32 $0x14100, s16  }
0xa3: {  	[tilespmem:s17], [sflag:$0x3] =	stream.linear.gather [hbm4b:s23+s2], $0x80, $0x38;
	[tilespmem:$0x1C200] =	vst v63  }
0xa4: {  	_ =	swait.ge [sflag:s26], $0x80  }
0xa5: {  	[sflag:s26] =	ssyncset.done $0x0  }
0xa6: {  	s18 =	sxor.u32 $0x14080, s16;
	[sflag:s26] =	ssyncadd.s32 $0xFFFFFF80  }
0xa7: {  	[tilespmem:s18], [sflag:$0x3] =	stream.linear.gather [hbm4b:s24+s2], $0x80, $0x38;
	[tilespmem:$0x1C200] =	vst v63  }
0xa8: {  	s19 =	sxor.u32 $0x1, s14;
	_ =	swait.ge [sflag:s26], $0x80  }
0xa9: {  	s14 =	sshll.u32 s19, $0xE;
	s6 =	sshll.u32 s19, $0x7;
	[sflag:s26] =	ssyncset.done $0x0  }
0xaa: {  	s14 =	sadd.s32 $0x14200, s14;
	s6 =	sor.u32 $0x14100, s6;
	[sflag:s26] =	ssyncadd.s32 $0xFFFFFF80  }
0xab: {  	[spmem:s1] =	stream.indirect.scatter.add.f32 [tilespmem:s14], [sflag:$0x2], $0x80, s6, s29, $0xb8;
	[tilespmem:$0x1C200] =	vst v63  }
0xac: {  	_ =	swait.ge [sflag:s0], $0x4000  }
0xad: {  	s21 =	simm.s32 $0x2;
	[sflag:s0] =	ssyncset.done $0x0  }
0xae: {  	s16 =	sand.u32 $0x1, s21;
	s17 =	simm.s32 $0x3;
	[sflag:s0] =	ssyncadd.s32 $0xFFFFC000  }
0xaf: {  	s15 =	sshll.u32 s16, $0x7;
	s18 =	sshll.u32 s16, $0xE;
	_ =	swait.ge [sflag:s3], $0x4000  }
0xb0: {  	s6 =	sadd.s32 $0x10, s24;
	s14 =	sadd.s32 $0x10, s23;
	[sflag:s3] =	ssyncset.done $0x0  }
.LBB2_8:
0xb1: {  	s18 =	sadd.s32 $0x14200, s18  }
0xb2: {  	s19 =	sor.u32 $0x14000, s15;
	[sflag:s3] =	ssyncadd.s32 $0xFFFFC000;
	s21 =	smov.u32 s17  }
0xb3: {  	[tilespmem:s18], [sflag:$0x1] =	stream.indirect.gather [hbm4b:s5+s29], $0x80, s19, s29, $0xb8;
	[tilespmem:$0x1C200] =	vst v63  }
0xb4: {  	s16 =	sxor.u32 $0x1, s16;
	s19 =	sadd.s32 $0x1, s17;
	s18 =	sor.u32 $0x14100, s15  }
0xb5: {  	[tilespmem:s18], [sflag:$0x3] =	stream.linear.gather [hbm4b:s14+s2], $0x80, $0x38;
	[tilespmem:$0x1C200] =	vst v63  }
0xb6: {  	s18 =	sshll.u32 s16, $0xE;
	s16 =	sshll.u32 s16, $0x7;
	_ =	swait.ge [sflag:s26], $0x80  }
0xb7: {  	p1 =	sne.s32 s17, $0x9B;
	[sflag:s26] =	ssyncset.done $0x0  }
0xb8: {  	s15 =	sxor.u32 $0x14080, s15;
	[sflag:s26] =	ssyncadd.s32 $0xFFFFFF80  }
0xb9: {  	[tilespmem:s15], [sflag:$0x3] =	stream.linear.gather [hbm4b:s6+s2], $0x80, $0x38;
	[tilespmem:$0x1C200] =	vst v63  }
0xba: {  	_ =	swait.ge [sflag:s26], $0x80  }
0xbb: {  	[sflag:s26] =	ssyncset.done $0x0  }
0xbc: {  	s16 =	sor.u32 $0x14100, s16;
	s15 =	sadd.s32 $0x14200, s18;
	[sflag:s26] =	ssyncadd.s32 $0xFFFFFF80  }
0xbd: {  	[spmem:s1] =	stream.indirect.scatter.add.f32 [tilespmem:s15], [sflag:$0x2], $0x80, s16, s29, $0xb8;
	[tilespmem:$0x1C200] =	vst v63  }
.Ltmp4:
0xbe: {  	_ =	swait.ge [sflag:s0], $0x4000;
	(pc) =	sbr.rel @p1 .LBB2_8-.Ltmp4, $4  }
0xbf: {  	[sflag:s0] =	ssyncset.done $0x0  }
0xc0: {  	s17 =	smov.u32 s19;
	s6 =	sadd.s32 $0x10, s6;
	[sflag:s0] =	ssyncadd.s32 $0xFFFFC000  }
0xc1: {  	s14 =	sadd.s32 $0x10, s14;
	s16 =	sand.u32 $0x1, s21;
	_ =	swait.ge [sflag:s3], $0x4000  }
0xc2: {  	s18 =	sshll.u32 s16, $0xE;
	s15 =	sshll.u32 s16, $0x7;
	[sflag:s3] =	ssyncset.done $0x0  }
0xc3: {  	s17 =	sadd.s32 $0x14200, s18;
	s19 =	sor.u32 $0x14000, s15;
	[sflag:s3] =	ssyncadd.s32 $0xFFFFC000  }
0xc4: {  	[tilespmem:s17], [sflag:$0x1] =	stream.indirect.gather [hbm4b:s5+s29], $0x80, s19, s29, $0xb8;
	[tilespmem:$0x1C200] =	vst v63  }
0xc5: {  	s21 =	sor.u32 $0x14100, s15  }
0xc6: {  	[tilespmem:s21], [sflag:$0x3] =	stream.linear.gather [hbm4b:s14+s2], $0x80, $0x38;
	[tilespmem:$0x1C200] =	vst v63  }
0xc7: {  	_ =	swait.ge [sflag:s26], $0x80  }
0xc8: {  	[sflag:s26] =	ssyncset.done $0x0  }
0xc9: {  	s17 =	sxor.u32 $0x14080, s15;
	[sflag:s26] =	ssyncadd.s32 $0xFFFFFF80  }
0xca: {  	[tilespmem:s17], [sflag:$0x3] =	stream.linear.gather [hbm4b:s6+s2], $0x80, $0x38;
	[tilespmem:$0x1C200] =	vst v63  }
0xcb: {  	s18 =	sxor.u32 $0x1, s16;
	_ =	swait.ge [sflag:s26], $0x80  }
0xcc: {  	s19 =	sshll.u32 s18, $0xE;
	s6 =	sshll.u32 s18, $0x7;
	[sflag:s26] =	ssyncset.done $0x0  }
0xcd: {  	s14 =	sadd.s32 $0x14200, s19;
	s6 =	sor.u32 $0x14100, s6;
	[sflag:s26] =	ssyncadd.s32 $0xFFFFFF80  }
0xce: {  	[spmem:s1] =	stream.indirect.scatter.add.f32 [tilespmem:s14], [sflag:$0x2], $0x80, s6, s29, $0xb8;
	[tilespmem:$0x1C200] =	vst v63  }
0xcf: {  	_ =	swait.ge [sflag:s0], $0x4000  }
0xd0: {  	[sflag:s0] =	ssyncset.done $0x0  }
0xd1: {  	[sflag:s0] =	ssyncadd.s32 $0xFFFFC000  }
0xd2: {  	_ =	swait.ge [sflag:s3], $0x4000  }
0xd3: {  	[sflag:s3] =	ssyncset.done $0x0  }
0xd4: {  	[sflag:s3] =	ssyncadd.s32 $0xFFFFC000  }
0xd5: {  	[tilespmem:s25], [sflag:$0x1] =	stream.indirect.gather [hbm4b:s5+s29], $0x80, s28, s29, $0xb8;
	[tilespmem:$0x1C200] =	vst v63  }
0xd6: {  	_ = 	snop  }
0xd7: {  	[tilespmem:s30], [sflag:$0x3] =	stream.linear.gather [hbm4b:s22+s2], $0x80, $0x38;
	[tilespmem:$0x1C200] =	vst v63  }
0xd8: {  	_ =	swait.ge [sflag:s26], $0x80  }
0xd9: {  	[sflag:s26] =	ssyncset.done $0x0  }
0xda: {  	s21 =	simm.s32 $0x14180;
	[sflag:s26] =	ssyncadd.s32 $0xFFFFFF80  }
0xdb: {  	[spmem:s1] =	stream.indirect.scatter.add.f32 [tilespmem:s7], [sflag:$0x2], $0x80, s21, s29, $0xb8;
	[tilespmem:$0x1C200] =	vst v63  }
0xdc: {  	_ =	swait.ge [sflag:s0], $0x4000  }
.Ltmp5:
0xdd: {  	[sflag:s0] =	ssyncset.done $0x0;
	(pc) =	sbr.rel .LBB2_10-.Ltmp5, $4  }
0xde: {  	[sflag:s0] =	ssyncadd.s32 $0xFFFFC000  }
0xdf: {  	_ =	swait.ge [sflag:s3], $0x4000  }
0xe0: {  	[sflag:s3] =	ssyncset.done $0x0  }
0xe1: {  	s6 =	rddreg [dreg:$0x4];
	[sflag:s3] =	ssyncadd.s32 $0xFFFFC000  }
.LBB2_4:
0xe2: {  	[tilespmem:s25], [sflag:$0x1] =	stream.indirect.gather [hbm4b:s4+s29], $0x80, s28, s29, $0xb8;
	[tilespmem:$0x1C200] =	vst v63  }
0xe3: {  	_ = 	snop  }
0xe4: {  	[tilespmem:s30], [sflag:$0x3] =	stream.linear.gather [hbm4b:s20+s2], $0x80, $0x38;
	[tilespmem:$0x1C200] =	vst v63  }
0xe5: {  	_ =	swait.ge [sflag:s26], $0x80  }
0xe6: {  	[sflag:s26] =	ssyncset.done $0x0  }
0xe7: {  	s14 =	simm.s32 $0x14080;
	s6 =	rddreg [dreg:$0xb];
	[sflag:s26] =	ssyncadd.s32 $0xFFFFFF80  }
0xe8: {  	[tilespmem:s14], [sflag:$0x3] =	stream.linear.gather [hbm4b:s6+s2], $0x80, $0x38;
	[tilespmem:$0x1C200] =	vst v63  }
0xe9: {  	_ =	swait.ge [sflag:s26], $0x80  }
0xea: {  	[sflag:s26] =	ssyncset.done $0x0  }
0xeb: {  	s18 =	simm.s32 $0x1;
	[sflag:s26] =	ssyncadd.s32 $0xFFFFFF80  }
0xec: {  	s14 =	sand.u32 $0x1, s18;
	_ =	swait.ge [sflag:s18], $0x4000  }
0xed: {  	s15 =	sshll.u32 s14, $0xE;
	s16 =	sshll.u32 s14, $0x7;
	[sflag:s18] =	ssyncset.done $0x0  }
0xee: {  	s19 =	sadd.s32 $0x14200, s15;
	s21 =	sor.u32 $0x14000, s16;
	[sflag:s18] =	ssyncadd.s32 $0xFFFFC000  }
0xef: {  	[tilespmem:s19], [sflag:$0x1] =	stream.indirect.gather [hbm4b:s4+s29], $0x80, s21, s29, $0xb8;
	[tilespmem:$0x1C200] =	vst v63  }
0xf0: {  	s17 =	sor.u32 $0x14100, s16  }
0xf1: {  	[tilespmem:s17], [sflag:$0x3] =	stream.linear.gather [hbm4b:s23+s2], $0x80, $0x38;
	[tilespmem:$0x1C200] =	vst v63  }
0xf2: {  	_ =	swait.ge [sflag:s26], $0x80  }
0xf3: {  	[sflag:s26] =	ssyncset.done $0x0  }
0xf4: {  	s18 =	sxor.u32 $0x14080, s16;
	[sflag:s26] =	ssyncadd.s32 $0xFFFFFF80  }
0xf5: {  	[tilespmem:s18], [sflag:$0x3] =	stream.linear.gather [hbm4b:s24+s2], $0x80, $0x38;
	[tilespmem:$0x1C200] =	vst v63  }
0xf6: {  	s19 =	sxor.u32 $0x1, s14;
	_ =	swait.ge [sflag:s26], $0x80  }
0xf7: {  	s14 =	sshll.u32 s19, $0xE;
	s6 =	sshll.u32 s19, $0x7;
	[sflag:s26] =	ssyncset.done $0x0  }
0xf8: {  	s14 =	sadd.s32 $0x14200, s14;
	s6 =	sor.u32 $0x14100, s6;
	[sflag:s26] =	ssyncadd.s32 $0xFFFFFF80  }
0xf9: {  	[spmem:s1] =	stream.indirect.scatter.add.f32 [tilespmem:s14], [sflag:$0x2], $0x80, s6, s29, $0xb8;
	[tilespmem:$0x1C200] =	vst v63  }
0xfa: {  	_ =	swait.ge [sflag:s0], $0x4000  }
0xfb: {  	s21 =	simm.s32 $0x2;
	[sflag:s0] =	ssyncset.done $0x0  }
0xfc: {  	s16 =	sand.u32 $0x1, s21;
	s17 =	simm.s32 $0x3;
	[sflag:s0] =	ssyncadd.s32 $0xFFFFC000  }
0xfd: {  	s15 =	sshll.u32 s16, $0x7;
	s18 =	sshll.u32 s16, $0xE;
	_ =	swait.ge [sflag:s3], $0x4000  }
0xfe: {  	s6 =	sadd.s32 $0x10, s24;
	s14 =	sadd.s32 $0x10, s23;
	[sflag:s3] =	ssyncset.done $0x0  }
.LBB2_5:
0xff: {  	s18 =	sadd.s32 $0x14200, s18  }
0x100: {  	s19 =	sor.u32 $0x14000, s15;
	[sflag:s3] =	ssyncadd.s32 $0xFFFFC000;
	s21 =	smov.u32 s17  }
0x101: {  	[tilespmem:s18], [sflag:$0x1] =	stream.indirect.gather [hbm4b:s4+s29], $0x80, s19, s29, $0xb8;
	[tilespmem:$0x1C200] =	vst v63  }
0x102: {  	s16 =	sxor.u32 $0x1, s16;
	s19 =	sadd.s32 $0x1, s17;
	s18 =	sor.u32 $0x14100, s15  }
0x103: {  	[tilespmem:s18], [sflag:$0x3] =	stream.linear.gather [hbm4b:s14+s2], $0x80, $0x38;
	[tilespmem:$0x1C200] =	vst v63  }
0x104: {  	s18 =	sshll.u32 s16, $0xE;
	s16 =	sshll.u32 s16, $0x7;
	_ =	swait.ge [sflag:s26], $0x80  }
0x105: {  	p1 =	seq.s32 s17, $0x9B;
	[sflag:s26] =	ssyncset.done $0x0  }
0x106: {  	s15 =	sxor.u32 $0x14080, s15;
	[sflag:s26] =	ssyncadd.s32 $0xFFFFFF80  }
0x107: {  	[tilespmem:s15], [sflag:$0x3] =	stream.linear.gather [hbm4b:s6+s2], $0x80, $0x38;
	[tilespmem:$0x1C200] =	vst v63  }
0x108: {  	_ =	swait.ge [sflag:s26], $0x80  }
0x109: {  	[sflag:s26] =	ssyncset.done $0x0  }
0x10a: {  	s16 =	sor.u32 $0x14100, s16;
	s15 =	sadd.s32 $0x14200, s18;
	[sflag:s26] =	ssyncadd.s32 $0xFFFFFF80  }
0x10b: {  	[spmem:s1] =	stream.indirect.scatter.add.f32 [tilespmem:s15], [sflag:$0x2], $0x80, s16, s29, $0xb8;
	[tilespmem:$0x1C200] =	vst v63  }
.Ltmp6:
0x10c: {  	_ =	swait.ge [sflag:s0], $0x4000;
	(pc) =	sbr.rel @!p1 .LBB2_5-.Ltmp6, $4  }
0x10d: {  	[sflag:s0] =	ssyncset.done $0x0  }
0x10e: {  	s17 =	smov.u32 s19;
	s6 =	sadd.s32 $0x10, s6;
	[sflag:s0] =	ssyncadd.s32 $0xFFFFC000  }
0x10f: {  	s14 =	sadd.s32 $0x10, s14;
	s16 =	sand.u32 $0x1, s21;
	_ =	swait.ge [sflag:s3], $0x4000  }
0x110: {  	s18 =	sshll.u32 s16, $0xE;
	s15 =	sshll.u32 s16, $0x7;
	[sflag:s3] =	ssyncset.done $0x0  }
.Ltmp7:
0x111: {  	_ = 	snop;
	(pc) =	sbr.rel .LBB2_6-.Ltmp7, $1  }
0x112: {  	_ =	sdelay $0x3  }
.LBB2_11:
0x113: {  	_ =	sfence.sel $0x180000  }
0x114: {  	[bflag:$0x0] =	sbarrier.arrive $0xFFFF  }
0x115: {  	_ =	strace $0x9000004A  }
0x116: {  	s0 =	stileid.u32;
	[bflag:$0x2] =	sbarrier.arrive $0xFFFF  }
0x117: {  	p0 =	sne.s32 s0, $0x0;
	s0 =	rddreg [dreg:$0x2]  }
0x118: {  	s0 =	sadd.s32 @!p0 $0x100000, s0  }
0x119: {  	[sflag:s0] =	ssyncadd.tile.s32 @!p0 $0x1;
	_ =	shalt  }
.Lfunc_end2:
_tile_overlayer_lowered:
.L_overlay_start_2:
0x11a: {  	(tag) =	ssettag $0x2  }
0x11b: {  	s0 =	rddreg [dreg:$0x0];
	s2 =	stileid.u32  }
0x11c: {  	s1 =	rddreg [dreg:$0x1];
	p0 =	sne.s32 s2, $0x0  }
0x11d: {  	s3 =	rddreg [dreg:$0x2];
	[bflag:$0x3] =	sbarrier.arrive $0xFFFF;
	s2 =	simm.s32 @!p0 $0x1C03  }
0x11e: {  	[timem:s3], [sflag:s2] =	dma.local @!p0 [hbm:s0], s1  }
0x11f: {  	s0 =	simm.s32 @!p0 $0x3  }
0x120: {  	_ =	swait.ge @!p0 [sflag:s0], s1  }
0x121: {  	s1 =	ssub.s32 @!p0 $0x0, s1;
	[sflag:s0] =	ssyncset.done @!p0 $0x0  }
0x122: {  	[sflag:s0] =	ssyncadd.s32 @!p0 s1  }
0x123: {  	[bflag:$0x3] =	sbarrier.arrive $0xFFFF  }
0x124: {  	_ =	shalt  }

// kernel: kernel.16.cloned.1.call-start
scs
__scs_entry_jumppad:
0x0: {  	(pc) =	sbr.rel $0x88, $3  }
0x1: {  	(tag) =	ssettag $0x0;
	lr =	simm.s32 $0x1  }
0x2: {  	[smem:$0x3F92] =	sst lr;
	_ =	strace $0xD0000000  }
0x3: {  	_ = 	snop  }
0x4: {  	_ = 	snop  }
0x5: {  	_ = 	snop  }
0x6: {  	_ = 	snop  }
0x7: {  	_ = 	snop  }
__scs_overlays_trampoline_lowered:
0x8: {  	[smem:$0x3FA1] =	sst s0  }
0x9: {  	[smem:$0x3FA2] =	sst s1  }
0xa: {  	[smem:$0x3FA3] =	sst s2  }
0xb: {  	[smem:$0x3FA4] =	sst s3  }
0xc: {  	[smem:$0x3FA5] =	sst s4  }
0xd: {  	[smem:$0x3FA6] =	sst s5  }
0xe: {  	[smem:$0x3FA7] =	sst s6  }
0xf: {  	[smem:$0x3FA8] =	sst s7  }
0x10: {  	[smem:$0x3FA9] =	sst s8  }
0x11: {  	[smem:$0x3FAA] =	sst s9;
	s0 =	simm.s32 @!p0 $0x0  }
0x12: {  	s1 =	sld [smem:$0x3F90];
	s0 =	simm.s32 @p0 $0x1  }
0x13: {  	[smem:$0x3FAB] =	sst s0;
	s0 =	simm.s32 @!p1 $0x0  }
0x14: {  	s2 =	sld [smem:$0x3F8F];
	s0 =	simm.s32 @p1 $0x1  }
0x15: {  	[smem:$0x3FAC] =	sst s0;
	s0 =	simm.s32 @!p2 $0x0  }
0x16: {  	s3 =	sld [smem:$0x3FDB];
	s0 =	simm.s32 @p2 $0x1  }
0x17: {  	s4 =	simm.s32 $0x1BF5;
	[smem:$0x3FAE] =	sst s0  }
0x18: {  	s0 =	sld [smem:$0x3F91];
	_ =	swait.ge [sflag:s4], $0x0  }
0x19: {  	s7 =	sld [smem:$0x3F92]  }
0x1a: {  	s8 =	sadd.s32 $0xFFFFE003, lr  }
0x1b: {  	s9 =	sadd.s32 $0xFFFFFEF7, lr;
	s5 =	simm.s32 $0xFFFFFFFF;
	p2 =	slt.u32 s8, $0xFFFFF086  }
0x1c: {  	p1 =	slt.u32 s9, $0xF7A;
	s5 =	simm.s32 @!p2 $0x0  }
0x1d: {  	s5 =	simm.s32 @p1 $0x1;
	p0 =	seq.s32 s7, s2  }
0x1e: {  	s7 =	smul.u32 @!p0 $0xF7A, s2;
	p2 =	seq.s32 @!p0 s5, $0x0  }
0x1f: {  	s9 =	smul.u32 $0xF7A, s1;
	s8 =	simm.s32 @!p0 $0x1BF5;
	p2 =	por !p2, p0  }
0x20: {  	[sflag:s8] =	ssyncset.s32 @!p0 $0xFFFFF086;
	s6 =	sadd.s32 @!p0 s3, s7;
	s7 =	simm.s32 @!p0 $0x108  }
0x21: {  	s3 =	sadd.s32 s3, s9;
	s6 =	sadd.s32 @!p0 $0x88, s6;
	s7 =	simm.s32 @p2 $0x1082  }
0x22: {  	[simem:s7], [sflag:s8] =	dma.local @!p0 [hbm:s6], $0xF7A  }
0x23: {  	s9 =	sor.u32 $0xD0000000, s2;
	s6 =	simm.s32 $0x108;
	_ =	swait.ge @!p0 [sflag:s8], $0x0  }
0x24: {  	s3 =	sadd.s32 $0x88, s3;
	s6 =	simm.s32 @!p1 $0x1082;
	[sflag:s4] =	ssyncset.s32 $0xFFFFF086  }
0x25: {  	[simem:s6], [sflag:s4] =	dma.local [hbm:s3], $0xF7A  }
0x26: {  	[smem:$0x3F92] =	sst s1;
	(tag) =	ssettag s2;
	_ =	strace s9  }
0x27: {  	s1 =	sld [smem:$0x3FA2]  }
0x28: {  	s2 =	sld [smem:$0x3FA3]  }
0x29: {  	s4 =	sld [smem:$0x3FA5]  }
0x2a: {  	p0 =	seq.s32 s5, $0x0;
	s5 =	sld [smem:$0x3FA6]  }
0x2b: {  	s6 =	sld [smem:$0x3FA7]  }
0x2c: {  	s7 =	sld [smem:$0x3FA8]  }
0x2d: {  	s3 =	simm.s32 $0x108;
	s8 =	sld [smem:$0x3FA9]  }
0x2e: {  	s3 =	simm.s32 @!p0 $0x1082;
	s9 =	sld [smem:$0x3FAA]  }
0x2f: {  	lr =	sadd.s32 s0, s3;
	s0 =	sld [smem:$0x3FA1]  }
0x30: {  	s3 =	sld [smem:$0x3FA4]  }
0x31: {  	[smem:$0x3FAD] =	sst s10  }
0x32: {  	s10 =	sld [smem:$0x3FAB];
	_ =	sdelay $0x3  }
0x33: {  	p0 =	seq.s32 s10, $0x1;
	s10 =	sld [smem:$0x3FAD];
	_ =	sdelay $0x3  }
0x34: {  	[smem:$0x3FAD] =	sst s10  }
0x35: {  	s10 =	sld [smem:$0x3FAC];
	_ =	sdelay $0x3  }
0x36: {  	p1 =	seq.s32 s10, $0x1;
	s10 =	sld [smem:$0x3FAD];
	_ =	sdelay $0x3  }
0x37: {  	[smem:$0x3FAD] =	sst s10  }
0x38: {  	s10 =	sld [smem:$0x3FAE]  }
0x39: {  	_ = 	snop;
	(pc) =	sbr.ind lr, $3  }
0x3a: {  	_ = 	snop  }
0x3b: {  	_ = 	snop  }
0x3c: {  	p2 =	seq.s32 s10, $0x1;
	s10 =	sld [smem:$0x3FAD]  }
0x3d: {  	_ =	shalt  }
0x3e: {  	_ =	shalt  }
0x3f: {  	_ =	shalt  }
0x40: {  	_ =	shalt  }
0x41: {  	_ =	shalt  }
0x42: {  	_ =	shalt  }
0x43: {  	_ =	shalt  }
0x44: {  	_ =	shalt  }
0x45: {  	_ =	shalt  }
0x46: {  	_ =	shalt  }
0x47: {  	_ =	shalt  }
0x48: {  	_ =	shalt  }
0x49: {  	_ =	shalt  }
0x4a: {  	_ =	shalt  }
0x4b: {  	_ =	shalt  }
0x4c: {  	_ =	shalt  }
0x4d: {  	_ =	shalt  }
0x4e: {  	_ =	shalt  }
0x4f: {  	_ =	shalt  }
0x50: {  	_ =	shalt  }
0x51: {  	_ =	shalt  }
0x52: {  	_ =	shalt  }
0x53: {  	_ =	shalt  }
0x54: {  	_ =	shalt  }
0x55: {  	_ =	shalt  }
0x56: {  	_ =	shalt  }
0x57: {  	_ =	shalt  }
0x58: {  	_ =	shalt  }
0x59: {  	_ =	shalt  }
0x5a: {  	_ =	shalt  }
0x5b: {  	_ =	shalt  }
0x5c: {  	_ =	shalt  }
0x5d: {  	_ =	shalt  }
0x5e: {  	_ =	shalt  }
0x5f: {  	_ =	shalt  }
0x60: {  	_ =	shalt  }
0x61: {  	_ =	shalt  }
0x62: {  	_ =	shalt  }
0x63: {  	_ =	shalt  }
0x64: {  	_ =	shalt  }
0x65: {  	_ =	shalt  }
0x66: {  	_ =	shalt  }
0x67: {  	_ =	shalt  }
0x68: {  	_ =	shalt  }
0x69: {  	_ =	shalt  }
0x6a: {  	_ =	shalt  }
0x6b: {  	_ =	shalt  }
0x6c: {  	_ =	shalt  }
0x6d: {  	_ =	shalt  }
0x6e: {  	_ =	shalt  }
0x6f: {  	_ =	shalt  }
0x70: {  	_ =	shalt  }
0x71: {  	_ =	shalt  }
0x72: {  	_ =	shalt  }
0x73: {  	_ =	shalt  }
0x74: {  	_ =	shalt  }
0x75: {  	_ =	shalt  }
0x76: {  	_ =	shalt  }
0x77: {  	_ =	shalt  }
0x78: {  	_ =	shalt  }
0x79: {  	_ =	shalt  }
0x7a: {  	_ =	shalt  }
0x7b: {  	_ =	shalt  }
0x7c: {  	_ =	shalt  }
0x7d: {  	_ =	shalt  }
0x7e: {  	_ =	shalt  }
0x7f: {  	_ =	shalt  }
0x80: {  	_ =	shalt  }
0x81: {  	_ =	shalt  }
0x82: {  	_ =	shalt  }
0x83: {  	_ =	shalt  }
0x84: {  	_ =	shalt  }
0x85: {  	_ =	shalt  }
0x86: {  	_ =	shalt  }
0x87: {  	_ =	shalt  }
.Lfunc_end0:
.L_simem_size_0:
called_computation.2_lowered:
.L_overlay_start_0:
0x88: {  	s2 =	sld [smem:$0x3FD9]  }
0x89: {  	s3 =	sld [smem:$0x3FFE];
	_ =	sdelay $0x1  }
0x8a: {  	s1 =	srdreg.scid  }
0x8b: {  	s0 =	sand.u32 $0x1, s1  }
0x8c: {  	s16 =	sshll.u32 s0, $0xA;
	s2 =	sadd.s32 s3, s2  }
0x8d: {  	s2 =	sadd.s32 s2, s16  }
0x8e: {  	[smem:$0x3FB9] =	sst s2  }
0x8f: {  	_ = 	snop  }
0x90: {  	(tm) =	ssettm $0x1  }
0x91: {  	s17 =	sld [smem:$0x3FFB];
	_ =	sdelay $0x3  }
0x92: {  	_ =	strace s17  }
0x93: {  	s2 =	sld [smem:$0x3FFC];
	_ =	sdelay $0x3  }
0x94: {  	_ =	strace s2  }
0x95: {  	s2 =	sld [smem:$0x3FFD];
	_ =	sdelay $0x3  }
0x96: {  	_ =	strace s2  }
0x97: {  	_ =	strace $0x8FFFFFFF  }
0x98: {  	s18 =	sld [smem:$0x3FDB];
	_ =	sdelay $0x1  }
0x99: {  	s19 =	simm.s32 $_scs_section_size  }
0x9a: {  	s4 =	simm.s32 $_size__tile_overlayer_lowered;
	s5 =	simm.s32 $_tile_overlayer_lowered  }
0x9b: {  	s22 =	simm.s32 $0x1BFF;
	s21 =	sshll.u32 s5, $0x1;
	s2 =	sadd.s32 s19, s18  }
0x9c: {  	s6 =	simm.s32 $0x0;
	s20 =	sshll.u32 s4, $0x1;
	s4 =	sadd.s32 s21, s2  }
0x9d: {  	[timem:s6], [sflag:s22] =	dma.local [hbm:s4], s20  }
0x9e: {  	_ =	swait.ge [sflag:s22], s20  }
0x9f: {  	s3 =	ssub.s32 $0x0, s20;
	[sflag:s22] =	ssyncset.done $0x0  }
0xa0: {  	[sflag:s22] =	ssyncadd.s32 s3;
	_ =	sdelay $0x1  }
0xa1: {  	s23 =	simm.s32 $0x1B8B  }
0xa2: {  	_ =	swait.ge [sflag:s23], $0x1  }
0xa3: {  	[sflag:s23] =	ssyncset.done $0x0  }
0xa4: {  	s25 =	simm.s32 $0x1B8E;
	s24 =	sld [smem:$0x3FFE];
	[sflag:s23] =	ssyncadd.s32 $0xFFFFFFFF  }
0xa5: {  	s26 =	simm.s32 $execute0_lowered;
	[smem:$0x3FD2] =	sst s25  }
0xa6: {  	s4 =	sshll.u32 s26, $0x1;
	_ =	strace $0x8000004C;
	[dreg:$0x1] =	wrdreg $0xFFFFFFFF  }
0xa7: {  	s28 =	simm.s32 $_size_execute0_lowered;
	s2 =	sadd.s32 s2, s4;
	[dreg:$0x0] =	wrdreg $0x0  }
0xa8: {  	s4 =	sshll.u32 s28, $0x1;
	[dreg:$0x2] =	wrdreg s2  }
0xa9: {  	[dreg:$0x3] =	wrdreg s4  }
0xaa: {  	[dreg:$0x4] =	wrdreg $0xC0  }
0xab: {  	_ =	task [dreg:s6], $0x5FFFF  }
0xac: {  	[dreg:$0x1] =	wrdreg $0xFFFFFFFF  }
0xad: {  	[dreg:$0x0] =	wrdreg $0x60  }
0xae: {  	[dreg:$0x2] =	wrdreg s24  }
0xaf: {  	[dreg:$0x3] =	wrdreg $0x0  }
0xb0: {  	[dreg:$0x4] =	wrdreg $0x9  }
0xb1: {  	_ =	task.clear_ibuf [dreg:s6], $0x5FFFF;
	_ =	strace $0x9000004C  }
0xb2: {  	s29 =	simm.s32 $0x9;
	_ =	strace $0x8000004E  }
0xb3: {  	_ =	swait.ge [sflag:s29], $0x1  }
0xb4: {  	[sflag:s29] =	ssyncadd.s32 $0xFFFFFFFF  }
0xb5: {  	_ =	strace $0x9000004E  }
0xb6: {  	_ =	sfence  }
0xb7: {  	s30 =	sld [smem:$0x0];
	_ =	sdelay $0x2  }
0xb8: {  	s31 =	sshll.u32 s1, $0xD;
	s1 =	sshrl.u32 s1, $0x2  }
0xb9: {  	s3 =	sand.u32 $0x4000, s31;
	s1 =	sadd.s32 s1, s30  }
0xba: {  	s0 =	sor.u32 s3, s0;
	s1 =	sshll.u32 s1, $0x11  }
0xbb: {  	s0 =	sor.u32 s1, s0  }
0xbc: {  	s0 =	sadd.s32 $0x8F2B, s0  }
0xbd: {  	[sflag:s0] =	ssyncadd.remote.s32 $0x1  }
0xbe: {  	_ =	sfence.sel $0xFFFF  }
0xbf: {  	[dreg:$0x0] =	wrdreg $0xFFFFFFFF;
	(pc) =	sbr.abs _section_cstart, $3  }
0xc0: {  	[dreg:$0x1] =	wrdreg $0xFFFFFFFF  }
0xc1: {  	_ =	task.clear_ibuf [dreg:s6], $0x2FFFF;
	_ =	strace $0x9FFFFFFF  }
0xc2: {  	(tm) =	ssettm $0x7FFFFFFF  }
0xc3: {  	_ =	shalt  }
tec
execute0_lowered:
.L_overlay_start_1:
0x0: {  	(tag) =	ssettag $0x1  }
0x1: {  	s0 =	rddreg [dreg:$0x0]  }
0x2: {  	s1 =	rddreg [dreg:$0x1];
	s2 =	simm.s32 $0x0;
	s3 =	srdreg.scid  }
0x3: {  	s19 =	stileid.u32;
	s28 =	simm.s32 $0x14000;
	s29 =	simm.s32 $0x80  }
0x4: {  	s30 =	simm.s32 $0x14100;
	s31 =	simm.s32 $0x0;
	[smem:$0x7FF] =	sst s2  }
0x5: {  	s4 =	sadd.s32 $0x69800, s0;
	s5 =	sadd.s32 $0x91800, s0;
	s6 =	sadd.s32 $0x5FA00, s0  }
0x6: {  	s3 =	sand.u32 $0x1, s3;
	s7 =	sadd.s32 $0x5C00, s0;
	s10 =	smul.u32 $0x280, s19  }
0x7: {  	s9 =	sadd.s32 $0xB9800, s0;
	s11 =	smul.u32 $0x50000, s19;
	s0 =	sadd.s32 $0xE1800, s0  }
0x8: {  	s13 =	smul.u32 $0x4E80, s19;
	_ =	strace $0x8000004D;
	[dreg:$0x3] =	wrdreg s9  }
0x9: {  	s26 =	smul.u32 $0x2800, s19;
	s8 =	ssub.s32 $0x2, s3;
	[dreg:$0x4] =	wrdreg s0  }
0xa: {  	p0 =	seq.s32 s3, $0x1;
	s3 =	simm.s32 $0x1;
	s21 =	sshrl.u32 s8, $0x1  }
0xb: {  	s14 =	sadd.s32 $0x80, s10;
	s22 =	sshrl.u32 s11, $0x2;
	s15 =	sadd.s32 $0x100, s10  }
0xc: {  	s16 =	sadd.s32 $0x180, s10;
	s17 =	sadd.s32 $0x200, s10;
	s18 =	sshrl.u32 s13, $0x3  }
0xd: {  	[dreg:$0x5] =	wrdreg s26;
	s0 =	ssub.s32 s8, s21;
	s23 =	sshll.u32 s14, $0x7  }
0xe: {  	s8 =	sadd.s32 s22, s1;
	s24 =	sshll.u32 s15, $0x7;
	s25 =	sshll.u32 s16, $0x7  }
0xf: {  	s12 =	sshll.u32 s17, $0x7;
	s13 =	sadd.s32 s6, s18;
	s14 =	sshll.u32 s14, $0x4  }
0x10: {  	s20 =	sshll.u32 s15, $0x4;
	s21 =	smul.u32 $0x9D0, s19;
	[dreg:$0x6] =	wrdreg s14  }
0x11: {  	s22 =	sshll.u32 s16, $0x4;
	s9 =	sadd.s32 s23, s1;
	[dreg:$0x7] =	wrdreg s20  }
0x12: {  	s10 =	sadd.s32 s24, s1;
	[dreg:$0x8] =	wrdreg s22;
	s23 =	sshll.u32 s17, $0x4  }
0x13: {  	s11 =	sadd.s32 s25, s1;
	s0 =	smax.u32 s0, $0x1;
	[dreg:$0x9] =	wrdreg s23  }
.Ltmp0:
0x14: {  	s24 =	sadd.s32 $0x10, s13;
	[dreg:$0xa] =	wrdreg s0;
	(pc) =	sbr.rel .LBB2_1-.Ltmp0, $4  }
0x15: {  	s12 =	sadd.s32 s12, s1;
	s20 =	sadd.s32 s7, s18;
	[dreg:$0xb] =	wrdreg s24  }
0x16: {  	s25 =	sadd.s32 s21, s7;
	s22 =	sadd.s32 $0x9C0, s20;
	s26 =	sadd.s32 s21, s6  }
0x17: {  	s0 =	simm.s32 $0x2;
	s7 =	simm.s32 $0x18200;
	s23 =	sadd.s32 $0x10, s25  }
0x18: {  	v0 =	vimm.f32 $0.0e+00;
	s24 =	sadd.s32 $0x20, s26;
	s25 =	simm.s32 $0x14200;
	s26 =	simm.s32 $0x3  }
.LBB2_6:
0x19: {  	s17 =	sadd.s32 $0x14200, s18;
	s19 =	sor.u32 $0x14000, s15;
	[sflag:s3] =	ssyncadd.s32 $0xFFFFC000  }
0x1a: {  	[tilespmem:s17], [sflag:$0x1] =	stream.indirect.gather [hbm4b:s4+s29], $0x80, s19, s29, $0xb8;
	[tilespmem:$0x1C200] =	vst v63  }
0x1b: {  	s21 =	sor.u32 $0x14100, s15  }
0x1c: {  	[tilespmem:s21], [sflag:$0x3] =	stream.linear.gather [hbm4b:s14+s2], $0x80, $0x38;
	[tilespmem:$0x1C200] =	vst v63  }
0x1d: {  	_ =	swait.ge [sflag:s26], $0x80  }
0x1e: {  	[sflag:s26] =	ssyncset.done $0x0  }
0x1f: {  	s17 =	sxor.u32 $0x14080, s15;
	[sflag:s26] =	ssyncadd.s32 $0xFFFFFF80  }
0x20: {  	[tilespmem:s17], [sflag:$0x3] =	stream.linear.gather [hbm4b:s6+s2], $0x80, $0x38;
	[tilespmem:$0x1C200] =	vst v63  }
0x21: {  	s18 =	sxor.u32 $0x1, s16;
	_ =	swait.ge [sflag:s26], $0x80  }
0x22: {  	s19 =	sshll.u32 s18, $0xE;
	s6 =	sshll.u32 s18, $0x7;
	[sflag:s26] =	ssyncset.done $0x0  }
0x23: {  	s14 =	sadd.s32 $0x14200, s19;
	s6 =	sor.u32 $0x14100, s6;
	[sflag:s26] =	ssyncadd.s32 $0xFFFFFF80  }
0x24: {  	[spmem:s1] =	stream.indirect.scatter.add.f32 [tilespmem:s14], [sflag:$0x2], $0x80, s6, s29, $0xb8;
	[tilespmem:$0x1C200] =	vst v63  }
0x25: {  	_ =	swait.ge [sflag:s0], $0x4000  }
0x26: {  	[sflag:s0] =	ssyncset.done $0x0  }
0x27: {  	[sflag:s0] =	ssyncadd.s32 $0xFFFFC000  }
0x28: {  	_ =	swait.ge [sflag:s3], $0x4000  }
0x29: {  	[sflag:s3] =	ssyncset.done $0x0  }
0x2a: {  	[sflag:s3] =	ssyncadd.s32 $0xFFFFC000  }
0x2b: {  	[tilespmem:s25], [sflag:$0x1] =	stream.indirect.gather [hbm4b:s4+s29], $0x80, s28, s29, $0xb8;
	[tilespmem:$0x1C200] =	vst v63  }
0x2c: {  	_ = 	snop  }
0x2d: {  	[tilespmem:s30], [sflag:$0x3] =	stream.linear.gather [hbm4b:s22+s2], $0x80, $0x38;
	[tilespmem:$0x1C200] =	vst v63  }
0x2e: {  	_ =	swait.ge [sflag:s26], $0x80  }
0x2f: {  	[sflag:s26] =	ssyncset.done $0x0  }
0x30: {  	s21 =	simm.s32 $0x14180;
	[sflag:s26] =	ssyncadd.s32 $0xFFFFFF80  }
0x31: {  	[spmem:s1] =	stream.indirect.scatter.add.f32 [tilespmem:s7], [sflag:$0x2], $0x80, s21, s29, $0xb8;
	[tilespmem:$0x1C200] =	vst v63  }
0x32: {  	_ =	swait.ge [sflag:s0], $0x4000  }
0x33: {  	[sflag:s0] =	ssyncset.done $0x0  }
0x34: {  	[sflag:s0] =	ssyncadd.s32 $0xFFFFC000  }
0x35: {  	_ =	swait.ge [sflag:s3], $0x4000  }
0x36: {  	[sflag:s3] =	ssyncset.done $0x0  }
0x37: {  	s6 =	rddreg [dreg:$0x3];
	[sflag:s3] =	ssyncadd.s32 $0xFFFFC000  }
.LBB2_10:
0x38: {  	[spmem:s1] =	stream.indirect.scatter.add.f32 [tilespmem:s25], [sflag:$0x2], $0x80, s30, s29, $0xb8;
	[tilespmem:$0x1C200] =	vst v63  }
0x39: {  	_ =	swait.ge [sflag:s0], $0x4000  }
0x3a: {  	[sflag:s0] =	ssyncset.done $0x0  }
0x3b: {  	[sflag:s0] =	ssyncadd.s32 $0xFFFFC000  }
0x3c: {  	[bflag:$0x0] =	sbarrier.arrive $0xFFFF  }
0x3d: {  	[tilespmem:s25], [sflag:$0x3] =	stream.linear.gather [spmem:s8], $0x4000, $0x38;
	[tilespmem:$0x1C200] =	vst v63  }
0x3e: {  	_ =	swait.ge [sflag:s26], $0x4000  }
0x3f: {  	[sflag:s26] =	ssyncset.done $0x0;
	s14 =	rddreg [dreg:$0x5]  }
0x40: {  	s14 =	sadd.s32 s6, s14;
	[sflag:s26] =	ssyncadd.s32 $0xFFFFC000  }
0x41: {  	[hbm4b:s14+s2] =	stream.linear.scatter [tilespmem:s25], [sflag:$0x1], $0x4000, $0x38;
	[tilespmem:$0x1C200] =	vst v63  }
0x42: {  	_ = 	snop  }
0x43: {  	[tilespmem:s7], [sflag:$0x3] =	stream.linear.gather [spmem:s9], $0x4000, $0x38;
	[tilespmem:$0x1C200] =	vst v63  }
0x44: {  	_ =	swait.ge [sflag:s26], $0x4000  }
0x45: {  	[sflag:s26] =	ssyncset.done $0x0;
	s15 =	rddreg [dreg:$0x6]  }
0x46: {  	s14 =	sadd.s32 s6, s15;
	[sflag:s26] =	ssyncadd.s32 $0xFFFFC000  }
0x47: {  	[hbm4b:s14+s2] =	stream.linear.scatter [tilespmem:s7], [sflag:$0x1], $0x4000, $0x38;
	[tilespmem:$0x1C200] =	vst v63  }
0x48: {  	_ =	swait.ge [sflag:s3], $0x4000  }
0x49: {  	[sflag:s3] =	ssyncset.done $0x0  }
0x4a: {  	[sflag:s3] =	ssyncadd.s32 $0xFFFFC000  }
0x4b: {  	[tilespmem:s25], [sflag:$0x3] =	stream.linear.gather [spmem:s10], $0x4000, $0x38;
	[tilespmem:$0x1C200] =	vst v63  }
0x4c: {  	_ =	swait.ge [sflag:s26], $0x4000  }
0x4d: {  	[sflag:s26] =	ssyncset.done $0x0;
	s16 =	rddreg [dreg:$0x7]  }
0x4e: {  	s14 =	sadd.s32 s6, s16;
	[sflag:s26] =	ssyncadd.s32 $0xFFFFC000  }
0x4f: {  	[hbm4b:s14+s2] =	stream.linear.scatter [tilespmem:s25], [sflag:$0x1], $0x4000, $0x38;
	[tilespmem:$0x1C200] =	vst v63  }
0x50: {  	_ =	swait.ge [sflag:s3], $0x4000  }
0x51: {  	[sflag:s3] =	ssyncset.done $0x0  }
0x52: {  	[sflag:s3] =	ssyncadd.s32 $0xFFFFC000  }
0x53: {  	[tilespmem:s7], [sflag:$0x3] =	stream.linear.gather [spmem:s11], $0x4000, $0x38;
	[tilespmem:$0x1C200] =	vst v63  }
0x54: {  	_ =	swait.ge [sflag:s26], $0x4000  }
0x55: {  	[sflag:s26] =	ssyncset.done $0x0;
	s17 =	rddreg [dreg:$0x8]  }
0x56: {  	s14 =	sadd.s32 s6, s17;
	[sflag:s26] =	ssyncadd.s32 $0xFFFFC000  }
0x57: {  	[hbm4b:s14+s2] =	stream.linear.scatter [tilespmem:s7], [sflag:$0x1], $0x4000, $0x38;
	[tilespmem:$0x1C200] =	vst v63  }
0x58: {  	_ =	swait.ge [sflag:s3], $0x4000  }
0x59: {  	[sflag:s3] =	ssyncset.done $0x0  }
0x5a: {  	[sflag:s3] =	ssyncadd.s32 $0xFFFFC000  }
0x5b: {  	[tilespmem:s25], [sflag:$0x3] =	stream.linear.gather [spmem:s12], $0x4000, $0x38;
	[tilespmem:$0x1C200] =	vst v63  }
0x5c: {  	_ =	swait.ge [sflag:s26], $0x4000  }
0x5d: {  	[sflag:s26] =	ssyncset.done $0x0;
	s18 =	rddreg [dreg:$0x9]  }
0x5e: {  	s19 =	sadd.s32 s6, s18;
	[sflag:s26] =	ssyncadd.s32 $0xFFFFC000  }
0x5f: {  	[hbm4b:s19+s2] =	stream.linear.scatter [tilespmem:s25], [sflag:$0x1], $0x4000, $0x38;
	[tilespmem:$0x1C200] =	vst v63  }
0x60: {  	_ =	swait.ge [sflag:s3], $0x4000  }
0x61: {  	[sflag:s3] =	ssyncset.done $0x0  }
0x62: {  	[sflag:s3] =	ssyncadd.s32 $0xFFFFC000  }
0x63: {  	_ =	swait.ge [sflag:s3], $0x4000  }
0x64: {  	s31 =	sadd.s32 $0x1, s31;
	s21 =	rddreg [dreg:$0xa]  }
0x65: {  	p1 =	sne.s32 s31, s21  }
.Ltmp1:
0x66: {  	_ = 	snop;
	(pc) =	sbr.rel @!p1 .LBB2_11-.Ltmp1, $3  }
0x67: {  	_ =	sdelay $0x1  }
0x68: {  	[sflag:s3] =	ssyncset.done $0x0  }
0x69: {  	[sflag:s3] =	ssyncadd.s32 $0xFFFFC000  }
.LBB2_1:
0x6a: {  	s6 =	simm.s32 $0x0;
	s14 =	simm.s32 $0x200  }
.LBB2_2:
0x6b: {  	p1 =	sne.s32 s14, $0xFE00;
	[tilespmem:s6+$0x14270] =	vst v0  }
0x6c: {  	[tilespmem:s6+$0x14200] =	vst v0  }
0x6d: {  	[tilespmem:s6+$0x14210] =	vst v0  }
.Ltmp2:
0x6e: {  	[tilespmem:s6+$0x14220] =	vst v0;
	(pc) =	sbr.rel @p1 .LBB2_2-.Ltmp2, $4  }
0x6f: {  	[tilespmem:s6+$0x14230] =	vst v0  }
0x70: {  	[tilespmem:s6+$0x14240] =	vst v0  }
0x71: {  	[tilespmem:s6+$0x14250] =	vst v0  }
0x72: {  	[tilespmem:s6+$0x14260] =	vst v0;
	s6 =	sshra.s32 s14, $0x2;
	s14 =	sadd.s32 $0x200, s14  }
0x73: {  	[tilespmem:s6+$0x14270] =	vst v0  }
0x74: {  	[tilespmem:s6+$0x14200] =	vst v0  }
0x75: {  	[tilespmem:s6+$0x14210] =	vst v0  }
0x76: {  	[tilespmem:s6+$0x14220] =	vst v0  }
0x77: {  	[tilespmem:s6+$0x14230] =	vst v0  }
0x78: {  	[tilespmem:s6+$0x14240] =	vst v0  }
0x79: {  	[tilespmem:s6+$0x14250] =	vst v0  }
0x7a: {  	[tilespmem:s6+$0x14260] =	vst v0  }
0x7b: {  	[spmem:s8] =	stream.linear.scatter [tilespmem:s25], [sflag:$0x3], $0x4000, $0x38;
	[tilespmem:$0x1C200] =	vst v63  }
0x7c: {  	_ =	swait.ge [sflag:s26], $0x4000  }
0x7d: {  	[sflag:s26] =	ssyncset.done $0x0  }
0x7e: {  	[sflag:s26] =	ssyncadd.s32 $0xFFFFC000  }
0x7f: {  	[spmem:s9] =	stream.linear.scatter [tilespmem:s25], [sflag:$0x3], $0x4000, $0x38;
	[tilespmem:$0x1C200] =	vst v63  }
0x80: {  	_ =	swait.ge [sflag:s26], $0x4000  }
0x81: {  	[sflag:s26] =	ssyncset.done $0x0  }
0x82: {  	[sflag:s26] =	ssyncadd.s32 $0xFFFFC000  }
0x83: {  	[spmem:s10] =	stream.linear.scatter [tilespmem:s25], [sflag:$0x3], $0x4000, $0x38;
	[tilespmem:$0x1C200] =	vst v63  }
0x84: {  	_ =	swait.ge [sflag:s26], $0x4000  }
0x85: {  	[sflag:s26] =	ssyncset.done $0x0  }
0x86: {  	[sflag:s26] =	ssyncadd.s32 $0xFFFFC000  }
0x87: {  	[spmem:s11] =	stream.linear.scatter [tilespmem:s25], [sflag:$0x3], $0x4000, $0x38;
	[tilespmem:$0x1C200] =	vst v63  }
0x88: {  	_ =	swait.ge [sflag:s26], $0x4000  }
0x89: {  	[sflag:s26] =	ssyncset.done $0x0  }
0x8a: {  	[sflag:s26] =	ssyncadd.s32 $0xFFFFC000  }
0x8b: {  	[spmem:s12] =	stream.linear.scatter [tilespmem:s25], [sflag:$0x3], $0x4000, $0x38;
	[tilespmem:$0x1C200] =	vst v63  }
0x8c: {  	_ =	swait.ge [sflag:s26], $0x4000  }
0x8d: {  	[sflag:s26] =	ssyncset.done $0x0  }
0x8e: {  	[sflag:s26] =	ssyncadd.s32 $0xFFFFC000  }
.Ltmp3:
0x8f: {  	[bflag:$0x0] =	sbarrier.arrive $0xFFFF;
	(pc) =	sbr.rel @!p0 .LBB2_4-.Ltmp3, $4  }
0x90: {  	[tilespmem:s28], [sflag:$0x3] =	stream.linear.gather [hbm4b:s13+s2], $0x80, $0x38;
	[tilespmem:$0x1C200] =	vst v63  }
0x91: {  	_ =	swait.ge [sflag:s26], $0x80  }
0x92: {  	[sflag:s26] =	ssyncset.done $0x0  }
0x93: {  	[sflag:s26] =	ssyncadd.s32 $0xFFFFFF80  }
0x94: {  	[tilespmem:s25], [sflag:$0x1] =	stream.indirect.gather [hbm4b:s5+s29], $0x80, s28, s29, $0xb8;
	[tilespmem:$0x1C200] =	vst v63  }
0x95: {  	_ = 	snop  }
0x96: {  	[tilespmem:s30], [sflag:$0x3] =	stream.linear.gather [hbm4b:s20+s2], $0x80, $0x38;
	[tilespmem:$0x1C200] =	vst v63  }
0x97: {  	_ =	swait.ge [sflag:s26], $0x80  }
0x98: {  	[sflag:s26] =	ssyncset.done $0x0  }
0x99: {  	s14 =	simm.s32 $0x14080;
	s6 =	rddreg [dreg:$0xb];
	[sflag:s26] =	ssyncadd.s32 $0xFFFFFF80  }
0x9a: {  	[tilespmem:s14], [sflag:$0x3] =	stream.linear.gather [hbm4b:s6+s2], $0x80, $0x38;
	[tilespmem:$0x1C200] =	vst v63  }
0x9b: {  	_ =	swait.ge [sflag:s26], $0x80  }
0x9c: {  	[sflag:s26] =	ssyncset.done $0x0  }
0x9d: {  	s18 =	simm.s32 $0x1;
	[sflag:s26] =	ssyncadd.s32 $0xFFFFFF80  }
0x9e: {  	s14 =	sand.u32 $0x1, s18;
	_ =	swait.ge [sflag:s18], $0x4000  }
0x9f: {  	s15 =	sshll.u32 s14, $0xE;
	s16 =	sshll.u32 s14, $0x7;
	[sflag:s18] =	ssyncset.done $0x0  }
0xa0: {  	s19 =	sadd.s32 $0x14200, s15;
	s21 =	sor.u32 $0x14000, s16;
	[sflag:s18] =	ssyncadd.s32 $0xFFFFC000  }
0xa1: {  	[tilespmem:s19], [sflag:$0x1] =	stream.indirect.gather [hbm4b:s5+s29], $0x80, s21, s29, $0xb8;
	[tilespmem:$0x1C200] =	vst v63  }
0xa2: {  	s17 =	sor.u32 $0x14100, s16  }
0xa3: {  	[tilespmem:s17], [sflag:$0x3] =	stream.linear.gather [hbm4b:s23+s2], $0x80, $0x38;
	[tilespmem:$0x1C200] =	vst v63  }
0xa4: {  	_ =	swait.ge [sflag:s26], $0x80  }
0xa5: {  	[sflag:s26] =	ssyncset.done $0x0  }
0xa6: {  	s18 =	sxor.u32 $0x14080, s16;
	[sflag:s26] =	ssyncadd.s32 $0xFFFFFF80  }
0xa7: {  	[tilespmem:s18], [sflag:$0x3] =	stream.linear.gather [hbm4b:s24+s2], $0x80, $0x38;
	[tilespmem:$0x1C200] =	vst v63  }
0xa8: {  	s19 =	sxor.u32 $0x1, s14;
	_ =	swait.ge [sflag:s26], $0x80  }
0xa9: {  	s14 =	sshll.u32 s19, $0xE;
	s6 =	sshll.u32 s19, $0x7;
	[sflag:s26] =	ssyncset.done $0x0  }
0xaa: {  	s14 =	sadd.s32 $0x14200, s14;
	s6 =	sor.u32 $0x14100, s6;
	[sflag:s26] =	ssyncadd.s32 $0xFFFFFF80  }
0xab: {  	[spmem:s1] =	stream.indirect.scatter.add.f32 [tilespmem:s14], [sflag:$0x2], $0x80, s6, s29, $0xb8;
	[tilespmem:$0x1C200] =	vst v63  }
0xac: {  	_ =	swait.ge [sflag:s0], $0x4000  }
0xad: {  	s21 =	simm.s32 $0x2;
	[sflag:s0] =	ssyncset.done $0x0  }
0xae: {  	s16 =	sand.u32 $0x1, s21;
	s17 =	simm.s32 $0x3;
	[sflag:s0] =	ssyncadd.s32 $0xFFFFC000  }
0xaf: {  	s15 =	sshll.u32 s16, $0x7;
	s18 =	sshll.u32 s16, $0xE;
	_ =	swait.ge [sflag:s3], $0x4000  }
0xb0: {  	s6 =	sadd.s32 $0x10, s24;
	s14 =	sadd.s32 $0x10, s23;
	[sflag:s3] =	ssyncset.done $0x0  }
.LBB2_8:
0xb1: {  	s18 =	sadd.s32 $0x14200, s18  }
0xb2: {  	s19 =	sor.u32 $0x14000, s15;
	[sflag:s3] =	ssyncadd.s32 $0xFFFFC000;
	s21 =	smov.u32 s17  }
0xb3: {  	[tilespmem:s18], [sflag:$0x1] =	stream.indirect.gather [hbm4b:s5+s29], $0x80, s19, s29, $0xb8;
	[tilespmem:$0x1C200] =	vst v63  }
0xb4: {  	s16 =	sxor.u32 $0x1, s16;
	s19 =	sadd.s32 $0x1, s17;
	s18 =	sor.u32 $0x14100, s15  }
0xb5: {  	[tilespmem:s18], [sflag:$0x3] =	stream.linear.gather [hbm4b:s14+s2], $0x80, $0x38;
	[tilespmem:$0x1C200] =	vst v63  }
0xb6: {  	s18 =	sshll.u32 s16, $0xE;
	s16 =	sshll.u32 s16, $0x7;
	_ =	swait.ge [sflag:s26], $0x80  }
0xb7: {  	p1 =	sne.s32 s17, $0x9B;
	[sflag:s26] =	ssyncset.done $0x0  }
0xb8: {  	s15 =	sxor.u32 $0x14080, s15;
	[sflag:s26] =	ssyncadd.s32 $0xFFFFFF80  }
0xb9: {  	[tilespmem:s15], [sflag:$0x3] =	stream.linear.gather [hbm4b:s6+s2], $0x80, $0x38;
	[tilespmem:$0x1C200] =	vst v63  }
0xba: {  	_ =	swait.ge [sflag:s26], $0x80  }
0xbb: {  	[sflag:s26] =	ssyncset.done $0x0  }
0xbc: {  	s16 =	sor.u32 $0x14100, s16;
	s15 =	sadd.s32 $0x14200, s18;
	[sflag:s26] =	ssyncadd.s32 $0xFFFFFF80  }
0xbd: {  	[spmem:s1] =	stream.indirect.scatter.add.f32 [tilespmem:s15], [sflag:$0x2], $0x80, s16, s29, $0xb8;
	[tilespmem:$0x1C200] =	vst v63  }
.Ltmp4:
0xbe: {  	_ =	swait.ge [sflag:s0], $0x4000;
	(pc) =	sbr.rel @p1 .LBB2_8-.Ltmp4, $4  }
0xbf: {  	[sflag:s0] =	ssyncset.done $0x0  }
0xc0: {  	s17 =	smov.u32 s19;
	s6 =	sadd.s32 $0x10, s6;
	[sflag:s0] =	ssyncadd.s32 $0xFFFFC000  }
0xc1: {  	s14 =	sadd.s32 $0x10, s14;
	s16 =	sand.u32 $0x1, s21;
	_ =	swait.ge [sflag:s3], $0x4000  }
0xc2: {  	s18 =	sshll.u32 s16, $0xE;
	s15 =	sshll.u32 s16, $0x7;
	[sflag:s3] =	ssyncset.done $0x0  }
0xc3: {  	s17 =	sadd.s32 $0x14200, s18;
	s19 =	sor.u32 $0x14000, s15;
	[sflag:s3] =	ssyncadd.s32 $0xFFFFC000  }
0xc4: {  	[tilespmem:s17], [sflag:$0x1] =	stream.indirect.gather [hbm4b:s5+s29], $0x80, s19, s29, $0xb8;
	[tilespmem:$0x1C200] =	vst v63  }
0xc5: {  	s21 =	sor.u32 $0x14100, s15  }
0xc6: {  	[tilespmem:s21], [sflag:$0x3] =	stream.linear.gather [hbm4b:s14+s2], $0x80, $0x38;
	[tilespmem:$0x1C200] =	vst v63  }
0xc7: {  	_ =	swait.ge [sflag:s26], $0x80  }
0xc8: {  	[sflag:s26] =	ssyncset.done $0x0  }
0xc9: {  	s17 =	sxor.u32 $0x14080, s15;
	[sflag:s26] =	ssyncadd.s32 $0xFFFFFF80  }
0xca: {  	[tilespmem:s17], [sflag:$0x3] =	stream.linear.gather [hbm4b:s6+s2], $0x80, $0x38;
	[tilespmem:$0x1C200] =	vst v63  }
0xcb: {  	s18 =	sxor.u32 $0x1, s16;
	_ =	swait.ge [sflag:s26], $0x80  }
0xcc: {  	s19 =	sshll.u32 s18, $0xE;
	s6 =	sshll.u32 s18, $0x7;
	[sflag:s26] =	ssyncset.done $0x0  }
0xcd: {  	s14 =	sadd.s32 $0x14200, s19;
	s6 =	sor.u32 $0x14100, s6;
	[sflag:s26] =	ssyncadd.s32 $0xFFFFFF80  }
0xce: {  	[spmem:s1] =	stream.indirect.scatter.add.f32 [tilespmem:s14], [sflag:$0x2], $0x80, s6, s29, $0xb8;
	[tilespmem:$0x1C200] =	vst v63  }
0xcf: {  	_ =	swait.ge [sflag:s0], $0x4000  }
0xd0: {  	[sflag:s0] =	ssyncset.done $0x0  }
0xd1: {  	[sflag:s0] =	ssyncadd.s32 $0xFFFFC000  }
0xd2: {  	_ =	swait.ge [sflag:s3], $0x4000  }
0xd3: {  	[sflag:s3] =	ssyncset.done $0x0  }
0xd4: {  	[sflag:s3] =	ssyncadd.s32 $0xFFFFC000  }
0xd5: {  	[tilespmem:s25], [sflag:$0x1] =	stream.indirect.gather [hbm4b:s5+s29], $0x80, s28, s29, $0xb8;
	[tilespmem:$0x1C200] =	vst v63  }
0xd6: {  	_ = 	snop  }
0xd7: {  	[tilespmem:s30], [sflag:$0x3] =	stream.linear.gather [hbm4b:s22+s2], $0x80, $0x38;
	[tilespmem:$0x1C200] =	vst v63  }
0xd8: {  	_ =	swait.ge [sflag:s26], $0x80  }
0xd9: {  	[sflag:s26] =	ssyncset.done $0x0  }
0xda: {  	s21 =	simm.s32 $0x14180;
	[sflag:s26] =	ssyncadd.s32 $0xFFFFFF80  }
0xdb: {  	[spmem:s1] =	stream.indirect.scatter.add.f32 [tilespmem:s7], [sflag:$0x2], $0x80, s21, s29, $0xb8;
	[tilespmem:$0x1C200] =	vst v63  }
0xdc: {  	_ =	swait.ge [sflag:s0], $0x4000  }
.Ltmp5:
0xdd: {  	[sflag:s0] =	ssyncset.done $0x0;
	(pc) =	sbr.rel .LBB2_10-.Ltmp5, $4  }
0xde: {  	[sflag:s0] =	ssyncadd.s32 $0xFFFFC000  }
0xdf: {  	_ =	swait.ge [sflag:s3], $0x4000  }
0xe0: {  	[sflag:s3] =	ssyncset.done $0x0  }
0xe1: {  	s6 =	rddreg [dreg:$0x4];
	[sflag:s3] =	ssyncadd.s32 $0xFFFFC000  }
.LBB2_4:
0xe2: {  	[tilespmem:s25], [sflag:$0x1] =	stream.indirect.gather [hbm4b:s4+s29], $0x80, s28, s29, $0xb8;
	[tilespmem:$0x1C200] =	vst v63  }
0xe3: {  	_ = 	snop  }
0xe4: {  	[tilespmem:s30], [sflag:$0x3] =	stream.linear.gather [hbm4b:s20+s2], $0x80, $0x38;
	[tilespmem:$0x1C200] =	vst v63  }
0xe5: {  	_ =	swait.ge [sflag:s26], $0x80  }
0xe6: {  	[sflag:s26] =	ssyncset.done $0x0  }
0xe7: {  	s14 =	simm.s32 $0x14080;
	s6 =	rddreg [dreg:$0xb];
	[sflag:s26] =	ssyncadd.s32 $0xFFFFFF80  }
0xe8: {  	[tilespmem:s14], [sflag:$0x3] =	stream.linear.gather [hbm4b:s6+s2], $0x80, $0x38;
	[tilespmem:$0x1C200] =	vst v63  }
0xe9: {  	_ =	swait.ge [sflag:s26], $0x80  }
0xea: {  	[sflag:s26] =	ssyncset.done $0x0  }
0xeb: {  	s18 =	simm.s32 $0x1;
	[sflag:s26] =	ssyncadd.s32 $0xFFFFFF80  }
0xec: {  	s14 =	sand.u32 $0x1, s18;
	_ =	swait.ge [sflag:s18], $0x4000  }
0xed: {  	s15 =	sshll.u32 s14, $0xE;
	s16 =	sshll.u32 s14, $0x7;
	[sflag:s18] =	ssyncset.done $0x0  }
0xee: {  	s19 =	sadd.s32 $0x14200, s15;
	s21 =	sor.u32 $0x14000, s16;
	[sflag:s18] =	ssyncadd.s32 $0xFFFFC000  }
0xef: {  	[tilespmem:s19], [sflag:$0x1] =	stream.indirect.gather [hbm4b:s4+s29], $0x80, s21, s29, $0xb8;
	[tilespmem:$0x1C200] =	vst v63  }
0xf0: {  	s17 =	sor.u32 $0x14100, s16  }
0xf1: {  	[tilespmem:s17], [sflag:$0x3] =	stream.linear.gather [hbm4b:s23+s2], $0x80, $0x38;
	[tilespmem:$0x1C200] =	vst v63  }
0xf2: {  	_ =	swait.ge [sflag:s26], $0x80  }
0xf3: {  	[sflag:s26] =	ssyncset.done $0x0  }
0xf4: {  	s18 =	sxor.u32 $0x14080, s16;
	[sflag:s26] =	ssyncadd.s32 $0xFFFFFF80  }
0xf5: {  	[tilespmem:s18], [sflag:$0x3] =	stream.linear.gather [hbm4b:s24+s2], $0x80, $0x38;
	[tilespmem:$0x1C200] =	vst v63  }
0xf6: {  	s19 =	sxor.u32 $0x1, s14;
	_ =	swait.ge [sflag:s26], $0x80  }
0xf7: {  	s14 =	sshll.u32 s19, $0xE;
	s6 =	sshll.u32 s19, $0x7;
	[sflag:s26] =	ssyncset.done $0x0  }
0xf8: {  	s14 =	sadd.s32 $0x14200, s14;
	s6 =	sor.u32 $0x14100, s6;
	[sflag:s26] =	ssyncadd.s32 $0xFFFFFF80  }
0xf9: {  	[spmem:s1] =	stream.indirect.scatter.add.f32 [tilespmem:s14], [sflag:$0x2], $0x80, s6, s29, $0xb8;
	[tilespmem:$0x1C200] =	vst v63  }
0xfa: {  	_ =	swait.ge [sflag:s0], $0x4000  }
0xfb: {  	s21 =	simm.s32 $0x2;
	[sflag:s0] =	ssyncset.done $0x0  }
0xfc: {  	s16 =	sand.u32 $0x1, s21;
	s17 =	simm.s32 $0x3;
	[sflag:s0] =	ssyncadd.s32 $0xFFFFC000  }
0xfd: {  	s15 =	sshll.u32 s16, $0x7;
	s18 =	sshll.u32 s16, $0xE;
	_ =	swait.ge [sflag:s3], $0x4000  }
0xfe: {  	s6 =	sadd.s32 $0x10, s24;
	s14 =	sadd.s32 $0x10, s23;
	[sflag:s3] =	ssyncset.done $0x0  }
.LBB2_5:
0xff: {  	s18 =	sadd.s32 $0x14200, s18  }
0x100: {  	s19 =	sor.u32 $0x14000, s15;
	[sflag:s3] =	ssyncadd.s32 $0xFFFFC000;
	s21 =	smov.u32 s17  }
0x101: {  	[tilespmem:s18], [sflag:$0x1] =	stream.indirect.gather [hbm4b:s4+s29], $0x80, s19, s29, $0xb8;
	[tilespmem:$0x1C200] =	vst v63  }
0x102: {  	s16 =	sxor.u32 $0x1, s16;
	s19 =	sadd.s32 $0x1, s17;
	s18 =	sor.u32 $0x14100, s15  }
0x103: {  	[tilespmem:s18], [sflag:$0x3] =	stream.linear.gather [hbm4b:s14+s2], $0x80, $0x38;
	[tilespmem:$0x1C200] =	vst v63  }
0x104: {  	s18 =	sshll.u32 s16, $0xE;
	s16 =	sshll.u32 s16, $0x7;
	_ =	swait.ge [sflag:s26], $0x80  }
0x105: {  	p1 =	seq.s32 s17, $0x9B;
	[sflag:s26] =	ssyncset.done $0x0  }
0x106: {  	s15 =	sxor.u32 $0x14080, s15;
	[sflag:s26] =	ssyncadd.s32 $0xFFFFFF80  }
0x107: {  	[tilespmem:s15], [sflag:$0x3] =	stream.linear.gather [hbm4b:s6+s2], $0x80, $0x38;
	[tilespmem:$0x1C200] =	vst v63  }
0x108: {  	_ =	swait.ge [sflag:s26], $0x80  }
0x109: {  	[sflag:s26] =	ssyncset.done $0x0  }
0x10a: {  	s16 =	sor.u32 $0x14100, s16;
	s15 =	sadd.s32 $0x14200, s18;
	[sflag:s26] =	ssyncadd.s32 $0xFFFFFF80  }
0x10b: {  	[spmem:s1] =	stream.indirect.scatter.add.f32 [tilespmem:s15], [sflag:$0x2], $0x80, s16, s29, $0xb8;
	[tilespmem:$0x1C200] =	vst v63  }
.Ltmp6:
0x10c: {  	_ =	swait.ge [sflag:s0], $0x4000;
	(pc) =	sbr.rel @!p1 .LBB2_5-.Ltmp6, $4  }
0x10d: {  	[sflag:s0] =	ssyncset.done $0x0  }
0x10e: {  	s17 =	smov.u32 s19;
	s6 =	sadd.s32 $0x10, s6;
	[sflag:s0] =	ssyncadd.s32 $0xFFFFC000  }
0x10f: {  	s14 =	sadd.s32 $0x10, s14;
	s16 =	sand.u32 $0x1, s21;
	_ =	swait.ge [sflag:s3], $0x4000  }
0x110: {  	s18 =	sshll.u32 s16, $0xE;
	s15 =	sshll.u32 s16, $0x7;
	[sflag:s3] =	ssyncset.done $0x0  }
.Ltmp7:
0x111: {  	_ = 	snop;
	(pc) =	sbr.rel .LBB2_6-.Ltmp7, $1  }
0x112: {  	_ =	sdelay $0x3  }
.LBB2_11:
0x113: {  	_ =	sfence.sel $0x180000  }
0x114: {  	[bflag:$0x0] =	sbarrier.arrive $0xFFFF  }
0x115: {  	_ =	strace $0x9000004D  }
0x116: {  	s0 =	stileid.u32;
	[bflag:$0x2] =	sbarrier.arrive $0xFFFF  }
0x117: {  	p0 =	sne.s32 s0, $0x0;
	s0 =	rddreg [dreg:$0x2]  }
0x118: {  	s0 =	sadd.s32 @!p0 $0x100000, s0  }
0x119: {  	[sflag:s0] =	ssyncadd.tile.s32 @!p0 $0x1;
	_ =	shalt  }
.Lfunc_end2:
_tile_overlayer_lowered:
.L_overlay_start_2:
0x11a: {  	(tag) =	ssettag $0x2  }
0x11b: {  	s0 =	rddreg [dreg:$0x0];
	s2 =	stileid.u32  }
0x11c: {  	s1 =	rddreg [dreg:$0x1];
	p0 =	sne.s32 s2, $0x0  }
0x11d: {  	s3 =	rddreg [dreg:$0x2];
	[bflag:$0x3] =	sbarrier.arrive $0xFFFF;
	s2 =	simm.s32 @!p0 $0x1C03  }
0x11e: {  	[timem:s3], [sflag:s2] =	dma.local @!p0 [hbm:s0], s1  }
0x11f: {  	s0 =	simm.s32 @!p0 $0x3  }
0x120: {  	_ =	swait.ge @!p0 [sflag:s0], s1  }
0x121: {  	s1 =	ssub.s32 @!p0 $0x0, s1;
	[sflag:s0] =	ssyncset.done @!p0 $0x0  }
0x122: {  	[sflag:s0] =	ssyncadd.s32 @!p0 s1  }
0x123: {  	[bflag:$0x3] =	sbarrier.arrive $0xFFFF  }
0x124: {  	_ =	shalt  }

</sc_bundles>
